<compile_context>
chip_gen: v7x
topology: tpu7x:2x2x1
jax: 0.10.2.dev20260603
libtpu: 0.0.44.dev20260713+nightly
codegen_flags: <defaults>
</compile_context>

<pallas_src>
import functools

import jax
import jax.numpy as jnp
from jax import lax
from jax.experimental import pallas as pl
from jax.experimental.pallas import tpu as pltpu
from jax.experimental.pallas import tpu_sc as plsc

B = 16384
VOCAB = 100000
EMB = 50
EMBP = 64
NPOS = 48
G = NPOS * EMBP // 128
H_UNITS = 256
NUM_CLASSES = 128

NC, NS = 2, 16
NW = NC * NS
CH = 128
NSLICE = 4
BS = B // NSLICE


@functools.lru_cache(maxsize=None)
def _make_sc_gather():
    mesh = plsc.VectorSubcoreMesh(
        core_axis_name="c", subcore_axis_name="s", num_cores=NC, num_subcores=NS
    )
    rpw = BS // NW
    nch = rpw // CH

    @functools.partial(
        pl.kernel,
        out_type=jax.ShapeDtypeStruct((G, BS, 128), jnp.float32),
        mesh=mesh,
        scratch_types=[
            pltpu.VMEM((NPOS, CH), jnp.int32),
            pltpu.VMEM((8, CH, EMBP), jnp.float32),
            pltpu.SemaphoreType.DMA,
            pltpu.SemaphoreType.DMA,
        ],
        compiler_params=pltpu.CompilerParams(use_tc_tiling_on_sc=False),
    )
    def _sc_gather(xT_hbm, w_word, w_pos, w_lab, out_hbm, idx_v, buf, gsem, wsem):
        wid = lax.axis_index("s") * NC + lax.axis_index("c")
        base = wid * rpw

        def _gather(table, j, slot):
            pltpu.async_copy(table.at[idx_v.at[j]], buf.at[slot], gsem)

        def _wait_gather(table, slot):
            pltpu.make_async_copy(table.at[idx_v.at[0]], buf.at[slot], gsem).wait()

        def _dst(rbase, j):
            return out_hbm.at[
                lax.div(j, 2), pl.ds(rbase, CH), pl.ds(lax.rem(j, 2) * EMBP, EMBP)
            ]

        def _write(rbase, j, slot):
            pltpu.async_copy(buf.at[slot], _dst(rbase, j), wsem)

        def _wait_write(rbase, slot):
            pltpu.make_async_copy(buf.at[slot], _dst(rbase, 0), wsem).wait()

        @pl.loop(0, nch)
        def _chunk(c):
            rbase = base + c * CH
            pltpu.sync_copy(xT_hbm.at[:, pl.ds(rbase, CH)], idx_v)
            for table, j0, nj in ((w_word, 0, 18), (w_pos, 18, 18), (w_lab, 36, 12)):
                for p in range(4):
                    _gather(table, j0 + p, p)

                @pl.loop(0, nj)
                def _pos(jj, table=table, j0=j0, rbase=rbase, nj=nj):
                    j = j0 + jj
                    cur = lax.rem(jj, 8)

                    _wait_gather(table, cur)
                    _write(rbase, j, cur)

                    @pl.when(jj >= 4)
                    def _():
                        _wait_write(rbase, 0)

                    @pl.when(jj < nj - 4)
                    def _():
                        _gather(table, j + 4, lax.rem(jj + 4, 8))

                for _ in range(4):
                    _wait_write(rbase, 0)

    return _sc_gather



BM = 1024


def _mlp_body(x_ref, w1_ref, b1_ref, w2_ref, b2_ref, o_ref):
    x = x_ref[...].astype(jnp.bfloat16)
    prods = jax.lax.dot_general(
        x,
        w1_ref[...],
        (((2,), (1,)), ((0,), (0,))),
        preferred_element_type=jnp.float32,
    )
    acc = jnp.sum(prods, axis=0) + b1_ref[...]
    h = jnp.tanh(acc)
    o_ref[...] = (
        jnp.dot(h, w2_ref[...], preferred_element_type=jnp.float32) + b2_ref[...]
    )


_mlp = pl.pallas_call(
    _mlp_body,
    grid=(BS // BM,),
    in_specs=[
        pl.BlockSpec((G, BM, 128), lambda i: (0, i, 0)),
        pl.BlockSpec((G, 128, H_UNITS), lambda i: (0, 0, 0)),
        pl.BlockSpec((1, H_UNITS), lambda i: (0, 0)),
        pl.BlockSpec((H_UNITS, NUM_CLASSES), lambda i: (0, 0)),
        pl.BlockSpec((1, NUM_CLASSES), lambda i: (0, 0)),
    ],
    out_specs=pl.BlockSpec((BM, NUM_CLASSES), lambda i: (i, 0)),
    out_shape=jax.ShapeDtypeStruct((BS, NUM_CLASSES), jnp.float32),
)


def kernel(input_data, W_word, W_pos, W_label, W1, b1, W2, b2):
    x = input_data
    if x.shape[0] == 1:
        x = x[0]
    xT = x.T
    pad = ((0, 0), (0, EMBP - EMB))
    tabs = [jnp.pad(t, pad) for t in (W_word, W_pos, W_label)]
    w1b = (
        jnp.pad(W1.reshape(NPOS, EMB, H_UNITS), ((0, 0), (0, EMBP - EMB), (0, 0)))
        .reshape(G, 128, H_UNITS)
        .astype(jnp.bfloat16)
    )
    b1r, b2r = b1.reshape(1, -1), b2.reshape(1, -1)
    gather = _make_sc_gather()
    outs = []
    for s in range(NSLICE):
        alldata = gather(xT[:, s * BS : (s + 1) * BS], *tabs)
        outs.append(_mlp(alldata, w1b, b1r, W2, b2r))
    return jnp.concatenate(outs, axis=0)

# --- scband reference (transcript-rebuilt; emitter-appended) ---
"""Pipeline reference for scband-onelayer-12953621364881 (READ-ONLY COPY).

The authoritative reference and input builder live on the scoring server;
editing this copy changes nothing except your own understanding.
"""

import jax, jax.numpy as jnp
import numpy as np

B = 16384
VOCAB = 100000
H_UNITS = 256
NUM_CLASSES = 128

def setup_inputs(seed: int = 0) -> dict:
    key = jax.random.key(seed)
    ks = jax.random.split(key, 8)
    input_data = jax.random.randint(ks[0], (B, 48), 0, VOCAB, dtype=jnp.int32)
    W_word = jax.random.uniform(ks[1], (VOCAB, 50), minval=-0.01, maxval=0.01, dtype=jnp.float32)
    W_pos = jax.random.uniform(ks[2], (VOCAB, 50), minval=-0.01, maxval=0.01, dtype=jnp.float32)
    W_label = jax.random.uniform(ks[3], (VOCAB, 50), minval=-0.01, maxval=0.01, dtype=jnp.float32)
    W1 = jax.random.normal(ks[4], (50 * 48, H_UNITS), dtype=jnp.float32) * 0.02
    b1 = jnp.zeros((H_UNITS,), dtype=jnp.float32)
    W2 = jax.random.normal(ks[5], (H_UNITS, NUM_CLASSES), dtype=jnp.float32) * 0.02
    b2 = jnp.zeros((NUM_CLASSES,), dtype=jnp.float32)
    return {"input_data": input_data, "W_word": W_word, "W_pos": W_pos, "W_label": W_label, "W1": W1, "b1": b1, "W2": W2, "b2": b2}

def reference(input_data, W_word, W_pos, W_label, W1, b1, W2, b2):
    x = input_data
    # torch.squeeze(input_data, axis=0) only squeezes if leading dim == 1
    if x.shape[0] == 1:
        x = x[0]
    words = jnp.take(W_word, x[:, 0:18], axis=0)
    pos = jnp.take(W_pos, x[:, 18:36], axis=0)
    labs = jnp.take(W_label, x[:, 36:48], axis=0)
    words = words.reshape(-1, 18 * 50)
    pos = pos.reshape(-1, 18 * 50)
    labs = labs.reshape(-1, 12 * 50)
    alldata = jnp.concatenate([words, pos, labs], axis=1)
    h = jnp.tanh(alldata @ W1 + b1)
    out = h @ W2 + b2
    return out

if __name__ == "__main__":
    import jax
    _d = setup_inputs()
    print(jax.jit(kernel)(*tuple(_d.values())))

</pallas_src>

<mosaic_0001>
#map = affine_map<(d0, d1) -> (0, 0)>
#map1 = affine_map<(d0, d1) -> (0, 0, 0)>
module attributes {stable_mosaic.version = 14 : i64} {
  func.func @_sc_gather(%arg0: i32, %arg1: i32, %arg2: memref<48x4096xi32, #tpu.memory_space<hbm>>, %arg3: memref<100000x64xf32, #tpu.memory_space<hbm>>, %arg4: memref<100000x64xf32, #tpu.memory_space<hbm>>, %arg5: memref<100000x64xf32, #tpu.memory_space<hbm>>, %arg6: memref<24x4096x128xf32, #tpu.memory_space<hbm>>, %arg7: memref<48x128xi32, #tpu.memory_space<vmem>>, %arg8: memref<8x128x64xf32, #tpu.memory_space<vmem>>, %arg9: memref<!tpu.dma_semaphore, #tpu.memory_space<semaphore_mem>>, %arg10: memref<!tpu.dma_semaphore, #tpu.memory_space<semaphore_mem>>) attributes {dimension_semantics = [#tpu.dimension_semantics<core_parallel>, #tpu.dimension_semantics<subcore_parallel>], iteration_bounds = array<i64: 2, 16>, scalar_prefetch = 0 : i64, scratch_operands = 4 : i64, tpu.core_type = #tpu.core_type<sc_vector_subcore>, window_params = [{transform_indices = #map}, {transform_indices = #map}, {transform_indices = #map}, {transform_indices = #map}, {transform_indices = #map1}]} {
    %mul3A = arith.constant 2 : i32
    %mul3A_0 = arith.muli %arg1, %mul3A : i32
    %add3A = arith.addi %mul3A_0, %arg0 : i32
    %mul3A_1 = arith.constant 128 : i32
    %mul3A_2 = arith.muli %add3A, %mul3A_1 : i32
    %scan3A = arith.constant 0 : i32
    %mul3A_3 = arith.constant 1 : i32
    %mul3A_4 = arith.muli %scan3A, %mul3A_3 : i32
    %add3A_5 = arith.constant 0 : i32
    %add3A_6 = arith.addi %add3A_5, %mul3A_4 : i32
    %mul3A_7 = arith.constant 128 : i32
    %mul3A_8 = arith.muli %add3A_6, %mul3A_7 : i32
    %add3A_9 = arith.addi %mul3A_2, %mul3A_8 : i32
    "tpu.region"() ({
      %run_scoped3A = tpu.sem_alloc : memref<!tpu.dma_semaphore, #tpu.memory_space<semaphore_mem>>
      %dma_start3A_418 = arith.constant 0 : i32
      %dma_start3A_419 = tpu.memref_slice %arg2[%dma_start3A_418, %add3A_9] : memref<48x4096xi32, #tpu.memory_space<hbm>> -> memref<48x128xi32, #tpu.memory_space<hbm>>
      %dma_start3A_420 = arith.constant 0 : i32
      %dma_start3A_421 = tpu.memref_slice %arg2[%dma_start3A_420, %add3A_9] : memref<48x4096xi32, #tpu.memory_space<hbm>> -> memref<48x128xi32, #tpu.memory_space<hbm>>
      tpu.enqueue_dma source(%dma_start3A_421 : memref<48x128xi32, #tpu.memory_space<hbm>>) target(%arg7 : memref<48x128xi32, #tpu.memory_space<vmem>>) target_semaphore(%run_scoped3A : memref<!tpu.dma_semaphore, #tpu.memory_space<semaphore_mem>>)
      %dma_wait3A_422 = arith.constant 0 : i32
      %dma_wait3A_423 = tpu.memref_slice %arg2[%dma_wait3A_422, %add3A_9] : memref<48x4096xi32, #tpu.memory_space<hbm>> -> memref<48x128xi32, #tpu.memory_space<hbm>>
      %dma_wait3A_424 = arith.constant 0 : i32
      %dma_wait3A_425 = tpu.memref_slice %arg2[%dma_wait3A_424, %add3A_9] : memref<48x4096xi32, #tpu.memory_space<hbm>> -> memref<48x128xi32, #tpu.memory_space<hbm>>
      tpu.wait_dma2 semaphore(%run_scoped3A : memref<!tpu.dma_semaphore, #tpu.memory_space<semaphore_mem>>) src(%dma_wait3A_425 : memref<48x128xi32, #tpu.memory_space<hbm>>) dst(%arg7 : memref<48x128xi32, #tpu.memory_space<vmem>>)
      tpu.yield
    }) : () -> ()
    %dma_start3A = arith.constant 0 : i32
    %dma_start3A_10 = arith.constant 0 : i32
    %dma_start3A_11 = arith.constant 0 : i32
    %dma_start3A_12 = arith.constant 0 : i32
    %dma_start3A_13 = tpu.memref_slice %arg8[%dma_start3A_10, %dma_start3A_11, %dma_start3A_12] : memref<8x128x64xf32, #tpu.memory_space<vmem>> -> memref<1x128x64xf32, #tpu.memory_space<vmem>>
    %dma_start3A_14 = tpu.memref_squeeze %dma_start3A_13 : memref<1x128x64xf32, #tpu.memory_space<vmem>> -> memref<128x64xf32, #tpu.memory_space<vmem>>
    %dma_start3A_15 = arith.constant 0 : i32
    %dma_start3A_16 = tpu.memref_slice %arg7[%dma_start3A, %dma_start3A_15] : memref<48x128xi32, #tpu.memory_space<vmem>> -> memref<1x128xi32, #tpu.memory_space<vmem>>
    %dma_start3A_17 = tpu.memref_squeeze %dma_start3A_16 : memref<1x128xi32, #tpu.memory_space<vmem>> -> memref<128xi32, #tpu.memory_space<vmem>>
    %dma_start3A_18 = arith.constant 0 : i32
    %dma_start3A_19 = arith.constant 0 : i32
    %dma_start3A_20 = tpu.memref_slice %arg3[%dma_start3A_18, %dma_start3A_19] : memref<100000x64xf32, #tpu.memory_space<hbm>> -> memref<100000x64xf32, #tpu.memory_space<hbm>>
    tpu.enqueue_indirect_dma source(%dma_start3A_20 : memref<100000x64xf32, #tpu.memory_space<hbm>>) target(%dma_start3A_14 : memref<128x64xf32, #tpu.memory_space<vmem>>) offsets(%dma_start3A_17 : memref<128xi32, #tpu.memory_space<vmem>>) semaphore(%arg9 : memref<!tpu.dma_semaphore, #tpu.memory_space<semaphore_mem>>)
    %dma_start3A_21 = arith.constant 1 : i32
    %dma_start3A_22 = arith.constant 1 : i32
    %dma_start3A_23 = arith.constant 0 : i32
    %dma_start3A_24 = arith.constant 0 : i32
    %dma_start3A_25 = tpu.memref_slice %arg8[%dma_start3A_22, %dma_start3A_23, %dma_start3A_24] : memref<8x128x64xf32, #tpu.memory_space<vmem>> -> memref<1x128x64xf32, #tpu.memory_space<vmem>>
    %dma_start3A_26 = tpu.memref_squeeze %dma_start3A_25 : memref<1x128x64xf32, #tpu.memory_space<vmem>> -> memref<128x64xf32, #tpu.memory_space<vmem>>
    %dma_start3A_27 = arith.constant 0 : i32
    %dma_start3A_28 = tpu.memref_slice %arg7[%dma_start3A_21, %dma_start3A_27] : memref<48x128xi32, #tpu.memory_space<vmem>> -> memref<1x128xi32, #tpu.memory_space<vmem>>
    %dma_start3A_29 = tpu.memref_squeeze %dma_start3A_28 : memref<1x128xi32, #tpu.memory_space<vmem>> -> memref<128xi32, #tpu.memory_space<vmem>>
    %dma_start3A_30 = arith.constant 0 : i32
    %dma_start3A_31 = arith.constant 0 : i32
    %dma_start3A_32 = tpu.memref_slice %arg3[%dma_start3A_30, %dma_start3A_31] : memref<100000x64xf32, #tpu.memory_space<hbm>> -> memref<100000x64xf32, #tpu.memory_space<hbm>>
    tpu.enqueue_indirect_dma source(%dma_start3A_32 : memref<100000x64xf32, #tpu.memory_space<hbm>>) target(%dma_start3A_26 : memref<128x64xf32, #tpu.memory_space<vmem>>) offsets(%dma_start3A_29 : memref<128xi32, #tpu.memory_space<vmem>>) semaphore(%arg9 : memref<!tpu.dma_semaphore, #tpu.memory_space<semaphore_mem>>)
    %dma_start3A_33 = arith.constant 2 : i32
    %dma_start3A_34 = arith.constant 2 : i32
    %dma_start3A_35 = arith.constant 0 : i32
    %dma_start3A_36 = arith.constant 0 : i32
    %dma_start3A_37 = tpu.memref_slice %arg8[%dma_start3A_34, %dma_start3A_35, %dma_start3A_36] : memref<8x128x64xf32, #tpu.memory_space<vmem>> -> memref<1x128x64xf32, #tpu.memory_space<vmem>>
    %dma_start3A_38 = tpu.memref_squeeze %dma_start3A_37 : memref<1x128x64xf32, #tpu.memory_space<vmem>> -> memref<128x64xf32, #tpu.memory_space<vmem>>
    %dma_start3A_39 = arith.constant 0 : i32
    %dma_start3A_40 = tpu.memref_slice %arg7[%dma_start3A_33, %dma_start3A_39] : memref<48x128xi32, #tpu.memory_space<vmem>> -> memref<1x128xi32, #tpu.memory_space<vmem>>
    %dma_start3A_41 = tpu.memref_squeeze %dma_start3A_40 : memref<1x128xi32, #tpu.memory_space<vmem>> -> memref<128xi32, #tpu.memory_space<vmem>>
    %dma_start3A_42 = arith.constant 0 : i32
    %dma_start3A_43 = arith.constant 0 : i32
    %dma_start3A_44 = tpu.memref_slice %arg3[%dma_start3A_42, %dma_start3A_43] : memref<100000x64xf32, #tpu.memory_space<hbm>> -> memref<100000x64xf32, #tpu.memory_space<hbm>>
    tpu.enqueue_indirect_dma source(%dma_start3A_44 : memref<100000x64xf32, #tpu.memory_space<hbm>>) target(%dma_start3A_38 : memref<128x64xf32, #tpu.memory_space<vmem>>) offsets(%dma_start3A_41 : memref<128xi32, #tpu.memory_space<vmem>>) semaphore(%arg9 : memref<!tpu.dma_semaphore, #tpu.memory_space<semaphore_mem>>)
    %dma_start3A_45 = arith.constant 3 : i32
    %dma_start3A_46 = arith.constant 3 : i32
    %dma_start3A_47 = arith.constant 0 : i32
    %dma_start3A_48 = arith.constant 0 : i32
    %dma_start3A_49 = tpu.memref_slice %arg8[%dma_start3A_46, %dma_start3A_47, %dma_start3A_48] : memref<8x128x64xf32, #tpu.memory_space<vmem>> -> memref<1x128x64xf32, #tpu.memory_space<vmem>>
    %dma_start3A_50 = tpu.memref_squeeze %dma_start3A_49 : memref<1x128x64xf32, #tpu.memory_space<vmem>> -> memref<128x64xf32, #tpu.memory_space<vmem>>
    %dma_start3A_51 = arith.constant 0 : i32
    %dma_start3A_52 = tpu.memref_slice %arg7[%dma_start3A_45, %dma_start3A_51] : memref<48x128xi32, #tpu.memory_space<vmem>> -> memref<1x128xi32, #tpu.memory_space<vmem>>
    %dma_start3A_53 = tpu.memref_squeeze %dma_start3A_52 : memref<1x128xi32, #tpu.memory_space<vmem>> -> memref<128xi32, #tpu.memory_space<vmem>>
    %dma_start3A_54 = arith.constant 0 : i32
    %dma_start3A_55 = arith.constant 0 : i32
    %dma_start3A_56 = tpu.memref_slice %arg3[%dma_start3A_54, %dma_start3A_55] : memref<100000x64xf32, #tpu.memory_space<hbm>> -> memref<100000x64xf32, #tpu.memory_space<hbm>>
    tpu.enqueue_indirect_dma source(%dma_start3A_56 : memref<100000x64xf32, #tpu.memory_space<hbm>>) target(%dma_start3A_50 : memref<128x64xf32, #tpu.memory_space<vmem>>) offsets(%dma_start3A_53 : memref<128xi32, #tpu.memory_space<vmem>>) semaphore(%arg9 : memref<!tpu.dma_semaphore, #tpu.memory_space<semaphore_mem>>)
    %scan3A_57 = arith.constant 0 : i32
    %scan3A_58 = arith.constant 18 : i32
    %scan3A_59 = arith.addi %scan3A_57, %scan3A_58 : i32
    %scan3A_60 = arith.constant 1 : i32
    scf.for %scan3A_418 = %scan3A_57 to %scan3A_59 step %scan3A_60  : i32 {
      %mul3A_419 = arith.constant 1 : i32
      %mul3A_420 = arith.muli %scan3A_418, %mul3A_419 : i32
      %add3A_421 = arith.constant 0 : i32
      %add3A_422 = arith.addi %add3A_421, %mul3A_420 : i32
      %add3A_423 = arith.constant 0 : i32
      %add3A_424 = arith.addi %add3A_423, %add3A_422 : i32
      %rem3A_425 = arith.constant 8 : i32
      %rem3A_426 = arith.remsi %add3A_422, %rem3A_425 : i32
      %dma_wait3A_427 = arith.constant 0 : i32
      %dma_wait3A_428 = arith.constant 0 : i32
      %dma_wait3A_429 = arith.constant 0 : i32
      %dma_wait3A_430 = tpu.memref_slice %arg8[%rem3A_426, %dma_wait3A_428, %dma_wait3A_429] : memref<8x128x64xf32, #tpu.memory_space<vmem>> -> memref<1x128x64xf32, #tpu.memory_space<vmem>>
      %dma_wait3A_431 = tpu.memref_squeeze %dma_wait3A_430 : memref<1x128x64xf32, #tpu.memory_space<vmem>> -> memref<128x64xf32, #tpu.memory_space<vmem>>
      %dma_wait3A_432 = arith.constant 0 : i32
      %dma_wait3A_433 = tpu.memref_slice %arg7[%dma_wait3A_427, %dma_wait3A_432] : memref<48x128xi32, #tpu.memory_space<vmem>> -> memref<1x128xi32, #tpu.memory_space<vmem>>
      %dma_wait3A_434 = tpu.memref_squeeze %dma_wait3A_433 : memref<1x128xi32, #tpu.memory_space<vmem>> -> memref<128xi32, #tpu.memory_space<vmem>>
      %dma_wait3A_435 = arith.constant 0 : i32
      %dma_wait3A_436 = arith.constant 0 : i32
      %dma_wait3A_437 = tpu.memref_slice %arg3[%dma_wait3A_435, %dma_wait3A_436] : memref<100000x64xf32, #tpu.memory_space<hbm>> -> memref<100000x64xf32, #tpu.memory_space<hbm>>
      tpu.wait_indirect_dma semaphore(%arg9 : memref<!tpu.dma_semaphore, #tpu.memory_space<semaphore_mem>>) src(%dma_wait3A_437 : memref<100000x64xf32, #tpu.memory_space<hbm>>) dst(%dma_wait3A_431 : memref<128x64xf32, #tpu.memory_space<vmem>>)
      %div3A_438 = arith.constant 2 : i32
      %div3A_439 = arith.divsi %add3A_424, %div3A_438 : i32
      %rem3A_440 = arith.constant 2 : i32
      %rem3A_441 = arith.remsi %add3A_424, %rem3A_440 : i32
      %mul3A_442 = arith.constant 64 : i32
      %mul3A_443 = arith.muli %rem3A_441, %mul3A_442 : i32
      %dma_start3A_444 = arith.constant 0 : i32
      %dma_start3A_445 = arith.constant 0 : i32
      %dma_start3A_446 = tpu.memref_slice %arg8[%rem3A_426, %dma_start3A_444, %dma_start3A_445] : memref<8x128x64xf32, #tpu.memory_space<vmem>> -> memref<1x128x64xf32, #tpu.memory_space<vmem>>
      %dma_start3A_447 = tpu.memref_squeeze %dma_start3A_446 : memref<1x128x64xf32, #tpu.memory_space<vmem>> -> memref<128x64xf32, #tpu.memory_space<vmem>>
      %dma_start3A_448 = tpu.memref_slice %arg6[%div3A_439, %add3A_9, %mul3A_443] : memref<24x4096x128xf32, #tpu.memory_space<hbm>> -> memref<1x128x64xf32, #tpu.memory_space<hbm>>
      %dma_start3A_449 = tpu.memref_squeeze %dma_start3A_448 : memref<1x128x64xf32, #tpu.memory_space<hbm>> -> memref<128x64xf32, #tpu.memory_space<hbm>>
      %dma_start3A_450 = tpu.memref_slice %arg6[%div3A_439, %add3A_9, %mul3A_443] : memref<24x4096x128xf32, #tpu.memory_space<hbm>> -> memref<1x128x64xf32, #tpu.memory_space<hbm>>
      %dma_start3A_451 = tpu.memref_squeeze %dma_start3A_450 : memref<1x128x64xf32, #tpu.memory_space<hbm>> -> memref<128x64xf32, #tpu.memory_space<hbm>>
      %dma_start3A_452 = arith.constant 0 : i32
      %dma_start3A_453 = arith.constant 0 : i32
      %dma_start3A_454 = tpu.memref_slice %arg8[%rem3A_426, %dma_start3A_452, %dma_start3A_453] : memref<8x128x64xf32, #tpu.memory_space<vmem>> -> memref<1x128x64xf32, #tpu.memory_space<vmem>>
      %dma_start3A_455 = tpu.memref_squeeze %dma_start3A_454 : memref<1x128x64xf32, #tpu.memory_space<vmem>> -> memref<128x64xf32, #tpu.memory_space<vmem>>
      tpu.enqueue_dma source(%dma_start3A_455 : memref<128x64xf32, #tpu.memory_space<vmem>>) target(%dma_start3A_451 : memref<128x64xf32, #tpu.memory_space<hbm>>) target_semaphore(%arg10 : memref<!tpu.dma_semaphore, #tpu.memory_space<semaphore_mem>>)
      %ge3A = arith.constant 4 : i32
      %ge3A_456 = arith.cmpi sge, %add3A_422, %ge3A : i32
      %convert_element_type3A = arith.extui %ge3A_456 : i1 to i32
      %cond3A = arith.constant 0 : i32
      %cond3A_457 = arith.cmpi ne, %convert_element_type3A, %cond3A : i32
      scf.if %cond3A_457 {
        %div3A_462 = arith.constant 0 : i32
        %div3A_463 = arith.constant 2 : i32
        %div3A_464 = arith.divsi %div3A_462, %div3A_463 : i32
        %rem3A_465 = arith.constant 0 : i32
        %rem3A_466 = arith.constant 2 : i32
        %rem3A_467 = arith.remsi %rem3A_465, %rem3A_466 : i32
        %mul3A_468 = arith.constant 64 : i32
        %mul3A_469 = arith.muli %rem3A_467, %mul3A_468 : i32
        %dma_wait3A_470 = arith.constant 0 : i32
        %dma_wait3A_471 = arith.constant 0 : i32
        %dma_wait3A_472 = arith.constant 0 : i32
        %dma_wait3A_473 = tpu.memref_slice %arg8[%dma_wait3A_470, %dma_wait3A_471, %dma_wait3A_472] : memref<8x128x64xf32, #tpu.memory_space<vmem>> -> memref<1x128x64xf32, #tpu.memory_space<vmem>>
        %dma_wait3A_474 = tpu.memref_squeeze %dma_wait3A_473 : memref<1x128x64xf32, #tpu.memory_space<vmem>> -> memref<128x64xf32, #tpu.memory_space<vmem>>
        %dma_wait3A_475 = tpu.memref_slice %arg6[%div3A_464, %add3A_9, %mul3A_469] : memref<24x4096x128xf32, #tpu.memory_space<hbm>> -> memref<1x128x64xf32, #tpu.memory_space<hbm>>
        %dma_wait3A_476 = tpu.memref_squeeze %dma_wait3A_475 : memref<1x128x64xf32, #tpu.memory_space<hbm>> -> memref<128x64xf32, #tpu.memory_space<hbm>>
        %dma_wait3A_477 = tpu.memref_slice %arg6[%div3A_464, %add3A_9, %mul3A_469] : memref<24x4096x128xf32, #tpu.memory_space<hbm>> -> memref<1x128x64xf32, #tpu.memory_space<hbm>>
        %dma_wait3A_478 = tpu.memref_squeeze %dma_wait3A_477 : memref<1x128x64xf32, #tpu.memory_space<hbm>> -> memref<128x64xf32, #tpu.memory_space<hbm>>
        %dma_wait3A_479 = arith.constant 0 : i32
        %dma_wait3A_480 = arith.constant 0 : i32
        %dma_wait3A_481 = tpu.memref_slice %arg8[%dma_wait3A_470, %dma_wait3A_479, %dma_wait3A_480] : memref<8x128x64xf32, #tpu.memory_space<vmem>> -> memref<1x128x64xf32, #tpu.memory_space<vmem>>
        %dma_wait3A_482 = tpu.memref_squeeze %dma_wait3A_481 : memref<1x128x64xf32, #tpu.memory_space<vmem>> -> memref<128x64xf32, #tpu.memory_space<vmem>>
        tpu.wait_dma2 semaphore(%arg10 : memref<!tpu.dma_semaphore, #tpu.memory_space<semaphore_mem>>) src(%dma_wait3A_482 : memref<128x64xf32, #tpu.memory_space<vmem>>) dst(%dma_wait3A_478 : memref<128x64xf32, #tpu.memory_space<hbm>>)
      } else {
      }
      %lt3A = arith.constant 14 : i32
      %lt3A_458 = arith.cmpi slt, %add3A_422, %lt3A : i32
      %convert_element_type3A_459 = arith.extui %lt3A_458 : i1 to i32
      %cond3A_460 = arith.constant 0 : i32
      %cond3A_461 = arith.cmpi ne, %convert_element_type3A_459, %cond3A_460 : i32
      scf.if %cond3A_461 {
        %add3A_462 = arith.constant 4 : i32
        %add3A_463 = arith.addi %add3A_424, %add3A_462 : i32
        %add3A_464 = arith.constant 4 : i32
        %add3A_465 = arith.addi %add3A_422, %add3A_464 : i32
        %rem3A_466 = arith.constant 8 : i32
        %rem3A_467 = arith.remsi %add3A_465, %rem3A_466 : i32
        %dma_start3A_468 = arith.constant 0 : i32
        %dma_start3A_469 = arith.constant 0 : i32
        %dma_start3A_470 = tpu.memref_slice %arg8[%rem3A_467, %dma_start3A_468, %dma_start3A_469] : memref<8x128x64xf32, #tpu.memory_space<vmem>> -> memref<1x128x64xf32, #tpu.memory_space<vmem>>
        %dma_start3A_471 = tpu.memref_squeeze %dma_start3A_470 : memref<1x128x64xf32, #tpu.memory_space<vmem>> -> memref<128x64xf32, #tpu.memory_space<vmem>>
        %dma_start3A_472 = arith.constant 0 : i32
        %dma_start3A_473 = tpu.memref_slice %arg7[%add3A_463, %dma_start3A_472] : memref<48x128xi32, #tpu.memory_space<vmem>> -> memref<1x128xi32, #tpu.memory_space<vmem>>
        %dma_start3A_474 = tpu.memref_squeeze %dma_start3A_473 : memref<1x128xi32, #tpu.memory_space<vmem>> -> memref<128xi32, #tpu.memory_space<vmem>>
        %dma_start3A_475 = arith.constant 0 : i32
        %dma_start3A_476 = arith.constant 0 : i32
        %dma_start3A_477 = tpu.memref_slice %arg3[%dma_start3A_475, %dma_start3A_476] : memref<100000x64xf32, #tpu.memory_space<hbm>> -> memref<100000x64xf32, #tpu.memory_space<hbm>>
        tpu.enqueue_indirect_dma source(%dma_start3A_477 : memref<100000x64xf32, #tpu.memory_space<hbm>>) target(%dma_start3A_471 : memref<128x64xf32, #tpu.memory_space<vmem>>) offsets(%dma_start3A_474 : memref<128xi32, #tpu.memory_space<vmem>>) semaphore(%arg9 : memref<!tpu.dma_semaphore, #tpu.memory_space<semaphore_mem>>)
      } else {
      }
    }
    %scan3A_61 = arith.constant 18 : i32
    %div3A = arith.constant 0 : i32
    %div3A_62 = arith.constant 2 : i32
    %div3A_63 = arith.divsi %div3A, %div3A_62 : i32
    %rem3A = arith.constant 0 : i32
    %rem3A_64 = arith.constant 2 : i32
    %rem3A_65 = arith.remsi %rem3A, %rem3A_64 : i32
    %mul3A_66 = arith.constant 64 : i32
    %mul3A_67 = arith.muli %rem3A_65, %mul3A_66 : i32
    %dma_wait3A = arith.constant 0 : i32
    %dma_wait3A_68 = arith.constant 0 : i32
    %dma_wait3A_69 = arith.constant 0 : i32
    %dma_wait3A_70 = tpu.memref_slice %arg8[%dma_wait3A, %dma_wait3A_68, %dma_wait3A_69] : memref<8x128x64xf32, #tpu.memory_space<vmem>> -> memref<1x128x64xf32, #tpu.memory_space<vmem>>
    %dma_wait3A_71 = tpu.memref_squeeze %dma_wait3A_70 : memref<1x128x64xf32, #tpu.memory_space<vmem>> -> memref<128x64xf32, #tpu.memory_space<vmem>>
    %dma_wait3A_72 = tpu.memref_slice %arg6[%div3A_63, %add3A_9, %mul3A_67] : memref<24x4096x128xf32, #tpu.memory_space<hbm>> -> memref<1x128x64xf32, #tpu.memory_space<hbm>>
    %dma_wait3A_73 = tpu.memref_squeeze %dma_wait3A_72 : memref<1x128x64xf32, #tpu.memory_space<hbm>> -> memref<128x64xf32, #tpu.memory_space<hbm>>
    %dma_wait3A_74 = tpu.memref_slice %arg6[%div3A_63, %add3A_9, %mul3A_67] : memref<24x4096x128xf32, #tpu.memory_space<hbm>> -> memref<1x128x64xf32, #tpu.memory_space<hbm>>
    %dma_wait3A_75 = tpu.memref_squeeze %dma_wait3A_74 : memref<1x128x64xf32, #tpu.memory_space<hbm>> -> memref<128x64xf32, #tpu.memory_space<hbm>>
    %dma_wait3A_76 = arith.constant 0 : i32
    %dma_wait3A_77 = arith.constant 0 : i32
    %dma_wait3A_78 = tpu.memref_slice %arg8[%dma_wait3A, %dma_wait3A_76, %dma_wait3A_77] : memref<8x128x64xf32, #tpu.memory_space<vmem>> -> memref<1x128x64xf32, #tpu.memory_space<vmem>>
    %dma_wait3A_79 = tpu.memref_squeeze %dma_wait3A_78 : memref<1x128x64xf32, #tpu.memory_space<vmem>> -> memref<128x64xf32, #tpu.memory_space<vmem>>
    tpu.wait_dma2 semaphore(%arg10 : memref<!tpu.dma_semaphore, #tpu.memory_space<semaphore_mem>>) src(%dma_wait3A_79 : memref<128x64xf32, #tpu.memory_space<vmem>>) dst(%dma_wait3A_75 : memref<128x64xf32, #tpu.memory_space<hbm>>)
    %div3A_80 = arith.constant 0 : i32
    %div3A_81 = arith.constant 2 : i32
    %div3A_82 = arith.divsi %div3A_80, %div3A_81 : i32
    %rem3A_83 = arith.constant 0 : i32
    %rem3A_84 = arith.constant 2 : i32
    %rem3A_85 = arith.remsi %rem3A_83, %rem3A_84 : i32
    %mul3A_86 = arith.constant 64 : i32
    %mul3A_87 = arith.muli %rem3A_85, %mul3A_86 : i32
    %dma_wait3A_88 = arith.constant 0 : i32
    %dma_wait3A_89 = arith.constant 0 : i32
    %dma_wait3A_90 = arith.constant 0 : i32
    %dma_wait3A_91 = tpu.memref_slice %arg8[%dma_wait3A_88, %dma_wait3A_89, %dma_wait3A_90] : memref<8x128x64xf32, #tpu.memory_space<vmem>> -> memref<1x128x64xf32, #tpu.memory_space<vmem>>
    %dma_wait3A_92 = tpu.memref_squeeze %dma_wait3A_91 : memref<1x128x64xf32, #tpu.memory_space<vmem>> -> memref<128x64xf32, #tpu.memory_space<vmem>>
    %dma_wait3A_93 = tpu.memref_slice %arg6[%div3A_82, %add3A_9, %mul3A_87] : memref<24x4096x128xf32, #tpu.memory_space<hbm>> -> memref<1x128x64xf32, #tpu.memory_space<hbm>>
    %dma_wait3A_94 = tpu.memref_squeeze %dma_wait3A_93 : memref<1x128x64xf32, #tpu.memory_space<hbm>> -> memref<128x64xf32, #tpu.memory_space<hbm>>
    %dma_wait3A_95 = tpu.memref_slice %arg6[%div3A_82, %add3A_9, %mul3A_87] : memref<24x4096x128xf32, #tpu.memory_space<hbm>> -> memref<1x128x64xf32, #tpu.memory_space<hbm>>
    %dma_wait3A_96 = tpu.memref_squeeze %dma_wait3A_95 : memref<1x128x64xf32, #tpu.memory_space<hbm>> -> memref<128x64xf32, #tpu.memory_space<hbm>>
    %dma_wait3A_97 = arith.constant 0 : i32
    %dma_wait3A_98 = arith.constant 0 : i32
    %dma_wait3A_99 = tpu.memref_slice %arg8[%dma_wait3A_88, %dma_wait3A_97, %dma_wait3A_98] : memref<8x128x64xf32, #tpu.memory_space<vmem>> -> memref<1x128x64xf32, #tpu.memory_space<vmem>>
    %dma_wait3A_100 = tpu.memref_squeeze %dma_wait3A_99 : memref<1x128x64xf32, #tpu.memory_space<vmem>> -> memref<128x64xf32, #tpu.memory_space<vmem>>
    tpu.wait_dma2 semaphore(%arg10 : memref<!tpu.dma_semaphore, #tpu.memory_space<semaphore_mem>>) src(%dma_wait3A_100 : memref<128x64xf32, #tpu.memory_space<vmem>>) dst(%dma_wait3A_96 : memref<128x64xf32, #tpu.memory_space<hbm>>)
    %div3A_101 = arith.constant 0 : i32
    %div3A_102 = arith.constant 2 : i32
    %div3A_103 = arith.divsi %div3A_101, %div3A_102 : i32
    %rem3A_104 = arith.constant 0 : i32
    %rem3A_105 = arith.constant 2 : i32
    %rem3A_106 = arith.remsi %rem3A_104, %rem3A_105 : i32
    %mul3A_107 = arith.constant 64 : i32
    %mul3A_108 = arith.muli %rem3A_106, %mul3A_107 : i32
    %dma_wait3A_109 = arith.constant 0 : i32
    %dma_wait3A_110 = arith.constant 0 : i32
    %dma_wait3A_111 = arith.constant 0 : i32
    %dma_wait3A_112 = tpu.memref_slice %arg8[%dma_wait3A_109, %dma_wait3A_110, %dma_wait3A_111] : memref<8x128x64xf32, #tpu.memory_space<vmem>> -> memref<1x128x64xf32, #tpu.memory_space<vmem>>
    %dma_wait3A_113 = tpu.memref_squeeze %dma_wait3A_112 : memref<1x128x64xf32, #tpu.memory_space<vmem>> -> memref<128x64xf32, #tpu.memory_space<vmem>>
    %dma_wait3A_114 = tpu.memref_slice %arg6[%div3A_103, %add3A_9, %mul3A_108] : memref<24x4096x128xf32, #tpu.memory_space<hbm>> -> memref<1x128x64xf32, #tpu.memory_space<hbm>>
    %dma_wait3A_115 = tpu.memref_squeeze %dma_wait3A_114 : memref<1x128x64xf32, #tpu.memory_space<hbm>> -> memref<128x64xf32, #tpu.memory_space<hbm>>
    %dma_wait3A_116 = tpu.memref_slice %arg6[%div3A_103, %add3A_9, %mul3A_108] : memref<24x4096x128xf32, #tpu.memory_space<hbm>> -> memref<1x128x64xf32, #tpu.memory_space<hbm>>
    %dma_wait3A_117 = tpu.memref_squeeze %dma_wait3A_116 : memref<1x128x64xf32, #tpu.memory_space<hbm>> -> memref<128x64xf32, #tpu.memory_space<hbm>>
    %dma_wait3A_118 = arith.constant 0 : i32
    %dma_wait3A_119 = arith.constant 0 : i32
    %dma_wait3A_120 = tpu.memref_slice %arg8[%dma_wait3A_109, %dma_wait3A_118, %dma_wait3A_119] : memref<8x128x64xf32, #tpu.memory_space<vmem>> -> memref<1x128x64xf32, #tpu.memory_space<vmem>>
    %dma_wait3A_121 = tpu.memref_squeeze %dma_wait3A_120 : memref<1x128x64xf32, #tpu.memory_space<vmem>> -> memref<128x64xf32, #tpu.memory_space<vmem>>
    tpu.wait_dma2 semaphore(%arg10 : memref<!tpu.dma_semaphore, #tpu.memory_space<semaphore_mem>>) src(%dma_wait3A_121 : memref<128x64xf32, #tpu.memory_space<vmem>>) dst(%dma_wait3A_117 : memref<128x64xf32, #tpu.memory_space<hbm>>)
    %div3A_122 = arith.constant 0 : i32
    %div3A_123 = arith.constant 2 : i32
    %div3A_124 = arith.divsi %div3A_122, %div3A_123 : i32
    %rem3A_125 = arith.constant 0 : i32
    %rem3A_126 = arith.constant 2 : i32
    %rem3A_127 = arith.remsi %rem3A_125, %rem3A_126 : i32
    %mul3A_128 = arith.constant 64 : i32
    %mul3A_129 = arith.muli %rem3A_127, %mul3A_128 : i32
    %dma_wait3A_130 = arith.constant 0 : i32
    %dma_wait3A_131 = arith.constant 0 : i32
    %dma_wait3A_132 = arith.constant 0 : i32
    %dma_wait3A_133 = tpu.memref_slice %arg8[%dma_wait3A_130, %dma_wait3A_131, %dma_wait3A_132] : memref<8x128x64xf32, #tpu.memory_space<vmem>> -> memref<1x128x64xf32, #tpu.memory_space<vmem>>
    %dma_wait3A_134 = tpu.memref_squeeze %dma_wait3A_133 : memref<1x128x64xf32, #tpu.memory_space<vmem>> -> memref<128x64xf32, #tpu.memory_space<vmem>>
    %dma_wait3A_135 = tpu.memref_slice %arg6[%div3A_124, %add3A_9, %mul3A_129] : memref<24x4096x128xf32, #tpu.memory_space<hbm>> -> memref<1x128x64xf32, #tpu.memory_space<hbm>>
    %dma_wait3A_136 = tpu.memref_squeeze %dma_wait3A_135 : memref<1x128x64xf32, #tpu.memory_space<hbm>> -> memref<128x64xf32, #tpu.memory_space<hbm>>
    %dma_wait3A_137 = tpu.memref_slice %arg6[%div3A_124, %add3A_9, %mul3A_129] : memref<24x4096x128xf32, #tpu.memory_space<hbm>> -> memref<1x128x64xf32, #tpu.memory_space<hbm>>
    %dma_wait3A_138 = tpu.memref_squeeze %dma_wait3A_137 : memref<1x128x64xf32, #tpu.memory_space<hbm>> -> memref<128x64xf32, #tpu.memory_space<hbm>>
    %dma_wait3A_139 = arith.constant 0 : i32
    %dma_wait3A_140 = arith.constant 0 : i32
    %dma_wait3A_141 = tpu.memref_slice %arg8[%dma_wait3A_130, %dma_wait3A_139, %dma_wait3A_140] : memref<8x128x64xf32, #tpu.memory_space<vmem>> -> memref<1x128x64xf32, #tpu.memory_space<vmem>>
    %dma_wait3A_142 = tpu.memref_squeeze %dma_wait3A_141 : memref<1x128x64xf32, #tpu.memory_space<vmem>> -> memref<128x64xf32, #tpu.memory_space<vmem>>
    tpu.wait_dma2 semaphore(%arg10 : memref<!tpu.dma_semaphore, #tpu.memory_space<semaphore_mem>>) src(%dma_wait3A_142 : memref<128x64xf32, #tpu.memory_space<vmem>>) dst(%dma_wait3A_138 : memref<128x64xf32, #tpu.memory_space<hbm>>)
    %dma_start3A_143 = arith.constant 18 : i32
    %dma_start3A_144 = arith.constant 0 : i32
    %dma_start3A_145 = arith.constant 0 : i32
    %dma_start3A_146 = arith.constant 0 : i32
    %dma_start3A_147 = tpu.memref_slice %arg8[%dma_start3A_144, %dma_start3A_145, %dma_start3A_146] : memref<8x128x64xf32, #tpu.memory_space<vmem>> -> memref<1x128x64xf32, #tpu.memory_space<vmem>>
    %dma_start3A_148 = tpu.memref_squeeze %dma_start3A_147 : memref<1x128x64xf32, #tpu.memory_space<vmem>> -> memref<128x64xf32, #tpu.memory_space<vmem>>
    %dma_start3A_149 = arith.constant 0 : i32
    %dma_start3A_150 = tpu.memref_slice %arg7[%dma_start3A_143, %dma_start3A_149] : memref<48x128xi32, #tpu.memory_space<vmem>> -> memref<1x128xi32, #tpu.memory_space<vmem>>
    %dma_start3A_151 = tpu.memref_squeeze %dma_start3A_150 : memref<1x128xi32, #tpu.memory_space<vmem>> -> memref<128xi32, #tpu.memory_space<vmem>>
    %dma_start3A_152 = arith.constant 0 : i32
    %dma_start3A_153 = arith.constant 0 : i32
    %dma_start3A_154 = tpu.memref_slice %arg4[%dma_start3A_152, %dma_start3A_153] : memref<100000x64xf32, #tpu.memory_space<hbm>> -> memref<100000x64xf32, #tpu.memory_space<hbm>>
    tpu.enqueue_indirect_dma source(%dma_start3A_154 : memref<100000x64xf32, #tpu.memory_space<hbm>>) target(%dma_start3A_148 : memref<128x64xf32, #tpu.memory_space<vmem>>) offsets(%dma_start3A_151 : memref<128xi32, #tpu.memory_space<vmem>>) semaphore(%arg9 : memref<!tpu.dma_semaphore, #tpu.memory_space<semaphore_mem>>)
    %dma_start3A_155 = arith.constant 19 : i32
    %dma_start3A_156 = arith.constant 1 : i32
    %dma_start3A_157 = arith.constant 0 : i32
    %dma_start3A_158 = arith.constant 0 : i32
    %dma_start3A_159 = tpu.memref_slice %arg8[%dma_start3A_156, %dma_start3A_157, %dma_start3A_158] : memref<8x128x64xf32, #tpu.memory_space<vmem>> -> memref<1x128x64xf32, #tpu.memory_space<vmem>>
    %dma_start3A_160 = tpu.memref_squeeze %dma_start3A_159 : memref<1x128x64xf32, #tpu.memory_space<vmem>> -> memref<128x64xf32, #tpu.memory_space<vmem>>
    %dma_start3A_161 = arith.constant 0 : i32
    %dma_start3A_162 = tpu.memref_slice %arg7[%dma_start3A_155, %dma_start3A_161] : memref<48x128xi32, #tpu.memory_space<vmem>> -> memref<1x128xi32, #tpu.memory_space<vmem>>
    %dma_start3A_163 = tpu.memref_squeeze %dma_start3A_162 : memref<1x128xi32, #tpu.memory_space<vmem>> -> memref<128xi32, #tpu.memory_space<vmem>>
    %dma_start3A_164 = arith.constant 0 : i32
    %dma_start3A_165 = arith.constant 0 : i32
    %dma_start3A_166 = tpu.memref_slice %arg4[%dma_start3A_164, %dma_start3A_165] : memref<100000x64xf32, #tpu.memory_space<hbm>> -> memref<100000x64xf32, #tpu.memory_space<hbm>>
    tpu.enqueue_indirect_dma source(%dma_start3A_166 : memref<100000x64xf32, #tpu.memory_space<hbm>>) target(%dma_start3A_160 : memref<128x64xf32, #tpu.memory_space<vmem>>) offsets(%dma_start3A_163 : memref<128xi32, #tpu.memory_space<vmem>>) semaphore(%arg9 : memref<!tpu.dma_semaphore, #tpu.memory_space<semaphore_mem>>)
    %dma_start3A_167 = arith.constant 20 : i32
    %dma_start3A_168 = arith.constant 2 : i32
    %dma_start3A_169 = arith.constant 0 : i32
    %dma_start3A_170 = arith.constant 0 : i32
    %dma_start3A_171 = tpu.memref_slice %arg8[%dma_start3A_168, %dma_start3A_169, %dma_start3A_170] : memref<8x128x64xf32, #tpu.memory_space<vmem>> -> memref<1x128x64xf32, #tpu.memory_space<vmem>>
    %dma_start3A_172 = tpu.memref_squeeze %dma_start3A_171 : memref<1x128x64xf32, #tpu.memory_space<vmem>> -> memref<128x64xf32, #tpu.memory_space<vmem>>
    %dma_start3A_173 = arith.constant 0 : i32
    %dma_start3A_174 = tpu.memref_slice %arg7[%dma_start3A_167, %dma_start3A_173] : memref<48x128xi32, #tpu.memory_space<vmem>> -> memref<1x128xi32, #tpu.memory_space<vmem>>
    %dma_start3A_175 = tpu.memref_squeeze %dma_start3A_174 : memref<1x128xi32, #tpu.memory_space<vmem>> -> memref<128xi32, #tpu.memory_space<vmem>>
    %dma_start3A_176 = arith.constant 0 : i32
    %dma_start3A_177 = arith.constant 0 : i32
    %dma_start3A_178 = tpu.memref_slice %arg4[%dma_start3A_176, %dma_start3A_177] : memref<100000x64xf32, #tpu.memory_space<hbm>> -> memref<100000x64xf32, #tpu.memory_space<hbm>>
    tpu.enqueue_indirect_dma source(%dma_start3A_178 : memref<100000x64xf32, #tpu.memory_space<hbm>>) target(%dma_start3A_172 : memref<128x64xf32, #tpu.memory_space<vmem>>) offsets(%dma_start3A_175 : memref<128xi32, #tpu.memory_space<vmem>>) semaphore(%arg9 : memref<!tpu.dma_semaphore, #tpu.memory_space<semaphore_mem>>)
    %dma_start3A_179 = arith.constant 21 : i32
    %dma_start3A_180 = arith.constant 3 : i32
    %dma_start3A_181 = arith.constant 0 : i32
    %dma_start3A_182 = arith.constant 0 : i32
    %dma_start3A_183 = tpu.memref_slice %arg8[%dma_start3A_180, %dma_start3A_181, %dma_start3A_182] : memref<8x128x64xf32, #tpu.memory_space<vmem>> -> memref<1x128x64xf32, #tpu.memory_space<vmem>>
    %dma_start3A_184 = tpu.memref_squeeze %dma_start3A_183 : memref<1x128x64xf32, #tpu.memory_space<vmem>> -> memref<128x64xf32, #tpu.memory_space<vmem>>
    %dma_start3A_185 = arith.constant 0 : i32
    %dma_start3A_186 = tpu.memref_slice %arg7[%dma_start3A_179, %dma_start3A_185] : memref<48x128xi32, #tpu.memory_space<vmem>> -> memref<1x128xi32, #tpu.memory_space<vmem>>
    %dma_start3A_187 = tpu.memref_squeeze %dma_start3A_186 : memref<1x128xi32, #tpu.memory_space<vmem>> -> memref<128xi32, #tpu.memory_space<vmem>>
    %dma_start3A_188 = arith.constant 0 : i32
    %dma_start3A_189 = arith.constant 0 : i32
    %dma_start3A_190 = tpu.memref_slice %arg4[%dma_start3A_188, %dma_start3A_189] : memref<100000x64xf32, #tpu.memory_space<hbm>> -> memref<100000x64xf32, #tpu.memory_space<hbm>>
    tpu.enqueue_indirect_dma source(%dma_start3A_190 : memref<100000x64xf32, #tpu.memory_space<hbm>>) target(%dma_start3A_184 : memref<128x64xf32, #tpu.memory_space<vmem>>) offsets(%dma_start3A_187 : memref<128xi32, #tpu.memory_space<vmem>>) semaphore(%arg9 : memref<!tpu.dma_semaphore, #tpu.memory_space<semaphore_mem>>)
    %scan3A_191 = arith.constant 0 : i32
    %scan3A_192 = arith.constant 18 : i32
    %scan3A_193 = arith.addi %scan3A_191, %scan3A_192 : i32
    %scan3A_194 = arith.constant 1 : i32
    scf.for %scan3A_418 = %scan3A_191 to %scan3A_193 step %scan3A_194  : i32 {
      %mul3A_419 = arith.constant 1 : i32
      %mul3A_420 = arith.muli %scan3A_418, %mul3A_419 : i32
      %add3A_421 = arith.constant 0 : i32
      %add3A_422 = arith.addi %add3A_421, %mul3A_420 : i32
      %add3A_423 = arith.constant 18 : i32
      %add3A_424 = arith.addi %add3A_423, %add3A_422 : i32
      %rem3A_425 = arith.constant 8 : i32
      %rem3A_426 = arith.remsi %add3A_422, %rem3A_425 : i32
      %dma_wait3A_427 = arith.constant 0 : i32
      %dma_wait3A_428 = arith.constant 0 : i32
      %dma_wait3A_429 = arith.constant 0 : i32
      %dma_wait3A_430 = tpu.memref_slice %arg8[%rem3A_426, %dma_wait3A_428, %dma_wait3A_429] : memref<8x128x64xf32, #tpu.memory_space<vmem>> -> memref<1x128x64xf32, #tpu.memory_space<vmem>>
      %dma_wait3A_431 = tpu.memref_squeeze %dma_wait3A_430 : memref<1x128x64xf32, #tpu.memory_space<vmem>> -> memref<128x64xf32, #tpu.memory_space<vmem>>
      %dma_wait3A_432 = arith.constant 0 : i32
      %dma_wait3A_433 = tpu.memref_slice %arg7[%dma_wait3A_427, %dma_wait3A_432] : memref<48x128xi32, #tpu.memory_space<vmem>> -> memref<1x128xi32, #tpu.memory_space<vmem>>
      %dma_wait3A_434 = tpu.memref_squeeze %dma_wait3A_433 : memref<1x128xi32, #tpu.memory_space<vmem>> -> memref<128xi32, #tpu.memory_space<vmem>>
      %dma_wait3A_435 = arith.constant 0 : i32
      %dma_wait3A_436 = arith.constant 0 : i32
      %dma_wait3A_437 = tpu.memref_slice %arg4[%dma_wait3A_435, %dma_wait3A_436] : memref<100000x64xf32, #tpu.memory_space<hbm>> -> memref<100000x64xf32, #tpu.memory_space<hbm>>
      tpu.wait_indirect_dma semaphore(%arg9 : memref<!tpu.dma_semaphore, #tpu.memory_space<semaphore_mem>>) src(%dma_wait3A_437 : memref<100000x64xf32, #tpu.memory_space<hbm>>) dst(%dma_wait3A_431 : memref<128x64xf32, #tpu.memory_space<vmem>>)
      %div3A_438 = arith.constant 2 : i32
      %div3A_439 = arith.divsi %add3A_424, %div3A_438 : i32
      %rem3A_440 = arith.constant 2 : i32
      %rem3A_441 = arith.remsi %add3A_424, %rem3A_440 : i32
      %mul3A_442 = arith.constant 64 : i32
      %mul3A_443 = arith.muli %rem3A_441, %mul3A_442 : i32
      %dma_start3A_444 = arith.constant 0 : i32
      %dma_start3A_445 = arith.constant 0 : i32
      %dma_start3A_446 = tpu.memref_slice %arg8[%rem3A_426, %dma_start3A_444, %dma_start3A_445] : memref<8x128x64xf32, #tpu.memory_space<vmem>> -> memref<1x128x64xf32, #tpu.memory_space<vmem>>
      %dma_start3A_447 = tpu.memref_squeeze %dma_start3A_446 : memref<1x128x64xf32, #tpu.memory_space<vmem>> -> memref<128x64xf32, #tpu.memory_space<vmem>>
      %dma_start3A_448 = tpu.memref_slice %arg6[%div3A_439, %add3A_9, %mul3A_443] : memref<24x4096x128xf32, #tpu.memory_space<hbm>> -> memref<1x128x64xf32, #tpu.memory_space<hbm>>
      %dma_start3A_449 = tpu.memref_squeeze %dma_start3A_448 : memref<1x128x64xf32, #tpu.memory_space<hbm>> -> memref<128x64xf32, #tpu.memory_space<hbm>>
      %dma_start3A_450 = tpu.memref_slice %arg6[%div3A_439, %add3A_9, %mul3A_443] : memref<24x4096x128xf32, #tpu.memory_space<hbm>> -> memref<1x128x64xf32, #tpu.memory_space<hbm>>
      %dma_start3A_451 = tpu.memref_squeeze %dma_start3A_450 : memref<1x128x64xf32, #tpu.memory_space<hbm>> -> memref<128x64xf32, #tpu.memory_space<hbm>>
      %dma_start3A_452 = arith.constant 0 : i32
      %dma_start3A_453 = arith.constant 0 : i32
      %dma_start3A_454 = tpu.memref_slice %arg8[%rem3A_426, %dma_start3A_452, %dma_start3A_453] : memref<8x128x64xf32, #tpu.memory_space<vmem>> -> memref<1x128x64xf32, #tpu.memory_space<vmem>>
      %dma_start3A_455 = tpu.memref_squeeze %dma_start3A_454 : memref<1x128x64xf32, #tpu.memory_space<vmem>> -> memref<128x64xf32, #tpu.memory_space<vmem>>
      tpu.enqueue_dma source(%dma_start3A_455 : memref<128x64xf32, #tpu.memory_space<vmem>>) target(%dma_start3A_451 : memref<128x64xf32, #tpu.memory_space<hbm>>) target_semaphore(%arg10 : memref<!tpu.dma_semaphore, #tpu.memory_space<semaphore_mem>>)
      %ge3A = arith.constant 4 : i32
      %ge3A_456 = arith.cmpi sge, %add3A_422, %ge3A : i32
      %convert_element_type3A = arith.extui %ge3A_456 : i1 to i32
      %cond3A = arith.constant 0 : i32
      %cond3A_457 = arith.cmpi ne, %convert_element_type3A, %cond3A : i32
      scf.if %cond3A_457 {
        %div3A_462 = arith.constant 0 : i32
        %div3A_463 = arith.constant 2 : i32
        %div3A_464 = arith.divsi %div3A_462, %div3A_463 : i32
        %rem3A_465 = arith.constant 0 : i32
        %rem3A_466 = arith.constant 2 : i32
        %rem3A_467 = arith.remsi %rem3A_465, %rem3A_466 : i32
        %mul3A_468 = arith.constant 64 : i32
        %mul3A_469 = arith.muli %rem3A_467, %mul3A_468 : i32
        %dma_wait3A_470 = arith.constant 0 : i32
        %dma_wait3A_471 = arith.constant 0 : i32
        %dma_wait3A_472 = arith.constant 0 : i32
        %dma_wait3A_473 = tpu.memref_slice %arg8[%dma_wait3A_470, %dma_wait3A_471, %dma_wait3A_472] : memref<8x128x64xf32, #tpu.memory_space<vmem>> -> memref<1x128x64xf32, #tpu.memory_space<vmem>>
        %dma_wait3A_474 = tpu.memref_squeeze %dma_wait3A_473 : memref<1x128x64xf32, #tpu.memory_space<vmem>> -> memref<128x64xf32, #tpu.memory_space<vmem>>
        %dma_wait3A_475 = tpu.memref_slice %arg6[%div3A_464, %add3A_9, %mul3A_469] : memref<24x4096x128xf32, #tpu.memory_space<hbm>> -> memref<1x128x64xf32, #tpu.memory_space<hbm>>
        %dma_wait3A_476 = tpu.memref_squeeze %dma_wait3A_475 : memref<1x128x64xf32, #tpu.memory_space<hbm>> -> memref<128x64xf32, #tpu.memory_space<hbm>>
        %dma_wait3A_477 = tpu.memref_slice %arg6[%div3A_464, %add3A_9, %mul3A_469] : memref<24x4096x128xf32, #tpu.memory_space<hbm>> -> memref<1x128x64xf32, #tpu.memory_space<hbm>>
        %dma_wait3A_478 = tpu.memref_squeeze %dma_wait3A_477 : memref<1x128x64xf32, #tpu.memory_space<hbm>> -> memref<128x64xf32, #tpu.memory_space<hbm>>
        %dma_wait3A_479 = arith.constant 0 : i32
        %dma_wait3A_480 = arith.constant 0 : i32
        %dma_wait3A_481 = tpu.memref_slice %arg8[%dma_wait3A_470, %dma_wait3A_479, %dma_wait3A_480] : memref<8x128x64xf32, #tpu.memory_space<vmem>> -> memref<1x128x64xf32, #tpu.memory_space<vmem>>
        %dma_wait3A_482 = tpu.memref_squeeze %dma_wait3A_481 : memref<1x128x64xf32, #tpu.memory_space<vmem>> -> memref<128x64xf32, #tpu.memory_space<vmem>>
        tpu.wait_dma2 semaphore(%arg10 : memref<!tpu.dma_semaphore, #tpu.memory_space<semaphore_mem>>) src(%dma_wait3A_482 : memref<128x64xf32, #tpu.memory_space<vmem>>) dst(%dma_wait3A_478 : memref<128x64xf32, #tpu.memory_space<hbm>>)
      } else {
      }
      %lt3A = arith.constant 14 : i32
      %lt3A_458 = arith.cmpi slt, %add3A_422, %lt3A : i32
      %convert_element_type3A_459 = arith.extui %lt3A_458 : i1 to i32
      %cond3A_460 = arith.constant 0 : i32
      %cond3A_461 = arith.cmpi ne, %convert_element_type3A_459, %cond3A_460 : i32
      scf.if %cond3A_461 {
        %add3A_462 = arith.constant 4 : i32
        %add3A_463 = arith.addi %add3A_424, %add3A_462 : i32
        %add3A_464 = arith.constant 4 : i32
        %add3A_465 = arith.addi %add3A_422, %add3A_464 : i32
        %rem3A_466 = arith.constant 8 : i32
        %rem3A_467 = arith.remsi %add3A_465, %rem3A_466 : i32
        %dma_start3A_468 = arith.constant 0 : i32
        %dma_start3A_469 = arith.constant 0 : i32
        %dma_start3A_470 = tpu.memref_slice %arg8[%rem3A_467, %dma_start3A_468, %dma_start3A_469] : memref<8x128x64xf32, #tpu.memory_space<vmem>> -> memref<1x128x64xf32, #tpu.memory_space<vmem>>
        %dma_start3A_471 = tpu.memref_squeeze %dma_start3A_470 : memref<1x128x64xf32, #tpu.memory_space<vmem>> -> memref<128x64xf32, #tpu.memory_space<vmem>>
        %dma_start3A_472 = arith.constant 0 : i32
        %dma_start3A_473 = tpu.memref_slice %arg7[%add3A_463, %dma_start3A_472] : memref<48x128xi32, #tpu.memory_space<vmem>> -> memref<1x128xi32, #tpu.memory_space<vmem>>
        %dma_start3A_474 = tpu.memref_squeeze %dma_start3A_473 : memref<1x128xi32, #tpu.memory_space<vmem>> -> memref<128xi32, #tpu.memory_space<vmem>>
        %dma_start3A_475 = arith.constant 0 : i32
        %dma_start3A_476 = arith.constant 0 : i32
        %dma_start3A_477 = tpu.memref_slice %arg4[%dma_start3A_475, %dma_start3A_476] : memref<100000x64xf32, #tpu.memory_space<hbm>> -> memref<100000x64xf32, #tpu.memory_space<hbm>>
        tpu.enqueue_indirect_dma source(%dma_start3A_477 : memref<100000x64xf32, #tpu.memory_space<hbm>>) target(%dma_start3A_471 : memref<128x64xf32, #tpu.memory_space<vmem>>) offsets(%dma_start3A_474 : memref<128xi32, #tpu.memory_space<vmem>>) semaphore(%arg9 : memref<!tpu.dma_semaphore, #tpu.memory_space<semaphore_mem>>)
      } else {
      }
    }
    %scan3A_195 = arith.constant 18 : i32
    %div3A_196 = arith.constant 0 : i32
    %div3A_197 = arith.constant 2 : i32
    %div3A_198 = arith.divsi %div3A_196, %div3A_197 : i32
    %rem3A_199 = arith.constant 0 : i32
    %rem3A_200 = arith.constant 2 : i32
    %rem3A_201 = arith.remsi %rem3A_199, %rem3A_200 : i32
    %mul3A_202 = arith.constant 64 : i32
    %mul3A_203 = arith.muli %rem3A_201, %mul3A_202 : i32
    %dma_wait3A_204 = arith.constant 0 : i32
    %dma_wait3A_205 = arith.constant 0 : i32
    %dma_wait3A_206 = arith.constant 0 : i32
    %dma_wait3A_207 = tpu.memref_slice %arg8[%dma_wait3A_204, %dma_wait3A_205, %dma_wait3A_206] : memref<8x128x64xf32, #tpu.memory_space<vmem>> -> memref<1x128x64xf32, #tpu.memory_space<vmem>>
    %dma_wait3A_208 = tpu.memref_squeeze %dma_wait3A_207 : memref<1x128x64xf32, #tpu.memory_space<vmem>> -> memref<128x64xf32, #tpu.memory_space<vmem>>
    %dma_wait3A_209 = tpu.memref_slice %arg6[%div3A_198, %add3A_9, %mul3A_203] : memref<24x4096x128xf32, #tpu.memory_space<hbm>> -> memref<1x128x64xf32, #tpu.memory_space<hbm>>
    %dma_wait3A_210 = tpu.memref_squeeze %dma_wait3A_209 : memref<1x128x64xf32, #tpu.memory_space<hbm>> -> memref<128x64xf32, #tpu.memory_space<hbm>>
    %dma_wait3A_211 = tpu.memref_slice %arg6[%div3A_198, %add3A_9, %mul3A_203] : memref<24x4096x128xf32, #tpu.memory_space<hbm>> -> memref<1x128x64xf32, #tpu.memory_space<hbm>>
    %dma_wait3A_212 = tpu.memref_squeeze %dma_wait3A_211 : memref<1x128x64xf32, #tpu.memory_space<hbm>> -> memref<128x64xf32, #tpu.memory_space<hbm>>
    %dma_wait3A_213 = arith.constant 0 : i32
    %dma_wait3A_214 = arith.constant 0 : i32
    %dma_wait3A_215 = tpu.memref_slice %arg8[%dma_wait3A_204, %dma_wait3A_213, %dma_wait3A_214] : memref<8x128x64xf32, #tpu.memory_space<vmem>> -> memref<1x128x64xf32, #tpu.memory_space<vmem>>
    %dma_wait3A_216 = tpu.memref_squeeze %dma_wait3A_215 : memref<1x128x64xf32, #tpu.memory_space<vmem>> -> memref<128x64xf32, #tpu.memory_space<vmem>>
    tpu.wait_dma2 semaphore(%arg10 : memref<!tpu.dma_semaphore, #tpu.memory_space<semaphore_mem>>) src(%dma_wait3A_216 : memref<128x64xf32, #tpu.memory_space<vmem>>) dst(%dma_wait3A_212 : memref<128x64xf32, #tpu.memory_space<hbm>>)
    %div3A_217 = arith.constant 0 : i32
    %div3A_218 = arith.constant 2 : i32
    %div3A_219 = arith.divsi %div3A_217, %div3A_218 : i32
    %rem3A_220 = arith.constant 0 : i32
    %rem3A_221 = arith.constant 2 : i32
    %rem3A_222 = arith.remsi %rem3A_220, %rem3A_221 : i32
    %mul3A_223 = arith.constant 64 : i32
    %mul3A_224 = arith.muli %rem3A_222, %mul3A_223 : i32
    %dma_wait3A_225 = arith.constant 0 : i32
    %dma_wait3A_226 = arith.constant 0 : i32
    %dma_wait3A_227 = arith.constant 0 : i32
    %dma_wait3A_228 = tpu.memref_slice %arg8[%dma_wait3A_225, %dma_wait3A_226, %dma_wait3A_227] : memref<8x128x64xf32, #tpu.memory_space<vmem>> -> memref<1x128x64xf32, #tpu.memory_space<vmem>>
    %dma_wait3A_229 = tpu.memref_squeeze %dma_wait3A_228 : memref<1x128x64xf32, #tpu.memory_space<vmem>> -> memref<128x64xf32, #tpu.memory_space<vmem>>
    %dma_wait3A_230 = tpu.memref_slice %arg6[%div3A_219, %add3A_9, %mul3A_224] : memref<24x4096x128xf32, #tpu.memory_space<hbm>> -> memref<1x128x64xf32, #tpu.memory_space<hbm>>
    %dma_wait3A_231 = tpu.memref_squeeze %dma_wait3A_230 : memref<1x128x64xf32, #tpu.memory_space<hbm>> -> memref<128x64xf32, #tpu.memory_space<hbm>>
    %dma_wait3A_232 = tpu.memref_slice %arg6[%div3A_219, %add3A_9, %mul3A_224] : memref<24x4096x128xf32, #tpu.memory_space<hbm>> -> memref<1x128x64xf32, #tpu.memory_space<hbm>>
    %dma_wait3A_233 = tpu.memref_squeeze %dma_wait3A_232 : memref<1x128x64xf32, #tpu.memory_space<hbm>> -> memref<128x64xf32, #tpu.memory_space<hbm>>
    %dma_wait3A_234 = arith.constant 0 : i32
    %dma_wait3A_235 = arith.constant 0 : i32
    %dma_wait3A_236 = tpu.memref_slice %arg8[%dma_wait3A_225, %dma_wait3A_234, %dma_wait3A_235] : memref<8x128x64xf32, #tpu.memory_space<vmem>> -> memref<1x128x64xf32, #tpu.memory_space<vmem>>
    %dma_wait3A_237 = tpu.memref_squeeze %dma_wait3A_236 : memref<1x128x64xf32, #tpu.memory_space<vmem>> -> memref<128x64xf32, #tpu.memory_space<vmem>>
    tpu.wait_dma2 semaphore(%arg10 : memref<!tpu.dma_semaphore, #tpu.memory_space<semaphore_mem>>) src(%dma_wait3A_237 : memref<128x64xf32, #tpu.memory_space<vmem>>) dst(%dma_wait3A_233 : memref<128x64xf32, #tpu.memory_space<hbm>>)
    %div3A_238 = arith.constant 0 : i32
    %div3A_239 = arith.constant 2 : i32
    %div3A_240 = arith.divsi %div3A_238, %div3A_239 : i32
    %rem3A_241 = arith.constant 0 : i32
    %rem3A_242 = arith.constant 2 : i32
    %rem3A_243 = arith.remsi %rem3A_241, %rem3A_242 : i32
    %mul3A_244 = arith.constant 64 : i32
    %mul3A_245 = arith.muli %rem3A_243, %mul3A_244 : i32
    %dma_wait3A_246 = arith.constant 0 : i32
    %dma_wait3A_247 = arith.constant 0 : i32
    %dma_wait3A_248 = arith.constant 0 : i32
    %dma_wait3A_249 = tpu.memref_slice %arg8[%dma_wait3A_246, %dma_wait3A_247, %dma_wait3A_248] : memref<8x128x64xf32, #tpu.memory_space<vmem>> -> memref<1x128x64xf32, #tpu.memory_space<vmem>>
    %dma_wait3A_250 = tpu.memref_squeeze %dma_wait3A_249 : memref<1x128x64xf32, #tpu.memory_space<vmem>> -> memref<128x64xf32, #tpu.memory_space<vmem>>
    %dma_wait3A_251 = tpu.memref_slice %arg6[%div3A_240, %add3A_9, %mul3A_245] : memref<24x4096x128xf32, #tpu.memory_space<hbm>> -> memref<1x128x64xf32, #tpu.memory_space<hbm>>
    %dma_wait3A_252 = tpu.memref_squeeze %dma_wait3A_251 : memref<1x128x64xf32, #tpu.memory_space<hbm>> -> memref<128x64xf32, #tpu.memory_space<hbm>>
    %dma_wait3A_253 = tpu.memref_slice %arg6[%div3A_240, %add3A_9, %mul3A_245] : memref<24x4096x128xf32, #tpu.memory_space<hbm>> -> memref<1x128x64xf32, #tpu.memory_space<hbm>>
    %dma_wait3A_254 = tpu.memref_squeeze %dma_wait3A_253 : memref<1x128x64xf32, #tpu.memory_space<hbm>> -> memref<128x64xf32, #tpu.memory_space<hbm>>
    %dma_wait3A_255 = arith.constant 0 : i32
    %dma_wait3A_256 = arith.constant 0 : i32
    %dma_wait3A_257 = tpu.memref_slice %arg8[%dma_wait3A_246, %dma_wait3A_255, %dma_wait3A_256] : memref<8x128x64xf32, #tpu.memory_space<vmem>> -> memref<1x128x64xf32, #tpu.memory_space<vmem>>
    %dma_wait3A_258 = tpu.memref_squeeze %dma_wait3A_257 : memref<1x128x64xf32, #tpu.memory_space<vmem>> -> memref<128x64xf32, #tpu.memory_space<vmem>>
    tpu.wait_dma2 semaphore(%arg10 : memref<!tpu.dma_semaphore, #tpu.memory_space<semaphore_mem>>) src(%dma_wait3A_258 : memref<128x64xf32, #tpu.memory_space<vmem>>) dst(%dma_wait3A_254 : memref<128x64xf32, #tpu.memory_space<hbm>>)
    %div3A_259 = arith.constant 0 : i32
    %div3A_260 = arith.constant 2 : i32
    %div3A_261 = arith.divsi %div3A_259, %div3A_260 : i32
    %rem3A_262 = arith.constant 0 : i32
    %rem3A_263 = arith.constant 2 : i32
    %rem3A_264 = arith.remsi %rem3A_262, %rem3A_263 : i32
    %mul3A_265 = arith.constant 64 : i32
    %mul3A_266 = arith.muli %rem3A_264, %mul3A_265 : i32
    %dma_wait3A_267 = arith.constant 0 : i32
    %dma_wait3A_268 = arith.constant 0 : i32
    %dma_wait3A_269 = arith.constant 0 : i32
    %dma_wait3A_270 = tpu.memref_slice %arg8[%dma_wait3A_267, %dma_wait3A_268, %dma_wait3A_269] : memref<8x128x64xf32, #tpu.memory_space<vmem>> -> memref<1x128x64xf32, #tpu.memory_space<vmem>>
    %dma_wait3A_271 = tpu.memref_squeeze %dma_wait3A_270 : memref<1x128x64xf32, #tpu.memory_space<vmem>> -> memref<128x64xf32, #tpu.memory_space<vmem>>
    %dma_wait3A_272 = tpu.memref_slice %arg6[%div3A_261, %add3A_9, %mul3A_266] : memref<24x4096x128xf32, #tpu.memory_space<hbm>> -> memref<1x128x64xf32, #tpu.memory_space<hbm>>
    %dma_wait3A_273 = tpu.memref_squeeze %dma_wait3A_272 : memref<1x128x64xf32, #tpu.memory_space<hbm>> -> memref<128x64xf32, #tpu.memory_space<hbm>>
    %dma_wait3A_274 = tpu.memref_slice %arg6[%div3A_261, %add3A_9, %mul3A_266] : memref<24x4096x128xf32, #tpu.memory_space<hbm>> -> memref<1x128x64xf32, #tpu.memory_space<hbm>>
    %dma_wait3A_275 = tpu.memref_squeeze %dma_wait3A_274 : memref<1x128x64xf32, #tpu.memory_space<hbm>> -> memref<128x64xf32, #tpu.memory_space<hbm>>
    %dma_wait3A_276 = arith.constant 0 : i32
    %dma_wait3A_277 = arith.constant 0 : i32
    %dma_wait3A_278 = tpu.memref_slice %arg8[%dma_wait3A_267, %dma_wait3A_276, %dma_wait3A_277] : memref<8x128x64xf32, #tpu.memory_space<vmem>> -> memref<1x128x64xf32, #tpu.memory_space<vmem>>
    %dma_wait3A_279 = tpu.memref_squeeze %dma_wait3A_278 : memref<1x128x64xf32, #tpu.memory_space<vmem>> -> memref<128x64xf32, #tpu.memory_space<vmem>>
    tpu.wait_dma2 semaphore(%arg10 : memref<!tpu.dma_semaphore, #tpu.memory_space<semaphore_mem>>) src(%dma_wait3A_279 : memref<128x64xf32, #tpu.memory_space<vmem>>) dst(%dma_wait3A_275 : memref<128x64xf32, #tpu.memory_space<hbm>>)
    %dma_start3A_280 = arith.constant 36 : i32
    %dma_start3A_281 = arith.constant 0 : i32
    %dma_start3A_282 = arith.constant 0 : i32
    %dma_start3A_283 = arith.constant 0 : i32
    %dma_start3A_284 = tpu.memref_slice %arg8[%dma_start3A_281, %dma_start3A_282, %dma_start3A_283] : memref<8x128x64xf32, #tpu.memory_space<vmem>> -> memref<1x128x64xf32, #tpu.memory_space<vmem>>
    %dma_start3A_285 = tpu.memref_squeeze %dma_start3A_284 : memref<1x128x64xf32, #tpu.memory_space<vmem>> -> memref<128x64xf32, #tpu.memory_space<vmem>>
    %dma_start3A_286 = arith.constant 0 : i32
    %dma_start3A_287 = tpu.memref_slice %arg7[%dma_start3A_280, %dma_start3A_286] : memref<48x128xi32, #tpu.memory_space<vmem>> -> memref<1x128xi32, #tpu.memory_space<vmem>>
    %dma_start3A_288 = tpu.memref_squeeze %dma_start3A_287 : memref<1x128xi32, #tpu.memory_space<vmem>> -> memref<128xi32, #tpu.memory_space<vmem>>
    %dma_start3A_289 = arith.constant 0 : i32
    %dma_start3A_290 = arith.constant 0 : i32
    %dma_start3A_291 = tpu.memref_slice %arg5[%dma_start3A_289, %dma_start3A_290] : memref<100000x64xf32, #tpu.memory_space<hbm>> -> memref<100000x64xf32, #tpu.memory_space<hbm>>
    tpu.enqueue_indirect_dma source(%dma_start3A_291 : memref<100000x64xf32, #tpu.memory_space<hbm>>) target(%dma_start3A_285 : memref<128x64xf32, #tpu.memory_space<vmem>>) offsets(%dma_start3A_288 : memref<128xi32, #tpu.memory_space<vmem>>) semaphore(%arg9 : memref<!tpu.dma_semaphore, #tpu.memory_space<semaphore_mem>>)
    %dma_start3A_292 = arith.constant 37 : i32
    %dma_start3A_293 = arith.constant 1 : i32
    %dma_start3A_294 = arith.constant 0 : i32
    %dma_start3A_295 = arith.constant 0 : i32
    %dma_start3A_296 = tpu.memref_slice %arg8[%dma_start3A_293, %dma_start3A_294, %dma_start3A_295] : memref<8x128x64xf32, #tpu.memory_space<vmem>> -> memref<1x128x64xf32, #tpu.memory_space<vmem>>
    %dma_start3A_297 = tpu.memref_squeeze %dma_start3A_296 : memref<1x128x64xf32, #tpu.memory_space<vmem>> -> memref<128x64xf32, #tpu.memory_space<vmem>>
    %dma_start3A_298 = arith.constant 0 : i32
    %dma_start3A_299 = tpu.memref_slice %arg7[%dma_start3A_292, %dma_start3A_298] : memref<48x128xi32, #tpu.memory_space<vmem>> -> memref<1x128xi32, #tpu.memory_space<vmem>>
    %dma_start3A_300 = tpu.memref_squeeze %dma_start3A_299 : memref<1x128xi32, #tpu.memory_space<vmem>> -> memref<128xi32, #tpu.memory_space<vmem>>
    %dma_start3A_301 = arith.constant 0 : i32
    %dma_start3A_302 = arith.constant 0 : i32
    %dma_start3A_303 = tpu.memref_slice %arg5[%dma_start3A_301, %dma_start3A_302] : memref<100000x64xf32, #tpu.memory_space<hbm>> -> memref<100000x64xf32, #tpu.memory_space<hbm>>
    tpu.enqueue_indirect_dma source(%dma_start3A_303 : memref<100000x64xf32, #tpu.memory_space<hbm>>) target(%dma_start3A_297 : memref<128x64xf32, #tpu.memory_space<vmem>>) offsets(%dma_start3A_300 : memref<128xi32, #tpu.memory_space<vmem>>) semaphore(%arg9 : memref<!tpu.dma_semaphore, #tpu.memory_space<semaphore_mem>>)
    %dma_start3A_304 = arith.constant 38 : i32
    %dma_start3A_305 = arith.constant 2 : i32
    %dma_start3A_306 = arith.constant 0 : i32
    %dma_start3A_307 = arith.constant 0 : i32
    %dma_start3A_308 = tpu.memref_slice %arg8[%dma_start3A_305, %dma_start3A_306, %dma_start3A_307] : memref<8x128x64xf32, #tpu.memory_space<vmem>> -> memref<1x128x64xf32, #tpu.memory_space<vmem>>
    %dma_start3A_309 = tpu.memref_squeeze %dma_start3A_308 : memref<1x128x64xf32, #tpu.memory_space<vmem>> -> memref<128x64xf32, #tpu.memory_space<vmem>>
    %dma_start3A_310 = arith.constant 0 : i32
    %dma_start3A_311 = tpu.memref_slice %arg7[%dma_start3A_304, %dma_start3A_310] : memref<48x128xi32, #tpu.memory_space<vmem>> -> memref<1x128xi32, #tpu.memory_space<vmem>>
    %dma_start3A_312 = tpu.memref_squeeze %dma_start3A_311 : memref<1x128xi32, #tpu.memory_space<vmem>> -> memref<128xi32, #tpu.memory_space<vmem>>
    %dma_start3A_313 = arith.constant 0 : i32
    %dma_start3A_314 = arith.constant 0 : i32
    %dma_start3A_315 = tpu.memref_slice %arg5[%dma_start3A_313, %dma_start3A_314] : memref<100000x64xf32, #tpu.memory_space<hbm>> -> memref<100000x64xf32, #tpu.memory_space<hbm>>
    tpu.enqueue_indirect_dma source(%dma_start3A_315 : memref<100000x64xf32, #tpu.memory_space<hbm>>) target(%dma_start3A_309 : memref<128x64xf32, #tpu.memory_space<vmem>>) offsets(%dma_start3A_312 : memref<128xi32, #tpu.memory_space<vmem>>) semaphore(%arg9 : memref<!tpu.dma_semaphore, #tpu.memory_space<semaphore_mem>>)
    %dma_start3A_316 = arith.constant 39 : i32
    %dma_start3A_317 = arith.constant 3 : i32
    %dma_start3A_318 = arith.constant 0 : i32
    %dma_start3A_319 = arith.constant 0 : i32
    %dma_start3A_320 = tpu.memref_slice %arg8[%dma_start3A_317, %dma_start3A_318, %dma_start3A_319] : memref<8x128x64xf32, #tpu.memory_space<vmem>> -> memref<1x128x64xf32, #tpu.memory_space<vmem>>
    %dma_start3A_321 = tpu.memref_squeeze %dma_start3A_320 : memref<1x128x64xf32, #tpu.memory_space<vmem>> -> memref<128x64xf32, #tpu.memory_space<vmem>>
    %dma_start3A_322 = arith.constant 0 : i32
    %dma_start3A_323 = tpu.memref_slice %arg7[%dma_start3A_316, %dma_start3A_322] : memref<48x128xi32, #tpu.memory_space<vmem>> -> memref<1x128xi32, #tpu.memory_space<vmem>>
    %dma_start3A_324 = tpu.memref_squeeze %dma_start3A_323 : memref<1x128xi32, #tpu.memory_space<vmem>> -> memref<128xi32, #tpu.memory_space<vmem>>
    %dma_start3A_325 = arith.constant 0 : i32
    %dma_start3A_326 = arith.constant 0 : i32
    %dma_start3A_327 = tpu.memref_slice %arg5[%dma_start3A_325, %dma_start3A_326] : memref<100000x64xf32, #tpu.memory_space<hbm>> -> memref<100000x64xf32, #tpu.memory_space<hbm>>
    tpu.enqueue_indirect_dma source(%dma_start3A_327 : memref<100000x64xf32, #tpu.memory_space<hbm>>) target(%dma_start3A_321 : memref<128x64xf32, #tpu.memory_space<vmem>>) offsets(%dma_start3A_324 : memref<128xi32, #tpu.memory_space<vmem>>) semaphore(%arg9 : memref<!tpu.dma_semaphore, #tpu.memory_space<semaphore_mem>>)
    %scan3A_328 = arith.constant 0 : i32
    %scan3A_329 = arith.constant 12 : i32
    %scan3A_330 = arith.addi %scan3A_328, %scan3A_329 : i32
    %scan3A_331 = arith.constant 1 : i32
    scf.for %scan3A_418 = %scan3A_328 to %scan3A_330 step %scan3A_331  : i32 {
      %mul3A_419 = arith.constant 1 : i32
      %mul3A_420 = arith.muli %scan3A_418, %mul3A_419 : i32
      %add3A_421 = arith.constant 0 : i32
      %add3A_422 = arith.addi %add3A_421, %mul3A_420 : i32
      %add3A_423 = arith.constant 36 : i32
      %add3A_424 = arith.addi %add3A_423, %add3A_422 : i32
      %rem3A_425 = arith.constant 8 : i32
      %rem3A_426 = arith.remsi %add3A_422, %rem3A_425 : i32
      %dma_wait3A_427 = arith.constant 0 : i32
      %dma_wait3A_428 = arith.constant 0 : i32
      %dma_wait3A_429 = arith.constant 0 : i32
      %dma_wait3A_430 = tpu.memref_slice %arg8[%rem3A_426, %dma_wait3A_428, %dma_wait3A_429] : memref<8x128x64xf32, #tpu.memory_space<vmem>> -> memref<1x128x64xf32, #tpu.memory_space<vmem>>
      %dma_wait3A_431 = tpu.memref_squeeze %dma_wait3A_430 : memref<1x128x64xf32, #tpu.memory_space<vmem>> -> memref<128x64xf32, #tpu.memory_space<vmem>>
      %dma_wait3A_432 = arith.constant 0 : i32
      %dma_wait3A_433 = tpu.memref_slice %arg7[%dma_wait3A_427, %dma_wait3A_432] : memref<48x128xi32, #tpu.memory_space<vmem>> -> memref<1x128xi32, #tpu.memory_space<vmem>>
      %dma_wait3A_434 = tpu.memref_squeeze %dma_wait3A_433 : memref<1x128xi32, #tpu.memory_space<vmem>> -> memref<128xi32, #tpu.memory_space<vmem>>
      %dma_wait3A_435 = arith.constant 0 : i32
      %dma_wait3A_436 = arith.constant 0 : i32
      %dma_wait3A_437 = tpu.memref_slice %arg5[%dma_wait3A_435, %dma_wait3A_436] : memref<100000x64xf32, #tpu.memory_space<hbm>> -> memref<100000x64xf32, #tpu.memory_space<hbm>>
      tpu.wait_indirect_dma semaphore(%arg9 : memref<!tpu.dma_semaphore, #tpu.memory_space<semaphore_mem>>) src(%dma_wait3A_437 : memref<100000x64xf32, #tpu.memory_space<hbm>>) dst(%dma_wait3A_431 : memref<128x64xf32, #tpu.memory_space<vmem>>)
      %div3A_438 = arith.constant 2 : i32
      %div3A_439 = arith.divsi %add3A_424, %div3A_438 : i32
      %rem3A_440 = arith.constant 2 : i32
      %rem3A_441 = arith.remsi %add3A_424, %rem3A_440 : i32
      %mul3A_442 = arith.constant 64 : i32
      %mul3A_443 = arith.muli %rem3A_441, %mul3A_442 : i32
      %dma_start3A_444 = arith.constant 0 : i32
      %dma_start3A_445 = arith.constant 0 : i32
      %dma_start3A_446 = tpu.memref_slice %arg8[%rem3A_426, %dma_start3A_444, %dma_start3A_445] : memref<8x128x64xf32, #tpu.memory_space<vmem>> -> memref<1x128x64xf32, #tpu.memory_space<vmem>>
      %dma_start3A_447 = tpu.memref_squeeze %dma_start3A_446 : memref<1x128x64xf32, #tpu.memory_space<vmem>> -> memref<128x64xf32, #tpu.memory_space<vmem>>
      %dma_start3A_448 = tpu.memref_slice %arg6[%div3A_439, %add3A_9, %mul3A_443] : memref<24x4096x128xf32, #tpu.memory_space<hbm>> -> memref<1x128x64xf32, #tpu.memory_space<hbm>>
      %dma_start3A_449 = tpu.memref_squeeze %dma_start3A_448 : memref<1x128x64xf32, #tpu.memory_space<hbm>> -> memref<128x64xf32, #tpu.memory_space<hbm>>
      %dma_start3A_450 = tpu.memref_slice %arg6[%div3A_439, %add3A_9, %mul3A_443] : memref<24x4096x128xf32, #tpu.memory_space<hbm>> -> memref<1x128x64xf32, #tpu.memory_space<hbm>>
      %dma_start3A_451 = tpu.memref_squeeze %dma_start3A_450 : memref<1x128x64xf32, #tpu.memory_space<hbm>> -> memref<128x64xf32, #tpu.memory_space<hbm>>
      %dma_start3A_452 = arith.constant 0 : i32
      %dma_start3A_453 = arith.constant 0 : i32
      %dma_start3A_454 = tpu.memref_slice %arg8[%rem3A_426, %dma_start3A_452, %dma_start3A_453] : memref<8x128x64xf32, #tpu.memory_space<vmem>> -> memref<1x128x64xf32, #tpu.memory_space<vmem>>
      %dma_start3A_455 = tpu.memref_squeeze %dma_start3A_454 : memref<1x128x64xf32, #tpu.memory_space<vmem>> -> memref<128x64xf32, #tpu.memory_space<vmem>>
      tpu.enqueue_dma source(%dma_start3A_455 : memref<128x64xf32, #tpu.memory_space<vmem>>) target(%dma_start3A_451 : memref<128x64xf32, #tpu.memory_space<hbm>>) target_semaphore(%arg10 : memref<!tpu.dma_semaphore, #tpu.memory_space<semaphore_mem>>)
      %ge3A = arith.constant 4 : i32
      %ge3A_456 = arith.cmpi sge, %add3A_422, %ge3A : i32
      %convert_element_type3A = arith.extui %ge3A_456 : i1 to i32
      %cond3A = arith.constant 0 : i32
      %cond3A_457 = arith.cmpi ne, %convert_element_type3A, %cond3A : i32
      scf.if %cond3A_457 {
        %div3A_462 = arith.constant 0 : i32
        %div3A_463 = arith.constant 2 : i32
        %div3A_464 = arith.divsi %div3A_462, %div3A_463 : i32
        %rem3A_465 = arith.constant 0 : i32
        %rem3A_466 = arith.constant 2 : i32
        %rem3A_467 = arith.remsi %rem3A_465, %rem3A_466 : i32
        %mul3A_468 = arith.constant 64 : i32
        %mul3A_469 = arith.muli %rem3A_467, %mul3A_468 : i32
        %dma_wait3A_470 = arith.constant 0 : i32
        %dma_wait3A_471 = arith.constant 0 : i32
        %dma_wait3A_472 = arith.constant 0 : i32
        %dma_wait3A_473 = tpu.memref_slice %arg8[%dma_wait3A_470, %dma_wait3A_471, %dma_wait3A_472] : memref<8x128x64xf32, #tpu.memory_space<vmem>> -> memref<1x128x64xf32, #tpu.memory_space<vmem>>
        %dma_wait3A_474 = tpu.memref_squeeze %dma_wait3A_473 : memref<1x128x64xf32, #tpu.memory_space<vmem>> -> memref<128x64xf32, #tpu.memory_space<vmem>>
        %dma_wait3A_475 = tpu.memref_slice %arg6[%div3A_464, %add3A_9, %mul3A_469] : memref<24x4096x128xf32, #tpu.memory_space<hbm>> -> memref<1x128x64xf32, #tpu.memory_space<hbm>>
        %dma_wait3A_476 = tpu.memref_squeeze %dma_wait3A_475 : memref<1x128x64xf32, #tpu.memory_space<hbm>> -> memref<128x64xf32, #tpu.memory_space<hbm>>
        %dma_wait3A_477 = tpu.memref_slice %arg6[%div3A_464, %add3A_9, %mul3A_469] : memref<24x4096x128xf32, #tpu.memory_space<hbm>> -> memref<1x128x64xf32, #tpu.memory_space<hbm>>
        %dma_wait3A_478 = tpu.memref_squeeze %dma_wait3A_477 : memref<1x128x64xf32, #tpu.memory_space<hbm>> -> memref<128x64xf32, #tpu.memory_space<hbm>>
        %dma_wait3A_479 = arith.constant 0 : i32
        %dma_wait3A_480 = arith.constant 0 : i32
        %dma_wait3A_481 = tpu.memref_slice %arg8[%dma_wait3A_470, %dma_wait3A_479, %dma_wait3A_480] : memref<8x128x64xf32, #tpu.memory_space<vmem>> -> memref<1x128x64xf32, #tpu.memory_space<vmem>>
        %dma_wait3A_482 = tpu.memref_squeeze %dma_wait3A_481 : memref<1x128x64xf32, #tpu.memory_space<vmem>> -> memref<128x64xf32, #tpu.memory_space<vmem>>
        tpu.wait_dma2 semaphore(%arg10 : memref<!tpu.dma_semaphore, #tpu.memory_space<semaphore_mem>>) src(%dma_wait3A_482 : memref<128x64xf32, #tpu.memory_space<vmem>>) dst(%dma_wait3A_478 : memref<128x64xf32, #tpu.memory_space<hbm>>)
      } else {
      }
      %lt3A = arith.constant 8 : i32
      %lt3A_458 = arith.cmpi slt, %add3A_422, %lt3A : i32
      %convert_element_type3A_459 = arith.extui %lt3A_458 : i1 to i32
      %cond3A_460 = arith.constant 0 : i32
      %cond3A_461 = arith.cmpi ne, %convert_element_type3A_459, %cond3A_460 : i32
      scf.if %cond3A_461 {
        %add3A_462 = arith.constant 4 : i32
        %add3A_463 = arith.addi %add3A_424, %add3A_462 : i32
        %add3A_464 = arith.constant 4 : i32
        %add3A_465 = arith.addi %add3A_422, %add3A_464 : i32
        %rem3A_466 = arith.constant 8 : i32
        %rem3A_467 = arith.remsi %add3A_465, %rem3A_466 : i32
        %dma_start3A_468 = arith.constant 0 : i32
        %dma_start3A_469 = arith.constant 0 : i32
        %dma_start3A_470 = tpu.memref_slice %arg8[%rem3A_467, %dma_start3A_468, %dma_start3A_469] : memref<8x128x64xf32, #tpu.memory_space<vmem>> -> memref<1x128x64xf32, #tpu.memory_space<vmem>>
        %dma_start3A_471 = tpu.memref_squeeze %dma_start3A_470 : memref<1x128x64xf32, #tpu.memory_space<vmem>> -> memref<128x64xf32, #tpu.memory_space<vmem>>
        %dma_start3A_472 = arith.constant 0 : i32
        %dma_start3A_473 = tpu.memref_slice %arg7[%add3A_463, %dma_start3A_472] : memref<48x128xi32, #tpu.memory_space<vmem>> -> memref<1x128xi32, #tpu.memory_space<vmem>>
        %dma_start3A_474 = tpu.memref_squeeze %dma_start3A_473 : memref<1x128xi32, #tpu.memory_space<vmem>> -> memref<128xi32, #tpu.memory_space<vmem>>
        %dma_start3A_475 = arith.constant 0 : i32
        %dma_start3A_476 = arith.constant 0 : i32
        %dma_start3A_477 = tpu.memref_slice %arg5[%dma_start3A_475, %dma_start3A_476] : memref<100000x64xf32, #tpu.memory_space<hbm>> -> memref<100000x64xf32, #tpu.memory_space<hbm>>
        tpu.enqueue_indirect_dma source(%dma_start3A_477 : memref<100000x64xf32, #tpu.memory_space<hbm>>) target(%dma_start3A_471 : memref<128x64xf32, #tpu.memory_space<vmem>>) offsets(%dma_start3A_474 : memref<128xi32, #tpu.memory_space<vmem>>) semaphore(%arg9 : memref<!tpu.dma_semaphore, #tpu.memory_space<semaphore_mem>>)
      } else {
      }
    }
    %scan3A_332 = arith.constant 12 : i32
    %div3A_333 = arith.constant 0 : i32
    %div3A_334 = arith.constant 2 : i32
    %div3A_335 = arith.divsi %div3A_333, %div3A_334 : i32
    %rem3A_336 = arith.constant 0 : i32
    %rem3A_337 = arith.constant 2 : i32
    %rem3A_338 = arith.remsi %rem3A_336, %rem3A_337 : i32
    %mul3A_339 = arith.constant 64 : i32
    %mul3A_340 = arith.muli %rem3A_338, %mul3A_339 : i32
    %dma_wait3A_341 = arith.constant 0 : i32
    %dma_wait3A_342 = arith.constant 0 : i32
    %dma_wait3A_343 = arith.constant 0 : i32
    %dma_wait3A_344 = tpu.memref_slice %arg8[%dma_wait3A_341, %dma_wait3A_342, %dma_wait3A_343] : memref<8x128x64xf32, #tpu.memory_space<vmem>> -> memref<1x128x64xf32, #tpu.memory_space<vmem>>
    %dma_wait3A_345 = tpu.memref_squeeze %dma_wait3A_344 : memref<1x128x64xf32, #tpu.memory_space<vmem>> -> memref<128x64xf32, #tpu.memory_space<vmem>>
    %dma_wait3A_346 = tpu.memref_slice %arg6[%div3A_335, %add3A_9, %mul3A_340] : memref<24x4096x128xf32, #tpu.memory_space<hbm>> -> memref<1x128x64xf32, #tpu.memory_space<hbm>>
    %dma_wait3A_347 = tpu.memref_squeeze %dma_wait3A_346 : memref<1x128x64xf32, #tpu.memory_space<hbm>> -> memref<128x64xf32, #tpu.memory_space<hbm>>
    %dma_wait3A_348 = tpu.memref_slice %arg6[%div3A_335, %add3A_9, %mul3A_340] : memref<24x4096x128xf32, #tpu.memory_space<hbm>> -> memref<1x128x64xf32, #tpu.memory_space<hbm>>
    %dma_wait3A_349 = tpu.memref_squeeze %dma_wait3A_348 : memref<1x128x64xf32, #tpu.memory_space<hbm>> -> memref<128x64xf32, #tpu.memory_space<hbm>>
    %dma_wait3A_350 = arith.constant 0 : i32
    %dma_wait3A_351 = arith.constant 0 : i32
    %dma_wait3A_352 = tpu.memref_slice %arg8[%dma_wait3A_341, %dma_wait3A_350, %dma_wait3A_351] : memref<8x128x64xf32, #tpu.memory_space<vmem>> -> memref<1x128x64xf32, #tpu.memory_space<vmem>>
    %dma_wait3A_353 = tpu.memref_squeeze %dma_wait3A_352 : memref<1x128x64xf32, #tpu.memory_space<vmem>> -> memref<128x64xf32, #tpu.memory_space<vmem>>
    tpu.wait_dma2 semaphore(%arg10 : memref<!tpu.dma_semaphore, #tpu.memory_space<semaphore_mem>>) src(%dma_wait3A_353 : memref<128x64xf32, #tpu.memory_space<vmem>>) dst(%dma_wait3A_349 : memref<128x64xf32, #tpu.memory_space<hbm>>)
    %div3A_354 = arith.constant 0 : i32
    %div3A_355 = arith.constant 2 : i32
    %div3A_356 = arith.divsi %div3A_354, %div3A_355 : i32
    %rem3A_357 = arith.constant 0 : i32
    %rem3A_358 = arith.constant 2 : i32
    %rem3A_359 = arith.remsi %rem3A_357, %rem3A_358 : i32
    %mul3A_360 = arith.constant 64 : i32
    %mul3A_361 = arith.muli %rem3A_359, %mul3A_360 : i32
    %dma_wait3A_362 = arith.constant 0 : i32
    %dma_wait3A_363 = arith.constant 0 : i32
    %dma_wait3A_364 = arith.constant 0 : i32
    %dma_wait3A_365 = tpu.memref_slice %arg8[%dma_wait3A_362, %dma_wait3A_363, %dma_wait3A_364] : memref<8x128x64xf32, #tpu.memory_space<vmem>> -> memref<1x128x64xf32, #tpu.memory_space<vmem>>
    %dma_wait3A_366 = tpu.memref_squeeze %dma_wait3A_365 : memref<1x128x64xf32, #tpu.memory_space<vmem>> -> memref<128x64xf32, #tpu.memory_space<vmem>>
    %dma_wait3A_367 = tpu.memref_slice %arg6[%div3A_356, %add3A_9, %mul3A_361] : memref<24x4096x128xf32, #tpu.memory_space<hbm>> -> memref<1x128x64xf32, #tpu.memory_space<hbm>>
    %dma_wait3A_368 = tpu.memref_squeeze %dma_wait3A_367 : memref<1x128x64xf32, #tpu.memory_space<hbm>> -> memref<128x64xf32, #tpu.memory_space<hbm>>
    %dma_wait3A_369 = tpu.memref_slice %arg6[%div3A_356, %add3A_9, %mul3A_361] : memref<24x4096x128xf32, #tpu.memory_space<hbm>> -> memref<1x128x64xf32, #tpu.memory_space<hbm>>
    %dma_wait3A_370 = tpu.memref_squeeze %dma_wait3A_369 : memref<1x128x64xf32, #tpu.memory_space<hbm>> -> memref<128x64xf32, #tpu.memory_space<hbm>>
    %dma_wait3A_371 = arith.constant 0 : i32
    %dma_wait3A_372 = arith.constant 0 : i32
    %dma_wait3A_373 = tpu.memref_slice %arg8[%dma_wait3A_362, %dma_wait3A_371, %dma_wait3A_372] : memref<8x128x64xf32, #tpu.memory_space<vmem>> -> memref<1x128x64xf32, #tpu.memory_space<vmem>>
    %dma_wait3A_374 = tpu.memref_squeeze %dma_wait3A_373 : memref<1x128x64xf32, #tpu.memory_space<vmem>> -> memref<128x64xf32, #tpu.memory_space<vmem>>
    tpu.wait_dma2 semaphore(%arg10 : memref<!tpu.dma_semaphore, #tpu.memory_space<semaphore_mem>>) src(%dma_wait3A_374 : memref<128x64xf32, #tpu.memory_space<vmem>>) dst(%dma_wait3A_370 : memref<128x64xf32, #tpu.memory_space<hbm>>)
    %div3A_375 = arith.constant 0 : i32
    %div3A_376 = arith.constant 2 : i32
    %div3A_377 = arith.divsi %div3A_375, %div3A_376 : i32
    %rem3A_378 = arith.constant 0 : i32
    %rem3A_379 = arith.constant 2 : i32
    %rem3A_380 = arith.remsi %rem3A_378, %rem3A_379 : i32
    %mul3A_381 = arith.constant 64 : i32
    %mul3A_382 = arith.muli %rem3A_380, %mul3A_381 : i32
    %dma_wait3A_383 = arith.constant 0 : i32
    %dma_wait3A_384 = arith.constant 0 : i32
    %dma_wait3A_385 = arith.constant 0 : i32
    %dma_wait3A_386 = tpu.memref_slice %arg8[%dma_wait3A_383, %dma_wait3A_384, %dma_wait3A_385] : memref<8x128x64xf32, #tpu.memory_space<vmem>> -> memref<1x128x64xf32, #tpu.memory_space<vmem>>
    %dma_wait3A_387 = tpu.memref_squeeze %dma_wait3A_386 : memref<1x128x64xf32, #tpu.memory_space<vmem>> -> memref<128x64xf32, #tpu.memory_space<vmem>>
    %dma_wait3A_388 = tpu.memref_slice %arg6[%div3A_377, %add3A_9, %mul3A_382] : memref<24x4096x128xf32, #tpu.memory_space<hbm>> -> memref<1x128x64xf32, #tpu.memory_space<hbm>>
    %dma_wait3A_389 = tpu.memref_squeeze %dma_wait3A_388 : memref<1x128x64xf32, #tpu.memory_space<hbm>> -> memref<128x64xf32, #tpu.memory_space<hbm>>
    %dma_wait3A_390 = tpu.memref_slice %arg6[%div3A_377, %add3A_9, %mul3A_382] : memref<24x4096x128xf32, #tpu.memory_space<hbm>> -> memref<1x128x64xf32, #tpu.memory_space<hbm>>
    %dma_wait3A_391 = tpu.memref_squeeze %dma_wait3A_390 : memref<1x128x64xf32, #tpu.memory_space<hbm>> -> memref<128x64xf32, #tpu.memory_space<hbm>>
    %dma_wait3A_392 = arith.constant 0 : i32
    %dma_wait3A_393 = arith.constant 0 : i32
    %dma_wait3A_394 = tpu.memref_slice %arg8[%dma_wait3A_383, %dma_wait3A_392, %dma_wait3A_393] : memref<8x128x64xf32, #tpu.memory_space<vmem>> -> memref<1x128x64xf32, #tpu.memory_space<vmem>>
    %dma_wait3A_395 = tpu.memref_squeeze %dma_wait3A_394 : memref<1x128x64xf32, #tpu.memory_space<vmem>> -> memref<128x64xf32, #tpu.memory_space<vmem>>
    tpu.wait_dma2 semaphore(%arg10 : memref<!tpu.dma_semaphore, #tpu.memory_space<semaphore_mem>>) src(%dma_wait3A_395 : memref<128x64xf32, #tpu.memory_space<vmem>>) dst(%dma_wait3A_391 : memref<128x64xf32, #tpu.memory_space<hbm>>)
    %div3A_396 = arith.constant 0 : i32
    %div3A_397 = arith.constant 2 : i32
    %div3A_398 = arith.divsi %div3A_396, %div3A_397 : i32
    %rem3A_399 = arith.constant 0 : i32
    %rem3A_400 = arith.constant 2 : i32
    %rem3A_401 = arith.remsi %rem3A_399, %rem3A_400 : i32
    %mul3A_402 = arith.constant 64 : i32
    %mul3A_403 = arith.muli %rem3A_401, %mul3A_402 : i32
    %dma_wait3A_404 = arith.constant 0 : i32
    %dma_wait3A_405 = arith.constant 0 : i32
    %dma_wait3A_406 = arith.constant 0 : i32
    %dma_wait3A_407 = tpu.memref_slice %arg8[%dma_wait3A_404, %dma_wait3A_405, %dma_wait3A_406] : memref<8x128x64xf32, #tpu.memory_space<vmem>> -> memref<1x128x64xf32, #tpu.memory_space<vmem>>
    %dma_wait3A_408 = tpu.memref_squeeze %dma_wait3A_407 : memref<1x128x64xf32, #tpu.memory_space<vmem>> -> memref<128x64xf32, #tpu.memory_space<vmem>>
    %dma_wait3A_409 = tpu.memref_slice %arg6[%div3A_398, %add3A_9, %mul3A_403] : memref<24x4096x128xf32, #tpu.memory_space<hbm>> -> memref<1x128x64xf32, #tpu.memory_space<hbm>>
    %dma_wait3A_410 = tpu.memref_squeeze %dma_wait3A_409 : memref<1x128x64xf32, #tpu.memory_space<hbm>> -> memref<128x64xf32, #tpu.memory_space<hbm>>
    %dma_wait3A_411 = tpu.memref_slice %arg6[%div3A_398, %add3A_9, %mul3A_403] : memref<24x4096x128xf32, #tpu.memory_space<hbm>> -> memref<1x128x64xf32, #tpu.memory_space<hbm>>
    %dma_wait3A_412 = tpu.memref_squeeze %dma_wait3A_411 : memref<1x128x64xf32, #tpu.memory_space<hbm>> -> memref<128x64xf32, #tpu.memory_space<hbm>>
    %dma_wait3A_413 = arith.constant 0 : i32
    %dma_wait3A_414 = arith.constant 0 : i32
    %dma_wait3A_415 = tpu.memref_slice %arg8[%dma_wait3A_404, %dma_wait3A_413, %dma_wait3A_414] : memref<8x128x64xf32, #tpu.memory_space<vmem>> -> memref<1x128x64xf32, #tpu.memory_space<vmem>>
    %dma_wait3A_416 = tpu.memref_squeeze %dma_wait3A_415 : memref<1x128x64xf32, #tpu.memory_space<vmem>> -> memref<128x64xf32, #tpu.memory_space<vmem>>
    tpu.wait_dma2 semaphore(%arg10 : memref<!tpu.dma_semaphore, #tpu.memory_space<semaphore_mem>>) src(%dma_wait3A_416 : memref<128x64xf32, #tpu.memory_space<vmem>>) dst(%dma_wait3A_412 : memref<128x64xf32, #tpu.memory_space<hbm>>)
    %scan3A_417 = arith.constant 1 : i32
    return
  }
}

#map = affine_map<(d0, d1) -> (0, 0)>
#map1 = affine_map<(d0, d1) -> (0, 0, 0)>
module attributes {stable_mosaic.version = 14 : i64} {
  func.func @_sc_gather(%arg0: i32, %arg1: i32, %arg2: memref<48x4096xi32, #tpu.memory_space<hbm>>, %arg3: memref<100000x64xf32, #tpu.memory_space<hbm>>, %arg4: memref<100000x64xf32, #tpu.memory_space<hbm>>, %arg5: memref<100000x64xf32, #tpu.memory_space<hbm>>, %arg6: memref<24x4096x128xf32, #tpu.memory_space<hbm>>, %arg7: memref<48x128xi32, #tpu.memory_space<vmem>>, %arg8: memref<8x128x64xf32, #tpu.memory_space<vmem>>, %arg9: memref<!tpu.dma_semaphore, #tpu.memory_space<semaphore_mem>>, %arg10: memref<!tpu.dma_semaphore, #tpu.memory_space<semaphore_mem>>) attributes {dimension_semantics = [#tpu.dimension_semantics<core_parallel>, #tpu.dimension_semantics<subcore_parallel>], iteration_bounds = array<i64: 2, 16>, scalar_prefetch = 0 : i64, scratch_operands = 4 : i64, tpu.core_type = #tpu.core_type<sc_vector_subcore>, window_params = [{transform_indices = #map}, {transform_indices = #map}, {transform_indices = #map}, {transform_indices = #map}, {transform_indices = #map1}]} {
    %mul3A = arith.constant 2 : i32
    %mul3A_0 = arith.muli %arg1, %mul3A : i32
    %add3A = arith.addi %mul3A_0, %arg0 : i32
    %mul3A_1 = arith.constant 128 : i32
    %mul3A_2 = arith.muli %add3A, %mul3A_1 : i32
    %scan3A = arith.constant 0 : i32
    %mul3A_3 = arith.constant 1 : i32
    %mul3A_4 = arith.muli %scan3A, %mul3A_3 : i32
    %add3A_5 = arith.constant 0 : i32
    %add3A_6 = arith.addi %add3A_5, %mul3A_4 : i32
    %mul3A_7 = arith.constant 128 : i32
    %mul3A_8 = arith.muli %add3A_6, %mul3A_7 : i32
    %add3A_9 = arith.addi %mul3A_2, %mul3A_8 : i32
    "tpu.region"() ({
      %run_scoped3A = tpu.sem_alloc : memref<!tpu.dma_semaphore, #tpu.memory_space<semaphore_mem>>
      %dma_start3A_418 = arith.constant 0 : i32
      %dma_start3A_419 = tpu.memref_slice %arg2[%dma_start3A_418, %add3A_9] : memref<48x4096xi32, #tpu.memory_space<hbm>> -> memref<48x128xi32, #tpu.memory_space<hbm>>
      %dma_start3A_420 = arith.constant 0 : i32
      %dma_start3A_421 = tpu.memref_slice %arg2[%dma_start3A_420, %add3A_9] : memref<48x4096xi32, #tpu.memory_space<hbm>> -> memref<48x128xi32, #tpu.memory_space<hbm>>
      tpu.enqueue_dma source(%dma_start3A_421 : memref<48x128xi32, #tpu.memory_space<hbm>>) target(%arg7 : memref<48x128xi32, #tpu.memory_space<vmem>>) target_semaphore(%run_scoped3A : memref<!tpu.dma_semaphore, #tpu.memory_space<semaphore_mem>>)
      %dma_wait3A_422 = arith.constant 0 : i32
      %dma_wait3A_423 = tpu.memref_slice %arg2[%dma_wait3A_422, %add3A_9] : memref<48x4096xi32, #tpu.memory_space<hbm>> -> memref<48x128xi32, #tpu.memory_space<hbm>>
      %dma_wait3A_424 = arith.constant 0 : i32
      %dma_wait3A_425 = tpu.memref_slice %arg2[%dma_wait3A_424, %add3A_9] : memref<48x4096xi32, #tpu.memory_space<hbm>> -> memref<48x128xi32, #tpu.memory_space<hbm>>
      tpu.wait_dma2 semaphore(%run_scoped3A : memref<!tpu.dma_semaphore, #tpu.memory_space<semaphore_mem>>) src(%dma_wait3A_425 : memref<48x128xi32, #tpu.memory_space<hbm>>) dst(%arg7 : memref<48x128xi32, #tpu.memory_space<vmem>>)
      tpu.yield
    }) : () -> ()
    %dma_start3A = arith.constant 0 : i32
    %dma_start3A_10 = arith.constant 0 : i32
    %dma_start3A_11 = arith.constant 0 : i32
    %dma_start3A_12 = arith.constant 0 : i32
    %dma_start3A_13 = tpu.memref_slice %arg8[%dma_start3A_10, %dma_start3A_11, %dma_start3A_12] : memref<8x128x64xf32, #tpu.memory_space<vmem>> -> memref<1x128x64xf32, #tpu.memory_space<vmem>>
    %dma_start3A_14 = tpu.memref_squeeze %dma_start3A_13 : memref<1x128x64xf32, #tpu.memory_space<vmem>> -> memref<128x64xf32, #tpu.memory_space<vmem>>
    %dma_start3A_15 = arith.constant 0 : i32
    %dma_start3A_16 = tpu.memref_slice %arg7[%dma_start3A, %dma_start3A_15] : memref<48x128xi32, #tpu.memory_space<vmem>> -> memref<1x128xi32, #tpu.memory_space<vmem>>
    %dma_start3A_17 = tpu.memref_squeeze %dma_start3A_16 : memref<1x128xi32, #tpu.memory_space<vmem>> -> memref<128xi32, #tpu.memory_space<vmem>>
    %dma_start3A_18 = arith.constant 0 : i32
    %dma_start3A_19 = arith.constant 0 : i32
    %dma_start3A_20 = tpu.memref_slice %arg3[%dma_start3A_18, %dma_start3A_19] : memref<100000x64xf32, #tpu.memory_space<hbm>> -> memref<100000x64xf32, #tpu.memory_space<hbm>>
    tpu.enqueue_indirect_dma source(%dma_start3A_20 : memref<100000x64xf32, #tpu.memory_space<hbm>>) target(%dma_start3A_14 : memref<128x64xf32, #tpu.memory_space<vmem>>) offsets(%dma_start3A_17 : memref<128xi32, #tpu.memory_space<vmem>>) semaphore(%arg9 : memref<!tpu.dma_semaphore, #tpu.memory_space<semaphore_mem>>)
    %dma_start3A_21 = arith.constant 1 : i32
    %dma_start3A_22 = arith.constant 1 : i32
    %dma_start3A_23 = arith.constant 0 : i32
    %dma_start3A_24 = arith.constant 0 : i32
    %dma_start3A_25 = tpu.memref_slice %arg8[%dma_start3A_22, %dma_start3A_23, %dma_start3A_24] : memref<8x128x64xf32, #tpu.memory_space<vmem>> -> memref<1x128x64xf32, #tpu.memory_space<vmem>>
    %dma_start3A_26 = tpu.memref_squeeze %dma_start3A_25 : memref<1x128x64xf32, #tpu.memory_space<vmem>> -> memref<128x64xf32, #tpu.memory_space<vmem>>
    %dma_start3A_27 = arith.constant 0 : i32
    %dma_start3A_28 = tpu.memref_slice %arg7[%dma_start3A_21, %dma_start3A_27] : memref<48x128xi32, #tpu.memory_space<vmem>> -> memref<1x128xi32, #tpu.memory_space<vmem>>
    %dma_start3A_29 = tpu.memref_squeeze %dma_start3A_28 : memref<1x128xi32, #tpu.memory_space<vmem>> -> memref<128xi32, #tpu.memory_space<vmem>>
    %dma_start3A_30 = arith.constant 0 : i32
    %dma_start3A_31 = arith.constant 0 : i32
    %dma_start3A_32 = tpu.memref_slice %arg3[%dma_start3A_30, %dma_start3A_31] : memref<100000x64xf32, #tpu.memory_space<hbm>> -> memref<100000x64xf32, #tpu.memory_space<hbm>>
    tpu.enqueue_indirect_dma source(%dma_start3A_32 : memref<100000x64xf32, #tpu.memory_space<hbm>>) target(%dma_start3A_26 : memref<128x64xf32, #tpu.memory_space<vmem>>) offsets(%dma_start3A_29 : memref<128xi32, #tpu.memory_space<vmem>>) semaphore(%arg9 : memref<!tpu.dma_semaphore, #tpu.memory_space<semaphore_mem>>)
    %dma_start3A_33 = arith.constant 2 : i32
    %dma_start3A_34 = arith.constant 2 : i32
    %dma_start3A_35 = arith.constant 0 : i32
    %dma_start3A_36 = arith.constant 0 : i32
    %dma_start3A_37 = tpu.memref_slice %arg8[%dma_start3A_34, %dma_start3A_35, %dma_start3A_36] : memref<8x128x64xf32, #tpu.memory_space<vmem>> -> memref<1x128x64xf32, #tpu.memory_space<vmem>>
    %dma_start3A_38 = tpu.memref_squeeze %dma_start3A_37 : memref<1x128x64xf32, #tpu.memory_space<vmem>> -> memref<128x64xf32, #tpu.memory_space<vmem>>
    %dma_start3A_39 = arith.constant 0 : i32
    %dma_start3A_40 = tpu.memref_slice %arg7[%dma_start3A_33, %dma_start3A_39] : memref<48x128xi32, #tpu.memory_space<vmem>> -> memref<1x128xi32, #tpu.memory_space<vmem>>
    %dma_start3A_41 = tpu.memref_squeeze %dma_start3A_40 : memref<1x128xi32, #tpu.memory_space<vmem>> -> memref<128xi32, #tpu.memory_space<vmem>>
    %dma_start3A_42 = arith.constant 0 : i32
    %dma_start3A_43 = arith.constant 0 : i32
    %dma_start3A_44 = tpu.memref_slice %arg3[%dma_start3A_42, %dma_start3A_43] : memref<100000x64xf32, #tpu.memory_space<hbm>> -> memref<100000x64xf32, #tpu.memory_space<hbm>>
    tpu.enqueue_indirect_dma source(%dma_start3A_44 : memref<100000x64xf32, #tpu.memory_space<hbm>>) target(%dma_start3A_38 : memref<128x64xf32, #tpu.memory_space<vmem>>) offsets(%dma_start3A_41 : memref<128xi32, #tpu.memory_space<vmem>>) semaphore(%arg9 : memref<!tpu.dma_semaphore, #tpu.memory_space<semaphore_mem>>)
    %dma_start3A_45 = arith.constant 3 : i32
    %dma_start3A_46 = arith.constant 3 : i32
    %dma_start3A_47 = arith.constant 0 : i32
    %dma_start3A_48 = arith.constant 0 : i32
    %dma_start3A_49 = tpu.memref_slice %arg8[%dma_start3A_46, %dma_start3A_47, %dma_start3A_48] : memref<8x128x64xf32, #tpu.memory_space<vmem>> -> memref<1x128x64xf32, #tpu.memory_space<vmem>>
    %dma_start3A_50 = tpu.memref_squeeze %dma_start3A_49 : memref<1x128x64xf32, #tpu.memory_space<vmem>> -> memref<128x64xf32, #tpu.memory_space<vmem>>
    %dma_start3A_51 = arith.constant 0 : i32
    %dma_start3A_52 = tpu.memref_slice %arg7[%dma_start3A_45, %dma_start3A_51] : memref<48x128xi32, #tpu.memory_space<vmem>> -> memref<1x128xi32, #tpu.memory_space<vmem>>
    %dma_start3A_53 = tpu.memref_squeeze %dma_start3A_52 : memref<1x128xi32, #tpu.memory_space<vmem>> -> memref<128xi32, #tpu.memory_space<vmem>>
    %dma_start3A_54 = arith.constant 0 : i32
    %dma_start3A_55 = arith.constant 0 : i32
    %dma_start3A_56 = tpu.memref_slice %arg3[%dma_start3A_54, %dma_start3A_55] : memref<100000x64xf32, #tpu.memory_space<hbm>> -> memref<100000x64xf32, #tpu.memory_space<hbm>>
    tpu.enqueue_indirect_dma source(%dma_start3A_56 : memref<100000x64xf32, #tpu.memory_space<hbm>>) target(%dma_start3A_50 : memref<128x64xf32, #tpu.memory_space<vmem>>) offsets(%dma_start3A_53 : memref<128xi32, #tpu.memory_space<vmem>>) semaphore(%arg9 : memref<!tpu.dma_semaphore, #tpu.memory_space<semaphore_mem>>)
    %scan3A_57 = arith.constant 0 : i32
    %scan3A_58 = arith.constant 18 : i32
    %scan3A_59 = arith.addi %scan3A_57, %scan3A_58 : i32
    %scan3A_60 = arith.constant 1 : i32
    scf.for %scan3A_418 = %scan3A_57 to %scan3A_59 step %scan3A_60  : i32 {
      %mul3A_419 = arith.constant 1 : i32
      %mul3A_420 = arith.muli %scan3A_418, %mul3A_419 : i32
      %add3A_421 = arith.constant 0 : i32
      %add3A_422 = arith.addi %add3A_421, %mul3A_420 : i32
      %add3A_423 = arith.constant 0 : i32
      %add3A_424 = arith.addi %add3A_423, %add3A_422 : i32
      %rem3A_425 = arith.constant 8 : i32
      %rem3A_426 = arith.remsi %add3A_422, %rem3A_425 : i32
      %dma_wait3A_427 = arith.constant 0 : i32
      %dma_wait3A_428 = arith.constant 0 : i32
      %dma_wait3A_429 = arith.constant 0 : i32
      %dma_wait3A_430 = tpu.memref_slice %arg8[%rem3A_426, %dma_wait3A_428, %dma_wait3A_429] : memref<8x128x64xf32, #tpu.memory_space<vmem>> -> memref<1x128x64xf32, #tpu.memory_space<vmem>>
      %dma_wait3A_431 = tpu.memref_squeeze %dma_wait3A_430 : memref<1x128x64xf32, #tpu.memory_space<vmem>> -> memref<128x64xf32, #tpu.memory_space<vmem>>
      %dma_wait3A_432 = arith.constant 0 : i32
      %dma_wait3A_433 = tpu.memref_slice %arg7[%dma_wait3A_427, %dma_wait3A_432] : memref<48x128xi32, #tpu.memory_space<vmem>> -> memref<1x128xi32, #tpu.memory_space<vmem>>
      %dma_wait3A_434 = tpu.memref_squeeze %dma_wait3A_433 : memref<1x128xi32, #tpu.memory_space<vmem>> -> memref<128xi32, #tpu.memory_space<vmem>>
      %dma_wait3A_435 = arith.constant 0 : i32
      %dma_wait3A_436 = arith.constant 0 : i32
      %dma_wait3A_437 = tpu.memref_slice %arg3[%dma_wait3A_435, %dma_wait3A_436] : memref<100000x64xf32, #tpu.memory_space<hbm>> -> memref<100000x64xf32, #tpu.memory_space<hbm>>
      tpu.wait_indirect_dma semaphore(%arg9 : memref<!tpu.dma_semaphore, #tpu.memory_space<semaphore_mem>>) src(%dma_wait3A_437 : memref<100000x64xf32, #tpu.memory_space<hbm>>) dst(%dma_wait3A_431 : memref<128x64xf32, #tpu.memory_space<vmem>>)
      %div3A_438 = arith.constant 2 : i32
      %div3A_439 = arith.divsi %add3A_424, %div3A_438 : i32
      %rem3A_440 = arith.constant 2 : i32
      %rem3A_441 = arith.remsi %add3A_424, %rem3A_440 : i32
      %mul3A_442 = arith.constant 64 : i32
      %mul3A_443 = arith.muli %rem3A_441, %mul3A_442 : i32
      %dma_start3A_444 = arith.constant 0 : i32
      %dma_start3A_445 = arith.constant 0 : i32
      %dma_start3A_446 = tpu.memref_slice %arg8[%rem3A_426, %dma_start3A_444, %dma_start3A_445] : memref<8x128x64xf32, #tpu.memory_space<vmem>> -> memref<1x128x64xf32, #tpu.memory_space<vmem>>
      %dma_start3A_447 = tpu.memref_squeeze %dma_start3A_446 : memref<1x128x64xf32, #tpu.memory_space<vmem>> -> memref<128x64xf32, #tpu.memory_space<vmem>>
      %dma_start3A_448 = tpu.memref_slice %arg6[%div3A_439, %add3A_9, %mul3A_443] : memref<24x4096x128xf32, #tpu.memory_space<hbm>> -> memref<1x128x64xf32, #tpu.memory_space<hbm>>
      %dma_start3A_449 = tpu.memref_squeeze %dma_start3A_448 : memref<1x128x64xf32, #tpu.memory_space<hbm>> -> memref<128x64xf32, #tpu.memory_space<hbm>>
      %dma_start3A_450 = tpu.memref_slice %arg6[%div3A_439, %add3A_9, %mul3A_443] : memref<24x4096x128xf32, #tpu.memory_space<hbm>> -> memref<1x128x64xf32, #tpu.memory_space<hbm>>
      %dma_start3A_451 = tpu.memref_squeeze %dma_start3A_450 : memref<1x128x64xf32, #tpu.memory_space<hbm>> -> memref<128x64xf32, #tpu.memory_space<hbm>>
      %dma_start3A_452 = arith.constant 0 : i32
      %dma_start3A_453 = arith.constant 0 : i32
      %dma_start3A_454 = tpu.memref_slice %arg8[%rem3A_426, %dma_start3A_452, %dma_start3A_453] : memref<8x128x64xf32, #tpu.memory_space<vmem>> -> memref<1x128x64xf32, #tpu.memory_space<vmem>>
      %dma_start3A_455 = tpu.memref_squeeze %dma_start3A_454 : memref<1x128x64xf32, #tpu.memory_space<vmem>> -> memref<128x64xf32, #tpu.memory_space<vmem>>
      tpu.enqueue_dma source(%dma_start3A_455 : memref<128x64xf32, #tpu.memory_space<vmem>>) target(%dma_start3A_451 : memref<128x64xf32, #tpu.memory_space<hbm>>) target_semaphore(%arg10 : memref<!tpu.dma_semaphore, #tpu.memory_space<semaphore_mem>>)
      %ge3A = arith.constant 4 : i32
      %ge3A_456 = arith.cmpi sge, %add3A_422, %ge3A : i32
      %convert_element_type3A = arith.extui %ge3A_456 : i1 to i32
      %cond3A = arith.constant 0 : i32
      %cond3A_457 = arith.cmpi ne, %convert_element_type3A, %cond3A : i32
      scf.if %cond3A_457 {
        %div3A_462 = arith.constant 0 : i32
        %div3A_463 = arith.constant 2 : i32
        %div3A_464 = arith.divsi %div3A_462, %div3A_463 : i32
        %rem3A_465 = arith.constant 0 : i32
        %rem3A_466 = arith.constant 2 : i32
        %rem3A_467 = arith.remsi %rem3A_465, %rem3A_466 : i32
        %mul3A_468 = arith.constant 64 : i32
        %mul3A_469 = arith.muli %rem3A_467, %mul3A_468 : i32
        %dma_wait3A_470 = arith.constant 0 : i32
        %dma_wait3A_471 = arith.constant 0 : i32
        %dma_wait3A_472 = arith.constant 0 : i32
        %dma_wait3A_473 = tpu.memref_slice %arg8[%dma_wait3A_470, %dma_wait3A_471, %dma_wait3A_472] : memref<8x128x64xf32, #tpu.memory_space<vmem>> -> memref<1x128x64xf32, #tpu.memory_space<vmem>>
        %dma_wait3A_474 = tpu.memref_squeeze %dma_wait3A_473 : memref<1x128x64xf32, #tpu.memory_space<vmem>> -> memref<128x64xf32, #tpu.memory_space<vmem>>
        %dma_wait3A_475 = tpu.memref_slice %arg6[%div3A_464, %add3A_9, %mul3A_469] : memref<24x4096x128xf32, #tpu.memory_space<hbm>> -> memref<1x128x64xf32, #tpu.memory_space<hbm>>
        %dma_wait3A_476 = tpu.memref_squeeze %dma_wait3A_475 : memref<1x128x64xf32, #tpu.memory_space<hbm>> -> memref<128x64xf32, #tpu.memory_space<hbm>>
        %dma_wait3A_477 = tpu.memref_slice %arg6[%div3A_464, %add3A_9, %mul3A_469] : memref<24x4096x128xf32, #tpu.memory_space<hbm>> -> memref<1x128x64xf32, #tpu.memory_space<hbm>>
        %dma_wait3A_478 = tpu.memref_squeeze %dma_wait3A_477 : memref<1x128x64xf32, #tpu.memory_space<hbm>> -> memref<128x64xf32, #tpu.memory_space<hbm>>
        %dma_wait3A_479 = arith.constant 0 : i32
        %dma_wait3A_480 = arith.constant 0 : i32
        %dma_wait3A_481 = tpu.memref_slice %arg8[%dma_wait3A_470, %dma_wait3A_479, %dma_wait3A_480] : memref<8x128x64xf32, #tpu.memory_space<vmem>> -> memref<1x128x64xf32, #tpu.memory_space<vmem>>
        %dma_wait3A_482 = tpu.memref_squeeze %dma_wait3A_481 : memref<1x128x64xf32, #tpu.memory_space<vmem>> -> memref<128x64xf32, #tpu.memory_space<vmem>>
        tpu.wait_dma2 semaphore(%arg10 : memref<!tpu.dma_semaphore, #tpu.memory_space<semaphore_mem>>) src(%dma_wait3A_482 : memref<128x64xf32, #tpu.memory_space<vmem>>) dst(%dma_wait3A_478 : memref<128x64xf32, #tpu.memory_space<hbm>>)
      } else {
      }
      %lt3A = arith.constant 14 : i32
      %lt3A_458 = arith.cmpi slt, %add3A_422, %lt3A : i32
      %convert_element_type3A_459 = arith.extui %lt3A_458 : i1 to i32
      %cond3A_460 = arith.constant 0 : i32
      %cond3A_461 = arith.cmpi ne, %convert_element_type3A_459, %cond3A_460 : i32
      scf.if %cond3A_461 {
        %add3A_462 = arith.constant 4 : i32
        %add3A_463 = arith.addi %add3A_424, %add3A_462 : i32
        %add3A_464 = arith.constant 4 : i32
        %add3A_465 = arith.addi %add3A_422, %add3A_464 : i32
        %rem3A_466 = arith.constant 8 : i32
        %rem3A_467 = arith.remsi %add3A_465, %rem3A_466 : i32
        %dma_start3A_468 = arith.constant 0 : i32
        %dma_start3A_469 = arith.constant 0 : i32
        %dma_start3A_470 = tpu.memref_slice %arg8[%rem3A_467, %dma_start3A_468, %dma_start3A_469] : memref<8x128x64xf32, #tpu.memory_space<vmem>> -> memref<1x128x64xf32, #tpu.memory_space<vmem>>
        %dma_start3A_471 = tpu.memref_squeeze %dma_start3A_470 : memref<1x128x64xf32, #tpu.memory_space<vmem>> -> memref<128x64xf32, #tpu.memory_space<vmem>>
        %dma_start3A_472 = arith.constant 0 : i32
        %dma_start3A_473 = tpu.memref_slice %arg7[%add3A_463, %dma_start3A_472] : memref<48x128xi32, #tpu.memory_space<vmem>> -> memref<1x128xi32, #tpu.memory_space<vmem>>
        %dma_start3A_474 = tpu.memref_squeeze %dma_start3A_473 : memref<1x128xi32, #tpu.memory_space<vmem>> -> memref<128xi32, #tpu.memory_space<vmem>>
        %dma_start3A_475 = arith.constant 0 : i32
        %dma_start3A_476 = arith.constant 0 : i32
        %dma_start3A_477 = tpu.memref_slice %arg3[%dma_start3A_475, %dma_start3A_476] : memref<100000x64xf32, #tpu.memory_space<hbm>> -> memref<100000x64xf32, #tpu.memory_space<hbm>>
        tpu.enqueue_indirect_dma source(%dma_start3A_477 : memref<100000x64xf32, #tpu.memory_space<hbm>>) target(%dma_start3A_471 : memref<128x64xf32, #tpu.memory_space<vmem>>) offsets(%dma_start3A_474 : memref<128xi32, #tpu.memory_space<vmem>>) semaphore(%arg9 : memref<!tpu.dma_semaphore, #tpu.memory_space<semaphore_mem>>)
      } else {
      }
    }
    %scan3A_61 = arith.constant 18 : i32
    %div3A = arith.constant 0 : i32
    %div3A_62 = arith.constant 2 : i32
    %div3A_63 = arith.divsi %div3A, %div3A_62 : i32
    %rem3A = arith.constant 0 : i32
    %rem3A_64 = arith.constant 2 : i32
    %rem3A_65 = arith.remsi %rem3A, %rem3A_64 : i32
    %mul3A_66 = arith.constant 64 : i32
    %mul3A_67 = arith.muli %rem3A_65, %mul3A_66 : i32
    %dma_wait3A = arith.constant 0 : i32
    %dma_wait3A_68 = arith.constant 0 : i32
    %dma_wait3A_69 = arith.constant 0 : i32
    %dma_wait3A_70 = tpu.memref_slice %arg8[%dma_wait3A, %dma_wait3A_68, %dma_wait3A_69] : memref<8x128x64xf32, #tpu.memory_space<vmem>> -> memref<1x128x64xf32, #tpu.memory_space<vmem>>
    %dma_wait3A_71 = tpu.memref_squeeze %dma_wait3A_70 : memref<1x128x64xf32, #tpu.memory_space<vmem>> -> memref<128x64xf32, #tpu.memory_space<vmem>>
    %dma_wait3A_72 = tpu.memref_slice %arg6[%div3A_63, %add3A_9, %mul3A_67] : memref<24x4096x128xf32, #tpu.memory_space<hbm>> -> memref<1x128x64xf32, #tpu.memory_space<hbm>>
    %dma_wait3A_73 = tpu.memref_squeeze %dma_wait3A_72 : memref<1x128x64xf32, #tpu.memory_space<hbm>> -> memref<128x64xf32, #tpu.memory_space<hbm>>
    %dma_wait3A_74 = tpu.memref_slice %arg6[%div3A_63, %add3A_9, %mul3A_67] : memref<24x4096x128xf32, #tpu.memory_space<hbm>> -> memref<1x128x64xf32, #tpu.memory_space<hbm>>
    %dma_wait3A_75 = tpu.memref_squeeze %dma_wait3A_74 : memref<1x128x64xf32, #tpu.memory_space<hbm>> -> memref<128x64xf32, #tpu.memory_space<hbm>>
    %dma_wait3A_76 = arith.constant 0 : i32
    %dma_wait3A_77 = arith.constant 0 : i32
    %dma_wait3A_78 = tpu.memref_slice %arg8[%dma_wait3A, %dma_wait3A_76, %dma_wait3A_77] : memref<8x128x64xf32, #tpu.memory_space<vmem>> -> memref<1x128x64xf32, #tpu.memory_space<vmem>>
    %dma_wait3A_79 = tpu.memref_squeeze %dma_wait3A_78 : memref<1x128x64xf32, #tpu.memory_space<vmem>> -> memref<128x64xf32, #tpu.memory_space<vmem>>
    tpu.wait_dma2 semaphore(%arg10 : memref<!tpu.dma_semaphore, #tpu.memory_space<semaphore_mem>>) src(%dma_wait3A_79 : memref<128x64xf32, #tpu.memory_space<vmem>>) dst(%dma_wait3A_75 : memref<128x64xf32, #tpu.memory_space<hbm>>)
    %div3A_80 = arith.constant 0 : i32
    %div3A_81 = arith.constant 2 : i32
    %div3A_82 = arith.divsi %div3A_80, %div3A_81 : i32
    %rem3A_83 = arith.constant 0 : i32
    %rem3A_84 = arith.constant 2 : i32
    %rem3A_85 = arith.remsi %rem3A_83, %rem3A_84 : i32
    %mul3A_86 = arith.constant 64 : i32
    %mul3A_87 = arith.muli %rem3A_85, %mul3A_86 : i32
    %dma_wait3A_88 = arith.constant 0 : i32
    %dma_wait3A_89 = arith.constant 0 : i32
    %dma_wait3A_90 = arith.constant 0 : i32
    %dma_wait3A_91 = tpu.memref_slice %arg8[%dma_wait3A_88, %dma_wait3A_89, %dma_wait3A_90] : memref<8x128x64xf32, #tpu.memory_space<vmem>> -> memref<1x128x64xf32, #tpu.memory_space<vmem>>
    %dma_wait3A_92 = tpu.memref_squeeze %dma_wait3A_91 : memref<1x128x64xf32, #tpu.memory_space<vmem>> -> memref<128x64xf32, #tpu.memory_space<vmem>>
    %dma_wait3A_93 = tpu.memref_slice %arg6[%div3A_82, %add3A_9, %mul3A_87] : memref<24x4096x128xf32, #tpu.memory_space<hbm>> -> memref<1x128x64xf32, #tpu.memory_space<hbm>>
    %dma_wait3A_94 = tpu.memref_squeeze %dma_wait3A_93 : memref<1x128x64xf32, #tpu.memory_space<hbm>> -> memref<128x64xf32, #tpu.memory_space<hbm>>
    %dma_wait3A_95 = tpu.memref_slice %arg6[%div3A_82, %add3A_9, %mul3A_87] : memref<24x4096x128xf32, #tpu.memory_space<hbm>> -> memref<1x128x64xf32, #tpu.memory_space<hbm>>
    %dma_wait3A_96 = tpu.memref_squeeze %dma_wait3A_95 : memref<1x128x64xf32, #tpu.memory_space<hbm>> -> memref<128x64xf32, #tpu.memory_space<hbm>>
    %dma_wait3A_97 = arith.constant 0 : i32
    %dma_wait3A_98 = arith.constant 0 : i32
    %dma_wait3A_99 = tpu.memref_slice %arg8[%dma_wait3A_88, %dma_wait3A_97, %dma_wait3A_98] : memref<8x128x64xf32, #tpu.memory_space<vmem>> -> memref<1x128x64xf32, #tpu.memory_space<vmem>>
    %dma_wait3A_100 = tpu.memref_squeeze %dma_wait3A_99 : memref<1x128x64xf32, #tpu.memory_space<vmem>> -> memref<128x64xf32, #tpu.memory_space<vmem>>
    tpu.wait_dma2 semaphore(%arg10 : memref<!tpu.dma_semaphore, #tpu.memory_space<semaphore_mem>>) src(%dma_wait3A_100 : memref<128x64xf32, #tpu.memory_space<vmem>>) dst(%dma_wait3A_96 : memref<128x64xf32, #tpu.memory_space<hbm>>)
    %div3A_101 = arith.constant 0 : i32
    %div3A_102 = arith.constant 2 : i32
    %div3A_103 = arith.divsi %div3A_101, %div3A_102 : i32
    %rem3A_104 = arith.constant 0 : i32
    %rem3A_105 = arith.constant 2 : i32
    %rem3A_106 = arith.remsi %rem3A_104, %rem3A_105 : i32
    %mul3A_107 = arith.constant 64 : i32
    %mul3A_108 = arith.muli %rem3A_106, %mul3A_107 : i32
    %dma_wait3A_109 = arith.constant 0 : i32
    %dma_wait3A_110 = arith.constant 0 : i32
    %dma_wait3A_111 = arith.constant 0 : i32
    %dma_wait3A_112 = tpu.memref_slice %arg8[%dma_wait3A_109, %dma_wait3A_110, %dma_wait3A_111] : memref<8x128x64xf32, #tpu.memory_space<vmem>> -> memref<1x128x64xf32, #tpu.memory_space<vmem>>
    %dma_wait3A_113 = tpu.memref_squeeze %dma_wait3A_112 : memref<1x128x64xf32, #tpu.memory_space<vmem>> -> memref<128x64xf32, #tpu.memory_space<vmem>>
    %dma_wait3A_114 = tpu.memref_slice %arg6[%div3A_103, %add3A_9, %mul3A_108] : memref<24x4096x128xf32, #tpu.memory_space<hbm>> -> memref<1x128x64xf32, #tpu.memory_space<hbm>>
    %dma_wait3A_115 = tpu.memref_squeeze %dma_wait3A_114 : memref<1x128x64xf32, #tpu.memory_space<hbm>> -> memref<128x64xf32, #tpu.memory_space<hbm>>
    %dma_wait3A_116 = tpu.memref_slice %arg6[%div3A_103, %add3A_9, %mul3A_108] : memref<24x4096x128xf32, #tpu.memory_space<hbm>> -> memref<1x128x64xf32, #tpu.memory_space<hbm>>
    %dma_wait3A_117 = tpu.memref_squeeze %dma_wait3A_116 : memref<1x128x64xf32, #tpu.memory_space<hbm>> -> memref<128x64xf32, #tpu.memory_space<hbm>>
    %dma_wait3A_118 = arith.constant 0 : i32
    %dma_wait3A_119 = arith.constant 0 : i32
    %dma_wait3A_120 = tpu.memref_slice %arg8[%dma_wait3A_109, %dma_wait3A_118, %dma_wait3A_119] : memref<8x128x64xf32, #tpu.memory_space<vmem>> -> memref<1x128x64xf32, #tpu.memory_space<vmem>>
    %dma_wait3A_121 = tpu.memref_squeeze %dma_wait3A_120 : memref<1x128x64xf32, #tpu.memory_space<vmem>> -> memref<128x64xf32, #tpu.memory_space<vmem>>
    tpu.wait_dma2 semaphore(%arg10 : memref<!tpu.dma_semaphore, #tpu.memory_space<semaphore_mem>>) src(%dma_wait3A_121 : memref<128x64xf32, #tpu.memory_space<vmem>>) dst(%dma_wait3A_117 : memref<128x64xf32, #tpu.memory_space<hbm>>)
    %div3A_122 = arith.constant 0 : i32
    %div3A_123 = arith.constant 2 : i32
    %div3A_124 = arith.divsi %div3A_122, %div3A_123 : i32
    %rem3A_125 = arith.constant 0 : i32
    %rem3A_126 = arith.constant 2 : i32
    %rem3A_127 = arith.remsi %rem3A_125, %rem3A_126 : i32
    %mul3A_128 = arith.constant 64 : i32
    %mul3A_129 = arith.muli %rem3A_127, %mul3A_128 : i32
    %dma_wait3A_130 = arith.constant 0 : i32
    %dma_wait3A_131 = arith.constant 0 : i32
    %dma_wait3A_132 = arith.constant 0 : i32
    %dma_wait3A_133 = tpu.memref_slice %arg8[%dma_wait3A_130, %dma_wait3A_131, %dma_wait3A_132] : memref<8x128x64xf32, #tpu.memory_space<vmem>> -> memref<1x128x64xf32, #tpu.memory_space<vmem>>
    %dma_wait3A_134 = tpu.memref_squeeze %dma_wait3A_133 : memref<1x128x64xf32, #tpu.memory_space<vmem>> -> memref<128x64xf32, #tpu.memory_space<vmem>>
    %dma_wait3A_135 = tpu.memref_slice %arg6[%div3A_124, %add3A_9, %mul3A_129] : memref<24x4096x128xf32, #tpu.memory_space<hbm>> -> memref<1x128x64xf32, #tpu.memory_space<hbm>>
    %dma_wait3A_136 = tpu.memref_squeeze %dma_wait3A_135 : memref<1x128x64xf32, #tpu.memory_space<hbm>> -> memref<128x64xf32, #tpu.memory_space<hbm>>
    %dma_wait3A_137 = tpu.memref_slice %arg6[%div3A_124, %add3A_9, %mul3A_129] : memref<24x4096x128xf32, #tpu.memory_space<hbm>> -> memref<1x128x64xf32, #tpu.memory_space<hbm>>
    %dma_wait3A_138 = tpu.memref_squeeze %dma_wait3A_137 : memref<1x128x64xf32, #tpu.memory_space<hbm>> -> memref<128x64xf32, #tpu.memory_space<hbm>>
    %dma_wait3A_139 = arith.constant 0 : i32
    %dma_wait3A_140 = arith.constant 0 : i32
    %dma_wait3A_141 = tpu.memref_slice %arg8[%dma_wait3A_130, %dma_wait3A_139, %dma_wait3A_140] : memref<8x128x64xf32, #tpu.memory_space<vmem>> -> memref<1x128x64xf32, #tpu.memory_space<vmem>>
    %dma_wait3A_142 = tpu.memref_squeeze %dma_wait3A_141 : memref<1x128x64xf32, #tpu.memory_space<vmem>> -> memref<128x64xf32, #tpu.memory_space<vmem>>
    tpu.wait_dma2 semaphore(%arg10 : memref<!tpu.dma_semaphore, #tpu.memory_space<semaphore_mem>>) src(%dma_wait3A_142 : memref<128x64xf32, #tpu.memory_space<vmem>>) dst(%dma_wait3A_138 : memref<128x64xf32, #tpu.memory_space<hbm>>)
    %dma_start3A_143 = arith.constant 18 : i32
    %dma_start3A_144 = arith.constant 0 : i32
    %dma_start3A_145 = arith.constant 0 : i32
    %dma_start3A_146 = arith.constant 0 : i32
    %dma_start3A_147 = tpu.memref_slice %arg8[%dma_start3A_144, %dma_start3A_145, %dma_start3A_146] : memref<8x128x64xf32, #tpu.memory_space<vmem>> -> memref<1x128x64xf32, #tpu.memory_space<vmem>>
    %dma_start3A_148 = tpu.memref_squeeze %dma_start3A_147 : memref<1x128x64xf32, #tpu.memory_space<vmem>> -> memref<128x64xf32, #tpu.memory_space<vmem>>
    %dma_start3A_149 = arith.constant 0 : i32
    %dma_start3A_150 = tpu.memref_slice %arg7[%dma_start3A_143, %dma_start3A_149] : memref<48x128xi32, #tpu.memory_space<vmem>> -> memref<1x128xi32, #tpu.memory_space<vmem>>
    %dma_start3A_151 = tpu.memref_squeeze %dma_start3A_150 : memref<1x128xi32, #tpu.memory_space<vmem>> -> memref<128xi32, #tpu.memory_space<vmem>>
    %dma_start3A_152 = arith.constant 0 : i32
    %dma_start3A_153 = arith.constant 0 : i32
    %dma_start3A_154 = tpu.memref_slice %arg4[%dma_start3A_152, %dma_start3A_153] : memref<100000x64xf32, #tpu.memory_space<hbm>> -> memref<100000x64xf32, #tpu.memory_space<hbm>>
    tpu.enqueue_indirect_dma source(%dma_start3A_154 : memref<100000x64xf32, #tpu.memory_space<hbm>>) target(%dma_start3A_148 : memref<128x64xf32, #tpu.memory_space<vmem>>) offsets(%dma_start3A_151 : memref<128xi32, #tpu.memory_space<vmem>>) semaphore(%arg9 : memref<!tpu.dma_semaphore, #tpu.memory_space<semaphore_mem>>)
    %dma_start3A_155 = arith.constant 19 : i32
    %dma_start3A_156 = arith.constant 1 : i32
    %dma_start3A_157 = arith.constant 0 : i32
    %dma_start3A_158 = arith.constant 0 : i32
    %dma_start3A_159 = tpu.memref_slice %arg8[%dma_start3A_156, %dma_start3A_157, %dma_start3A_158] : memref<8x128x64xf32, #tpu.memory_space<vmem>> -> memref<1x128x64xf32, #tpu.memory_space<vmem>>
    %dma_start3A_160 = tpu.memref_squeeze %dma_start3A_159 : memref<1x128x64xf32, #tpu.memory_space<vmem>> -> memref<128x64xf32, #tpu.memory_space<vmem>>
    %dma_start3A_161 = arith.constant 0 : i32
    %dma_start3A_162 = tpu.memref_slice %arg7[%dma_start3A_155, %dma_start3A_161] : memref<48x128xi32, #tpu.memory_space<vmem>> -> memref<1x128xi32, #tpu.memory_space<vmem>>
    %dma_start3A_163 = tpu.memref_squeeze %dma_start3A_162 : memref<1x128xi32, #tpu.memory_space<vmem>> -> memref<128xi32, #tpu.memory_space<vmem>>
    %dma_start3A_164 = arith.constant 0 : i32
    %dma_start3A_165 = arith.constant 0 : i32
    %dma_start3A_166 = tpu.memref_slice %arg4[%dma_start3A_164, %dma_start3A_165] : memref<100000x64xf32, #tpu.memory_space<hbm>> -> memref<100000x64xf32, #tpu.memory_space<hbm>>
    tpu.enqueue_indirect_dma source(%dma_start3A_166 : memref<100000x64xf32, #tpu.memory_space<hbm>>) target(%dma_start3A_160 : memref<128x64xf32, #tpu.memory_space<vmem>>) offsets(%dma_start3A_163 : memref<128xi32, #tpu.memory_space<vmem>>) semaphore(%arg9 : memref<!tpu.dma_semaphore, #tpu.memory_space<semaphore_mem>>)
    %dma_start3A_167 = arith.constant 20 : i32
    %dma_start3A_168 = arith.constant 2 : i32
    %dma_start3A_169 = arith.constant 0 : i32
    %dma_start3A_170 = arith.constant 0 : i32
    %dma_start3A_171 = tpu.memref_slice %arg8[%dma_start3A_168, %dma_start3A_169, %dma_start3A_170] : memref<8x128x64xf32, #tpu.memory_space<vmem>> -> memref<1x128x64xf32, #tpu.memory_space<vmem>>
    %dma_start3A_172 = tpu.memref_squeeze %dma_start3A_171 : memref<1x128x64xf32, #tpu.memory_space<vmem>> -> memref<128x64xf32, #tpu.memory_space<vmem>>
    %dma_start3A_173 = arith.constant 0 : i32
    %dma_start3A_174 = tpu.memref_slice %arg7[%dma_start3A_167, %dma_start3A_173] : memref<48x128xi32, #tpu.memory_space<vmem>> -> memref<1x128xi32, #tpu.memory_space<vmem>>
    %dma_start3A_175 = tpu.memref_squeeze %dma_start3A_174 : memref<1x128xi32, #tpu.memory_space<vmem>> -> memref<128xi32, #tpu.memory_space<vmem>>
    %dma_start3A_176 = arith.constant 0 : i32
    %dma_start3A_177 = arith.constant 0 : i32
    %dma_start3A_178 = tpu.memref_slice %arg4[%dma_start3A_176, %dma_start3A_177] : memref<100000x64xf32, #tpu.memory_space<hbm>> -> memref<100000x64xf32, #tpu.memory_space<hbm>>
    tpu.enqueue_indirect_dma source(%dma_start3A_178 : memref<100000x64xf32, #tpu.memory_space<hbm>>) target(%dma_start3A_172 : memref<128x64xf32, #tpu.memory_space<vmem>>) offsets(%dma_start3A_175 : memref<128xi32, #tpu.memory_space<vmem>>) semaphore(%arg9 : memref<!tpu.dma_semaphore, #tpu.memory_space<semaphore_mem>>)
    %dma_start3A_179 = arith.constant 21 : i32
    %dma_start3A_180 = arith.constant 3 : i32
    %dma_start3A_181 = arith.constant 0 : i32
    %dma_start3A_182 = arith.constant 0 : i32
    %dma_start3A_183 = tpu.memref_slice %arg8[%dma_start3A_180, %dma_start3A_181, %dma_start3A_182] : memref<8x128x64xf32, #tpu.memory_space<vmem>> -> memref<1x128x64xf32, #tpu.memory_space<vmem>>
    %dma_start3A_184 = tpu.memref_squeeze %dma_start3A_183 : memref<1x128x64xf32, #tpu.memory_space<vmem>> -> memref<128x64xf32, #tpu.memory_space<vmem>>
    %dma_start3A_185 = arith.constant 0 : i32
    %dma_start3A_186 = tpu.memref_slice %arg7[%dma_start3A_179, %dma_start3A_185] : memref<48x128xi32, #tpu.memory_space<vmem>> -> memref<1x128xi32, #tpu.memory_space<vmem>>
    %dma_start3A_187 = tpu.memref_squeeze %dma_start3A_186 : memref<1x128xi32, #tpu.memory_space<vmem>> -> memref<128xi32, #tpu.memory_space<vmem>>
    %dma_start3A_188 = arith.constant 0 : i32
    %dma_start3A_189 = arith.constant 0 : i32
    %dma_start3A_190 = tpu.memref_slice %arg4[%dma_start3A_188, %dma_start3A_189] : memref<100000x64xf32, #tpu.memory_space<hbm>> -> memref<100000x64xf32, #tpu.memory_space<hbm>>
    tpu.enqueue_indirect_dma source(%dma_start3A_190 : memref<100000x64xf32, #tpu.memory_space<hbm>>) target(%dma_start3A_184 : memref<128x64xf32, #tpu.memory_space<vmem>>) offsets(%dma_start3A_187 : memref<128xi32, #tpu.memory_space<vmem>>) semaphore(%arg9 : memref<!tpu.dma_semaphore, #tpu.memory_space<semaphore_mem>>)
    %scan3A_191 = arith.constant 0 : i32
    %scan3A_192 = arith.constant 18 : i32
    %scan3A_193 = arith.addi %scan3A_191, %scan3A_192 : i32
    %scan3A_194 = arith.constant 1 : i32
    scf.for %scan3A_418 = %scan3A_191 to %scan3A_193 step %scan3A_194  : i32 {
      %mul3A_419 = arith.constant 1 : i32
      %mul3A_420 = arith.muli %scan3A_418, %mul3A_419 : i32
      %add3A_421 = arith.constant 0 : i32
      %add3A_422 = arith.addi %add3A_421, %mul3A_420 : i32
      %add3A_423 = arith.constant 18 : i32
      %add3A_424 = arith.addi %add3A_423, %add3A_422 : i32
      %rem3A_425 = arith.constant 8 : i32
      %rem3A_426 = arith.remsi %add3A_422, %rem3A_425 : i32
      %dma_wait3A_427 = arith.constant 0 : i32
      %dma_wait3A_428 = arith.constant 0 : i32
      %dma_wait3A_429 = arith.constant 0 : i32
      %dma_wait3A_430 = tpu.memref_slice %arg8[%rem3A_426, %dma_wait3A_428, %dma_wait3A_429] : memref<8x128x64xf32, #tpu.memory_space<vmem>> -> memref<1x128x64xf32, #tpu.memory_space<vmem>>
      %dma_wait3A_431 = tpu.memref_squeeze %dma_wait3A_430 : memref<1x128x64xf32, #tpu.memory_space<vmem>> -> memref<128x64xf32, #tpu.memory_space<vmem>>
      %dma_wait3A_432 = arith.constant 0 : i32
      %dma_wait3A_433 = tpu.memref_slice %arg7[%dma_wait3A_427, %dma_wait3A_432] : memref<48x128xi32, #tpu.memory_space<vmem>> -> memref<1x128xi32, #tpu.memory_space<vmem>>
      %dma_wait3A_434 = tpu.memref_squeeze %dma_wait3A_433 : memref<1x128xi32, #tpu.memory_space<vmem>> -> memref<128xi32, #tpu.memory_space<vmem>>
      %dma_wait3A_435 = arith.constant 0 : i32
      %dma_wait3A_436 = arith.constant 0 : i32
      %dma_wait3A_437 = tpu.memref_slice %arg4[%dma_wait3A_435, %dma_wait3A_436] : memref<100000x64xf32, #tpu.memory_space<hbm>> -> memref<100000x64xf32, #tpu.memory_space<hbm>>
      tpu.wait_indirect_dma semaphore(%arg9 : memref<!tpu.dma_semaphore, #tpu.memory_space<semaphore_mem>>) src(%dma_wait3A_437 : memref<100000x64xf32, #tpu.memory_space<hbm>>) dst(%dma_wait3A_431 : memref<128x64xf32, #tpu.memory_space<vmem>>)
      %div3A_438 = arith.constant 2 : i32
      %div3A_439 = arith.divsi %add3A_424, %div3A_438 : i32
      %rem3A_440 = arith.constant 2 : i32
      %rem3A_441 = arith.remsi %add3A_424, %rem3A_440 : i32
      %mul3A_442 = arith.constant 64 : i32
      %mul3A_443 = arith.muli %rem3A_441, %mul3A_442 : i32
      %dma_start3A_444 = arith.constant 0 : i32
      %dma_start3A_445 = arith.constant 0 : i32
      %dma_start3A_446 = tpu.memref_slice %arg8[%rem3A_426, %dma_start3A_444, %dma_start3A_445] : memref<8x128x64xf32, #tpu.memory_space<vmem>> -> memref<1x128x64xf32, #tpu.memory_space<vmem>>
      %dma_start3A_447 = tpu.memref_squeeze %dma_start3A_446 : memref<1x128x64xf32, #tpu.memory_space<vmem>> -> memref<128x64xf32, #tpu.memory_space<vmem>>
      %dma_start3A_448 = tpu.memref_slice %arg6[%div3A_439, %add3A_9, %mul3A_443] : memref<24x4096x128xf32, #tpu.memory_space<hbm>> -> memref<1x128x64xf32, #tpu.memory_space<hbm>>
      %dma_start3A_449 = tpu.memref_squeeze %dma_start3A_448 : memref<1x128x64xf32, #tpu.memory_space<hbm>> -> memref<128x64xf32, #tpu.memory_space<hbm>>
      %dma_start3A_450 = tpu.memref_slice %arg6[%div3A_439, %add3A_9, %mul3A_443] : memref<24x4096x128xf32, #tpu.memory_space<hbm>> -> memref<1x128x64xf32, #tpu.memory_space<hbm>>
      %dma_start3A_451 = tpu.memref_squeeze %dma_start3A_450 : memref<1x128x64xf32, #tpu.memory_space<hbm>> -> memref<128x64xf32, #tpu.memory_space<hbm>>
      %dma_start3A_452 = arith.constant 0 : i32
      %dma_start3A_453 = arith.constant 0 : i32
      %dma_start3A_454 = tpu.memref_slice %arg8[%rem3A_426, %dma_start3A_452, %dma_start3A_453] : memref<8x128x64xf32, #tpu.memory_space<vmem>> -> memref<1x128x64xf32, #tpu.memory_space<vmem>>
      %dma_start3A_455 = tpu.memref_squeeze %dma_start3A_454 : memref<1x128x64xf32, #tpu.memory_space<vmem>> -> memref<128x64xf32, #tpu.memory_space<vmem>>
      tpu.enqueue_dma source(%dma_start3A_455 : memref<128x64xf32, #tpu.memory_space<vmem>>) target(%dma_start3A_451 : memref<128x64xf32, #tpu.memory_space<hbm>>) target_semaphore(%arg10 : memref<!tpu.dma_semaphore, #tpu.memory_space<semaphore_mem>>)
      %ge3A = arith.constant 4 : i32
      %ge3A_456 = arith.cmpi sge, %add3A_422, %ge3A : i32
      %convert_element_type3A = arith.extui %ge3A_456 : i1 to i32
      %cond3A = arith.constant 0 : i32
      %cond3A_457 = arith.cmpi ne, %convert_element_type3A, %cond3A : i32
      scf.if %cond3A_457 {
        %div3A_462 = arith.constant 0 : i32
        %div3A_463 = arith.constant 2 : i32
        %div3A_464 = arith.divsi %div3A_462, %div3A_463 : i32
        %rem3A_465 = arith.constant 0 : i32
        %rem3A_466 = arith.constant 2 : i32
        %rem3A_467 = arith.remsi %rem3A_465, %rem3A_466 : i32
        %mul3A_468 = arith.constant 64 : i32
        %mul3A_469 = arith.muli %rem3A_467, %mul3A_468 : i32
        %dma_wait3A_470 = arith.constant 0 : i32
        %dma_wait3A_471 = arith.constant 0 : i32
        %dma_wait3A_472 = arith.constant 0 : i32
        %dma_wait3A_473 = tpu.memref_slice %arg8[%dma_wait3A_470, %dma_wait3A_471, %dma_wait3A_472] : memref<8x128x64xf32, #tpu.memory_space<vmem>> -> memref<1x128x64xf32, #tpu.memory_space<vmem>>
        %dma_wait3A_474 = tpu.memref_squeeze %dma_wait3A_473 : memref<1x128x64xf32, #tpu.memory_space<vmem>> -> memref<128x64xf32, #tpu.memory_space<vmem>>
        %dma_wait3A_475 = tpu.memref_slice %arg6[%div3A_464, %add3A_9, %mul3A_469] : memref<24x4096x128xf32, #tpu.memory_space<hbm>> -> memref<1x128x64xf32, #tpu.memory_space<hbm>>
        %dma_wait3A_476 = tpu.memref_squeeze %dma_wait3A_475 : memref<1x128x64xf32, #tpu.memory_space<hbm>> -> memref<128x64xf32, #tpu.memory_space<hbm>>
        %dma_wait3A_477 = tpu.memref_slice %arg6[%div3A_464, %add3A_9, %mul3A_469] : memref<24x4096x128xf32, #tpu.memory_space<hbm>> -> memref<1x128x64xf32, #tpu.memory_space<hbm>>
        %dma_wait3A_478 = tpu.memref_squeeze %dma_wait3A_477 : memref<1x128x64xf32, #tpu.memory_space<hbm>> -> memref<128x64xf32, #tpu.memory_space<hbm>>
        %dma_wait3A_479 = arith.constant 0 : i32
        %dma_wait3A_480 = arith.constant 0 : i32
        %dma_wait3A_481 = tpu.memref_slice %arg8[%dma_wait3A_470, %dma_wait3A_479, %dma_wait3A_480] : memref<8x128x64xf32, #tpu.memory_space<vmem>> -> memref<1x128x64xf32, #tpu.memory_space<vmem>>
        %dma_wait3A_482 = tpu.memref_squeeze %dma_wait3A_481 : memref<1x128x64xf32, #tpu.memory_space<vmem>> -> memref<128x64xf32, #tpu.memory_space<vmem>>
        tpu.wait_dma2 semaphore(%arg10 : memref<!tpu.dma_semaphore, #tpu.memory_space<semaphore_mem>>) src(%dma_wait3A_482 : memref<128x64xf32, #tpu.memory_space<vmem>>) dst(%dma_wait3A_478 : memref<128x64xf32, #tpu.memory_space<hbm>>)
      } else {
      }
      %lt3A = arith.constant 14 : i32
      %lt3A_458 = arith.cmpi slt, %add3A_422, %lt3A : i32
      %convert_element_type3A_459 = arith.extui %lt3A_458 : i1 to i32
      %cond3A_460 = arith.constant 0 : i32
      %cond3A_461 = arith.cmpi ne, %convert_element_type3A_459, %cond3A_460 : i32
      scf.if %cond3A_461 {
        %add3A_462 = arith.constant 4 : i32
        %add3A_463 = arith.addi %add3A_424, %add3A_462 : i32
        %add3A_464 = arith.constant 4 : i32
        %add3A_465 = arith.addi %add3A_422, %add3A_464 : i32
        %rem3A_466 = arith.constant 8 : i32
        %rem3A_467 = arith.remsi %add3A_465, %rem3A_466 : i32
        %dma_start3A_468 = arith.constant 0 : i32
        %dma_start3A_469 = arith.constant 0 : i32
        %dma_start3A_470 = tpu.memref_slice %arg8[%rem3A_467, %dma_start3A_468, %dma_start3A_469] : memref<8x128x64xf32, #tpu.memory_space<vmem>> -> memref<1x128x64xf32, #tpu.memory_space<vmem>>
        %dma_start3A_471 = tpu.memref_squeeze %dma_start3A_470 : memref<1x128x64xf32, #tpu.memory_space<vmem>> -> memref<128x64xf32, #tpu.memory_space<vmem>>
        %dma_start3A_472 = arith.constant 0 : i32
        %dma_start3A_473 = tpu.memref_slice %arg7[%add3A_463, %dma_start3A_472] : memref<48x128xi32, #tpu.memory_space<vmem>> -> memref<1x128xi32, #tpu.memory_space<vmem>>
        %dma_start3A_474 = tpu.memref_squeeze %dma_start3A_473 : memref<1x128xi32, #tpu.memory_space<vmem>> -> memref<128xi32, #tpu.memory_space<vmem>>
        %dma_start3A_475 = arith.constant 0 : i32
        %dma_start3A_476 = arith.constant 0 : i32
        %dma_start3A_477 = tpu.memref_slice %arg4[%dma_start3A_475, %dma_start3A_476] : memref<100000x64xf32, #tpu.memory_space<hbm>> -> memref<100000x64xf32, #tpu.memory_space<hbm>>
        tpu.enqueue_indirect_dma source(%dma_start3A_477 : memref<100000x64xf32, #tpu.memory_space<hbm>>) target(%dma_start3A_471 : memref<128x64xf32, #tpu.memory_space<vmem>>) offsets(%dma_start3A_474 : memref<128xi32, #tpu.memory_space<vmem>>) semaphore(%arg9 : memref<!tpu.dma_semaphore, #tpu.memory_space<semaphore_mem>>)
      } else {
      }
    }
    %scan3A_195 = arith.constant 18 : i32
    %div3A_196 = arith.constant 0 : i32
    %div3A_197 = arith.constant 2 : i32
    %div3A_198 = arith.divsi %div3A_196, %div3A_197 : i32
    %rem3A_199 = arith.constant 0 : i32
    %rem3A_200 = arith.constant 2 : i32
    %rem3A_201 = arith.remsi %rem3A_199, %rem3A_200 : i32
    %mul3A_202 = arith.constant 64 : i32
    %mul3A_203 = arith.muli %rem3A_201, %mul3A_202 : i32
    %dma_wait3A_204 = arith.constant 0 : i32
    %dma_wait3A_205 = arith.constant 0 : i32
    %dma_wait3A_206 = arith.constant 0 : i32
    %dma_wait3A_207 = tpu.memref_slice %arg8[%dma_wait3A_204, %dma_wait3A_205, %dma_wait3A_206] : memref<8x128x64xf32, #tpu.memory_space<vmem>> -> memref<1x128x64xf32, #tpu.memory_space<vmem>>
    %dma_wait3A_208 = tpu.memref_squeeze %dma_wait3A_207 : memref<1x128x64xf32, #tpu.memory_space<vmem>> -> memref<128x64xf32, #tpu.memory_space<vmem>>
    %dma_wait3A_209 = tpu.memref_slice %arg6[%div3A_198, %add3A_9, %mul3A_203] : memref<24x4096x128xf32, #tpu.memory_space<hbm>> -> memref<1x128x64xf32, #tpu.memory_space<hbm>>
    %dma_wait3A_210 = tpu.memref_squeeze %dma_wait3A_209 : memref<1x128x64xf32, #tpu.memory_space<hbm>> -> memref<128x64xf32, #tpu.memory_space<hbm>>
    %dma_wait3A_211 = tpu.memref_slice %arg6[%div3A_198, %add3A_9, %mul3A_203] : memref<24x4096x128xf32, #tpu.memory_space<hbm>> -> memref<1x128x64xf32, #tpu.memory_space<hbm>>
    %dma_wait3A_212 = tpu.memref_squeeze %dma_wait3A_211 : memref<1x128x64xf32, #tpu.memory_space<hbm>> -> memref<128x64xf32, #tpu.memory_space<hbm>>
    %dma_wait3A_213 = arith.constant 0 : i32
    %dma_wait3A_214 = arith.constant 0 : i32
    %dma_wait3A_215 = tpu.memref_slice %arg8[%dma_wait3A_204, %dma_wait3A_213, %dma_wait3A_214] : memref<8x128x64xf32, #tpu.memory_space<vmem>> -> memref<1x128x64xf32, #tpu.memory_space<vmem>>
    %dma_wait3A_216 = tpu.memref_squeeze %dma_wait3A_215 : memref<1x128x64xf32, #tpu.memory_space<vmem>> -> memref<128x64xf32, #tpu.memory_space<vmem>>
    tpu.wait_dma2 semaphore(%arg10 : memref<!tpu.dma_semaphore, #tpu.memory_space<semaphore_mem>>) src(%dma_wait3A_216 : memref<128x64xf32, #tpu.memory_space<vmem>>) dst(%dma_wait3A_212 : memref<128x64xf32, #tpu.memory_space<hbm>>)
    %div3A_217 = arith.constant 0 : i32
    %div3A_218 = arith.constant 2 : i32
    %div3A_219 = arith.divsi %div3A_217, %div3A_218 : i32
    %rem3A_220 = arith.constant 0 : i32
    %rem3A_221 = arith.constant 2 : i32
    %rem3A_222 = arith.remsi %rem3A_220, %rem3A_221 : i32
    %mul3A_223 = arith.constant 64 : i32
    %mul3A_224 = arith.muli %rem3A_222, %mul3A_223 : i32
    %dma_wait3A_225 = arith.constant 0 : i32
    %dma_wait3A_226 = arith.constant 0 : i32
    %dma_wait3A_227 = arith.constant 0 : i32
    %dma_wait3A_228 = tpu.memref_slice %arg8[%dma_wait3A_225, %dma_wait3A_226, %dma_wait3A_227] : memref<8x128x64xf32, #tpu.memory_space<vmem>> -> memref<1x128x64xf32, #tpu.memory_space<vmem>>
    %dma_wait3A_229 = tpu.memref_squeeze %dma_wait3A_228 : memref<1x128x64xf32, #tpu.memory_space<vmem>> -> memref<128x64xf32, #tpu.memory_space<vmem>>
    %dma_wait3A_230 = tpu.memref_slice %arg6[%div3A_219, %add3A_9, %mul3A_224] : memref<24x4096x128xf32, #tpu.memory_space<hbm>> -> memref<1x128x64xf32, #tpu.memory_space<hbm>>
    %dma_wait3A_231 = tpu.memref_squeeze %dma_wait3A_230 : memref<1x128x64xf32, #tpu.memory_space<hbm>> -> memref<128x64xf32, #tpu.memory_space<hbm>>
    %dma_wait3A_232 = tpu.memref_slice %arg6[%div3A_219, %add3A_9, %mul3A_224] : memref<24x4096x128xf32, #tpu.memory_space<hbm>> -> memref<1x128x64xf32, #tpu.memory_space<hbm>>
    %dma_wait3A_233 = tpu.memref_squeeze %dma_wait3A_232 : memref<1x128x64xf32, #tpu.memory_space<hbm>> -> memref<128x64xf32, #tpu.memory_space<hbm>>
    %dma_wait3A_234 = arith.constant 0 : i32
    %dma_wait3A_235 = arith.constant 0 : i32
    %dma_wait3A_236 = tpu.memref_slice %arg8[%dma_wait3A_225, %dma_wait3A_234, %dma_wait3A_235] : memref<8x128x64xf32, #tpu.memory_space<vmem>> -> memref<1x128x64xf32, #tpu.memory_space<vmem>>
    %dma_wait3A_237 = tpu.memref_squeeze %dma_wait3A_236 : memref<1x128x64xf32, #tpu.memory_space<vmem>> -> memref<128x64xf32, #tpu.memory_space<vmem>>
    tpu.wait_dma2 semaphore(%arg10 : memref<!tpu.dma_semaphore, #tpu.memory_space<semaphore_mem>>) src(%dma_wait3A_237 : memref<128x64xf32, #tpu.memory_space<vmem>>) dst(%dma_wait3A_233 : memref<128x64xf32, #tpu.memory_space<hbm>>)
    %div3A_238 = arith.constant 0 : i32
    %div3A_239 = arith.constant 2 : i32
    %div3A_240 = arith.divsi %div3A_238, %div3A_239 : i32
    %rem3A_241 = arith.constant 0 : i32
    %rem3A_242 = arith.constant 2 : i32
    %rem3A_243 = arith.remsi %rem3A_241, %rem3A_242 : i32
    %mul3A_244 = arith.constant 64 : i32
    %mul3A_245 = arith.muli %rem3A_243, %mul3A_244 : i32
    %dma_wait3A_246 = arith.constant 0 : i32
    %dma_wait3A_247 = arith.constant 0 : i32
    %dma_wait3A_248 = arith.constant 0 : i32
    %dma_wait3A_249 = tpu.memref_slice %arg8[%dma_wait3A_246, %dma_wait3A_247, %dma_wait3A_248] : memref<8x128x64xf32, #tpu.memory_space<vmem>> -> memref<1x128x64xf32, #tpu.memory_space<vmem>>
    %dma_wait3A_250 = tpu.memref_squeeze %dma_wait3A_249 : memref<1x128x64xf32, #tpu.memory_space<vmem>> -> memref<128x64xf32, #tpu.memory_space<vmem>>
    %dma_wait3A_251 = tpu.memref_slice %arg6[%div3A_240, %add3A_9, %mul3A_245] : memref<24x4096x128xf32, #tpu.memory_space<hbm>> -> memref<1x128x64xf32, #tpu.memory_space<hbm>>
    %dma_wait3A_252 = tpu.memref_squeeze %dma_wait3A_251 : memref<1x128x64xf32, #tpu.memory_space<hbm>> -> memref<128x64xf32, #tpu.memory_space<hbm>>
    %dma_wait3A_253 = tpu.memref_slice %arg6[%div3A_240, %add3A_9, %mul3A_245] : memref<24x4096x128xf32, #tpu.memory_space<hbm>> -> memref<1x128x64xf32, #tpu.memory_space<hbm>>
    %dma_wait3A_254 = tpu.memref_squeeze %dma_wait3A_253 : memref<1x128x64xf32, #tpu.memory_space<hbm>> -> memref<128x64xf32, #tpu.memory_space<hbm>>
    %dma_wait3A_255 = arith.constant 0 : i32
    %dma_wait3A_256 = arith.constant 0 : i32
    %dma_wait3A_257 = tpu.memref_slice %arg8[%dma_wait3A_246, %dma_wait3A_255, %dma_wait3A_256] : memref<8x128x64xf32, #tpu.memory_space<vmem>> -> memref<1x128x64xf32, #tpu.memory_space<vmem>>
    %dma_wait3A_258 = tpu.memref_squeeze %dma_wait3A_257 : memref<1x128x64xf32, #tpu.memory_space<vmem>> -> memref<128x64xf32, #tpu.memory_space<vmem>>
    tpu.wait_dma2 semaphore(%arg10 : memref<!tpu.dma_semaphore, #tpu.memory_space<semaphore_mem>>) src(%dma_wait3A_258 : memref<128x64xf32, #tpu.memory_space<vmem>>) dst(%dma_wait3A_254 : memref<128x64xf32, #tpu.memory_space<hbm>>)
    %div3A_259 = arith.constant 0 : i32
    %div3A_260 = arith.constant 2 : i32
    %div3A_261 = arith.divsi %div3A_259, %div3A_260 : i32
    %rem3A_262 = arith.constant 0 : i32
    %rem3A_263 = arith.constant 2 : i32
    %rem3A_264 = arith.remsi %rem3A_262, %rem3A_263 : i32
    %mul3A_265 = arith.constant 64 : i32
    %mul3A_266 = arith.muli %rem3A_264, %mul3A_265 : i32
    %dma_wait3A_267 = arith.constant 0 : i32
    %dma_wait3A_268 = arith.constant 0 : i32
    %dma_wait3A_269 = arith.constant 0 : i32
    %dma_wait3A_270 = tpu.memref_slice %arg8[%dma_wait3A_267, %dma_wait3A_268, %dma_wait3A_269] : memref<8x128x64xf32, #tpu.memory_space<vmem>> -> memref<1x128x64xf32, #tpu.memory_space<vmem>>
    %dma_wait3A_271 = tpu.memref_squeeze %dma_wait3A_270 : memref<1x128x64xf32, #tpu.memory_space<vmem>> -> memref<128x64xf32, #tpu.memory_space<vmem>>
    %dma_wait3A_272 = tpu.memref_slice %arg6[%div3A_261, %add3A_9, %mul3A_266] : memref<24x4096x128xf32, #tpu.memory_space<hbm>> -> memref<1x128x64xf32, #tpu.memory_space<hbm>>
    %dma_wait3A_273 = tpu.memref_squeeze %dma_wait3A_272 : memref<1x128x64xf32, #tpu.memory_space<hbm>> -> memref<128x64xf32, #tpu.memory_space<hbm>>
    %dma_wait3A_274 = tpu.memref_slice %arg6[%div3A_261, %add3A_9, %mul3A_266] : memref<24x4096x128xf32, #tpu.memory_space<hbm>> -> memref<1x128x64xf32, #tpu.memory_space<hbm>>
    %dma_wait3A_275 = tpu.memref_squeeze %dma_wait3A_274 : memref<1x128x64xf32, #tpu.memory_space<hbm>> -> memref<128x64xf32, #tpu.memory_space<hbm>>
    %dma_wait3A_276 = arith.constant 0 : i32
    %dma_wait3A_277 = arith.constant 0 : i32
    %dma_wait3A_278 = tpu.memref_slice %arg8[%dma_wait3A_267, %dma_wait3A_276, %dma_wait3A_277] : memref<8x128x64xf32, #tpu.memory_space<vmem>> -> memref<1x128x64xf32, #tpu.memory_space<vmem>>
    %dma_wait3A_279 = tpu.memref_squeeze %dma_wait3A_278 : memref<1x128x64xf32, #tpu.memory_space<vmem>> -> memref<128x64xf32, #tpu.memory_space<vmem>>
    tpu.wait_dma2 semaphore(%arg10 : memref<!tpu.dma_semaphore, #tpu.memory_space<semaphore_mem>>) src(%dma_wait3A_279 : memref<128x64xf32, #tpu.memory_space<vmem>>) dst(%dma_wait3A_275 : memref<128x64xf32, #tpu.memory_space<hbm>>)
    %dma_start3A_280 = arith.constant 36 : i32
    %dma_start3A_281 = arith.constant 0 : i32
    %dma_start3A_282 = arith.constant 0 : i32
    %dma_start3A_283 = arith.constant 0 : i32
    %dma_start3A_284 = tpu.memref_slice %arg8[%dma_start3A_281, %dma_start3A_282, %dma_start3A_283] : memref<8x128x64xf32, #tpu.memory_space<vmem>> -> memref<1x128x64xf32, #tpu.memory_space<vmem>>
    %dma_start3A_285 = tpu.memref_squeeze %dma_start3A_284 : memref<1x128x64xf32, #tpu.memory_space<vmem>> -> memref<128x64xf32, #tpu.memory_space<vmem>>
    %dma_start3A_286 = arith.constant 0 : i32
    %dma_start3A_287 = tpu.memref_slice %arg7[%dma_start3A_280, %dma_start3A_286] : memref<48x128xi32, #tpu.memory_space<vmem>> -> memref<1x128xi32, #tpu.memory_space<vmem>>
    %dma_start3A_288 = tpu.memref_squeeze %dma_start3A_287 : memref<1x128xi32, #tpu.memory_space<vmem>> -> memref<128xi32, #tpu.memory_space<vmem>>
    %dma_start3A_289 = arith.constant 0 : i32
    %dma_start3A_290 = arith.constant 0 : i32
    %dma_start3A_291 = tpu.memref_slice %arg5[%dma_start3A_289, %dma_start3A_290] : memref<100000x64xf32, #tpu.memory_space<hbm>> -> memref<100000x64xf32, #tpu.memory_space<hbm>>
    tpu.enqueue_indirect_dma source(%dma_start3A_291 : memref<100000x64xf32, #tpu.memory_space<hbm>>) target(%dma_start3A_285 : memref<128x64xf32, #tpu.memory_space<vmem>>) offsets(%dma_start3A_288 : memref<128xi32, #tpu.memory_space<vmem>>) semaphore(%arg9 : memref<!tpu.dma_semaphore, #tpu.memory_space<semaphore_mem>>)
    %dma_start3A_292 = arith.constant 37 : i32
    %dma_start3A_293 = arith.constant 1 : i32
    %dma_start3A_294 = arith.constant 0 : i32
    %dma_start3A_295 = arith.constant 0 : i32
    %dma_start3A_296 = tpu.memref_slice %arg8[%dma_start3A_293, %dma_start3A_294, %dma_start3A_295] : memref<8x128x64xf32, #tpu.memory_space<vmem>> -> memref<1x128x64xf32, #tpu.memory_space<vmem>>
    %dma_start3A_297 = tpu.memref_squeeze %dma_start3A_296 : memref<1x128x64xf32, #tpu.memory_space<vmem>> -> memref<128x64xf32, #tpu.memory_space<vmem>>
    %dma_start3A_298 = arith.constant 0 : i32
    %dma_start3A_299 = tpu.memref_slice %arg7[%dma_start3A_292, %dma_start3A_298] : memref<48x128xi32, #tpu.memory_space<vmem>> -> memref<1x128xi32, #tpu.memory_space<vmem>>
    %dma_start3A_300 = tpu.memref_squeeze %dma_start3A_299 : memref<1x128xi32, #tpu.memory_space<vmem>> -> memref<128xi32, #tpu.memory_space<vmem>>
    %dma_start3A_301 = arith.constant 0 : i32
    %dma_start3A_302 = arith.constant 0 : i32
    %dma_start3A_303 = tpu.memref_slice %arg5[%dma_start3A_301, %dma_start3A_302] : memref<100000x64xf32, #tpu.memory_space<hbm>> -> memref<100000x64xf32, #tpu.memory_space<hbm>>
    tpu.enqueue_indirect_dma source(%dma_start3A_303 : memref<100000x64xf32, #tpu.memory_space<hbm>>) target(%dma_start3A_297 : memref<128x64xf32, #tpu.memory_space<vmem>>) offsets(%dma_start3A_300 : memref<128xi32, #tpu.memory_space<vmem>>) semaphore(%arg9 : memref<!tpu.dma_semaphore, #tpu.memory_space<semaphore_mem>>)
    %dma_start3A_304 = arith.constant 38 : i32
    %dma_start3A_305 = arith.constant 2 : i32
    %dma_start3A_306 = arith.constant 0 : i32
    %dma_start3A_307 = arith.constant 0 : i32
    %dma_start3A_308 = tpu.memref_slice %arg8[%dma_start3A_305, %dma_start3A_306, %dma_start3A_307] : memref<8x128x64xf32, #tpu.memory_space<vmem>> -> memref<1x128x64xf32, #tpu.memory_space<vmem>>
    %dma_start3A_309 = tpu.memref_squeeze %dma_start3A_308 : memref<1x128x64xf32, #tpu.memory_space<vmem>> -> memref<128x64xf32, #tpu.memory_space<vmem>>
    %dma_start3A_310 = arith.constant 0 : i32
    %dma_start3A_311 = tpu.memref_slice %arg7[%dma_start3A_304, %dma_start3A_310] : memref<48x128xi32, #tpu.memory_space<vmem>> -> memref<1x128xi32, #tpu.memory_space<vmem>>
    %dma_start3A_312 = tpu.memref_squeeze %dma_start3A_311 : memref<1x128xi32, #tpu.memory_space<vmem>> -> memref<128xi32, #tpu.memory_space<vmem>>
    %dma_start3A_313 = arith.constant 0 : i32
    %dma_start3A_314 = arith.constant 0 : i32
    %dma_start3A_315 = tpu.memref_slice %arg5[%dma_start3A_313, %dma_start3A_314] : memref<100000x64xf32, #tpu.memory_space<hbm>> -> memref<100000x64xf32, #tpu.memory_space<hbm>>
    tpu.enqueue_indirect_dma source(%dma_start3A_315 : memref<100000x64xf32, #tpu.memory_space<hbm>>) target(%dma_start3A_309 : memref<128x64xf32, #tpu.memory_space<vmem>>) offsets(%dma_start3A_312 : memref<128xi32, #tpu.memory_space<vmem>>) semaphore(%arg9 : memref<!tpu.dma_semaphore, #tpu.memory_space<semaphore_mem>>)
    %dma_start3A_316 = arith.constant 39 : i32
    %dma_start3A_317 = arith.constant 3 : i32
    %dma_start3A_318 = arith.constant 0 : i32
    %dma_start3A_319 = arith.constant 0 : i32
    %dma_start3A_320 = tpu.memref_slice %arg8[%dma_start3A_317, %dma_start3A_318, %dma_start3A_319] : memref<8x128x64xf32, #tpu.memory_space<vmem>> -> memref<1x128x64xf32, #tpu.memory_space<vmem>>
    %dma_start3A_321 = tpu.memref_squeeze %dma_start3A_320 : memref<1x128x64xf32, #tpu.memory_space<vmem>> -> memref<128x64xf32, #tpu.memory_space<vmem>>
    %dma_start3A_322 = arith.constant 0 : i32
    %dma_start3A_323 = tpu.memref_slice %arg7[%dma_start3A_316, %dma_start3A_322] : memref<48x128xi32, #tpu.memory_space<vmem>> -> memref<1x128xi32, #tpu.memory_space<vmem>>
    %dma_start3A_324 = tpu.memref_squeeze %dma_start3A_323 : memref<1x128xi32, #tpu.memory_space<vmem>> -> memref<128xi32, #tpu.memory_space<vmem>>
    %dma_start3A_325 = arith.constant 0 : i32
    %dma_start3A_326 = arith.constant 0 : i32
    %dma_start3A_327 = tpu.memref_slice %arg5[%dma_start3A_325, %dma_start3A_326] : memref<100000x64xf32, #tpu.memory_space<hbm>> -> memref<100000x64xf32, #tpu.memory_space<hbm>>
    tpu.enqueue_indirect_dma source(%dma_start3A_327 : memref<100000x64xf32, #tpu.memory_space<hbm>>) target(%dma_start3A_321 : memref<128x64xf32, #tpu.memory_space<vmem>>) offsets(%dma_start3A_324 : memref<128xi32, #tpu.memory_space<vmem>>) semaphore(%arg9 : memref<!tpu.dma_semaphore, #tpu.memory_space<semaphore_mem>>)
    %scan3A_328 = arith.constant 0 : i32
    %scan3A_329 = arith.constant 12 : i32
    %scan3A_330 = arith.addi %scan3A_328, %scan3A_329 : i32
    %scan3A_331 = arith.constant 1 : i32
    scf.for %scan3A_418 = %scan3A_328 to %scan3A_330 step %scan3A_331  : i32 {
      %mul3A_419 = arith.constant 1 : i32
      %mul3A_420 = arith.muli %scan3A_418, %mul3A_419 : i32
      %add3A_421 = arith.constant 0 : i32
      %add3A_422 = arith.addi %add3A_421, %mul3A_420 : i32
      %add3A_423 = arith.constant 36 : i32
      %add3A_424 = arith.addi %add3A_423, %add3A_422 : i32
      %rem3A_425 = arith.constant 8 : i32
      %rem3A_426 = arith.remsi %add3A_422, %rem3A_425 : i32
      %dma_wait3A_427 = arith.constant 0 : i32
      %dma_wait3A_428 = arith.constant 0 : i32
      %dma_wait3A_429 = arith.constant 0 : i32
      %dma_wait3A_430 = tpu.memref_slice %arg8[%rem3A_426, %dma_wait3A_428, %dma_wait3A_429] : memref<8x128x64xf32, #tpu.memory_space<vmem>> -> memref<1x128x64xf32, #tpu.memory_space<vmem>>
      %dma_wait3A_431 = tpu.memref_squeeze %dma_wait3A_430 : memref<1x128x64xf32, #tpu.memory_space<vmem>> -> memref<128x64xf32, #tpu.memory_space<vmem>>
      %dma_wait3A_432 = arith.constant 0 : i32
      %dma_wait3A_433 = tpu.memref_slice %arg7[%dma_wait3A_427, %dma_wait3A_432] : memref<48x128xi32, #tpu.memory_space<vmem>> -> memref<1x128xi32, #tpu.memory_space<vmem>>
      %dma_wait3A_434 = tpu.memref_squeeze %dma_wait3A_433 : memref<1x128xi32, #tpu.memory_space<vmem>> -> memref<128xi32, #tpu.memory_space<vmem>>
      %dma_wait3A_435 = arith.constant 0 : i32
      %dma_wait3A_436 = arith.constant 0 : i32
      %dma_wait3A_437 = tpu.memref_slice %arg5[%dma_wait3A_435, %dma_wait3A_436] : memref<100000x64xf32, #tpu.memory_space<hbm>> -> memref<100000x64xf32, #tpu.memory_space<hbm>>
      tpu.wait_indirect_dma semaphore(%arg9 : memref<!tpu.dma_semaphore, #tpu.memory_space<semaphore_mem>>) src(%dma_wait3A_437 : memref<100000x64xf32, #tpu.memory_space<hbm>>) dst(%dma_wait3A_431 : memref<128x64xf32, #tpu.memory_space<vmem>>)
      %div3A_438 = arith.constant 2 : i32
      %div3A_439 = arith.divsi %add3A_424, %div3A_438 : i32
      %rem3A_440 = arith.constant 2 : i32
      %rem3A_441 = arith.remsi %add3A_424, %rem3A_440 : i32
      %mul3A_442 = arith.constant 64 : i32
      %mul3A_443 = arith.muli %rem3A_441, %mul3A_442 : i32
      %dma_start3A_444 = arith.constant 0 : i32
      %dma_start3A_445 = arith.constant 0 : i32
      %dma_start3A_446 = tpu.memref_slice %arg8[%rem3A_426, %dma_start3A_444, %dma_start3A_445] : memref<8x128x64xf32, #tpu.memory_space<vmem>> -> memref<1x128x64xf32, #tpu.memory_space<vmem>>
      %dma_start3A_447 = tpu.memref_squeeze %dma_start3A_446 : memref<1x128x64xf32, #tpu.memory_space<vmem>> -> memref<128x64xf32, #tpu.memory_space<vmem>>
      %dma_start3A_448 = tpu.memref_slice %arg6[%div3A_439, %add3A_9, %mul3A_443] : memref<24x4096x128xf32, #tpu.memory_space<hbm>> -> memref<1x128x64xf32, #tpu.memory_space<hbm>>
      %dma_start3A_449 = tpu.memref_squeeze %dma_start3A_448 : memref<1x128x64xf32, #tpu.memory_space<hbm>> -> memref<128x64xf32, #tpu.memory_space<hbm>>
      %dma_start3A_450 = tpu.memref_slice %arg6[%div3A_439, %add3A_9, %mul3A_443] : memref<24x4096x128xf32, #tpu.memory_space<hbm>> -> memref<1x128x64xf32, #tpu.memory_space<hbm>>
      %dma_start3A_451 = tpu.memref_squeeze %dma_start3A_450 : memref<1x128x64xf32, #tpu.memory_space<hbm>> -> memref<128x64xf32, #tpu.memory_space<hbm>>
      %dma_start3A_452 = arith.constant 0 : i32
      %dma_start3A_453 = arith.constant 0 : i32
      %dma_start3A_454 = tpu.memref_slice %arg8[%rem3A_426, %dma_start3A_452, %dma_start3A_453] : memref<8x128x64xf32, #tpu.memory_space<vmem>> -> memref<1x128x64xf32, #tpu.memory_space<vmem>>
      %dma_start3A_455 = tpu.memref_squeeze %dma_start3A_454 : memref<1x128x64xf32, #tpu.memory_space<vmem>> -> memref<128x64xf32, #tpu.memory_space<vmem>>
      tpu.enqueue_dma source(%dma_start3A_455 : memref<128x64xf32, #tpu.memory_space<vmem>>) target(%dma_start3A_451 : memref<128x64xf32, #tpu.memory_space<hbm>>) target_semaphore(%arg10 : memref<!tpu.dma_semaphore, #tpu.memory_space<semaphore_mem>>)
      %ge3A = arith.constant 4 : i32
      %ge3A_456 = arith.cmpi sge, %add3A_422, %ge3A : i32
      %convert_element_type3A = arith.extui %ge3A_456 : i1 to i32
      %cond3A = arith.constant 0 : i32
      %cond3A_457 = arith.cmpi ne, %convert_element_type3A, %cond3A : i32
      scf.if %cond3A_457 {
        %div3A_462 = arith.constant 0 : i32
        %div3A_463 = arith.constant 2 : i32
        %div3A_464 = arith.divsi %div3A_462, %div3A_463 : i32
        %rem3A_465 = arith.constant 0 : i32
        %rem3A_466 = arith.constant 2 : i32
        %rem3A_467 = arith.remsi %rem3A_465, %rem3A_466 : i32
        %mul3A_468 = arith.constant 64 : i32
        %mul3A_469 = arith.muli %rem3A_467, %mul3A_468 : i32
        %dma_wait3A_470 = arith.constant 0 : i32
        %dma_wait3A_471 = arith.constant 0 : i32
        %dma_wait3A_472 = arith.constant 0 : i32
        %dma_wait3A_473 = tpu.memref_slice %arg8[%dma_wait3A_470, %dma_wait3A_471, %dma_wait3A_472] : memref<8x128x64xf32, #tpu.memory_space<vmem>> -> memref<1x128x64xf32, #tpu.memory_space<vmem>>
        %dma_wait3A_474 = tpu.memref_squeeze %dma_wait3A_473 : memref<1x128x64xf32, #tpu.memory_space<vmem>> -> memref<128x64xf32, #tpu.memory_space<vmem>>
        %dma_wait3A_475 = tpu.memref_slice %arg6[%div3A_464, %add3A_9, %mul3A_469] : memref<24x4096x128xf32, #tpu.memory_space<hbm>> -> memref<1x128x64xf32, #tpu.memory_space<hbm>>
        %dma_wait3A_476 = tpu.memref_squeeze %dma_wait3A_475 : memref<1x128x64xf32, #tpu.memory_space<hbm>> -> memref<128x64xf32, #tpu.memory_space<hbm>>
        %dma_wait3A_477 = tpu.memref_slice %arg6[%div3A_464, %add3A_9, %mul3A_469] : memref<24x4096x128xf32, #tpu.memory_space<hbm>> -> memref<1x128x64xf32, #tpu.memory_space<hbm>>
        %dma_wait3A_478 = tpu.memref_squeeze %dma_wait3A_477 : memref<1x128x64xf32, #tpu.memory_space<hbm>> -> memref<128x64xf32, #tpu.memory_space<hbm>>
        %dma_wait3A_479 = arith.constant 0 : i32
        %dma_wait3A_480 = arith.constant 0 : i32
        %dma_wait3A_481 = tpu.memref_slice %arg8[%dma_wait3A_470, %dma_wait3A_479, %dma_wait3A_480] : memref<8x128x64xf32, #tpu.memory_space<vmem>> -> memref<1x128x64xf32, #tpu.memory_space<vmem>>
        %dma_wait3A_482 = tpu.memref_squeeze %dma_wait3A_481 : memref<1x128x64xf32, #tpu.memory_space<vmem>> -> memref<128x64xf32, #tpu.memory_space<vmem>>
        tpu.wait_dma2 semaphore(%arg10 : memref<!tpu.dma_semaphore, #tpu.memory_space<semaphore_mem>>) src(%dma_wait3A_482 : memref<128x64xf32, #tpu.memory_space<vmem>>) dst(%dma_wait3A_478 : memref<128x64xf32, #tpu.memory_space<hbm>>)
      } else {
      }
      %lt3A = arith.constant 8 : i32
      %lt3A_458 = arith.cmpi slt, %add3A_422, %lt3A : i32
      %convert_element_type3A_459 = arith.extui %lt3A_458 : i1 to i32
      %cond3A_460 = arith.constant 0 : i32
      %cond3A_461 = arith.cmpi ne, %convert_element_type3A_459, %cond3A_460 : i32
      scf.if %cond3A_461 {
        %add3A_462 = arith.constant 4 : i32
        %add3A_463 = arith.addi %add3A_424, %add3A_462 : i32
        %add3A_464 = arith.constant 4 : i32
        %add3A_465 = arith.addi %add3A_422, %add3A_464 : i32
        %rem3A_466 = arith.constant 8 : i32
        %rem3A_467 = arith.remsi %add3A_465, %rem3A_466 : i32
        %dma_start3A_468 = arith.constant 0 : i32
        %dma_start3A_469 = arith.constant 0 : i32
        %dma_start3A_470 = tpu.memref_slice %arg8[%rem3A_467, %dma_start3A_468, %dma_start3A_469] : memref<8x128x64xf32, #tpu.memory_space<vmem>> -> memref<1x128x64xf32, #tpu.memory_space<vmem>>
        %dma_start3A_471 = tpu.memref_squeeze %dma_start3A_470 : memref<1x128x64xf32, #tpu.memory_space<vmem>> -> memref<128x64xf32, #tpu.memory_space<vmem>>
        %dma_start3A_472 = arith.constant 0 : i32
        %dma_start3A_473 = tpu.memref_slice %arg7[%add3A_463, %dma_start3A_472] : memref<48x128xi32, #tpu.memory_space<vmem>> -> memref<1x128xi32, #tpu.memory_space<vmem>>
        %dma_start3A_474 = tpu.memref_squeeze %dma_start3A_473 : memref<1x128xi32, #tpu.memory_space<vmem>> -> memref<128xi32, #tpu.memory_space<vmem>>
        %dma_start3A_475 = arith.constant 0 : i32
        %dma_start3A_476 = arith.constant 0 : i32
        %dma_start3A_477 = tpu.memref_slice %arg5[%dma_start3A_475, %dma_start3A_476] : memref<100000x64xf32, #tpu.memory_space<hbm>> -> memref<100000x64xf32, #tpu.memory_space<hbm>>
        tpu.enqueue_indirect_dma source(%dma_start3A_477 : memref<100000x64xf32, #tpu.memory_space<hbm>>) target(%dma_start3A_471 : memref<128x64xf32, #tpu.memory_space<vmem>>) offsets(%dma_start3A_474 : memref<128xi32, #tpu.memory_space<vmem>>) semaphore(%arg9 : memref<!tpu.dma_semaphore, #tpu.memory_space<semaphore_mem>>)
      } else {
      }
    }
    %scan3A_332 = arith.constant 12 : i32
    %div3A_333 = arith.constant 0 : i32
    %div3A_334 = arith.constant 2 : i32
    %div3A_335 = arith.divsi %div3A_333, %div3A_334 : i32
    %rem3A_336 = arith.constant 0 : i32
    %rem3A_337 = arith.constant 2 : i32
    %rem3A_338 = arith.remsi %rem3A_336, %rem3A_337 : i32
    %mul3A_339 = arith.constant 64 : i32
    %mul3A_340 = arith.muli %rem3A_338, %mul3A_339 : i32
    %dma_wait3A_341 = arith.constant 0 : i32
    %dma_wait3A_342 = arith.constant 0 : i32
    %dma_wait3A_343 = arith.constant 0 : i32
    %dma_wait3A_344 = tpu.memref_slice %arg8[%dma_wait3A_341, %dma_wait3A_342, %dma_wait3A_343] : memref<8x128x64xf32, #tpu.memory_space<vmem>> -> memref<1x128x64xf32, #tpu.memory_space<vmem>>
    %dma_wait3A_345 = tpu.memref_squeeze %dma_wait3A_344 : memref<1x128x64xf32, #tpu.memory_space<vmem>> -> memref<128x64xf32, #tpu.memory_space<vmem>>
    %dma_wait3A_346 = tpu.memref_slice %arg6[%div3A_335, %add3A_9, %mul3A_340] : memref<24x4096x128xf32, #tpu.memory_space<hbm>> -> memref<1x128x64xf32, #tpu.memory_space<hbm>>
    %dma_wait3A_347 = tpu.memref_squeeze %dma_wait3A_346 : memref<1x128x64xf32, #tpu.memory_space<hbm>> -> memref<128x64xf32, #tpu.memory_space<hbm>>
    %dma_wait3A_348 = tpu.memref_slice %arg6[%div3A_335, %add3A_9, %mul3A_340] : memref<24x4096x128xf32, #tpu.memory_space<hbm>> -> memref<1x128x64xf32, #tpu.memory_space<hbm>>
    %dma_wait3A_349 = tpu.memref_squeeze %dma_wait3A_348 : memref<1x128x64xf32, #tpu.memory_space<hbm>> -> memref<128x64xf32, #tpu.memory_space<hbm>>
    %dma_wait3A_350 = arith.constant 0 : i32
    %dma_wait3A_351 = arith.constant 0 : i32
    %dma_wait3A_352 = tpu.memref_slice %arg8[%dma_wait3A_341, %dma_wait3A_350, %dma_wait3A_351] : memref<8x128x64xf32, #tpu.memory_space<vmem>> -> memref<1x128x64xf32, #tpu.memory_space<vmem>>
    %dma_wait3A_353 = tpu.memref_squeeze %dma_wait3A_352 : memref<1x128x64xf32, #tpu.memory_space<vmem>> -> memref<128x64xf32, #tpu.memory_space<vmem>>
    tpu.wait_dma2 semaphore(%arg10 : memref<!tpu.dma_semaphore, #tpu.memory_space<semaphore_mem>>) src(%dma_wait3A_353 : memref<128x64xf32, #tpu.memory_space<vmem>>) dst(%dma_wait3A_349 : memref<128x64xf32, #tpu.memory_space<hbm>>)
    %div3A_354 = arith.constant 0 : i32
    %div3A_355 = arith.constant 2 : i32
    %div3A_356 = arith.divsi %div3A_354, %div3A_355 : i32
    %rem3A_357 = arith.constant 0 : i32
    %rem3A_358 = arith.constant 2 : i32
    %rem3A_359 = arith.remsi %rem3A_357, %rem3A_358 : i32
    %mul3A_360 = arith.constant 64 : i32
    %mul3A_361 = arith.muli %rem3A_359, %mul3A_360 : i32
    %dma_wait3A_362 = arith.constant 0 : i32
    %dma_wait3A_363 = arith.constant 0 : i32
    %dma_wait3A_364 = arith.constant 0 : i32
    %dma_wait3A_365 = tpu.memref_slice %arg8[%dma_wait3A_362, %dma_wait3A_363, %dma_wait3A_364] : memref<8x128x64xf32, #tpu.memory_space<vmem>> -> memref<1x128x64xf32, #tpu.memory_space<vmem>>
    %dma_wait3A_366 = tpu.memref_squeeze %dma_wait3A_365 : memref<1x128x64xf32, #tpu.memory_space<vmem>> -> memref<128x64xf32, #tpu.memory_space<vmem>>
    %dma_wait3A_367 = tpu.memref_slice %arg6[%div3A_356, %add3A_9, %mul3A_361] : memref<24x4096x128xf32, #tpu.memory_space<hbm>> -> memref<1x128x64xf32, #tpu.memory_space<hbm>>
    %dma_wait3A_368 = tpu.memref_squeeze %dma_wait3A_367 : memref<1x128x64xf32, #tpu.memory_space<hbm>> -> memref<128x64xf32, #tpu.memory_space<hbm>>
    %dma_wait3A_369 = tpu.memref_slice %arg6[%div3A_356, %add3A_9, %mul3A_361] : memref<24x4096x128xf32, #tpu.memory_space<hbm>> -> memref<1x128x64xf32, #tpu.memory_space<hbm>>
    %dma_wait3A_370 = tpu.memref_squeeze %dma_wait3A_369 : memref<1x128x64xf32, #tpu.memory_space<hbm>> -> memref<128x64xf32, #tpu.memory_space<hbm>>
    %dma_wait3A_371 = arith.constant 0 : i32
    %dma_wait3A_372 = arith.constant 0 : i32
    %dma_wait3A_373 = tpu.memref_slice %arg8[%dma_wait3A_362, %dma_wait3A_371, %dma_wait3A_372] : memref<8x128x64xf32, #tpu.memory_space<vmem>> -> memref<1x128x64xf32, #tpu.memory_space<vmem>>
    %dma_wait3A_374 = tpu.memref_squeeze %dma_wait3A_373 : memref<1x128x64xf32, #tpu.memory_space<vmem>> -> memref<128x64xf32, #tpu.memory_space<vmem>>
    tpu.wait_dma2 semaphore(%arg10 : memref<!tpu.dma_semaphore, #tpu.memory_space<semaphore_mem>>) src(%dma_wait3A_374 : memref<128x64xf32, #tpu.memory_space<vmem>>) dst(%dma_wait3A_370 : memref<128x64xf32, #tpu.memory_space<hbm>>)
    %div3A_375 = arith.constant 0 : i32
    %div3A_376 = arith.constant 2 : i32
    %div3A_377 = arith.divsi %div3A_375, %div3A_376 : i32
    %rem3A_378 = arith.constant 0 : i32
    %rem3A_379 = arith.constant 2 : i32
    %rem3A_380 = arith.remsi %rem3A_378, %rem3A_379 : i32
    %mul3A_381 = arith.constant 64 : i32
    %mul3A_382 = arith.muli %rem3A_380, %mul3A_381 : i32
    %dma_wait3A_383 = arith.constant 0 : i32
    %dma_wait3A_384 = arith.constant 0 : i32
    %dma_wait3A_385 = arith.constant 0 : i32
    %dma_wait3A_386 = tpu.memref_slice %arg8[%dma_wait3A_383, %dma_wait3A_384, %dma_wait3A_385] : memref<8x128x64xf32, #tpu.memory_space<vmem>> -> memref<1x128x64xf32, #tpu.memory_space<vmem>>
    %dma_wait3A_387 = tpu.memref_squeeze %dma_wait3A_386 : memref<1x128x64xf32, #tpu.memory_space<vmem>> -> memref<128x64xf32, #tpu.memory_space<vmem>>
    %dma_wait3A_388 = tpu.memref_slice %arg6[%div3A_377, %add3A_9, %mul3A_382] : memref<24x4096x128xf32, #tpu.memory_space<hbm>> -> memref<1x128x64xf32, #tpu.memory_space<hbm>>
    %dma_wait3A_389 = tpu.memref_squeeze %dma_wait3A_388 : memref<1x128x64xf32, #tpu.memory_space<hbm>> -> memref<128x64xf32, #tpu.memory_space<hbm>>
    %dma_wait3A_390 = tpu.memref_slice %arg6[%div3A_377, %add3A_9, %mul3A_382] : memref<24x4096x128xf32, #tpu.memory_space<hbm>> -> memref<1x128x64xf32, #tpu.memory_space<hbm>>
    %dma_wait3A_391 = tpu.memref_squeeze %dma_wait3A_390 : memref<1x128x64xf32, #tpu.memory_space<hbm>> -> memref<128x64xf32, #tpu.memory_space<hbm>>
    %dma_wait3A_392 = arith.constant 0 : i32
    %dma_wait3A_393 = arith.constant 0 : i32
    %dma_wait3A_394 = tpu.memref_slice %arg8[%dma_wait3A_383, %dma_wait3A_392, %dma_wait3A_393] : memref<8x128x64xf32, #tpu.memory_space<vmem>> -> memref<1x128x64xf32, #tpu.memory_space<vmem>>
    %dma_wait3A_395 = tpu.memref_squeeze %dma_wait3A_394 : memref<1x128x64xf32, #tpu.memory_space<vmem>> -> memref<128x64xf32, #tpu.memory_space<vmem>>
    tpu.wait_dma2 semaphore(%arg10 : memref<!tpu.dma_semaphore, #tpu.memory_space<semaphore_mem>>) src(%dma_wait3A_395 : memref<128x64xf32, #tpu.memory_space<vmem>>) dst(%dma_wait3A_391 : memref<128x64xf32, #tpu.memory_space<hbm>>)
    %div3A_396 = arith.constant 0 : i32
    %div3A_397 = arith.constant 2 : i32
    %div3A_398 = arith.divsi %div3A_396, %div3A_397 : i32
    %rem3A_399 = arith.constant 0 : i32
    %rem3A_400 = arith.constant 2 : i32
    %rem3A_401 = arith.remsi %rem3A_399, %rem3A_400 : i32
    %mul3A_402 = arith.constant 64 : i32
    %mul3A_403 = arith.muli %rem3A_401, %mul3A_402 : i32
    %dma_wait3A_404 = arith.constant 0 : i32
    %dma_wait3A_405 = arith.constant 0 : i32
    %dma_wait3A_406 = arith.constant 0 : i32
    %dma_wait3A_407 = tpu.memref_slice %arg8[%dma_wait3A_404, %dma_wait3A_405, %dma_wait3A_406] : memref<8x128x64xf32, #tpu.memory_space<vmem>> -> memref<1x128x64xf32, #tpu.memory_space<vmem>>
    %dma_wait3A_408 = tpu.memref_squeeze %dma_wait3A_407 : memref<1x128x64xf32, #tpu.memory_space<vmem>> -> memref<128x64xf32, #tpu.memory_space<vmem>>
    %dma_wait3A_409 = tpu.memref_slice %arg6[%div3A_398, %add3A_9, %mul3A_403] : memref<24x4096x128xf32, #tpu.memory_space<hbm>> -> memref<1x128x64xf32, #tpu.memory_space<hbm>>
    %dma_wait3A_410 = tpu.memref_squeeze %dma_wait3A_409 : memref<1x128x64xf32, #tpu.memory_space<hbm>> -> memref<128x64xf32, #tpu.memory_space<hbm>>
    %dma_wait3A_411 = tpu.memref_slice %arg6[%div3A_398, %add3A_9, %mul3A_403] : memref<24x4096x128xf32, #tpu.memory_space<hbm>> -> memref<1x128x64xf32, #tpu.memory_space<hbm>>
    %dma_wait3A_412 = tpu.memref_squeeze %dma_wait3A_411 : memref<1x128x64xf32, #tpu.memory_space<hbm>> -> memref<128x64xf32, #tpu.memory_space<hbm>>
    %dma_wait3A_413 = arith.constant 0 : i32
    %dma_wait3A_414 = arith.constant 0 : i32
    %dma_wait3A_415 = tpu.memref_slice %arg8[%dma_wait3A_404, %dma_wait3A_413, %dma_wait3A_414] : memref<8x128x64xf32, #tpu.memory_space<vmem>> -> memref<1x128x64xf32, #tpu.memory_space<vmem>>
    %dma_wait3A_416 = tpu.memref_squeeze %dma_wait3A_415 : memref<1x128x64xf32, #tpu.memory_space<vmem>> -> memref<128x64xf32, #tpu.memory_space<vmem>>
    tpu.wait_dma2 semaphore(%arg10 : memref<!tpu.dma_semaphore, #tpu.memory_space<semaphore_mem>>) src(%dma_wait3A_416 : memref<128x64xf32, #tpu.memory_space<vmem>>) dst(%dma_wait3A_412 : memref<128x64xf32, #tpu.memory_space<hbm>>)
    %scan3A_417 = arith.constant 1 : i32
    return
  }
}

#map = affine_map<(d0, d1) -> (0, 0)>
#map1 = affine_map<(d0, d1) -> (0, 0, 0)>
module attributes {stable_mosaic.version = 14 : i64} {
  func.func @_sc_gather(%arg0: i32, %arg1: i32, %arg2: memref<48x4096xi32, #tpu.memory_space<hbm>>, %arg3: memref<100000x64xf32, #tpu.memory_space<hbm>>, %arg4: memref<100000x64xf32, #tpu.memory_space<hbm>>, %arg5: memref<100000x64xf32, #tpu.memory_space<hbm>>, %arg6: memref<24x4096x128xf32, #tpu.memory_space<hbm>>, %arg7: memref<48x128xi32, #tpu.memory_space<vmem>>, %arg8: memref<8x128x64xf32, #tpu.memory_space<vmem>>, %arg9: memref<!tpu.dma_semaphore, #tpu.memory_space<semaphore_mem>>, %arg10: memref<!tpu.dma_semaphore, #tpu.memory_space<semaphore_mem>>) attributes {dimension_semantics = [#tpu.dimension_semantics<core_parallel>, #tpu.dimension_semantics<subcore_parallel>], iteration_bounds = array<i64: 2, 16>, scalar_prefetch = 0 : i64, scratch_operands = 4 : i64, tpu.core_type = #tpu.core_type<sc_vector_subcore>, window_params = [{transform_indices = #map}, {transform_indices = #map}, {transform_indices = #map}, {transform_indices = #map}, {transform_indices = #map1}]} {
    %mul3A = arith.constant 2 : i32
    %mul3A_0 = arith.muli %arg1, %mul3A : i32
    %add3A = arith.addi %mul3A_0, %arg0 : i32
    %mul3A_1 = arith.constant 128 : i32
    %mul3A_2 = arith.muli %add3A, %mul3A_1 : i32
    %scan3A = arith.constant 0 : i32
    %mul3A_3 = arith.constant 1 : i32
    %mul3A_4 = arith.muli %scan3A, %mul3A_3 : i32
    %add3A_5 = arith.constant 0 : i32
    %add3A_6 = arith.addi %add3A_5, %mul3A_4 : i32
    %mul3A_7 = arith.constant 128 : i32
    %mul3A_8 = arith.muli %add3A_6, %mul3A_7 : i32
    %add3A_9 = arith.addi %mul3A_2, %mul3A_8 : i32
    "tpu.region"() ({
      %run_scoped3A = tpu.sem_alloc : memref<!tpu.dma_semaphore, #tpu.memory_space<semaphore_mem>>
      %dma_start3A_418 = arith.constant 0 : i32
      %dma_start3A_419 = tpu.memref_slice %arg2[%dma_start3A_418, %add3A_9] : memref<48x4096xi32, #tpu.memory_space<hbm>> -> memref<48x128xi32, #tpu.memory_space<hbm>>
      %dma_start3A_420 = arith.constant 0 : i32
      %dma_start3A_421 = tpu.memref_slice %arg2[%dma_start3A_420, %add3A_9] : memref<48x4096xi32, #tpu.memory_space<hbm>> -> memref<48x128xi32, #tpu.memory_space<hbm>>
      tpu.enqueue_dma source(%dma_start3A_421 : memref<48x128xi32, #tpu.memory_space<hbm>>) target(%arg7 : memref<48x128xi32, #tpu.memory_space<vmem>>) target_semaphore(%run_scoped3A : memref<!tpu.dma_semaphore, #tpu.memory_space<semaphore_mem>>)
      %dma_wait3A_422 = arith.constant 0 : i32
      %dma_wait3A_423 = tpu.memref_slice %arg2[%dma_wait3A_422, %add3A_9] : memref<48x4096xi32, #tpu.memory_space<hbm>> -> memref<48x128xi32, #tpu.memory_space<hbm>>
      %dma_wait3A_424 = arith.constant 0 : i32
      %dma_wait3A_425 = tpu.memref_slice %arg2[%dma_wait3A_424, %add3A_9] : memref<48x4096xi32, #tpu.memory_space<hbm>> -> memref<48x128xi32, #tpu.memory_space<hbm>>
      tpu.wait_dma2 semaphore(%run_scoped3A : memref<!tpu.dma_semaphore, #tpu.memory_space<semaphore_mem>>) src(%dma_wait3A_425 : memref<48x128xi32, #tpu.memory_space<hbm>>) dst(%arg7 : memref<48x128xi32, #tpu.memory_space<vmem>>)
      tpu.yield
    }) : () -> ()
    %dma_start3A = arith.constant 0 : i32
    %dma_start3A_10 = arith.constant 0 : i32
    %dma_start3A_11 = arith.constant 0 : i32
    %dma_start3A_12 = arith.constant 0 : i32
    %dma_start3A_13 = tpu.memref_slice %arg8[%dma_start3A_10, %dma_start3A_11, %dma_start3A_12] : memref<8x128x64xf32, #tpu.memory_space<vmem>> -> memref<1x128x64xf32, #tpu.memory_space<vmem>>
    %dma_start3A_14 = tpu.memref_squeeze %dma_start3A_13 : memref<1x128x64xf32, #tpu.memory_space<vmem>> -> memref<128x64xf32, #tpu.memory_space<vmem>>
    %dma_start3A_15 = arith.constant 0 : i32
    %dma_start3A_16 = tpu.memref_slice %arg7[%dma_start3A, %dma_start3A_15] : memref<48x128xi32, #tpu.memory_space<vmem>> -> memref<1x128xi32, #tpu.memory_space<vmem>>
    %dma_start3A_17 = tpu.memref_squeeze %dma_start3A_16 : memref<1x128xi32, #tpu.memory_space<vmem>> -> memref<128xi32, #tpu.memory_space<vmem>>
    %dma_start3A_18 = arith.constant 0 : i32
    %dma_start3A_19 = arith.constant 0 : i32
    %dma_start3A_20 = tpu.memref_slice %arg3[%dma_start3A_18, %dma_start3A_19] : memref<100000x64xf32, #tpu.memory_space<hbm>> -> memref<100000x64xf32, #tpu.memory_space<hbm>>
    tpu.enqueue_indirect_dma source(%dma_start3A_20 : memref<100000x64xf32, #tpu.memory_space<hbm>>) target(%dma_start3A_14 : memref<128x64xf32, #tpu.memory_space<vmem>>) offsets(%dma_start3A_17 : memref<128xi32, #tpu.memory_space<vmem>>) semaphore(%arg9 : memref<!tpu.dma_semaphore, #tpu.memory_space<semaphore_mem>>)
    %dma_start3A_21 = arith.constant 1 : i32
    %dma_start3A_22 = arith.constant 1 : i32
    %dma_start3A_23 = arith.constant 0 : i32
    %dma_start3A_24 = arith.constant 0 : i32
    %dma_start3A_25 = tpu.memref_slice %arg8[%dma_start3A_22, %dma_start3A_23, %dma_start3A_24] : memref<8x128x64xf32, #tpu.memory_space<vmem>> -> memref<1x128x64xf32, #tpu.memory_space<vmem>>
    %dma_start3A_26 = tpu.memref_squeeze %dma_start3A_25 : memref<1x128x64xf32, #tpu.memory_space<vmem>> -> memref<128x64xf32, #tpu.memory_space<vmem>>
    %dma_start3A_27 = arith.constant 0 : i32
    %dma_start3A_28 = tpu.memref_slice %arg7[%dma_start3A_21, %dma_start3A_27] : memref<48x128xi32, #tpu.memory_space<vmem>> -> memref<1x128xi32, #tpu.memory_space<vmem>>
    %dma_start3A_29 = tpu.memref_squeeze %dma_start3A_28 : memref<1x128xi32, #tpu.memory_space<vmem>> -> memref<128xi32, #tpu.memory_space<vmem>>
    %dma_start3A_30 = arith.constant 0 : i32
    %dma_start3A_31 = arith.constant 0 : i32
    %dma_start3A_32 = tpu.memref_slice %arg3[%dma_start3A_30, %dma_start3A_31] : memref<100000x64xf32, #tpu.memory_space<hbm>> -> memref<100000x64xf32, #tpu.memory_space<hbm>>
    tpu.enqueue_indirect_dma source(%dma_start3A_32 : memref<100000x64xf32, #tpu.memory_space<hbm>>) target(%dma_start3A_26 : memref<128x64xf32, #tpu.memory_space<vmem>>) offsets(%dma_start3A_29 : memref<128xi32, #tpu.memory_space<vmem>>) semaphore(%arg9 : memref<!tpu.dma_semaphore, #tpu.memory_space<semaphore_mem>>)
    %dma_start3A_33 = arith.constant 2 : i32
    %dma_start3A_34 = arith.constant 2 : i32
    %dma_start3A_35 = arith.constant 0 : i32
    %dma_start3A_36 = arith.constant 0 : i32
    %dma_start3A_37 = tpu.memref_slice %arg8[%dma_start3A_34, %dma_start3A_35, %dma_start3A_36] : memref<8x128x64xf32, #tpu.memory_space<vmem>> -> memref<1x128x64xf32, #tpu.memory_space<vmem>>
    %dma_start3A_38 = tpu.memref_squeeze %dma_start3A_37 : memref<1x128x64xf32, #tpu.memory_space<vmem>> -> memref<128x64xf32, #tpu.memory_space<vmem>>
    %dma_start3A_39 = arith.constant 0 : i32
    %dma_start3A_40 = tpu.memref_slice %arg7[%dma_start3A_33, %dma_start3A_39] : memref<48x128xi32, #tpu.memory_space<vmem>> -> memref<1x128xi32, #tpu.memory_space<vmem>>
    %dma_start3A_41 = tpu.memref_squeeze %dma_start3A_40 : memref<1x128xi32, #tpu.memory_space<vmem>> -> memref<128xi32, #tpu.memory_space<vmem>>
    %dma_start3A_42 = arith.constant 0 : i32
    %dma_start3A_43 = arith.constant 0 : i32
    %dma_start3A_44 = tpu.memref_slice %arg3[%dma_start3A_42, %dma_start3A_43] : memref<100000x64xf32, #tpu.memory_space<hbm>> -> memref<100000x64xf32, #tpu.memory_space<hbm>>
    tpu.enqueue_indirect_dma source(%dma_start3A_44 : memref<100000x64xf32, #tpu.memory_space<hbm>>) target(%dma_start3A_38 : memref<128x64xf32, #tpu.memory_space<vmem>>) offsets(%dma_start3A_41 : memref<128xi32, #tpu.memory_space<vmem>>) semaphore(%arg9 : memref<!tpu.dma_semaphore, #tpu.memory_space<semaphore_mem>>)
    %dma_start3A_45 = arith.constant 3 : i32
    %dma_start3A_46 = arith.constant 3 : i32
    %dma_start3A_47 = arith.constant 0 : i32
    %dma_start3A_48 = arith.constant 0 : i32
    %dma_start3A_49 = tpu.memref_slice %arg8[%dma_start3A_46, %dma_start3A_47, %dma_start3A_48] : memref<8x128x64xf32, #tpu.memory_space<vmem>> -> memref<1x128x64xf32, #tpu.memory_space<vmem>>
    %dma_start3A_50 = tpu.memref_squeeze %dma_start3A_49 : memref<1x128x64xf32, #tpu.memory_space<vmem>> -> memref<128x64xf32, #tpu.memory_space<vmem>>
    %dma_start3A_51 = arith.constant 0 : i32
    %dma_start3A_52 = tpu.memref_slice %arg7[%dma_start3A_45, %dma_start3A_51] : memref<48x128xi32, #tpu.memory_space<vmem>> -> memref<1x128xi32, #tpu.memory_space<vmem>>
    %dma_start3A_53 = tpu.memref_squeeze %dma_start3A_52 : memref<1x128xi32, #tpu.memory_space<vmem>> -> memref<128xi32, #tpu.memory_space<vmem>>
    %dma_start3A_54 = arith.constant 0 : i32
    %dma_start3A_55 = arith.constant 0 : i32
    %dma_start3A_56 = tpu.memref_slice %arg3[%dma_start3A_54, %dma_start3A_55] : memref<100000x64xf32, #tpu.memory_space<hbm>> -> memref<100000x64xf32, #tpu.memory_space<hbm>>
    tpu.enqueue_indirect_dma source(%dma_start3A_56 : memref<100000x64xf32, #tpu.memory_space<hbm>>) target(%dma_start3A_50 : memref<128x64xf32, #tpu.memory_space<vmem>>) offsets(%dma_start3A_53 : memref<128xi32, #tpu.memory_space<vmem>>) semaphore(%arg9 : memref<!tpu.dma_semaphore, #tpu.memory_space<semaphore_mem>>)
    %scan3A_57 = arith.constant 0 : i32
    %scan3A_58 = arith.constant 18 : i32
    %scan3A_59 = arith.addi %scan3A_57, %scan3A_58 : i32
    %scan3A_60 = arith.constant 1 : i32
    scf.for %scan3A_418 = %scan3A_57 to %scan3A_59 step %scan3A_60  : i32 {
      %mul3A_419 = arith.constant 1 : i32
      %mul3A_420 = arith.muli %scan3A_418, %mul3A_419 : i32
      %add3A_421 = arith.constant 0 : i32
      %add3A_422 = arith.addi %add3A_421, %mul3A_420 : i32
      %add3A_423 = arith.constant 0 : i32
      %add3A_424 = arith.addi %add3A_423, %add3A_422 : i32
      %rem3A_425 = arith.constant 8 : i32
      %rem3A_426 = arith.remsi %add3A_422, %rem3A_425 : i32
      %dma_wait3A_427 = arith.constant 0 : i32
      %dma_wait3A_428 = arith.constant 0 : i32
      %dma_wait3A_429 = arith.constant 0 : i32
      %dma_wait3A_430 = tpu.memref_slice %arg8[%rem3A_426, %dma_wait3A_428, %dma_wait3A_429] : memref<8x128x64xf32, #tpu.memory_space<vmem>> -> memref<1x128x64xf32, #tpu.memory_space<vmem>>
      %dma_wait3A_431 = tpu.memref_squeeze %dma_wait3A_430 : memref<1x128x64xf32, #tpu.memory_space<vmem>> -> memref<128x64xf32, #tpu.memory_space<vmem>>
      %dma_wait3A_432 = arith.constant 0 : i32
      %dma_wait3A_433 = tpu.memref_slice %arg7[%dma_wait3A_427, %dma_wait3A_432] : memref<48x128xi32, #tpu.memory_space<vmem>> -> memref<1x128xi32, #tpu.memory_space<vmem>>
      %dma_wait3A_434 = tpu.memref_squeeze %dma_wait3A_433 : memref<1x128xi32, #tpu.memory_space<vmem>> -> memref<128xi32, #tpu.memory_space<vmem>>
      %dma_wait3A_435 = arith.constant 0 : i32
      %dma_wait3A_436 = arith.constant 0 : i32
      %dma_wait3A_437 = tpu.memref_slice %arg3[%dma_wait3A_435, %dma_wait3A_436] : memref<100000x64xf32, #tpu.memory_space<hbm>> -> memref<100000x64xf32, #tpu.memory_space<hbm>>
      tpu.wait_indirect_dma semaphore(%arg9 : memref<!tpu.dma_semaphore, #tpu.memory_space<semaphore_mem>>) src(%dma_wait3A_437 : memref<100000x64xf32, #tpu.memory_space<hbm>>) dst(%dma_wait3A_431 : memref<128x64xf32, #tpu.memory_space<vmem>>)
      %div3A_438 = arith.constant 2 : i32
      %div3A_439 = arith.divsi %add3A_424, %div3A_438 : i32
      %rem3A_440 = arith.constant 2 : i32
      %rem3A_441 = arith.remsi %add3A_424, %rem3A_440 : i32
      %mul3A_442 = arith.constant 64 : i32
      %mul3A_443 = arith.muli %rem3A_441, %mul3A_442 : i32
      %dma_start3A_444 = arith.constant 0 : i32
      %dma_start3A_445 = arith.constant 0 : i32
      %dma_start3A_446 = tpu.memref_slice %arg8[%rem3A_426, %dma_start3A_444, %dma_start3A_445] : memref<8x128x64xf32, #tpu.memory_space<vmem>> -> memref<1x128x64xf32, #tpu.memory_space<vmem>>
      %dma_start3A_447 = tpu.memref_squeeze %dma_start3A_446 : memref<1x128x64xf32, #tpu.memory_space<vmem>> -> memref<128x64xf32, #tpu.memory_space<vmem>>
      %dma_start3A_448 = tpu.memref_slice %arg6[%div3A_439, %add3A_9, %mul3A_443] : memref<24x4096x128xf32, #tpu.memory_space<hbm>> -> memref<1x128x64xf32, #tpu.memory_space<hbm>>
      %dma_start3A_449 = tpu.memref_squeeze %dma_start3A_448 : memref<1x128x64xf32, #tpu.memory_space<hbm>> -> memref<128x64xf32, #tpu.memory_space<hbm>>
      %dma_start3A_450 = tpu.memref_slice %arg6[%div3A_439, %add3A_9, %mul3A_443] : memref<24x4096x128xf32, #tpu.memory_space<hbm>> -> memref<1x128x64xf32, #tpu.memory_space<hbm>>
      %dma_start3A_451 = tpu.memref_squeeze %dma_start3A_450 : memref<1x128x64xf32, #tpu.memory_space<hbm>> -> memref<128x64xf32, #tpu.memory_space<hbm>>
      %dma_start3A_452 = arith.constant 0 : i32
      %dma_start3A_453 = arith.constant 0 : i32
      %dma_start3A_454 = tpu.memref_slice %arg8[%rem3A_426, %dma_start3A_452, %dma_start3A_453] : memref<8x128x64xf32, #tpu.memory_space<vmem>> -> memref<1x128x64xf32, #tpu.memory_space<vmem>>
      %dma_start3A_455 = tpu.memref_squeeze %dma_start3A_454 : memref<1x128x64xf32, #tpu.memory_space<vmem>> -> memref<128x64xf32, #tpu.memory_space<vmem>>
      tpu.enqueue_dma source(%dma_start3A_455 : memref<128x64xf32, #tpu.memory_space<vmem>>) target(%dma_start3A_451 : memref<128x64xf32, #tpu.memory_space<hbm>>) target_semaphore(%arg10 : memref<!tpu.dma_semaphore, #tpu.memory_space<semaphore_mem>>)
      %ge3A = arith.constant 4 : i32
      %ge3A_456 = arith.cmpi sge, %add3A_422, %ge3A : i32
      %convert_element_type3A = arith.extui %ge3A_456 : i1 to i32
      %cond3A = arith.constant 0 : i32
      %cond3A_457 = arith.cmpi ne, %convert_element_type3A, %cond3A : i32
      scf.if %cond3A_457 {
        %div3A_462 = arith.constant 0 : i32
        %div3A_463 = arith.constant 2 : i32
        %div3A_464 = arith.divsi %div3A_462, %div3A_463 : i32
        %rem3A_465 = arith.constant 0 : i32
        %rem3A_466 = arith.constant 2 : i32
        %rem3A_467 = arith.remsi %rem3A_465, %rem3A_466 : i32
        %mul3A_468 = arith.constant 64 : i32
        %mul3A_469 = arith.muli %rem3A_467, %mul3A_468 : i32
        %dma_wait3A_470 = arith.constant 0 : i32
        %dma_wait3A_471 = arith.constant 0 : i32
        %dma_wait3A_472 = arith.constant 0 : i32
        %dma_wait3A_473 = tpu.memref_slice %arg8[%dma_wait3A_470, %dma_wait3A_471, %dma_wait3A_472] : memref<8x128x64xf32, #tpu.memory_space<vmem>> -> memref<1x128x64xf32, #tpu.memory_space<vmem>>
        %dma_wait3A_474 = tpu.memref_squeeze %dma_wait3A_473 : memref<1x128x64xf32, #tpu.memory_space<vmem>> -> memref<128x64xf32, #tpu.memory_space<vmem>>
        %dma_wait3A_475 = tpu.memref_slice %arg6[%div3A_464, %add3A_9, %mul3A_469] : memref<24x4096x128xf32, #tpu.memory_space<hbm>> -> memref<1x128x64xf32, #tpu.memory_space<hbm>>
        %dma_wait3A_476 = tpu.memref_squeeze %dma_wait3A_475 : memref<1x128x64xf32, #tpu.memory_space<hbm>> -> memref<128x64xf32, #tpu.memory_space<hbm>>
        %dma_wait3A_477 = tpu.memref_slice %arg6[%div3A_464, %add3A_9, %mul3A_469] : memref<24x4096x128xf32, #tpu.memory_space<hbm>> -> memref<1x128x64xf32, #tpu.memory_space<hbm>>
        %dma_wait3A_478 = tpu.memref_squeeze %dma_wait3A_477 : memref<1x128x64xf32, #tpu.memory_space<hbm>> -> memref<128x64xf32, #tpu.memory_space<hbm>>
        %dma_wait3A_479 = arith.constant 0 : i32
        %dma_wait3A_480 = arith.constant 0 : i32
        %dma_wait3A_481 = tpu.memref_slice %arg8[%dma_wait3A_470, %dma_wait3A_479, %dma_wait3A_480] : memref<8x128x64xf32, #tpu.memory_space<vmem>> -> memref<1x128x64xf32, #tpu.memory_space<vmem>>
        %dma_wait3A_482 = tpu.memref_squeeze %dma_wait3A_481 : memref<1x128x64xf32, #tpu.memory_space<vmem>> -> memref<128x64xf32, #tpu.memory_space<vmem>>
        tpu.wait_dma2 semaphore(%arg10 : memref<!tpu.dma_semaphore, #tpu.memory_space<semaphore_mem>>) src(%dma_wait3A_482 : memref<128x64xf32, #tpu.memory_space<vmem>>) dst(%dma_wait3A_478 : memref<128x64xf32, #tpu.memory_space<hbm>>)
      } else {
      }
      %lt3A = arith.constant 14 : i32
      %lt3A_458 = arith.cmpi slt, %add3A_422, %lt3A : i32
      %convert_element_type3A_459 = arith.extui %lt3A_458 : i1 to i32
      %cond3A_460 = arith.constant 0 : i32
      %cond3A_461 = arith.cmpi ne, %convert_element_type3A_459, %cond3A_460 : i32
      scf.if %cond3A_461 {
        %add3A_462 = arith.constant 4 : i32
        %add3A_463 = arith.addi %add3A_424, %add3A_462 : i32
        %add3A_464 = arith.constant 4 : i32
        %add3A_465 = arith.addi %add3A_422, %add3A_464 : i32
        %rem3A_466 = arith.constant 8 : i32
        %rem3A_467 = arith.remsi %add3A_465, %rem3A_466 : i32
        %dma_start3A_468 = arith.constant 0 : i32
        %dma_start3A_469 = arith.constant 0 : i32
        %dma_start3A_470 = tpu.memref_slice %arg8[%rem3A_467, %dma_start3A_468, %dma_start3A_469] : memref<8x128x64xf32, #tpu.memory_space<vmem>> -> memref<1x128x64xf32, #tpu.memory_space<vmem>>
        %dma_start3A_471 = tpu.memref_squeeze %dma_start3A_470 : memref<1x128x64xf32, #tpu.memory_space<vmem>> -> memref<128x64xf32, #tpu.memory_space<vmem>>
        %dma_start3A_472 = arith.constant 0 : i32
        %dma_start3A_473 = tpu.memref_slice %arg7[%add3A_463, %dma_start3A_472] : memref<48x128xi32, #tpu.memory_space<vmem>> -> memref<1x128xi32, #tpu.memory_space<vmem>>
        %dma_start3A_474 = tpu.memref_squeeze %dma_start3A_473 : memref<1x128xi32, #tpu.memory_space<vmem>> -> memref<128xi32, #tpu.memory_space<vmem>>
        %dma_start3A_475 = arith.constant 0 : i32
        %dma_start3A_476 = arith.constant 0 : i32
        %dma_start3A_477 = tpu.memref_slice %arg3[%dma_start3A_475, %dma_start3A_476] : memref<100000x64xf32, #tpu.memory_space<hbm>> -> memref<100000x64xf32, #tpu.memory_space<hbm>>
        tpu.enqueue_indirect_dma source(%dma_start3A_477 : memref<100000x64xf32, #tpu.memory_space<hbm>>) target(%dma_start3A_471 : memref<128x64xf32, #tpu.memory_space<vmem>>) offsets(%dma_start3A_474 : memref<128xi32, #tpu.memory_space<vmem>>) semaphore(%arg9 : memref<!tpu.dma_semaphore, #tpu.memory_space<semaphore_mem>>)
      } else {
      }
    }
    %scan3A_61 = arith.constant 18 : i32
    %div3A = arith.constant 0 : i32
    %div3A_62 = arith.constant 2 : i32
    %div3A_63 = arith.divsi %div3A, %div3A_62 : i32
    %rem3A = arith.constant 0 : i32
    %rem3A_64 = arith.constant 2 : i32
    %rem3A_65 = arith.remsi %rem3A, %rem3A_64 : i32
    %mul3A_66 = arith.constant 64 : i32
    %mul3A_67 = arith.muli %rem3A_65, %mul3A_66 : i32
    %dma_wait3A = arith.constant 0 : i32
    %dma_wait3A_68 = arith.constant 0 : i32
    %dma_wait3A_69 = arith.constant 0 : i32
    %dma_wait3A_70 = tpu.memref_slice %arg8[%dma_wait3A, %dma_wait3A_68, %dma_wait3A_69] : memref<8x128x64xf32, #tpu.memory_space<vmem>> -> memref<1x128x64xf32, #tpu.memory_space<vmem>>
    %dma_wait3A_71 = tpu.memref_squeeze %dma_wait3A_70 : memref<1x128x64xf32, #tpu.memory_space<vmem>> -> memref<128x64xf32, #tpu.memory_space<vmem>>
    %dma_wait3A_72 = tpu.memref_slice %arg6[%div3A_63, %add3A_9, %mul3A_67] : memref<24x4096x128xf32, #tpu.memory_space<hbm>> -> memref<1x128x64xf32, #tpu.memory_space<hbm>>
    %dma_wait3A_73 = tpu.memref_squeeze %dma_wait3A_72 : memref<1x128x64xf32, #tpu.memory_space<hbm>> -> memref<128x64xf32, #tpu.memory_space<hbm>>
    %dma_wait3A_74 = tpu.memref_slice %arg6[%div3A_63, %add3A_9, %mul3A_67] : memref<24x4096x128xf32, #tpu.memory_space<hbm>> -> memref<1x128x64xf32, #tpu.memory_space<hbm>>
    %dma_wait3A_75 = tpu.memref_squeeze %dma_wait3A_74 : memref<1x128x64xf32, #tpu.memory_space<hbm>> -> memref<128x64xf32, #tpu.memory_space<hbm>>
    %dma_wait3A_76 = arith.constant 0 : i32
    %dma_wait3A_77 = arith.constant 0 : i32
    %dma_wait3A_78 = tpu.memref_slice %arg8[%dma_wait3A, %dma_wait3A_76, %dma_wait3A_77] : memref<8x128x64xf32, #tpu.memory_space<vmem>> -> memref<1x128x64xf32, #tpu.memory_space<vmem>>
    %dma_wait3A_79 = tpu.memref_squeeze %dma_wait3A_78 : memref<1x128x64xf32, #tpu.memory_space<vmem>> -> memref<128x64xf32, #tpu.memory_space<vmem>>
    tpu.wait_dma2 semaphore(%arg10 : memref<!tpu.dma_semaphore, #tpu.memory_space<semaphore_mem>>) src(%dma_wait3A_79 : memref<128x64xf32, #tpu.memory_space<vmem>>) dst(%dma_wait3A_75 : memref<128x64xf32, #tpu.memory_space<hbm>>)
    %div3A_80 = arith.constant 0 : i32
    %div3A_81 = arith.constant 2 : i32
    %div3A_82 = arith.divsi %div3A_80, %div3A_81 : i32
    %rem3A_83 = arith.constant 0 : i32
    %rem3A_84 = arith.constant 2 : i32
    %rem3A_85 = arith.remsi %rem3A_83, %rem3A_84 : i32
    %mul3A_86 = arith.constant 64 : i32
    %mul3A_87 = arith.muli %rem3A_85, %mul3A_86 : i32
    %dma_wait3A_88 = arith.constant 0 : i32
    %dma_wait3A_89 = arith.constant 0 : i32
    %dma_wait3A_90 = arith.constant 0 : i32
    %dma_wait3A_91 = tpu.memref_slice %arg8[%dma_wait3A_88, %dma_wait3A_89, %dma_wait3A_90] : memref<8x128x64xf32, #tpu.memory_space<vmem>> -> memref<1x128x64xf32, #tpu.memory_space<vmem>>
    %dma_wait3A_92 = tpu.memref_squeeze %dma_wait3A_91 : memref<1x128x64xf32, #tpu.memory_space<vmem>> -> memref<128x64xf32, #tpu.memory_space<vmem>>
    %dma_wait3A_93 = tpu.memref_slice %arg6[%div3A_82, %add3A_9, %mul3A_87] : memref<24x4096x128xf32, #tpu.memory_space<hbm>> -> memref<1x128x64xf32, #tpu.memory_space<hbm>>
    %dma_wait3A_94 = tpu.memref_squeeze %dma_wait3A_93 : memref<1x128x64xf32, #tpu.memory_space<hbm>> -> memref<128x64xf32, #tpu.memory_space<hbm>>
    %dma_wait3A_95 = tpu.memref_slice %arg6[%div3A_82, %add3A_9, %mul3A_87] : memref<24x4096x128xf32, #tpu.memory_space<hbm>> -> memref<1x128x64xf32, #tpu.memory_space<hbm>>
    %dma_wait3A_96 = tpu.memref_squeeze %dma_wait3A_95 : memref<1x128x64xf32, #tpu.memory_space<hbm>> -> memref<128x64xf32, #tpu.memory_space<hbm>>
    %dma_wait3A_97 = arith.constant 0 : i32
    %dma_wait3A_98 = arith.constant 0 : i32
    %dma_wait3A_99 = tpu.memref_slice %arg8[%dma_wait3A_88, %dma_wait3A_97, %dma_wait3A_98] : memref<8x128x64xf32, #tpu.memory_space<vmem>> -> memref<1x128x64xf32, #tpu.memory_space<vmem>>
    %dma_wait3A_100 = tpu.memref_squeeze %dma_wait3A_99 : memref<1x128x64xf32, #tpu.memory_space<vmem>> -> memref<128x64xf32, #tpu.memory_space<vmem>>
    tpu.wait_dma2 semaphore(%arg10 : memref<!tpu.dma_semaphore, #tpu.memory_space<semaphore_mem>>) src(%dma_wait3A_100 : memref<128x64xf32, #tpu.memory_space<vmem>>) dst(%dma_wait3A_96 : memref<128x64xf32, #tpu.memory_space<hbm>>)
    %div3A_101 = arith.constant 0 : i32
    %div3A_102 = arith.constant 2 : i32
    %div3A_103 = arith.divsi %div3A_101, %div3A_102 : i32
    %rem3A_104 = arith.constant 0 : i32
    %rem3A_105 = arith.constant 2 : i32
    %rem3A_106 = arith.remsi %rem3A_104, %rem3A_105 : i32
    %mul3A_107 = arith.constant 64 : i32
    %mul3A_108 = arith.muli %rem3A_106, %mul3A_107 : i32
    %dma_wait3A_109 = arith.constant 0 : i32
    %dma_wait3A_110 = arith.constant 0 : i32
    %dma_wait3A_111 = arith.constant 0 : i32
    %dma_wait3A_112 = tpu.memref_slice %arg8[%dma_wait3A_109, %dma_wait3A_110, %dma_wait3A_111] : memref<8x128x64xf32, #tpu.memory_space<vmem>> -> memref<1x128x64xf32, #tpu.memory_space<vmem>>
    %dma_wait3A_113 = tpu.memref_squeeze %dma_wait3A_112 : memref<1x128x64xf32, #tpu.memory_space<vmem>> -> memref<128x64xf32, #tpu.memory_space<vmem>>
    %dma_wait3A_114 = tpu.memref_slice %arg6[%div3A_103, %add3A_9, %mul3A_108] : memref<24x4096x128xf32, #tpu.memory_space<hbm>> -> memref<1x128x64xf32, #tpu.memory_space<hbm>>
    %dma_wait3A_115 = tpu.memref_squeeze %dma_wait3A_114 : memref<1x128x64xf32, #tpu.memory_space<hbm>> -> memref<128x64xf32, #tpu.memory_space<hbm>>
    %dma_wait3A_116 = tpu.memref_slice %arg6[%div3A_103, %add3A_9, %mul3A_108] : memref<24x4096x128xf32, #tpu.memory_space<hbm>> -> memref<1x128x64xf32, #tpu.memory_space<hbm>>
    %dma_wait3A_117 = tpu.memref_squeeze %dma_wait3A_116 : memref<1x128x64xf32, #tpu.memory_space<hbm>> -> memref<128x64xf32, #tpu.memory_space<hbm>>
    %dma_wait3A_118 = arith.constant 0 : i32
    %dma_wait3A_119 = arith.constant 0 : i32
    %dma_wait3A_120 = tpu.memref_slice %arg8[%dma_wait3A_109, %dma_wait3A_118, %dma_wait3A_119] : memref<8x128x64xf32, #tpu.memory_space<vmem>> -> memref<1x128x64xf32, #tpu.memory_space<vmem>>
    %dma_wait3A_121 = tpu.memref_squeeze %dma_wait3A_120 : memref<1x128x64xf32, #tpu.memory_space<vmem>> -> memref<128x64xf32, #tpu.memory_space<vmem>>
    tpu.wait_dma2 semaphore(%arg10 : memref<!tpu.dma_semaphore, #tpu.memory_space<semaphore_mem>>) src(%dma_wait3A_121 : memref<128x64xf32, #tpu.memory_space<vmem>>) dst(%dma_wait3A_117 : memref<128x64xf32, #tpu.memory_space<hbm>>)
    %div3A_122 = arith.constant 0 : i32
    %div3A_123 = arith.constant 2 : i32
    %div3A_124 = arith.divsi %div3A_122, %div3A_123 : i32
    %rem3A_125 = arith.constant 0 : i32
    %rem3A_126 = arith.constant 2 : i32
    %rem3A_127 = arith.remsi %rem3A_125, %rem3A_126 : i32
    %mul3A_128 = arith.constant 64 : i32
    %mul3A_129 = arith.muli %rem3A_127, %mul3A_128 : i32
    %dma_wait3A_130 = arith.constant 0 : i32
    %dma_wait3A_131 = arith.constant 0 : i32
    %dma_wait3A_132 = arith.constant 0 : i32
    %dma_wait3A_133 = tpu.memref_slice %arg8[%dma_wait3A_130, %dma_wait3A_131, %dma_wait3A_132] : memref<8x128x64xf32, #tpu.memory_space<vmem>> -> memref<1x128x64xf32, #tpu.memory_space<vmem>>
    %dma_wait3A_134 = tpu.memref_squeeze %dma_wait3A_133 : memref<1x128x64xf32, #tpu.memory_space<vmem>> -> memref<128x64xf32, #tpu.memory_space<vmem>>
    %dma_wait3A_135 = tpu.memref_slice %arg6[%div3A_124, %add3A_9, %mul3A_129] : memref<24x4096x128xf32, #tpu.memory_space<hbm>> -> memref<1x128x64xf32, #tpu.memory_space<hbm>>
    %dma_wait3A_136 = tpu.memref_squeeze %dma_wait3A_135 : memref<1x128x64xf32, #tpu.memory_space<hbm>> -> memref<128x64xf32, #tpu.memory_space<hbm>>
    %dma_wait3A_137 = tpu.memref_slice %arg6[%div3A_124, %add3A_9, %mul3A_129] : memref<24x4096x128xf32, #tpu.memory_space<hbm>> -> memref<1x128x64xf32, #tpu.memory_space<hbm>>
    %dma_wait3A_138 = tpu.memref_squeeze %dma_wait3A_137 : memref<1x128x64xf32, #tpu.memory_space<hbm>> -> memref<128x64xf32, #tpu.memory_space<hbm>>
    %dma_wait3A_139 = arith.constant 0 : i32
    %dma_wait3A_140 = arith.constant 0 : i32
    %dma_wait3A_141 = tpu.memref_slice %arg8[%dma_wait3A_130, %dma_wait3A_139, %dma_wait3A_140] : memref<8x128x64xf32, #tpu.memory_space<vmem>> -> memref<1x128x64xf32, #tpu.memory_space<vmem>>
    %dma_wait3A_142 = tpu.memref_squeeze %dma_wait3A_141 : memref<1x128x64xf32, #tpu.memory_space<vmem>> -> memref<128x64xf32, #tpu.memory_space<vmem>>
    tpu.wait_dma2 semaphore(%arg10 : memref<!tpu.dma_semaphore, #tpu.memory_space<semaphore_mem>>) src(%dma_wait3A_142 : memref<128x64xf32, #tpu.memory_space<vmem>>) dst(%dma_wait3A_138 : memref<128x64xf32, #tpu.memory_space<hbm>>)
    %dma_start3A_143 = arith.constant 18 : i32
    %dma_start3A_144 = arith.constant 0 : i32
    %dma_start3A_145 = arith.constant 0 : i32
    %dma_start3A_146 = arith.constant 0 : i32
    %dma_start3A_147 = tpu.memref_slice %arg8[%dma_start3A_144, %dma_start3A_145, %dma_start3A_146] : memref<8x128x64xf32, #tpu.memory_space<vmem>> -> memref<1x128x64xf32, #tpu.memory_space<vmem>>
    %dma_start3A_148 = tpu.memref_squeeze %dma_start3A_147 : memref<1x128x64xf32, #tpu.memory_space<vmem>> -> memref<128x64xf32, #tpu.memory_space<vmem>>
    %dma_start3A_149 = arith.constant 0 : i32
    %dma_start3A_150 = tpu.memref_slice %arg7[%dma_start3A_143, %dma_start3A_149] : memref<48x128xi32, #tpu.memory_space<vmem>> -> memref<1x128xi32, #tpu.memory_space<vmem>>
    %dma_start3A_151 = tpu.memref_squeeze %dma_start3A_150 : memref<1x128xi32, #tpu.memory_space<vmem>> -> memref<128xi32, #tpu.memory_space<vmem>>
    %dma_start3A_152 = arith.constant 0 : i32
    %dma_start3A_153 = arith.constant 0 : i32
    %dma_start3A_154 = tpu.memref_slice %arg4[%dma_start3A_152, %dma_start3A_153] : memref<100000x64xf32, #tpu.memory_space<hbm>> -> memref<100000x64xf32, #tpu.memory_space<hbm>>
    tpu.enqueue_indirect_dma source(%dma_start3A_154 : memref<100000x64xf32, #tpu.memory_space<hbm>>) target(%dma_start3A_148 : memref<128x64xf32, #tpu.memory_space<vmem>>) offsets(%dma_start3A_151 : memref<128xi32, #tpu.memory_space<vmem>>) semaphore(%arg9 : memref<!tpu.dma_semaphore, #tpu.memory_space<semaphore_mem>>)
    %dma_start3A_155 = arith.constant 19 : i32
    %dma_start3A_156 = arith.constant 1 : i32
    %dma_start3A_157 = arith.constant 0 : i32
    %dma_start3A_158 = arith.constant 0 : i32
    %dma_start3A_159 = tpu.memref_slice %arg8[%dma_start3A_156, %dma_start3A_157, %dma_start3A_158] : memref<8x128x64xf32, #tpu.memory_space<vmem>> -> memref<1x128x64xf32, #tpu.memory_space<vmem>>
    %dma_start3A_160 = tpu.memref_squeeze %dma_start3A_159 : memref<1x128x64xf32, #tpu.memory_space<vmem>> -> memref<128x64xf32, #tpu.memory_space<vmem>>
    %dma_start3A_161 = arith.constant 0 : i32
    %dma_start3A_162 = tpu.memref_slice %arg7[%dma_start3A_155, %dma_start3A_161] : memref<48x128xi32, #tpu.memory_space<vmem>> -> memref<1x128xi32, #tpu.memory_space<vmem>>
    %dma_start3A_163 = tpu.memref_squeeze %dma_start3A_162 : memref<1x128xi32, #tpu.memory_space<vmem>> -> memref<128xi32, #tpu.memory_space<vmem>>
    %dma_start3A_164 = arith.constant 0 : i32
    %dma_start3A_165 = arith.constant 0 : i32
    %dma_start3A_166 = tpu.memref_slice %arg4[%dma_start3A_164, %dma_start3A_165] : memref<100000x64xf32, #tpu.memory_space<hbm>> -> memref<100000x64xf32, #tpu.memory_space<hbm>>
    tpu.enqueue_indirect_dma source(%dma_start3A_166 : memref<100000x64xf32, #tpu.memory_space<hbm>>) target(%dma_start3A_160 : memref<128x64xf32, #tpu.memory_space<vmem>>) offsets(%dma_start3A_163 : memref<128xi32, #tpu.memory_space<vmem>>) semaphore(%arg9 : memref<!tpu.dma_semaphore, #tpu.memory_space<semaphore_mem>>)
    %dma_start3A_167 = arith.constant 20 : i32
    %dma_start3A_168 = arith.constant 2 : i32
    %dma_start3A_169 = arith.constant 0 : i32
    %dma_start3A_170 = arith.constant 0 : i32
    %dma_start3A_171 = tpu.memref_slice %arg8[%dma_start3A_168, %dma_start3A_169, %dma_start3A_170] : memref<8x128x64xf32, #tpu.memory_space<vmem>> -> memref<1x128x64xf32, #tpu.memory_space<vmem>>
    %dma_start3A_172 = tpu.memref_squeeze %dma_start3A_171 : memref<1x128x64xf32, #tpu.memory_space<vmem>> -> memref<128x64xf32, #tpu.memory_space<vmem>>
    %dma_start3A_173 = arith.constant 0 : i32
    %dma_start3A_174 = tpu.memref_slice %arg7[%dma_start3A_167, %dma_start3A_173] : memref<48x128xi32, #tpu.memory_space<vmem>> -> memref<1x128xi32, #tpu.memory_space<vmem>>
    %dma_start3A_175 = tpu.memref_squeeze %dma_start3A_174 : memref<1x128xi32, #tpu.memory_space<vmem>> -> memref<128xi32, #tpu.memory_space<vmem>>
    %dma_start3A_176 = arith.constant 0 : i32
    %dma_start3A_177 = arith.constant 0 : i32
    %dma_start3A_178 = tpu.memref_slice %arg4[%dma_start3A_176, %dma_start3A_177] : memref<100000x64xf32, #tpu.memory_space<hbm>> -> memref<100000x64xf32, #tpu.memory_space<hbm>>
    tpu.enqueue_indirect_dma source(%dma_start3A_178 : memref<100000x64xf32, #tpu.memory_space<hbm>>) target(%dma_start3A_172 : memref<128x64xf32, #tpu.memory_space<vmem>>) offsets(%dma_start3A_175 : memref<128xi32, #tpu.memory_space<vmem>>) semaphore(%arg9 : memref<!tpu.dma_semaphore, #tpu.memory_space<semaphore_mem>>)
    %dma_start3A_179 = arith.constant 21 : i32
    %dma_start3A_180 = arith.constant 3 : i32
    %dma_start3A_181 = arith.constant 0 : i32
    %dma_start3A_182 = arith.constant 0 : i32
    %dma_start3A_183 = tpu.memref_slice %arg8[%dma_start3A_180, %dma_start3A_181, %dma_start3A_182] : memref<8x128x64xf32, #tpu.memory_space<vmem>> -> memref<1x128x64xf32, #tpu.memory_space<vmem>>
    %dma_start3A_184 = tpu.memref_squeeze %dma_start3A_183 : memref<1x128x64xf32, #tpu.memory_space<vmem>> -> memref<128x64xf32, #tpu.memory_space<vmem>>
    %dma_start3A_185 = arith.constant 0 : i32
    %dma_start3A_186 = tpu.memref_slice %arg7[%dma_start3A_179, %dma_start3A_185] : memref<48x128xi32, #tpu.memory_space<vmem>> -> memref<1x128xi32, #tpu.memory_space<vmem>>
    %dma_start3A_187 = tpu.memref_squeeze %dma_start3A_186 : memref<1x128xi32, #tpu.memory_space<vmem>> -> memref<128xi32, #tpu.memory_space<vmem>>
    %dma_start3A_188 = arith.constant 0 : i32
    %dma_start3A_189 = arith.constant 0 : i32
    %dma_start3A_190 = tpu.memref_slice %arg4[%dma_start3A_188, %dma_start3A_189] : memref<100000x64xf32, #tpu.memory_space<hbm>> -> memref<100000x64xf32, #tpu.memory_space<hbm>>
    tpu.enqueue_indirect_dma source(%dma_start3A_190 : memref<100000x64xf32, #tpu.memory_space<hbm>>) target(%dma_start3A_184 : memref<128x64xf32, #tpu.memory_space<vmem>>) offsets(%dma_start3A_187 : memref<128xi32, #tpu.memory_space<vmem>>) semaphore(%arg9 : memref<!tpu.dma_semaphore, #tpu.memory_space<semaphore_mem>>)
    %scan3A_191 = arith.constant 0 : i32
    %scan3A_192 = arith.constant 18 : i32
    %scan3A_193 = arith.addi %scan3A_191, %scan3A_192 : i32
    %scan3A_194 = arith.constant 1 : i32
    scf.for %scan3A_418 = %scan3A_191 to %scan3A_193 step %scan3A_194  : i32 {
      %mul3A_419 = arith.constant 1 : i32
      %mul3A_420 = arith.muli %scan3A_418, %mul3A_419 : i32
      %add3A_421 = arith.constant 0 : i32
      %add3A_422 = arith.addi %add3A_421, %mul3A_420 : i32
      %add3A_423 = arith.constant 18 : i32
      %add3A_424 = arith.addi %add3A_423, %add3A_422 : i32
      %rem3A_425 = arith.constant 8 : i32
      %rem3A_426 = arith.remsi %add3A_422, %rem3A_425 : i32
      %dma_wait3A_427 = arith.constant 0 : i32
      %dma_wait3A_428 = arith.constant 0 : i32
      %dma_wait3A_429 = arith.constant 0 : i32
      %dma_wait3A_430 = tpu.memref_slice %arg8[%rem3A_426, %dma_wait3A_428, %dma_wait3A_429] : memref<8x128x64xf32, #tpu.memory_space<vmem>> -> memref<1x128x64xf32, #tpu.memory_space<vmem>>
      %dma_wait3A_431 = tpu.memref_squeeze %dma_wait3A_430 : memref<1x128x64xf32, #tpu.memory_space<vmem>> -> memref<128x64xf32, #tpu.memory_space<vmem>>
      %dma_wait3A_432 = arith.constant 0 : i32
      %dma_wait3A_433 = tpu.memref_slice %arg7[%dma_wait3A_427, %dma_wait3A_432] : memref<48x128xi32, #tpu.memory_space<vmem>> -> memref<1x128xi32, #tpu.memory_space<vmem>>
      %dma_wait3A_434 = tpu.memref_squeeze %dma_wait3A_433 : memref<1x128xi32, #tpu.memory_space<vmem>> -> memref<128xi32, #tpu.memory_space<vmem>>
      %dma_wait3A_435 = arith.constant 0 : i32
      %dma_wait3A_436 = arith.constant 0 : i32
      %dma_wait3A_437 = tpu.memref_slice %arg4[%dma_wait3A_435, %dma_wait3A_436] : memref<100000x64xf32, #tpu.memory_space<hbm>> -> memref<100000x64xf32, #tpu.memory_space<hbm>>
      tpu.wait_indirect_dma semaphore(%arg9 : memref<!tpu.dma_semaphore, #tpu.memory_space<semaphore_mem>>) src(%dma_wait3A_437 : memref<100000x64xf32, #tpu.memory_space<hbm>>) dst(%dma_wait3A_431 : memref<128x64xf32, #tpu.memory_space<vmem>>)
      %div3A_438 = arith.constant 2 : i32
      %div3A_439 = arith.divsi %add3A_424, %div3A_438 : i32
      %rem3A_440 = arith.constant 2 : i32
      %rem3A_441 = arith.remsi %add3A_424, %rem3A_440 : i32
      %mul3A_442 = arith.constant 64 : i32
      %mul3A_443 = arith.muli %rem3A_441, %mul3A_442 : i32
      %dma_start3A_444 = arith.constant 0 : i32
      %dma_start3A_445 = arith.constant 0 : i32
      %dma_start3A_446 = tpu.memref_slice %arg8[%rem3A_426, %dma_start3A_444, %dma_start3A_445] : memref<8x128x64xf32, #tpu.memory_space<vmem>> -> memref<1x128x64xf32, #tpu.memory_space<vmem>>
      %dma_start3A_447 = tpu.memref_squeeze %dma_start3A_446 : memref<1x128x64xf32, #tpu.memory_space<vmem>> -> memref<128x64xf32, #tpu.memory_space<vmem>>
      %dma_start3A_448 = tpu.memref_slice %arg6[%div3A_439, %add3A_9, %mul3A_443] : memref<24x4096x128xf32, #tpu.memory_space<hbm>> -> memref<1x128x64xf32, #tpu.memory_space<hbm>>
      %dma_start3A_449 = tpu.memref_squeeze %dma_start3A_448 : memref<1x128x64xf32, #tpu.memory_space<hbm>> -> memref<128x64xf32, #tpu.memory_space<hbm>>
      %dma_start3A_450 = tpu.memref_slice %arg6[%div3A_439, %add3A_9, %mul3A_443] : memref<24x4096x128xf32, #tpu.memory_space<hbm>> -> memref<1x128x64xf32, #tpu.memory_space<hbm>>
      %dma_start3A_451 = tpu.memref_squeeze %dma_start3A_450 : memref<1x128x64xf32, #tpu.memory_space<hbm>> -> memref<128x64xf32, #tpu.memory_space<hbm>>
      %dma_start3A_452 = arith.constant 0 : i32
      %dma_start3A_453 = arith.constant 0 : i32
      %dma_start3A_454 = tpu.memref_slice %arg8[%rem3A_426, %dma_start3A_452, %dma_start3A_453] : memref<8x128x64xf32, #tpu.memory_space<vmem>> -> memref<1x128x64xf32, #tpu.memory_space<vmem>>
      %dma_start3A_455 = tpu.memref_squeeze %dma_start3A_454 : memref<1x128x64xf32, #tpu.memory_space<vmem>> -> memref<128x64xf32, #tpu.memory_space<vmem>>
      tpu.enqueue_dma source(%dma_start3A_455 : memref<128x64xf32, #tpu.memory_space<vmem>>) target(%dma_start3A_451 : memref<128x64xf32, #tpu.memory_space<hbm>>) target_semaphore(%arg10 : memref<!tpu.dma_semaphore, #tpu.memory_space<semaphore_mem>>)
      %ge3A = arith.constant 4 : i32
      %ge3A_456 = arith.cmpi sge, %add3A_422, %ge3A : i32
      %convert_element_type3A = arith.extui %ge3A_456 : i1 to i32
      %cond3A = arith.constant 0 : i32
      %cond3A_457 = arith.cmpi ne, %convert_element_type3A, %cond3A : i32
      scf.if %cond3A_457 {
        %div3A_462 = arith.constant 0 : i32
        %div3A_463 = arith.constant 2 : i32
        %div3A_464 = arith.divsi %div3A_462, %div3A_463 : i32
        %rem3A_465 = arith.constant 0 : i32
        %rem3A_466 = arith.constant 2 : i32
        %rem3A_467 = arith.remsi %rem3A_465, %rem3A_466 : i32
        %mul3A_468 = arith.constant 64 : i32
        %mul3A_469 = arith.muli %rem3A_467, %mul3A_468 : i32
        %dma_wait3A_470 = arith.constant 0 : i32
        %dma_wait3A_471 = arith.constant 0 : i32
        %dma_wait3A_472 = arith.constant 0 : i32
        %dma_wait3A_473 = tpu.memref_slice %arg8[%dma_wait3A_470, %dma_wait3A_471, %dma_wait3A_472] : memref<8x128x64xf32, #tpu.memory_space<vmem>> -> memref<1x128x64xf32, #tpu.memory_space<vmem>>
        %dma_wait3A_474 = tpu.memref_squeeze %dma_wait3A_473 : memref<1x128x64xf32, #tpu.memory_space<vmem>> -> memref<128x64xf32, #tpu.memory_space<vmem>>
        %dma_wait3A_475 = tpu.memref_slice %arg6[%div3A_464, %add3A_9, %mul3A_469] : memref<24x4096x128xf32, #tpu.memory_space<hbm>> -> memref<1x128x64xf32, #tpu.memory_space<hbm>>
        %dma_wait3A_476 = tpu.memref_squeeze %dma_wait3A_475 : memref<1x128x64xf32, #tpu.memory_space<hbm>> -> memref<128x64xf32, #tpu.memory_space<hbm>>
        %dma_wait3A_477 = tpu.memref_slice %arg6[%div3A_464, %add3A_9, %mul3A_469] : memref<24x4096x128xf32, #tpu.memory_space<hbm>> -> memref<1x128x64xf32, #tpu.memory_space<hbm>>
        %dma_wait3A_478 = tpu.memref_squeeze %dma_wait3A_477 : memref<1x128x64xf32, #tpu.memory_space<hbm>> -> memref<128x64xf32, #tpu.memory_space<hbm>>
        %dma_wait3A_479 = arith.constant 0 : i32
        %dma_wait3A_480 = arith.constant 0 : i32
        %dma_wait3A_481 = tpu.memref_slice %arg8[%dma_wait3A_470, %dma_wait3A_479, %dma_wait3A_480] : memref<8x128x64xf32, #tpu.memory_space<vmem>> -> memref<1x128x64xf32, #tpu.memory_space<vmem>>
        %dma_wait3A_482 = tpu.memref_squeeze %dma_wait3A_481 : memref<1x128x64xf32, #tpu.memory_space<vmem>> -> memref<128x64xf32, #tpu.memory_space<vmem>>
        tpu.wait_dma2 semaphore(%arg10 : memref<!tpu.dma_semaphore, #tpu.memory_space<semaphore_mem>>) src(%dma_wait3A_482 : memref<128x64xf32, #tpu.memory_space<vmem>>) dst(%dma_wait3A_478 : memref<128x64xf32, #tpu.memory_space<hbm>>)
      } else {
      }
      %lt3A = arith.constant 14 : i32
      %lt3A_458 = arith.cmpi slt, %add3A_422, %lt3A : i32
      %convert_element_type3A_459 = arith.extui %lt3A_458 : i1 to i32
      %cond3A_460 = arith.constant 0 : i32
      %cond3A_461 = arith.cmpi ne, %convert_element_type3A_459, %cond3A_460 : i32
      scf.if %cond3A_461 {
        %add3A_462 = arith.constant 4 : i32
        %add3A_463 = arith.addi %add3A_424, %add3A_462 : i32
        %add3A_464 = arith.constant 4 : i32
        %add3A_465 = arith.addi %add3A_422, %add3A_464 : i32
        %rem3A_466 = arith.constant 8 : i32
        %rem3A_467 = arith.remsi %add3A_465, %rem3A_466 : i32
        %dma_start3A_468 = arith.constant 0 : i32
        %dma_start3A_469 = arith.constant 0 : i32
        %dma_start3A_470 = tpu.memref_slice %arg8[%rem3A_467, %dma_start3A_468, %dma_start3A_469] : memref<8x128x64xf32, #tpu.memory_space<vmem>> -> memref<1x128x64xf32, #tpu.memory_space<vmem>>
        %dma_start3A_471 = tpu.memref_squeeze %dma_start3A_470 : memref<1x128x64xf32, #tpu.memory_space<vmem>> -> memref<128x64xf32, #tpu.memory_space<vmem>>
        %dma_start3A_472 = arith.constant 0 : i32
        %dma_start3A_473 = tpu.memref_slice %arg7[%add3A_463, %dma_start3A_472] : memref<48x128xi32, #tpu.memory_space<vmem>> -> memref<1x128xi32, #tpu.memory_space<vmem>>
        %dma_start3A_474 = tpu.memref_squeeze %dma_start3A_473 : memref<1x128xi32, #tpu.memory_space<vmem>> -> memref<128xi32, #tpu.memory_space<vmem>>
        %dma_start3A_475 = arith.constant 0 : i32
        %dma_start3A_476 = arith.constant 0 : i32
        %dma_start3A_477 = tpu.memref_slice %arg4[%dma_start3A_475, %dma_start3A_476] : memref<100000x64xf32, #tpu.memory_space<hbm>> -> memref<100000x64xf32, #tpu.memory_space<hbm>>
        tpu.enqueue_indirect_dma source(%dma_start3A_477 : memref<100000x64xf32, #tpu.memory_space<hbm>>) target(%dma_start3A_471 : memref<128x64xf32, #tpu.memory_space<vmem>>) offsets(%dma_start3A_474 : memref<128xi32, #tpu.memory_space<vmem>>) semaphore(%arg9 : memref<!tpu.dma_semaphore, #tpu.memory_space<semaphore_mem>>)
      } else {
      }
    }
    %scan3A_195 = arith.constant 18 : i32
    %div3A_196 = arith.constant 0 : i32
    %div3A_197 = arith.constant 2 : i32
    %div3A_198 = arith.divsi %div3A_196, %div3A_197 : i32
    %rem3A_199 = arith.constant 0 : i32
    %rem3A_200 = arith.constant 2 : i32
    %rem3A_201 = arith.remsi %rem3A_199, %rem3A_200 : i32
    %mul3A_202 = arith.constant 64 : i32
    %mul3A_203 = arith.muli %rem3A_201, %mul3A_202 : i32
    %dma_wait3A_204 = arith.constant 0 : i32
    %dma_wait3A_205 = arith.constant 0 : i32
    %dma_wait3A_206 = arith.constant 0 : i32
    %dma_wait3A_207 = tpu.memref_slice %arg8[%dma_wait3A_204, %dma_wait3A_205, %dma_wait3A_206] : memref<8x128x64xf32, #tpu.memory_space<vmem>> -> memref<1x128x64xf32, #tpu.memory_space<vmem>>
    %dma_wait3A_208 = tpu.memref_squeeze %dma_wait3A_207 : memref<1x128x64xf32, #tpu.memory_space<vmem>> -> memref<128x64xf32, #tpu.memory_space<vmem>>
    %dma_wait3A_209 = tpu.memref_slice %arg6[%div3A_198, %add3A_9, %mul3A_203] : memref<24x4096x128xf32, #tpu.memory_space<hbm>> -> memref<1x128x64xf32, #tpu.memory_space<hbm>>
    %dma_wait3A_210 = tpu.memref_squeeze %dma_wait3A_209 : memref<1x128x64xf32, #tpu.memory_space<hbm>> -> memref<128x64xf32, #tpu.memory_space<hbm>>
    %dma_wait3A_211 = tpu.memref_slice %arg6[%div3A_198, %add3A_9, %mul3A_203] : memref<24x4096x128xf32, #tpu.memory_space<hbm>> -> memref<1x128x64xf32, #tpu.memory_space<hbm>>
    %dma_wait3A_212 = tpu.memref_squeeze %dma_wait3A_211 : memref<1x128x64xf32, #tpu.memory_space<hbm>> -> memref<128x64xf32, #tpu.memory_space<hbm>>
    %dma_wait3A_213 = arith.constant 0 : i32
    %dma_wait3A_214 = arith.constant 0 : i32
    %dma_wait3A_215 = tpu.memref_slice %arg8[%dma_wait3A_204, %dma_wait3A_213, %dma_wait3A_214] : memref<8x128x64xf32, #tpu.memory_space<vmem>> -> memref<1x128x64xf32, #tpu.memory_space<vmem>>
    %dma_wait3A_216 = tpu.memref_squeeze %dma_wait3A_215 : memref<1x128x64xf32, #tpu.memory_space<vmem>> -> memref<128x64xf32, #tpu.memory_space<vmem>>
    tpu.wait_dma2 semaphore(%arg10 : memref<!tpu.dma_semaphore, #tpu.memory_space<semaphore_mem>>) src(%dma_wait3A_216 : memref<128x64xf32, #tpu.memory_space<vmem>>) dst(%dma_wait3A_212 : memref<128x64xf32, #tpu.memory_space<hbm>>)
    %div3A_217 = arith.constant 0 : i32
    %div3A_218 = arith.constant 2 : i32
    %div3A_219 = arith.divsi %div3A_217, %div3A_218 : i32
    %rem3A_220 = arith.constant 0 : i32
    %rem3A_221 = arith.constant 2 : i32
    %rem3A_222 = arith.remsi %rem3A_220, %rem3A_221 : i32
    %mul3A_223 = arith.constant 64 : i32
    %mul3A_224 = arith.muli %rem3A_222, %mul3A_223 : i32
    %dma_wait3A_225 = arith.constant 0 : i32
    %dma_wait3A_226 = arith.constant 0 : i32
    %dma_wait3A_227 = arith.constant 0 : i32
    %dma_wait3A_228 = tpu.memref_slice %arg8[%dma_wait3A_225, %dma_wait3A_226, %dma_wait3A_227] : memref<8x128x64xf32, #tpu.memory_space<vmem>> -> memref<1x128x64xf32, #tpu.memory_space<vmem>>
    %dma_wait3A_229 = tpu.memref_squeeze %dma_wait3A_228 : memref<1x128x64xf32, #tpu.memory_space<vmem>> -> memref<128x64xf32, #tpu.memory_space<vmem>>
    %dma_wait3A_230 = tpu.memref_slice %arg6[%div3A_219, %add3A_9, %mul3A_224] : memref<24x4096x128xf32, #tpu.memory_space<hbm>> -> memref<1x128x64xf32, #tpu.memory_space<hbm>>
    %dma_wait3A_231 = tpu.memref_squeeze %dma_wait3A_230 : memref<1x128x64xf32, #tpu.memory_space<hbm>> -> memref<128x64xf32, #tpu.memory_space<hbm>>
    %dma_wait3A_232 = tpu.memref_slice %arg6[%div3A_219, %add3A_9, %mul3A_224] : memref<24x4096x128xf32, #tpu.memory_space<hbm>> -> memref<1x128x64xf32, #tpu.memory_space<hbm>>
    %dma_wait3A_233 = tpu.memref_squeeze %dma_wait3A_232 : memref<1x128x64xf32, #tpu.memory_space<hbm>> -> memref<128x64xf32, #tpu.memory_space<hbm>>
    %dma_wait3A_234 = arith.constant 0 : i32
    %dma_wait3A_235 = arith.constant 0 : i32
    %dma_wait3A_236 = tpu.memref_slice %arg8[%dma_wait3A_225, %dma_wait3A_234, %dma_wait3A_235] : memref<8x128x64xf32, #tpu.memory_space<vmem>> -> memref<1x128x64xf32, #tpu.memory_space<vmem>>
    %dma_wait3A_237 = tpu.memref_squeeze %dma_wait3A_236 : memref<1x128x64xf32, #tpu.memory_space<vmem>> -> memref<128x64xf32, #tpu.memory_space<vmem>>
    tpu.wait_dma2 semaphore(%arg10 : memref<!tpu.dma_semaphore, #tpu.memory_space<semaphore_mem>>) src(%dma_wait3A_237 : memref<128x64xf32, #tpu.memory_space<vmem>>) dst(%dma_wait3A_233 : memref<128x64xf32, #tpu.memory_space<hbm>>)
    %div3A_238 = arith.constant 0 : i32
    %div3A_239 = arith.constant 2 : i32
    %div3A_240 = arith.divsi %div3A_238, %div3A_239 : i32
    %rem3A_241 = arith.constant 0 : i32
    %rem3A_242 = arith.constant 2 : i32
    %rem3A_243 = arith.remsi %rem3A_241, %rem3A_242 : i32
    %mul3A_244 = arith.constant 64 : i32
    %mul3A_245 = arith.muli %rem3A_243, %mul3A_244 : i32
    %dma_wait3A_246 = arith.constant 0 : i32
    %dma_wait3A_247 = arith.constant 0 : i32
    %dma_wait3A_248 = arith.constant 0 : i32
    %dma_wait3A_249 = tpu.memref_slice %arg8[%dma_wait3A_246, %dma_wait3A_247, %dma_wait3A_248] : memref<8x128x64xf32, #tpu.memory_space<vmem>> -> memref<1x128x64xf32, #tpu.memory_space<vmem>>
    %dma_wait3A_250 = tpu.memref_squeeze %dma_wait3A_249 : memref<1x128x64xf32, #tpu.memory_space<vmem>> -> memref<128x64xf32, #tpu.memory_space<vmem>>
    %dma_wait3A_251 = tpu.memref_slice %arg6[%div3A_240, %add3A_9, %mul3A_245] : memref<24x4096x128xf32, #tpu.memory_space<hbm>> -> memref<1x128x64xf32, #tpu.memory_space<hbm>>
    %dma_wait3A_252 = tpu.memref_squeeze %dma_wait3A_251 : memref<1x128x64xf32, #tpu.memory_space<hbm>> -> memref<128x64xf32, #tpu.memory_space<hbm>>
    %dma_wait3A_253 = tpu.memref_slice %arg6[%div3A_240, %add3A_9, %mul3A_245] : memref<24x4096x128xf32, #tpu.memory_space<hbm>> -> memref<1x128x64xf32, #tpu.memory_space<hbm>>
    %dma_wait3A_254 = tpu.memref_squeeze %dma_wait3A_253 : memref<1x128x64xf32, #tpu.memory_space<hbm>> -> memref<128x64xf32, #tpu.memory_space<hbm>>
    %dma_wait3A_255 = arith.constant 0 : i32
    %dma_wait3A_256 = arith.constant 0 : i32
    %dma_wait3A_257 = tpu.memref_slice %arg8[%dma_wait3A_246, %dma_wait3A_255, %dma_wait3A_256] : memref<8x128x64xf32, #tpu.memory_space<vmem>> -> memref<1x128x64xf32, #tpu.memory_space<vmem>>
    %dma_wait3A_258 = tpu.memref_squeeze %dma_wait3A_257 : memref<1x128x64xf32, #tpu.memory_space<vmem>> -> memref<128x64xf32, #tpu.memory_space<vmem>>
    tpu.wait_dma2 semaphore(%arg10 : memref<!tpu.dma_semaphore, #tpu.memory_space<semaphore_mem>>) src(%dma_wait3A_258 : memref<128x64xf32, #tpu.memory_space<vmem>>) dst(%dma_wait3A_254 : memref<128x64xf32, #tpu.memory_space<hbm>>)
    %div3A_259 = arith.constant 0 : i32
    %div3A_260 = arith.constant 2 : i32
    %div3A_261 = arith.divsi %div3A_259, %div3A_260 : i32
    %rem3A_262 = arith.constant 0 : i32
    %rem3A_263 = arith.constant 2 : i32
    %rem3A_264 = arith.remsi %rem3A_262, %rem3A_263 : i32
    %mul3A_265 = arith.constant 64 : i32
    %mul3A_266 = arith.muli %rem3A_264, %mul3A_265 : i32
    %dma_wait3A_267 = arith.constant 0 : i32
    %dma_wait3A_268 = arith.constant 0 : i32
    %dma_wait3A_269 = arith.constant 0 : i32
    %dma_wait3A_270 = tpu.memref_slice %arg8[%dma_wait3A_267, %dma_wait3A_268, %dma_wait3A_269] : memref<8x128x64xf32, #tpu.memory_space<vmem>> -> memref<1x128x64xf32, #tpu.memory_space<vmem>>
    %dma_wait3A_271 = tpu.memref_squeeze %dma_wait3A_270 : memref<1x128x64xf32, #tpu.memory_space<vmem>> -> memref<128x64xf32, #tpu.memory_space<vmem>>
    %dma_wait3A_272 = tpu.memref_slice %arg6[%div3A_261, %add3A_9, %mul3A_266] : memref<24x4096x128xf32, #tpu.memory_space<hbm>> -> memref<1x128x64xf32, #tpu.memory_space<hbm>>
    %dma_wait3A_273 = tpu.memref_squeeze %dma_wait3A_272 : memref<1x128x64xf32, #tpu.memory_space<hbm>> -> memref<128x64xf32, #tpu.memory_space<hbm>>
    %dma_wait3A_274 = tpu.memref_slice %arg6[%div3A_261, %add3A_9, %mul3A_266] : memref<24x4096x128xf32, #tpu.memory_space<hbm>> -> memref<1x128x64xf32, #tpu.memory_space<hbm>>
    %dma_wait3A_275 = tpu.memref_squeeze %dma_wait3A_274 : memref<1x128x64xf32, #tpu.memory_space<hbm>> -> memref<128x64xf32, #tpu.memory_space<hbm>>
    %dma_wait3A_276 = arith.constant 0 : i32
    %dma_wait3A_277 = arith.constant 0 : i32
    %dma_wait3A_278 = tpu.memref_slice %arg8[%dma_wait3A_267, %dma_wait3A_276, %dma_wait3A_277] : memref<8x128x64xf32, #tpu.memory_space<vmem>> -> memref<1x128x64xf32, #tpu.memory_space<vmem>>
    %dma_wait3A_279 = tpu.memref_squeeze %dma_wait3A_278 : memref<1x128x64xf32, #tpu.memory_space<vmem>> -> memref<128x64xf32, #tpu.memory_space<vmem>>
    tpu.wait_dma2 semaphore(%arg10 : memref<!tpu.dma_semaphore, #tpu.memory_space<semaphore_mem>>) src(%dma_wait3A_279 : memref<128x64xf32, #tpu.memory_space<vmem>>) dst(%dma_wait3A_275 : memref<128x64xf32, #tpu.memory_space<hbm>>)
    %dma_start3A_280 = arith.constant 36 : i32
    %dma_start3A_281 = arith.constant 0 : i32
    %dma_start3A_282 = arith.constant 0 : i32
    %dma_start3A_283 = arith.constant 0 : i32
    %dma_start3A_284 = tpu.memref_slice %arg8[%dma_start3A_281, %dma_start3A_282, %dma_start3A_283] : memref<8x128x64xf32, #tpu.memory_space<vmem>> -> memref<1x128x64xf32, #tpu.memory_space<vmem>>
    %dma_start3A_285 = tpu.memref_squeeze %dma_start3A_284 : memref<1x128x64xf32, #tpu.memory_space<vmem>> -> memref<128x64xf32, #tpu.memory_space<vmem>>
    %dma_start3A_286 = arith.constant 0 : i32
    %dma_start3A_287 = tpu.memref_slice %arg7[%dma_start3A_280, %dma_start3A_286] : memref<48x128xi32, #tpu.memory_space<vmem>> -> memref<1x128xi32, #tpu.memory_space<vmem>>
    %dma_start3A_288 = tpu.memref_squeeze %dma_start3A_287 : memref<1x128xi32, #tpu.memory_space<vmem>> -> memref<128xi32, #tpu.memory_space<vmem>>
    %dma_start3A_289 = arith.constant 0 : i32
    %dma_start3A_290 = arith.constant 0 : i32
    %dma_start3A_291 = tpu.memref_slice %arg5[%dma_start3A_289, %dma_start3A_290] : memref<100000x64xf32, #tpu.memory_space<hbm>> -> memref<100000x64xf32, #tpu.memory_space<hbm>>
    tpu.enqueue_indirect_dma source(%dma_start3A_291 : memref<100000x64xf32, #tpu.memory_space<hbm>>) target(%dma_start3A_285 : memref<128x64xf32, #tpu.memory_space<vmem>>) offsets(%dma_start3A_288 : memref<128xi32, #tpu.memory_space<vmem>>) semaphore(%arg9 : memref<!tpu.dma_semaphore, #tpu.memory_space<semaphore_mem>>)
    %dma_start3A_292 = arith.constant 37 : i32
    %dma_start3A_293 = arith.constant 1 : i32
    %dma_start3A_294 = arith.constant 0 : i32
    %dma_start3A_295 = arith.constant 0 : i32
    %dma_start3A_296 = tpu.memref_slice %arg8[%dma_start3A_293, %dma_start3A_294, %dma_start3A_295] : memref<8x128x64xf32, #tpu.memory_space<vmem>> -> memref<1x128x64xf32, #tpu.memory_space<vmem>>
    %dma_start3A_297 = tpu.memref_squeeze %dma_start3A_296 : memref<1x128x64xf32, #tpu.memory_space<vmem>> -> memref<128x64xf32, #tpu.memory_space<vmem>>
    %dma_start3A_298 = arith.constant 0 : i32
    %dma_start3A_299 = tpu.memref_slice %arg7[%dma_start3A_292, %dma_start3A_298] : memref<48x128xi32, #tpu.memory_space<vmem>> -> memref<1x128xi32, #tpu.memory_space<vmem>>
    %dma_start3A_300 = tpu.memref_squeeze %dma_start3A_299 : memref<1x128xi32, #tpu.memory_space<vmem>> -> memref<128xi32, #tpu.memory_space<vmem>>
    %dma_start3A_301 = arith.constant 0 : i32
    %dma_start3A_302 = arith.constant 0 : i32
    %dma_start3A_303 = tpu.memref_slice %arg5[%dma_start3A_301, %dma_start3A_302] : memref<100000x64xf32, #tpu.memory_space<hbm>> -> memref<100000x64xf32, #tpu.memory_space<hbm>>
    tpu.enqueue_indirect_dma source(%dma_start3A_303 : memref<100000x64xf32, #tpu.memory_space<hbm>>) target(%dma_start3A_297 : memref<128x64xf32, #tpu.memory_space<vmem>>) offsets(%dma_start3A_300 : memref<128xi32, #tpu.memory_space<vmem>>) semaphore(%arg9 : memref<!tpu.dma_semaphore, #tpu.memory_space<semaphore_mem>>)
    %dma_start3A_304 = arith.constant 38 : i32
    %dma_start3A_305 = arith.constant 2 : i32
    %dma_start3A_306 = arith.constant 0 : i32
    %dma_start3A_307 = arith.constant 0 : i32
    %dma_start3A_308 = tpu.memref_slice %arg8[%dma_start3A_305, %dma_start3A_306, %dma_start3A_307] : memref<8x128x64xf32, #tpu.memory_space<vmem>> -> memref<1x128x64xf32, #tpu.memory_space<vmem>>
    %dma_start3A_309 = tpu.memref_squeeze %dma_start3A_308 : memref<1x128x64xf32, #tpu.memory_space<vmem>> -> memref<128x64xf32, #tpu.memory_space<vmem>>
    %dma_start3A_310 = arith.constant 0 : i32
    %dma_start3A_311 = tpu.memref_slice %arg7[%dma_start3A_304, %dma_start3A_310] : memref<48x128xi32, #tpu.memory_space<vmem>> -> memref<1x128xi32, #tpu.memory_space<vmem>>
    %dma_start3A_312 = tpu.memref_squeeze %dma_start3A_311 : memref<1x128xi32, #tpu.memory_space<vmem>> -> memref<128xi32, #tpu.memory_space<vmem>>
    %dma_start3A_313 = arith.constant 0 : i32
    %dma_start3A_314 = arith.constant 0 : i32
    %dma_start3A_315 = tpu.memref_slice %arg5[%dma_start3A_313, %dma_start3A_314] : memref<100000x64xf32, #tpu.memory_space<hbm>> -> memref<100000x64xf32, #tpu.memory_space<hbm>>
    tpu.enqueue_indirect_dma source(%dma_start3A_315 : memref<100000x64xf32, #tpu.memory_space<hbm>>) target(%dma_start3A_309 : memref<128x64xf32, #tpu.memory_space<vmem>>) offsets(%dma_start3A_312 : memref<128xi32, #tpu.memory_space<vmem>>) semaphore(%arg9 : memref<!tpu.dma_semaphore, #tpu.memory_space<semaphore_mem>>)
    %dma_start3A_316 = arith.constant 39 : i32
    %dma_start3A_317 = arith.constant 3 : i32
    %dma_start3A_318 = arith.constant 0 : i32
    %dma_start3A_319 = arith.constant 0 : i32
    %dma_start3A_320 = tpu.memref_slice %arg8[%dma_start3A_317, %dma_start3A_318, %dma_start3A_319] : memref<8x128x64xf32, #tpu.memory_space<vmem>> -> memref<1x128x64xf32, #tpu.memory_space<vmem>>
    %dma_start3A_321 = tpu.memref_squeeze %dma_start3A_320 : memref<1x128x64xf32, #tpu.memory_space<vmem>> -> memref<128x64xf32, #tpu.memory_space<vmem>>
    %dma_start3A_322 = arith.constant 0 : i32
    %dma_start3A_323 = tpu.memref_slice %arg7[%dma_start3A_316, %dma_start3A_322] : memref<48x128xi32, #tpu.memory_space<vmem>> -> memref<1x128xi32, #tpu.memory_space<vmem>>
    %dma_start3A_324 = tpu.memref_squeeze %dma_start3A_323 : memref<1x128xi32, #tpu.memory_space<vmem>> -> memref<128xi32, #tpu.memory_space<vmem>>
    %dma_start3A_325 = arith.constant 0 : i32
    %dma_start3A_326 = arith.constant 0 : i32
    %dma_start3A_327 = tpu.memref_slice %arg5[%dma_start3A_325, %dma_start3A_326] : memref<100000x64xf32, #tpu.memory_space<hbm>> -> memref<100000x64xf32, #tpu.memory_space<hbm>>
    tpu.enqueue_indirect_dma source(%dma_start3A_327 : memref<100000x64xf32, #tpu.memory_space<hbm>>) target(%dma_start3A_321 : memref<128x64xf32, #tpu.memory_space<vmem>>) offsets(%dma_start3A_324 : memref<128xi32, #tpu.memory_space<vmem>>) semaphore(%arg9 : memref<!tpu.dma_semaphore, #tpu.memory_space<semaphore_mem>>)
    %scan3A_328 = arith.constant 0 : i32
    %scan3A_329 = arith.constant 12 : i32
    %scan3A_330 = arith.addi %scan3A_328, %scan3A_329 : i32
    %scan3A_331 = arith.constant 1 : i32
    scf.for %scan3A_418 = %scan3A_328 to %scan3A_330 step %scan3A_331  : i32 {
      %mul3A_419 = arith.constant 1 : i32
      %mul3A_420 = arith.muli %scan3A_418, %mul3A_419 : i32
      %add3A_421 = arith.constant 0 : i32
      %add3A_422 = arith.addi %add3A_421, %mul3A_420 : i32
      %add3A_423 = arith.constant 36 : i32
      %add3A_424 = arith.addi %add3A_423, %add3A_422 : i32
      %rem3A_425 = arith.constant 8 : i32
      %rem3A_426 = arith.remsi %add3A_422, %rem3A_425 : i32
      %dma_wait3A_427 = arith.constant 0 : i32
      %dma_wait3A_428 = arith.constant 0 : i32
      %dma_wait3A_429 = arith.constant 0 : i32
      %dma_wait3A_430 = tpu.memref_slice %arg8[%rem3A_426, %dma_wait3A_428, %dma_wait3A_429] : memref<8x128x64xf32, #tpu.memory_space<vmem>> -> memref<1x128x64xf32, #tpu.memory_space<vmem>>
      %dma_wait3A_431 = tpu.memref_squeeze %dma_wait3A_430 : memref<1x128x64xf32, #tpu.memory_space<vmem>> -> memref<128x64xf32, #tpu.memory_space<vmem>>
      %dma_wait3A_432 = arith.constant 0 : i32
      %dma_wait3A_433 = tpu.memref_slice %arg7[%dma_wait3A_427, %dma_wait3A_432] : memref<48x128xi32, #tpu.memory_space<vmem>> -> memref<1x128xi32, #tpu.memory_space<vmem>>
      %dma_wait3A_434 = tpu.memref_squeeze %dma_wait3A_433 : memref<1x128xi32, #tpu.memory_space<vmem>> -> memref<128xi32, #tpu.memory_space<vmem>>
      %dma_wait3A_435 = arith.constant 0 : i32
      %dma_wait3A_436 = arith.constant 0 : i32
      %dma_wait3A_437 = tpu.memref_slice %arg5[%dma_wait3A_435, %dma_wait3A_436] : memref<100000x64xf32, #tpu.memory_space<hbm>> -> memref<100000x64xf32, #tpu.memory_space<hbm>>
      tpu.wait_indirect_dma semaphore(%arg9 : memref<!tpu.dma_semaphore, #tpu.memory_space<semaphore_mem>>) src(%dma_wait3A_437 : memref<100000x64xf32, #tpu.memory_space<hbm>>) dst(%dma_wait3A_431 : memref<128x64xf32, #tpu.memory_space<vmem>>)
      %div3A_438 = arith.constant 2 : i32
      %div3A_439 = arith.divsi %add3A_424, %div3A_438 : i32
      %rem3A_440 = arith.constant 2 : i32
      %rem3A_441 = arith.remsi %add3A_424, %rem3A_440 : i32
      %mul3A_442 = arith.constant 64 : i32
      %mul3A_443 = arith.muli %rem3A_441, %mul3A_442 : i32
      %dma_start3A_444 = arith.constant 0 : i32
      %dma_start3A_445 = arith.constant 0 : i32
      %dma_start3A_446 = tpu.memref_slice %arg8[%rem3A_426, %dma_start3A_444, %dma_start3A_445] : memref<8x128x64xf32, #tpu.memory_space<vmem>> -> memref<1x128x64xf32, #tpu.memory_space<vmem>>
      %dma_start3A_447 = tpu.memref_squeeze %dma_start3A_446 : memref<1x128x64xf32, #tpu.memory_space<vmem>> -> memref<128x64xf32, #tpu.memory_space<vmem>>
      %dma_start3A_448 = tpu.memref_slice %arg6[%div3A_439, %add3A_9, %mul3A_443] : memref<24x4096x128xf32, #tpu.memory_space<hbm>> -> memref<1x128x64xf32, #tpu.memory_space<hbm>>
      %dma_start3A_449 = tpu.memref_squeeze %dma_start3A_448 : memref<1x128x64xf32, #tpu.memory_space<hbm>> -> memref<128x64xf32, #tpu.memory_space<hbm>>
      %dma_start3A_450 = tpu.memref_slice %arg6[%div3A_439, %add3A_9, %mul3A_443] : memref<24x4096x128xf32, #tpu.memory_space<hbm>> -> memref<1x128x64xf32, #tpu.memory_space<hbm>>
      %dma_start3A_451 = tpu.memref_squeeze %dma_start3A_450 : memref<1x128x64xf32, #tpu.memory_space<hbm>> -> memref<128x64xf32, #tpu.memory_space<hbm>>
      %dma_start3A_452 = arith.constant 0 : i32
      %dma_start3A_453 = arith.constant 0 : i32
      %dma_start3A_454 = tpu.memref_slice %arg8[%rem3A_426, %dma_start3A_452, %dma_start3A_453] : memref<8x128x64xf32, #tpu.memory_space<vmem>> -> memref<1x128x64xf32, #tpu.memory_space<vmem>>
      %dma_start3A_455 = tpu.memref_squeeze %dma_start3A_454 : memref<1x128x64xf32, #tpu.memory_space<vmem>> -> memref<128x64xf32, #tpu.memory_space<vmem>>
      tpu.enqueue_dma source(%dma_start3A_455 : memref<128x64xf32, #tpu.memory_space<vmem>>) target(%dma_start3A_451 : memref<128x64xf32, #tpu.memory_space<hbm>>) target_semaphore(%arg10 : memref<!tpu.dma_semaphore, #tpu.memory_space<semaphore_mem>>)
      %ge3A = arith.constant 4 : i32
      %ge3A_456 = arith.cmpi sge, %add3A_422, %ge3A : i32
      %convert_element_type3A = arith.extui %ge3A_456 : i1 to i32
      %cond3A = arith.constant 0 : i32
      %cond3A_457 = arith.cmpi ne, %convert_element_type3A, %cond3A : i32
      scf.if %cond3A_457 {
        %div3A_462 = arith.constant 0 : i32
        %div3A_463 = arith.constant 2 : i32
        %div3A_464 = arith.divsi %div3A_462, %div3A_463 : i32
        %rem3A_465 = arith.constant 0 : i32
        %rem3A_466 = arith.constant 2 : i32
        %rem3A_467 = arith.remsi %rem3A_465, %rem3A_466 : i32
        %mul3A_468 = arith.constant 64 : i32
        %mul3A_469 = arith.muli %rem3A_467, %mul3A_468 : i32
        %dma_wait3A_470 = arith.constant 0 : i32
        %dma_wait3A_471 = arith.constant 0 : i32
        %dma_wait3A_472 = arith.constant 0 : i32
        %dma_wait3A_473 = tpu.memref_slice %arg8[%dma_wait3A_470, %dma_wait3A_471, %dma_wait3A_472] : memref<8x128x64xf32, #tpu.memory_space<vmem>> -> memref<1x128x64xf32, #tpu.memory_space<vmem>>
        %dma_wait3A_474 = tpu.memref_squeeze %dma_wait3A_473 : memref<1x128x64xf32, #tpu.memory_space<vmem>> -> memref<128x64xf32, #tpu.memory_space<vmem>>
        %dma_wait3A_475 = tpu.memref_slice %arg6[%div3A_464, %add3A_9, %mul3A_469] : memref<24x4096x128xf32, #tpu.memory_space<hbm>> -> memref<1x128x64xf32, #tpu.memory_space<hbm>>
        %dma_wait3A_476 = tpu.memref_squeeze %dma_wait3A_475 : memref<1x128x64xf32, #tpu.memory_space<hbm>> -> memref<128x64xf32, #tpu.memory_space<hbm>>
        %dma_wait3A_477 = tpu.memref_slice %arg6[%div3A_464, %add3A_9, %mul3A_469] : memref<24x4096x128xf32, #tpu.memory_space<hbm>> -> memref<1x128x64xf32, #tpu.memory_space<hbm>>
        %dma_wait3A_478 = tpu.memref_squeeze %dma_wait3A_477 : memref<1x128x64xf32, #tpu.memory_space<hbm>> -> memref<128x64xf32, #tpu.memory_space<hbm>>
        %dma_wait3A_479 = arith.constant 0 : i32
        %dma_wait3A_480 = arith.constant 0 : i32
        %dma_wait3A_481 = tpu.memref_slice %arg8[%dma_wait3A_470, %dma_wait3A_479, %dma_wait3A_480] : memref<8x128x64xf32, #tpu.memory_space<vmem>> -> memref<1x128x64xf32, #tpu.memory_space<vmem>>
        %dma_wait3A_482 = tpu.memref_squeeze %dma_wait3A_481 : memref<1x128x64xf32, #tpu.memory_space<vmem>> -> memref<128x64xf32, #tpu.memory_space<vmem>>
        tpu.wait_dma2 semaphore(%arg10 : memref<!tpu.dma_semaphore, #tpu.memory_space<semaphore_mem>>) src(%dma_wait3A_482 : memref<128x64xf32, #tpu.memory_space<vmem>>) dst(%dma_wait3A_478 : memref<128x64xf32, #tpu.memory_space<hbm>>)
      } else {
      }
      %lt3A = arith.constant 8 : i32
      %lt3A_458 = arith.cmpi slt, %add3A_422, %lt3A : i32
      %convert_element_type3A_459 = arith.extui %lt3A_458 : i1 to i32
      %cond3A_460 = arith.constant 0 : i32
      %cond3A_461 = arith.cmpi ne, %convert_element_type3A_459, %cond3A_460 : i32
      scf.if %cond3A_461 {
        %add3A_462 = arith.constant 4 : i32
        %add3A_463 = arith.addi %add3A_424, %add3A_462 : i32
        %add3A_464 = arith.constant 4 : i32
        %add3A_465 = arith.addi %add3A_422, %add3A_464 : i32
        %rem3A_466 = arith.constant 8 : i32
        %rem3A_467 = arith.remsi %add3A_465, %rem3A_466 : i32
        %dma_start3A_468 = arith.constant 0 : i32
        %dma_start3A_469 = arith.constant 0 : i32
        %dma_start3A_470 = tpu.memref_slice %arg8[%rem3A_467, %dma_start3A_468, %dma_start3A_469] : memref<8x128x64xf32, #tpu.memory_space<vmem>> -> memref<1x128x64xf32, #tpu.memory_space<vmem>>
        %dma_start3A_471 = tpu.memref_squeeze %dma_start3A_470 : memref<1x128x64xf32, #tpu.memory_space<vmem>> -> memref<128x64xf32, #tpu.memory_space<vmem>>
        %dma_start3A_472 = arith.constant 0 : i32
        %dma_start3A_473 = tpu.memref_slice %arg7[%add3A_463, %dma_start3A_472] : memref<48x128xi32, #tpu.memory_space<vmem>> -> memref<1x128xi32, #tpu.memory_space<vmem>>
        %dma_start3A_474 = tpu.memref_squeeze %dma_start3A_473 : memref<1x128xi32, #tpu.memory_space<vmem>> -> memref<128xi32, #tpu.memory_space<vmem>>
        %dma_start3A_475 = arith.constant 0 : i32
        %dma_start3A_476 = arith.constant 0 : i32
        %dma_start3A_477 = tpu.memref_slice %arg5[%dma_start3A_475, %dma_start3A_476] : memref<100000x64xf32, #tpu.memory_space<hbm>> -> memref<100000x64xf32, #tpu.memory_space<hbm>>
        tpu.enqueue_indirect_dma source(%dma_start3A_477 : memref<100000x64xf32, #tpu.memory_space<hbm>>) target(%dma_start3A_471 : memref<128x64xf32, #tpu.memory_space<vmem>>) offsets(%dma_start3A_474 : memref<128xi32, #tpu.memory_space<vmem>>) semaphore(%arg9 : memref<!tpu.dma_semaphore, #tpu.memory_space<semaphore_mem>>)
      } else {
      }
    }
    %scan3A_332 = arith.constant 12 : i32
    %div3A_333 = arith.constant 0 : i32
    %div3A_334 = arith.constant 2 : i32
    %div3A_335 = arith.divsi %div3A_333, %div3A_334 : i32
    %rem3A_336 = arith.constant 0 : i32
    %rem3A_337 = arith.constant 2 : i32
    %rem3A_338 = arith.remsi %rem3A_336, %rem3A_337 : i32
    %mul3A_339 = arith.constant 64 : i32
    %mul3A_340 = arith.muli %rem3A_338, %mul3A_339 : i32
    %dma_wait3A_341 = arith.constant 0 : i32
    %dma_wait3A_342 = arith.constant 0 : i32
    %dma_wait3A_343 = arith.constant 0 : i32
    %dma_wait3A_344 = tpu.memref_slice %arg8[%dma_wait3A_341, %dma_wait3A_342, %dma_wait3A_343] : memref<8x128x64xf32, #tpu.memory_space<vmem>> -> memref<1x128x64xf32, #tpu.memory_space<vmem>>
    %dma_wait3A_345 = tpu.memref_squeeze %dma_wait3A_344 : memref<1x128x64xf32, #tpu.memory_space<vmem>> -> memref<128x64xf32, #tpu.memory_space<vmem>>
    %dma_wait3A_346 = tpu.memref_slice %arg6[%div3A_335, %add3A_9, %mul3A_340] : memref<24x4096x128xf32, #tpu.memory_space<hbm>> -> memref<1x128x64xf32, #tpu.memory_space<hbm>>
    %dma_wait3A_347 = tpu.memref_squeeze %dma_wait3A_346 : memref<1x128x64xf32, #tpu.memory_space<hbm>> -> memref<128x64xf32, #tpu.memory_space<hbm>>
    %dma_wait3A_348 = tpu.memref_slice %arg6[%div3A_335, %add3A_9, %mul3A_340] : memref<24x4096x128xf32, #tpu.memory_space<hbm>> -> memref<1x128x64xf32, #tpu.memory_space<hbm>>
    %dma_wait3A_349 = tpu.memref_squeeze %dma_wait3A_348 : memref<1x128x64xf32, #tpu.memory_space<hbm>> -> memref<128x64xf32, #tpu.memory_space<hbm>>
    %dma_wait3A_350 = arith.constant 0 : i32
    %dma_wait3A_351 = arith.constant 0 : i32
    %dma_wait3A_352 = tpu.memref_slice %arg8[%dma_wait3A_341, %dma_wait3A_350, %dma_wait3A_351] : memref<8x128x64xf32, #tpu.memory_space<vmem>> -> memref<1x128x64xf32, #tpu.memory_space<vmem>>
    %dma_wait3A_353 = tpu.memref_squeeze %dma_wait3A_352 : memref<1x128x64xf32, #tpu.memory_space<vmem>> -> memref<128x64xf32, #tpu.memory_space<vmem>>
    tpu.wait_dma2 semaphore(%arg10 : memref<!tpu.dma_semaphore, #tpu.memory_space<semaphore_mem>>) src(%dma_wait3A_353 : memref<128x64xf32, #tpu.memory_space<vmem>>) dst(%dma_wait3A_349 : memref<128x64xf32, #tpu.memory_space<hbm>>)
    %div3A_354 = arith.constant 0 : i32
    %div3A_355 = arith.constant 2 : i32
    %div3A_356 = arith.divsi %div3A_354, %div3A_355 : i32
    %rem3A_357 = arith.constant 0 : i32
    %rem3A_358 = arith.constant 2 : i32
    %rem3A_359 = arith.remsi %rem3A_357, %rem3A_358 : i32
    %mul3A_360 = arith.constant 64 : i32
    %mul3A_361 = arith.muli %rem3A_359, %mul3A_360 : i32
    %dma_wait3A_362 = arith.constant 0 : i32
    %dma_wait3A_363 = arith.constant 0 : i32
    %dma_wait3A_364 = arith.constant 0 : i32
    %dma_wait3A_365 = tpu.memref_slice %arg8[%dma_wait3A_362, %dma_wait3A_363, %dma_wait3A_364] : memref<8x128x64xf32, #tpu.memory_space<vmem>> -> memref<1x128x64xf32, #tpu.memory_space<vmem>>
    %dma_wait3A_366 = tpu.memref_squeeze %dma_wait3A_365 : memref<1x128x64xf32, #tpu.memory_space<vmem>> -> memref<128x64xf32, #tpu.memory_space<vmem>>
    %dma_wait3A_367 = tpu.memref_slice %arg6[%div3A_356, %add3A_9, %mul3A_361] : memref<24x4096x128xf32, #tpu.memory_space<hbm>> -> memref<1x128x64xf32, #tpu.memory_space<hbm>>
    %dma_wait3A_368 = tpu.memref_squeeze %dma_wait3A_367 : memref<1x128x64xf32, #tpu.memory_space<hbm>> -> memref<128x64xf32, #tpu.memory_space<hbm>>
    %dma_wait3A_369 = tpu.memref_slice %arg6[%div3A_356, %add3A_9, %mul3A_361] : memref<24x4096x128xf32, #tpu.memory_space<hbm>> -> memref<1x128x64xf32, #tpu.memory_space<hbm>>
    %dma_wait3A_370 = tpu.memref_squeeze %dma_wait3A_369 : memref<1x128x64xf32, #tpu.memory_space<hbm>> -> memref<128x64xf32, #tpu.memory_space<hbm>>
    %dma_wait3A_371 = arith.constant 0 : i32
    %dma_wait3A_372 = arith.constant 0 : i32
    %dma_wait3A_373 = tpu.memref_slice %arg8[%dma_wait3A_362, %dma_wait3A_371, %dma_wait3A_372] : memref<8x128x64xf32, #tpu.memory_space<vmem>> -> memref<1x128x64xf32, #tpu.memory_space<vmem>>
    %dma_wait3A_374 = tpu.memref_squeeze %dma_wait3A_373 : memref<1x128x64xf32, #tpu.memory_space<vmem>> -> memref<128x64xf32, #tpu.memory_space<vmem>>
    tpu.wait_dma2 semaphore(%arg10 : memref<!tpu.dma_semaphore, #tpu.memory_space<semaphore_mem>>) src(%dma_wait3A_374 : memref<128x64xf32, #tpu.memory_space<vmem>>) dst(%dma_wait3A_370 : memref<128x64xf32, #tpu.memory_space<hbm>>)
    %div3A_375 = arith.constant 0 : i32
    %div3A_376 = arith.constant 2 : i32
    %div3A_377 = arith.divsi %div3A_375, %div3A_376 : i32
    %rem3A_378 = arith.constant 0 : i32
    %rem3A_379 = arith.constant 2 : i32
    %rem3A_380 = arith.remsi %rem3A_378, %rem3A_379 : i32
    %mul3A_381 = arith.constant 64 : i32
    %mul3A_382 = arith.muli %rem3A_380, %mul3A_381 : i32
    %dma_wait3A_383 = arith.constant 0 : i32
    %dma_wait3A_384 = arith.constant 0 : i32
    %dma_wait3A_385 = arith.constant 0 : i32
    %dma_wait3A_386 = tpu.memref_slice %arg8[%dma_wait3A_383, %dma_wait3A_384, %dma_wait3A_385] : memref<8x128x64xf32, #tpu.memory_space<vmem>> -> memref<1x128x64xf32, #tpu.memory_space<vmem>>
    %dma_wait3A_387 = tpu.memref_squeeze %dma_wait3A_386 : memref<1x128x64xf32, #tpu.memory_space<vmem>> -> memref<128x64xf32, #tpu.memory_space<vmem>>
    %dma_wait3A_388 = tpu.memref_slice %arg6[%div3A_377, %add3A_9, %mul3A_382] : memref<24x4096x128xf32, #tpu.memory_space<hbm>> -> memref<1x128x64xf32, #tpu.memory_space<hbm>>
    %dma_wait3A_389 = tpu.memref_squeeze %dma_wait3A_388 : memref<1x128x64xf32, #tpu.memory_space<hbm>> -> memref<128x64xf32, #tpu.memory_space<hbm>>
    %dma_wait3A_390 = tpu.memref_slice %arg6[%div3A_377, %add3A_9, %mul3A_382] : memref<24x4096x128xf32, #tpu.memory_space<hbm>> -> memref<1x128x64xf32, #tpu.memory_space<hbm>>
    %dma_wait3A_391 = tpu.memref_squeeze %dma_wait3A_390 : memref<1x128x64xf32, #tpu.memory_space<hbm>> -> memref<128x64xf32, #tpu.memory_space<hbm>>
    %dma_wait3A_392 = arith.constant 0 : i32
    %dma_wait3A_393 = arith.constant 0 : i32
    %dma_wait3A_394 = tpu.memref_slice %arg8[%dma_wait3A_383, %dma_wait3A_392, %dma_wait3A_393] : memref<8x128x64xf32, #tpu.memory_space<vmem>> -> memref<1x128x64xf32, #tpu.memory_space<vmem>>
    %dma_wait3A_395 = tpu.memref_squeeze %dma_wait3A_394 : memref<1x128x64xf32, #tpu.memory_space<vmem>> -> memref<128x64xf32, #tpu.memory_space<vmem>>
    tpu.wait_dma2 semaphore(%arg10 : memref<!tpu.dma_semaphore, #tpu.memory_space<semaphore_mem>>) src(%dma_wait3A_395 : memref<128x64xf32, #tpu.memory_space<vmem>>) dst(%dma_wait3A_391 : memref<128x64xf32, #tpu.memory_space<hbm>>)
    %div3A_396 = arith.constant 0 : i32
    %div3A_397 = arith.constant 2 : i32
    %div3A_398 = arith.divsi %div3A_396, %div3A_397 : i32
    %rem3A_399 = arith.constant 0 : i32
    %rem3A_400 = arith.constant 2 : i32
    %rem3A_401 = arith.remsi %rem3A_399, %rem3A_400 : i32
    %mul3A_402 = arith.constant 64 : i32
    %mul3A_403 = arith.muli %rem3A_401, %mul3A_402 : i32
    %dma_wait3A_404 = arith.constant 0 : i32
    %dma_wait3A_405 = arith.constant 0 : i32
    %dma_wait3A_406 = arith.constant 0 : i32
    %dma_wait3A_407 = tpu.memref_slice %arg8[%dma_wait3A_404, %dma_wait3A_405, %dma_wait3A_406] : memref<8x128x64xf32, #tpu.memory_space<vmem>> -> memref<1x128x64xf32, #tpu.memory_space<vmem>>
    %dma_wait3A_408 = tpu.memref_squeeze %dma_wait3A_407 : memref<1x128x64xf32, #tpu.memory_space<vmem>> -> memref<128x64xf32, #tpu.memory_space<vmem>>
    %dma_wait3A_409 = tpu.memref_slice %arg6[%div3A_398, %add3A_9, %mul3A_403] : memref<24x4096x128xf32, #tpu.memory_space<hbm>> -> memref<1x128x64xf32, #tpu.memory_space<hbm>>
    %dma_wait3A_410 = tpu.memref_squeeze %dma_wait3A_409 : memref<1x128x64xf32, #tpu.memory_space<hbm>> -> memref<128x64xf32, #tpu.memory_space<hbm>>
    %dma_wait3A_411 = tpu.memref_slice %arg6[%div3A_398, %add3A_9, %mul3A_403] : memref<24x4096x128xf32, #tpu.memory_space<hbm>> -> memref<1x128x64xf32, #tpu.memory_space<hbm>>
    %dma_wait3A_412 = tpu.memref_squeeze %dma_wait3A_411 : memref<1x128x64xf32, #tpu.memory_space<hbm>> -> memref<128x64xf32, #tpu.memory_space<hbm>>
    %dma_wait3A_413 = arith.constant 0 : i32
    %dma_wait3A_414 = arith.constant 0 : i32
    %dma_wait3A_415 = tpu.memref_slice %arg8[%dma_wait3A_404, %dma_wait3A_413, %dma_wait3A_414] : memref<8x128x64xf32, #tpu.memory_space<vmem>> -> memref<1x128x64xf32, #tpu.memory_space<vmem>>
    %dma_wait3A_416 = tpu.memref_squeeze %dma_wait3A_415 : memref<1x128x64xf32, #tpu.memory_space<vmem>> -> memref<128x64xf32, #tpu.memory_space<vmem>>
    tpu.wait_dma2 semaphore(%arg10 : memref<!tpu.dma_semaphore, #tpu.memory_space<semaphore_mem>>) src(%dma_wait3A_416 : memref<128x64xf32, #tpu.memory_space<vmem>>) dst(%dma_wait3A_412 : memref<128x64xf32, #tpu.memory_space<hbm>>)
    %scan3A_417 = arith.constant 1 : i32
    return
  }
}

#map = affine_map<(d0, d1) -> (0, 0)>
#map1 = affine_map<(d0, d1) -> (0, 0, 0)>
module attributes {stable_mosaic.version = 14 : i64} {
  func.func @_sc_gather(%arg0: i32, %arg1: i32, %arg2: memref<48x4096xi32, #tpu.memory_space<hbm>>, %arg3: memref<100000x64xf32, #tpu.memory_space<hbm>>, %arg4: memref<100000x64xf32, #tpu.memory_space<hbm>>, %arg5: memref<100000x64xf32, #tpu.memory_space<hbm>>, %arg6: memref<24x4096x128xf32, #tpu.memory_space<hbm>>, %arg7: memref<48x128xi32, #tpu.memory_space<vmem>>, %arg8: memref<8x128x64xf32, #tpu.memory_space<vmem>>, %arg9: memref<!tpu.dma_semaphore, #tpu.memory_space<semaphore_mem>>, %arg10: memref<!tpu.dma_semaphore, #tpu.memory_space<semaphore_mem>>) attributes {dimension_semantics = [#tpu.dimension_semantics<core_parallel>, #tpu.dimension_semantics<subcore_parallel>], iteration_bounds = array<i64: 2, 16>, scalar_prefetch = 0 : i64, scratch_operands = 4 : i64, tpu.core_type = #tpu.core_type<sc_vector_subcore>, window_params = [{transform_indices = #map}, {transform_indices = #map}, {transform_indices = #map}, {transform_indices = #map}, {transform_indices = #map1}]} {
    %mul3A = arith.constant 2 : i32
    %mul3A_0 = arith.muli %arg1, %mul3A : i32
    %add3A = arith.addi %mul3A_0, %arg0 : i32
    %mul3A_1 = arith.constant 128 : i32
    %mul3A_2 = arith.muli %add3A, %mul3A_1 : i32
    %scan3A = arith.constant 0 : i32
    %mul3A_3 = arith.constant 1 : i32
    %mul3A_4 = arith.muli %scan3A, %mul3A_3 : i32
    %add3A_5 = arith.constant 0 : i32
    %add3A_6 = arith.addi %add3A_5, %mul3A_4 : i32
    %mul3A_7 = arith.constant 128 : i32
    %mul3A_8 = arith.muli %add3A_6, %mul3A_7 : i32
    %add3A_9 = arith.addi %mul3A_2, %mul3A_8 : i32
    "tpu.region"() ({
      %run_scoped3A = tpu.sem_alloc : memref<!tpu.dma_semaphore, #tpu.memory_space<semaphore_mem>>
      %dma_start3A_418 = arith.constant 0 : i32
      %dma_start3A_419 = tpu.memref_slice %arg2[%dma_start3A_418, %add3A_9] : memref<48x4096xi32, #tpu.memory_space<hbm>> -> memref<48x128xi32, #tpu.memory_space<hbm>>
      %dma_start3A_420 = arith.constant 0 : i32
      %dma_start3A_421 = tpu.memref_slice %arg2[%dma_start3A_420, %add3A_9] : memref<48x4096xi32, #tpu.memory_space<hbm>> -> memref<48x128xi32, #tpu.memory_space<hbm>>
      tpu.enqueue_dma source(%dma_start3A_421 : memref<48x128xi32, #tpu.memory_space<hbm>>) target(%arg7 : memref<48x128xi32, #tpu.memory_space<vmem>>) target_semaphore(%run_scoped3A : memref<!tpu.dma_semaphore, #tpu.memory_space<semaphore_mem>>)
      %dma_wait3A_422 = arith.constant 0 : i32
      %dma_wait3A_423 = tpu.memref_slice %arg2[%dma_wait3A_422, %add3A_9] : memref<48x4096xi32, #tpu.memory_space<hbm>> -> memref<48x128xi32, #tpu.memory_space<hbm>>
      %dma_wait3A_424 = arith.constant 0 : i32
      %dma_wait3A_425 = tpu.memref_slice %arg2[%dma_wait3A_424, %add3A_9] : memref<48x4096xi32, #tpu.memory_space<hbm>> -> memref<48x128xi32, #tpu.memory_space<hbm>>
      tpu.wait_dma2 semaphore(%run_scoped3A : memref<!tpu.dma_semaphore, #tpu.memory_space<semaphore_mem>>) src(%dma_wait3A_425 : memref<48x128xi32, #tpu.memory_space<hbm>>) dst(%arg7 : memref<48x128xi32, #tpu.memory_space<vmem>>)
      tpu.yield
    }) : () -> ()
    %dma_start3A = arith.constant 0 : i32
    %dma_start3A_10 = arith.constant 0 : i32
    %dma_start3A_11 = arith.constant 0 : i32
    %dma_start3A_12 = arith.constant 0 : i32
    %dma_start3A_13 = tpu.memref_slice %arg8[%dma_start3A_10, %dma_start3A_11, %dma_start3A_12] : memref<8x128x64xf32, #tpu.memory_space<vmem>> -> memref<1x128x64xf32, #tpu.memory_space<vmem>>
    %dma_start3A_14 = tpu.memref_squeeze %dma_start3A_13 : memref<1x128x64xf32, #tpu.memory_space<vmem>> -> memref<128x64xf32, #tpu.memory_space<vmem>>
    %dma_start3A_15 = arith.constant 0 : i32
    %dma_start3A_16 = tpu.memref_slice %arg7[%dma_start3A, %dma_start3A_15] : memref<48x128xi32, #tpu.memory_space<vmem>> -> memref<1x128xi32, #tpu.memory_space<vmem>>
    %dma_start3A_17 = tpu.memref_squeeze %dma_start3A_16 : memref<1x128xi32, #tpu.memory_space<vmem>> -> memref<128xi32, #tpu.memory_space<vmem>>
    %dma_start3A_18 = arith.constant 0 : i32
    %dma_start3A_19 = arith.constant 0 : i32
    %dma_start3A_20 = tpu.memref_slice %arg3[%dma_start3A_18, %dma_start3A_19] : memref<100000x64xf32, #tpu.memory_space<hbm>> -> memref<100000x64xf32, #tpu.memory_space<hbm>>
    tpu.enqueue_indirect_dma source(%dma_start3A_20 : memref<100000x64xf32, #tpu.memory_space<hbm>>) target(%dma_start3A_14 : memref<128x64xf32, #tpu.memory_space<vmem>>) offsets(%dma_start3A_17 : memref<128xi32, #tpu.memory_space<vmem>>) semaphore(%arg9 : memref<!tpu.dma_semaphore, #tpu.memory_space<semaphore_mem>>)
    %dma_start3A_21 = arith.constant 1 : i32
    %dma_start3A_22 = arith.constant 1 : i32
    %dma_start3A_23 = arith.constant 0 : i32
    %dma_start3A_24 = arith.constant 0 : i32
    %dma_start3A_25 = tpu.memref_slice %arg8[%dma_start3A_22, %dma_start3A_23, %dma_start3A_24] : memref<8x128x64xf32, #tpu.memory_space<vmem>> -> memref<1x128x64xf32, #tpu.memory_space<vmem>>
    %dma_start3A_26 = tpu.memref_squeeze %dma_start3A_25 : memref<1x128x64xf32, #tpu.memory_space<vmem>> -> memref<128x64xf32, #tpu.memory_space<vmem>>
    %dma_start3A_27 = arith.constant 0 : i32
    %dma_start3A_28 = tpu.memref_slice %arg7[%dma_start3A_21, %dma_start3A_27] : memref<48x128xi32, #tpu.memory_space<vmem>> -> memref<1x128xi32, #tpu.memory_space<vmem>>
    %dma_start3A_29 = tpu.memref_squeeze %dma_start3A_28 : memref<1x128xi32, #tpu.memory_space<vmem>> -> memref<128xi32, #tpu.memory_space<vmem>>
    %dma_start3A_30 = arith.constant 0 : i32
    %dma_start3A_31 = arith.constant 0 : i32
    %dma_start3A_32 = tpu.memref_slice %arg3[%dma_start3A_30, %dma_start3A_31] : memref<100000x64xf32, #tpu.memory_space<hbm>> -> memref<100000x64xf32, #tpu.memory_space<hbm>>
    tpu.enqueue_indirect_dma source(%dma_start3A_32 : memref<100000x64xf32, #tpu.memory_space<hbm>>) target(%dma_start3A_26 : memref<128x64xf32, #tpu.memory_space<vmem>>) offsets(%dma_start3A_29 : memref<128xi32, #tpu.memory_space<vmem>>) semaphore(%arg9 : memref<!tpu.dma_semaphore, #tpu.memory_space<semaphore_mem>>)
    %dma_start3A_33 = arith.constant 2 : i32
    %dma_start3A_34 = arith.constant 2 : i32
    %dma_start3A_35 = arith.constant 0 : i32
    %dma_start3A_36 = arith.constant 0 : i32
    %dma_start3A_37 = tpu.memref_slice %arg8[%dma_start3A_34, %dma_start3A_35, %dma_start3A_36] : memref<8x128x64xf32, #tpu.memory_space<vmem>> -> memref<1x128x64xf32, #tpu.memory_space<vmem>>
    %dma_start3A_38 = tpu.memref_squeeze %dma_start3A_37 : memref<1x128x64xf32, #tpu.memory_space<vmem>> -> memref<128x64xf32, #tpu.memory_space<vmem>>
    %dma_start3A_39 = arith.constant 0 : i32
    %dma_start3A_40 = tpu.memref_slice %arg7[%dma_start3A_33, %dma_start3A_39] : memref<48x128xi32, #tpu.memory_space<vmem>> -> memref<1x128xi32, #tpu.memory_space<vmem>>
    %dma_start3A_41 = tpu.memref_squeeze %dma_start3A_40 : memref<1x128xi32, #tpu.memory_space<vmem>> -> memref<128xi32, #tpu.memory_space<vmem>>
    %dma_start3A_42 = arith.constant 0 : i32
    %dma_start3A_43 = arith.constant 0 : i32
    %dma_start3A_44 = tpu.memref_slice %arg3[%dma_start3A_42, %dma_start3A_43] : memref<100000x64xf32, #tpu.memory_space<hbm>> -> memref<100000x64xf32, #tpu.memory_space<hbm>>
    tpu.enqueue_indirect_dma source(%dma_start3A_44 : memref<100000x64xf32, #tpu.memory_space<hbm>>) target(%dma_start3A_38 : memref<128x64xf32, #tpu.memory_space<vmem>>) offsets(%dma_start3A_41 : memref<128xi32, #tpu.memory_space<vmem>>) semaphore(%arg9 : memref<!tpu.dma_semaphore, #tpu.memory_space<semaphore_mem>>)
    %dma_start3A_45 = arith.constant 3 : i32
    %dma_start3A_46 = arith.constant 3 : i32
    %dma_start3A_47 = arith.constant 0 : i32
    %dma_start3A_48 = arith.constant 0 : i32
    %dma_start3A_49 = tpu.memref_slice %arg8[%dma_start3A_46, %dma_start3A_47, %dma_start3A_48] : memref<8x128x64xf32, #tpu.memory_space<vmem>> -> memref<1x128x64xf32, #tpu.memory_space<vmem>>
    %dma_start3A_50 = tpu.memref_squeeze %dma_start3A_49 : memref<1x128x64xf32, #tpu.memory_space<vmem>> -> memref<128x64xf32, #tpu.memory_space<vmem>>
    %dma_start3A_51 = arith.constant 0 : i32
    %dma_start3A_52 = tpu.memref_slice %arg7[%dma_start3A_45, %dma_start3A_51] : memref<48x128xi32, #tpu.memory_space<vmem>> -> memref<1x128xi32, #tpu.memory_space<vmem>>
    %dma_start3A_53 = tpu.memref_squeeze %dma_start3A_52 : memref<1x128xi32, #tpu.memory_space<vmem>> -> memref<128xi32, #tpu.memory_space<vmem>>
    %dma_start3A_54 = arith.constant 0 : i32
    %dma_start3A_55 = arith.constant 0 : i32
    %dma_start3A_56 = tpu.memref_slice %arg3[%dma_start3A_54, %dma_start3A_55] : memref<100000x64xf32, #tpu.memory_space<hbm>> -> memref<100000x64xf32, #tpu.memory_space<hbm>>
    tpu.enqueue_indirect_dma source(%dma_start3A_56 : memref<100000x64xf32, #tpu.memory_space<hbm>>) target(%dma_start3A_50 : memref<128x64xf32, #tpu.memory_space<vmem>>) offsets(%dma_start3A_53 : memref<128xi32, #tpu.memory_space<vmem>>) semaphore(%arg9 : memref<!tpu.dma_semaphore, #tpu.memory_space<semaphore_mem>>)
    %scan3A_57 = arith.constant 0 : i32
    %scan3A_58 = arith.constant 18 : i32
    %scan3A_59 = arith.addi %scan3A_57, %scan3A_58 : i32
    %scan3A_60 = arith.constant 1 : i32
    scf.for %scan3A_418 = %scan3A_57 to %scan3A_59 step %scan3A_60  : i32 {
      %mul3A_419 = arith.constant 1 : i32
      %mul3A_420 = arith.muli %scan3A_418, %mul3A_419 : i32
      %add3A_421 = arith.constant 0 : i32
      %add3A_422 = arith.addi %add3A_421, %mul3A_420 : i32
      %add3A_423 = arith.constant 0 : i32
      %add3A_424 = arith.addi %add3A_423, %add3A_422 : i32
      %rem3A_425 = arith.constant 8 : i32
      %rem3A_426 = arith.remsi %add3A_422, %rem3A_425 : i32
      %dma_wait3A_427 = arith.constant 0 : i32
      %dma_wait3A_428 = arith.constant 0 : i32
      %dma_wait3A_429 = arith.constant 0 : i32
      %dma_wait3A_430 = tpu.memref_slice %arg8[%rem3A_426, %dma_wait3A_428, %dma_wait3A_429] : memref<8x128x64xf32, #tpu.memory_space<vmem>> -> memref<1x128x64xf32, #tpu.memory_space<vmem>>
      %dma_wait3A_431 = tpu.memref_squeeze %dma_wait3A_430 : memref<1x128x64xf32, #tpu.memory_space<vmem>> -> memref<128x64xf32, #tpu.memory_space<vmem>>
      %dma_wait3A_432 = arith.constant 0 : i32
      %dma_wait3A_433 = tpu.memref_slice %arg7[%dma_wait3A_427, %dma_wait3A_432] : memref<48x128xi32, #tpu.memory_space<vmem>> -> memref<1x128xi32, #tpu.memory_space<vmem>>
      %dma_wait3A_434 = tpu.memref_squeeze %dma_wait3A_433 : memref<1x128xi32, #tpu.memory_space<vmem>> -> memref<128xi32, #tpu.memory_space<vmem>>
      %dma_wait3A_435 = arith.constant 0 : i32
      %dma_wait3A_436 = arith.constant 0 : i32
      %dma_wait3A_437 = tpu.memref_slice %arg3[%dma_wait3A_435, %dma_wait3A_436] : memref<100000x64xf32, #tpu.memory_space<hbm>> -> memref<100000x64xf32, #tpu.memory_space<hbm>>
      tpu.wait_indirect_dma semaphore(%arg9 : memref<!tpu.dma_semaphore, #tpu.memory_space<semaphore_mem>>) src(%dma_wait3A_437 : memref<100000x64xf32, #tpu.memory_space<hbm>>) dst(%dma_wait3A_431 : memref<128x64xf32, #tpu.memory_space<vmem>>)
      %div3A_438 = arith.constant 2 : i32
      %div3A_439 = arith.divsi %add3A_424, %div3A_438 : i32
      %rem3A_440 = arith.constant 2 : i32
      %rem3A_441 = arith.remsi %add3A_424, %rem3A_440 : i32
      %mul3A_442 = arith.constant 64 : i32
      %mul3A_443 = arith.muli %rem3A_441, %mul3A_442 : i32
      %dma_start3A_444 = arith.constant 0 : i32
      %dma_start3A_445 = arith.constant 0 : i32
      %dma_start3A_446 = tpu.memref_slice %arg8[%rem3A_426, %dma_start3A_444, %dma_start3A_445] : memref<8x128x64xf32, #tpu.memory_space<vmem>> -> memref<1x128x64xf32, #tpu.memory_space<vmem>>
      %dma_start3A_447 = tpu.memref_squeeze %dma_start3A_446 : memref<1x128x64xf32, #tpu.memory_space<vmem>> -> memref<128x64xf32, #tpu.memory_space<vmem>>
      %dma_start3A_448 = tpu.memref_slice %arg6[%div3A_439, %add3A_9, %mul3A_443] : memref<24x4096x128xf32, #tpu.memory_space<hbm>> -> memref<1x128x64xf32, #tpu.memory_space<hbm>>
      %dma_start3A_449 = tpu.memref_squeeze %dma_start3A_448 : memref<1x128x64xf32, #tpu.memory_space<hbm>> -> memref<128x64xf32, #tpu.memory_space<hbm>>
      %dma_start3A_450 = tpu.memref_slice %arg6[%div3A_439, %add3A_9, %mul3A_443] : memref<24x4096x128xf32, #tpu.memory_space<hbm>> -> memref<1x128x64xf32, #tpu.memory_space<hbm>>
      %dma_start3A_451 = tpu.memref_squeeze %dma_start3A_450 : memref<1x128x64xf32, #tpu.memory_space<hbm>> -> memref<128x64xf32, #tpu.memory_space<hbm>>
      %dma_start3A_452 = arith.constant 0 : i32
      %dma_start3A_453 = arith.constant 0 : i32
      %dma_start3A_454 = tpu.memref_slice %arg8[%rem3A_426, %dma_start3A_452, %dma_start3A_453] : memref<8x128x64xf32, #tpu.memory_space<vmem>> -> memref<1x128x64xf32, #tpu.memory_space<vmem>>
      %dma_start3A_455 = tpu.memref_squeeze %dma_start3A_454 : memref<1x128x64xf32, #tpu.memory_space<vmem>> -> memref<128x64xf32, #tpu.memory_space<vmem>>
      tpu.enqueue_dma source(%dma_start3A_455 : memref<128x64xf32, #tpu.memory_space<vmem>>) target(%dma_start3A_451 : memref<128x64xf32, #tpu.memory_space<hbm>>) target_semaphore(%arg10 : memref<!tpu.dma_semaphore, #tpu.memory_space<semaphore_mem>>)
      %ge3A = arith.constant 4 : i32
      %ge3A_456 = arith.cmpi sge, %add3A_422, %ge3A : i32
      %convert_element_type3A = arith.extui %ge3A_456 : i1 to i32
      %cond3A = arith.constant 0 : i32
      %cond3A_457 = arith.cmpi ne, %convert_element_type3A, %cond3A : i32
      scf.if %cond3A_457 {
        %div3A_462 = arith.constant 0 : i32
        %div3A_463 = arith.constant 2 : i32
        %div3A_464 = arith.divsi %div3A_462, %div3A_463 : i32
        %rem3A_465 = arith.constant 0 : i32
        %rem3A_466 = arith.constant 2 : i32
        %rem3A_467 = arith.remsi %rem3A_465, %rem3A_466 : i32
        %mul3A_468 = arith.constant 64 : i32
        %mul3A_469 = arith.muli %rem3A_467, %mul3A_468 : i32
        %dma_wait3A_470 = arith.constant 0 : i32
        %dma_wait3A_471 = arith.constant 0 : i32
        %dma_wait3A_472 = arith.constant 0 : i32
        %dma_wait3A_473 = tpu.memref_slice %arg8[%dma_wait3A_470, %dma_wait3A_471, %dma_wait3A_472] : memref<8x128x64xf32, #tpu.memory_space<vmem>> -> memref<1x128x64xf32, #tpu.memory_space<vmem>>
        %dma_wait3A_474 = tpu.memref_squeeze %dma_wait3A_473 : memref<1x128x64xf32, #tpu.memory_space<vmem>> -> memref<128x64xf32, #tpu.memory_space<vmem>>
        %dma_wait3A_475 = tpu.memref_slice %arg6[%div3A_464, %add3A_9, %mul3A_469] : memref<24x4096x128xf32, #tpu.memory_space<hbm>> -> memref<1x128x64xf32, #tpu.memory_space<hbm>>
        %dma_wait3A_476 = tpu.memref_squeeze %dma_wait3A_475 : memref<1x128x64xf32, #tpu.memory_space<hbm>> -> memref<128x64xf32, #tpu.memory_space<hbm>>
        %dma_wait3A_477 = tpu.memref_slice %arg6[%div3A_464, %add3A_9, %mul3A_469] : memref<24x4096x128xf32, #tpu.memory_space<hbm>> -> memref<1x128x64xf32, #tpu.memory_space<hbm>>
        %dma_wait3A_478 = tpu.memref_squeeze %dma_wait3A_477 : memref<1x128x64xf32, #tpu.memory_space<hbm>> -> memref<128x64xf32, #tpu.memory_space<hbm>>
        %dma_wait3A_479 = arith.constant 0 : i32
        %dma_wait3A_480 = arith.constant 0 : i32
        %dma_wait3A_481 = tpu.memref_slice %arg8[%dma_wait3A_470, %dma_wait3A_479, %dma_wait3A_480] : memref<8x128x64xf32, #tpu.memory_space<vmem>> -> memref<1x128x64xf32, #tpu.memory_space<vmem>>
        %dma_wait3A_482 = tpu.memref_squeeze %dma_wait3A_481 : memref<1x128x64xf32, #tpu.memory_space<vmem>> -> memref<128x64xf32, #tpu.memory_space<vmem>>
        tpu.wait_dma2 semaphore(%arg10 : memref<!tpu.dma_semaphore, #tpu.memory_space<semaphore_mem>>) src(%dma_wait3A_482 : memref<128x64xf32, #tpu.memory_space<vmem>>) dst(%dma_wait3A_478 : memref<128x64xf32, #tpu.memory_space<hbm>>)
      } else {
      }
      %lt3A = arith.constant 14 : i32
      %lt3A_458 = arith.cmpi slt, %add3A_422, %lt3A : i32
      %convert_element_type3A_459 = arith.extui %lt3A_458 : i1 to i32
      %cond3A_460 = arith.constant 0 : i32
      %cond3A_461 = arith.cmpi ne, %convert_element_type3A_459, %cond3A_460 : i32
      scf.if %cond3A_461 {
        %add3A_462 = arith.constant 4 : i32
        %add3A_463 = arith.addi %add3A_424, %add3A_462 : i32
        %add3A_464 = arith.constant 4 : i32
        %add3A_465 = arith.addi %add3A_422, %add3A_464 : i32
        %rem3A_466 = arith.constant 8 : i32
        %rem3A_467 = arith.remsi %add3A_465, %rem3A_466 : i32
        %dma_start3A_468 = arith.constant 0 : i32
        %dma_start3A_469 = arith.constant 0 : i32
        %dma_start3A_470 = tpu.memref_slice %arg8[%rem3A_467, %dma_start3A_468, %dma_start3A_469] : memref<8x128x64xf32, #tpu.memory_space<vmem>> -> memref<1x128x64xf32, #tpu.memory_space<vmem>>
        %dma_start3A_471 = tpu.memref_squeeze %dma_start3A_470 : memref<1x128x64xf32, #tpu.memory_space<vmem>> -> memref<128x64xf32, #tpu.memory_space<vmem>>
        %dma_start3A_472 = arith.constant 0 : i32
        %dma_start3A_473 = tpu.memref_slice %arg7[%add3A_463, %dma_start3A_472] : memref<48x128xi32, #tpu.memory_space<vmem>> -> memref<1x128xi32, #tpu.memory_space<vmem>>
        %dma_start3A_474 = tpu.memref_squeeze %dma_start3A_473 : memref<1x128xi32, #tpu.memory_space<vmem>> -> memref<128xi32, #tpu.memory_space<vmem>>
        %dma_start3A_475 = arith.constant 0 : i32
        %dma_start3A_476 = arith.constant 0 : i32
        %dma_start3A_477 = tpu.memref_slice %arg3[%dma_start3A_475, %dma_start3A_476] : memref<100000x64xf32, #tpu.memory_space<hbm>> -> memref<100000x64xf32, #tpu.memory_space<hbm>>
        tpu.enqueue_indirect_dma source(%dma_start3A_477 : memref<100000x64xf32, #tpu.memory_space<hbm>>) target(%dma_start3A_471 : memref<128x64xf32, #tpu.memory_space<vmem>>) offsets(%dma_start3A_474 : memref<128xi32, #tpu.memory_space<vmem>>) semaphore(%arg9 : memref<!tpu.dma_semaphore, #tpu.memory_space<semaphore_mem>>)
      } else {
      }
    }
    %scan3A_61 = arith.constant 18 : i32
    %div3A = arith.constant 0 : i32
    %div3A_62 = arith.constant 2 : i32
    %div3A_63 = arith.divsi %div3A, %div3A_62 : i32
    %rem3A = arith.constant 0 : i32
    %rem3A_64 = arith.constant 2 : i32
    %rem3A_65 = arith.remsi %rem3A, %rem3A_64 : i32
    %mul3A_66 = arith.constant 64 : i32
    %mul3A_67 = arith.muli %rem3A_65, %mul3A_66 : i32
    %dma_wait3A = arith.constant 0 : i32
    %dma_wait3A_68 = arith.constant 0 : i32
    %dma_wait3A_69 = arith.constant 0 : i32
    %dma_wait3A_70 = tpu.memref_slice %arg8[%dma_wait3A, %dma_wait3A_68, %dma_wait3A_69] : memref<8x128x64xf32, #tpu.memory_space<vmem>> -> memref<1x128x64xf32, #tpu.memory_space<vmem>>
    %dma_wait3A_71 = tpu.memref_squeeze %dma_wait3A_70 : memref<1x128x64xf32, #tpu.memory_space<vmem>> -> memref<128x64xf32, #tpu.memory_space<vmem>>
    %dma_wait3A_72 = tpu.memref_slice %arg6[%div3A_63, %add3A_9, %mul3A_67] : memref<24x4096x128xf32, #tpu.memory_space<hbm>> -> memref<1x128x64xf32, #tpu.memory_space<hbm>>
    %dma_wait3A_73 = tpu.memref_squeeze %dma_wait3A_72 : memref<1x128x64xf32, #tpu.memory_space<hbm>> -> memref<128x64xf32, #tpu.memory_space<hbm>>
    %dma_wait3A_74 = tpu.memref_slice %arg6[%div3A_63, %add3A_9, %mul3A_67] : memref<24x4096x128xf32, #tpu.memory_space<hbm>> -> memref<1x128x64xf32, #tpu.memory_space<hbm>>
    %dma_wait3A_75 = tpu.memref_squeeze %dma_wait3A_74 : memref<1x128x64xf32, #tpu.memory_space<hbm>> -> memref<128x64xf32, #tpu.memory_space<hbm>>
    %dma_wait3A_76 = arith.constant 0 : i32
    %dma_wait3A_77 = arith.constant 0 : i32
    %dma_wait3A_78 = tpu.memref_slice %arg8[%dma_wait3A, %dma_wait3A_76, %dma_wait3A_77] : memref<8x128x64xf32, #tpu.memory_space<vmem>> -> memref<1x128x64xf32, #tpu.memory_space<vmem>>
    %dma_wait3A_79 = tpu.memref_squeeze %dma_wait3A_78 : memref<1x128x64xf32, #tpu.memory_space<vmem>> -> memref<128x64xf32, #tpu.memory_space<vmem>>
    tpu.wait_dma2 semaphore(%arg10 : memref<!tpu.dma_semaphore, #tpu.memory_space<semaphore_mem>>) src(%dma_wait3A_79 : memref<128x64xf32, #tpu.memory_space<vmem>>) dst(%dma_wait3A_75 : memref<128x64xf32, #tpu.memory_space<hbm>>)
    %div3A_80 = arith.constant 0 : i32
    %div3A_81 = arith.constant 2 : i32
    %div3A_82 = arith.divsi %div3A_80, %div3A_81 : i32
    %rem3A_83 = arith.constant 0 : i32
    %rem3A_84 = arith.constant 2 : i32
    %rem3A_85 = arith.remsi %rem3A_83, %rem3A_84 : i32
    %mul3A_86 = arith.constant 64 : i32
    %mul3A_87 = arith.muli %rem3A_85, %mul3A_86 : i32
    %dma_wait3A_88 = arith.constant 0 : i32
    %dma_wait3A_89 = arith.constant 0 : i32
    %dma_wait3A_90 = arith.constant 0 : i32
    %dma_wait3A_91 = tpu.memref_slice %arg8[%dma_wait3A_88, %dma_wait3A_89, %dma_wait3A_90] : memref<8x128x64xf32, #tpu.memory_space<vmem>> -> memref<1x128x64xf32, #tpu.memory_space<vmem>>
    %dma_wait3A_92 = tpu.memref_squeeze %dma_wait3A_91 : memref<1x128x64xf32, #tpu.memory_space<vmem>> -> memref<128x64xf32, #tpu.memory_space<vmem>>
    %dma_wait3A_93 = tpu.memref_slice %arg6[%div3A_82, %add3A_9, %mul3A_87] : memref<24x4096x128xf32, #tpu.memory_space<hbm>> -> memref<1x128x64xf32, #tpu.memory_space<hbm>>
    %dma_wait3A_94 = tpu.memref_squeeze %dma_wait3A_93 : memref<1x128x64xf32, #tpu.memory_space<hbm>> -> memref<128x64xf32, #tpu.memory_space<hbm>>
    %dma_wait3A_95 = tpu.memref_slice %arg6[%div3A_82, %add3A_9, %mul3A_87] : memref<24x4096x128xf32, #tpu.memory_space<hbm>> -> memref<1x128x64xf32, #tpu.memory_space<hbm>>
    %dma_wait3A_96 = tpu.memref_squeeze %dma_wait3A_95 : memref<1x128x64xf32, #tpu.memory_space<hbm>> -> memref<128x64xf32, #tpu.memory_space<hbm>>
    %dma_wait3A_97 = arith.constant 0 : i32
    %dma_wait3A_98 = arith.constant 0 : i32
    %dma_wait3A_99 = tpu.memref_slice %arg8[%dma_wait3A_88, %dma_wait3A_97, %dma_wait3A_98] : memref<8x128x64xf32, #tpu.memory_space<vmem>> -> memref<1x128x64xf32, #tpu.memory_space<vmem>>
    %dma_wait3A_100 = tpu.memref_squeeze %dma_wait3A_99 : memref<1x128x64xf32, #tpu.memory_space<vmem>> -> memref<128x64xf32, #tpu.memory_space<vmem>>
    tpu.wait_dma2 semaphore(%arg10 : memref<!tpu.dma_semaphore, #tpu.memory_space<semaphore_mem>>) src(%dma_wait3A_100 : memref<128x64xf32, #tpu.memory_space<vmem>>) dst(%dma_wait3A_96 : memref<128x64xf32, #tpu.memory_space<hbm>>)
    %div3A_101 = arith.constant 0 : i32
    %div3A_102 = arith.constant 2 : i32
    %div3A_103 = arith.divsi %div3A_101, %div3A_102 : i32
    %rem3A_104 = arith.constant 0 : i32
    %rem3A_105 = arith.constant 2 : i32
    %rem3A_106 = arith.remsi %rem3A_104, %rem3A_105 : i32
    %mul3A_107 = arith.constant 64 : i32
    %mul3A_108 = arith.muli %rem3A_106, %mul3A_107 : i32
    %dma_wait3A_109 = arith.constant 0 : i32
    %dma_wait3A_110 = arith.constant 0 : i32
    %dma_wait3A_111 = arith.constant 0 : i32
    %dma_wait3A_112 = tpu.memref_slice %arg8[%dma_wait3A_109, %dma_wait3A_110, %dma_wait3A_111] : memref<8x128x64xf32, #tpu.memory_space<vmem>> -> memref<1x128x64xf32, #tpu.memory_space<vmem>>
    %dma_wait3A_113 = tpu.memref_squeeze %dma_wait3A_112 : memref<1x128x64xf32, #tpu.memory_space<vmem>> -> memref<128x64xf32, #tpu.memory_space<vmem>>
    %dma_wait3A_114 = tpu.memref_slice %arg6[%div3A_103, %add3A_9, %mul3A_108] : memref<24x4096x128xf32, #tpu.memory_space<hbm>> -> memref<1x128x64xf32, #tpu.memory_space<hbm>>
    %dma_wait3A_115 = tpu.memref_squeeze %dma_wait3A_114 : memref<1x128x64xf32, #tpu.memory_space<hbm>> -> memref<128x64xf32, #tpu.memory_space<hbm>>
    %dma_wait3A_116 = tpu.memref_slice %arg6[%div3A_103, %add3A_9, %mul3A_108] : memref<24x4096x128xf32, #tpu.memory_space<hbm>> -> memref<1x128x64xf32, #tpu.memory_space<hbm>>
    %dma_wait3A_117 = tpu.memref_squeeze %dma_wait3A_116 : memref<1x128x64xf32, #tpu.memory_space<hbm>> -> memref<128x64xf32, #tpu.memory_space<hbm>>
    %dma_wait3A_118 = arith.constant 0 : i32
    %dma_wait3A_119 = arith.constant 0 : i32
    %dma_wait3A_120 = tpu.memref_slice %arg8[%dma_wait3A_109, %dma_wait3A_118, %dma_wait3A_119] : memref<8x128x64xf32, #tpu.memory_space<vmem>> -> memref<1x128x64xf32, #tpu.memory_space<vmem>>
    %dma_wait3A_121 = tpu.memref_squeeze %dma_wait3A_120 : memref<1x128x64xf32, #tpu.memory_space<vmem>> -> memref<128x64xf32, #tpu.memory_space<vmem>>
    tpu.wait_dma2 semaphore(%arg10 : memref<!tpu.dma_semaphore, #tpu.memory_space<semaphore_mem>>) src(%dma_wait3A_121 : memref<128x64xf32, #tpu.memory_space<vmem>>) dst(%dma_wait3A_117 : memref<128x64xf32, #tpu.memory_space<hbm>>)
    %div3A_122 = arith.constant 0 : i32
    %div3A_123 = arith.constant 2 : i32
    %div3A_124 = arith.divsi %div3A_122, %div3A_123 : i32
    %rem3A_125 = arith.constant 0 : i32
    %rem3A_126 = arith.constant 2 : i32
    %rem3A_127 = arith.remsi %rem3A_125, %rem3A_126 : i32
    %mul3A_128 = arith.constant 64 : i32
    %mul3A_129 = arith.muli %rem3A_127, %mul3A_128 : i32
    %dma_wait3A_130 = arith.constant 0 : i32
    %dma_wait3A_131 = arith.constant 0 : i32
    %dma_wait3A_132 = arith.constant 0 : i32
    %dma_wait3A_133 = tpu.memref_slice %arg8[%dma_wait3A_130, %dma_wait3A_131, %dma_wait3A_132] : memref<8x128x64xf32, #tpu.memory_space<vmem>> -> memref<1x128x64xf32, #tpu.memory_space<vmem>>
    %dma_wait3A_134 = tpu.memref_squeeze %dma_wait3A_133 : memref<1x128x64xf32, #tpu.memory_space<vmem>> -> memref<128x64xf32, #tpu.memory_space<vmem>>
    %dma_wait3A_135 = tpu.memref_slice %arg6[%div3A_124, %add3A_9, %mul3A_129] : memref<24x4096x128xf32, #tpu.memory_space<hbm>> -> memref<1x128x64xf32, #tpu.memory_space<hbm>>
    %dma_wait3A_136 = tpu.memref_squeeze %dma_wait3A_135 : memref<1x128x64xf32, #tpu.memory_space<hbm>> -> memref<128x64xf32, #tpu.memory_space<hbm>>
    %dma_wait3A_137 = tpu.memref_slice %arg6[%div3A_124, %add3A_9, %mul3A_129] : memref<24x4096x128xf32, #tpu.memory_space<hbm>> -> memref<1x128x64xf32, #tpu.memory_space<hbm>>
    %dma_wait3A_138 = tpu.memref_squeeze %dma_wait3A_137 : memref<1x128x64xf32, #tpu.memory_space<hbm>> -> memref<128x64xf32, #tpu.memory_space<hbm>>
    %dma_wait3A_139 = arith.constant 0 : i32
    %dma_wait3A_140 = arith.constant 0 : i32
    %dma_wait3A_141 = tpu.memref_slice %arg8[%dma_wait3A_130, %dma_wait3A_139, %dma_wait3A_140] : memref<8x128x64xf32, #tpu.memory_space<vmem>> -> memref<1x128x64xf32, #tpu.memory_space<vmem>>
    %dma_wait3A_142 = tpu.memref_squeeze %dma_wait3A_141 : memref<1x128x64xf32, #tpu.memory_space<vmem>> -> memref<128x64xf32, #tpu.memory_space<vmem>>
    tpu.wait_dma2 semaphore(%arg10 : memref<!tpu.dma_semaphore, #tpu.memory_space<semaphore_mem>>) src(%dma_wait3A_142 : memref<128x64xf32, #tpu.memory_space<vmem>>) dst(%dma_wait3A_138 : memref<128x64xf32, #tpu.memory_space<hbm>>)
    %dma_start3A_143 = arith.constant 18 : i32
    %dma_start3A_144 = arith.constant 0 : i32
    %dma_start3A_145 = arith.constant 0 : i32
    %dma_start3A_146 = arith.constant 0 : i32
    %dma_start3A_147 = tpu.memref_slice %arg8[%dma_start3A_144, %dma_start3A_145, %dma_start3A_146] : memref<8x128x64xf32, #tpu.memory_space<vmem>> -> memref<1x128x64xf32, #tpu.memory_space<vmem>>
    %dma_start3A_148 = tpu.memref_squeeze %dma_start3A_147 : memref<1x128x64xf32, #tpu.memory_space<vmem>> -> memref<128x64xf32, #tpu.memory_space<vmem>>
    %dma_start3A_149 = arith.constant 0 : i32
    %dma_start3A_150 = tpu.memref_slice %arg7[%dma_start3A_143, %dma_start3A_149] : memref<48x128xi32, #tpu.memory_space<vmem>> -> memref<1x128xi32, #tpu.memory_space<vmem>>
    %dma_start3A_151 = tpu.memref_squeeze %dma_start3A_150 : memref<1x128xi32, #tpu.memory_space<vmem>> -> memref<128xi32, #tpu.memory_space<vmem>>
    %dma_start3A_152 = arith.constant 0 : i32
    %dma_start3A_153 = arith.constant 0 : i32
    %dma_start3A_154 = tpu.memref_slice %arg4[%dma_start3A_152, %dma_start3A_153] : memref<100000x64xf32, #tpu.memory_space<hbm>> -> memref<100000x64xf32, #tpu.memory_space<hbm>>
    tpu.enqueue_indirect_dma source(%dma_start3A_154 : memref<100000x64xf32, #tpu.memory_space<hbm>>) target(%dma_start3A_148 : memref<128x64xf32, #tpu.memory_space<vmem>>) offsets(%dma_start3A_151 : memref<128xi32, #tpu.memory_space<vmem>>) semaphore(%arg9 : memref<!tpu.dma_semaphore, #tpu.memory_space<semaphore_mem>>)
    %dma_start3A_155 = arith.constant 19 : i32
    %dma_start3A_156 = arith.constant 1 : i32
    %dma_start3A_157 = arith.constant 0 : i32
    %dma_start3A_158 = arith.constant 0 : i32
    %dma_start3A_159 = tpu.memref_slice %arg8[%dma_start3A_156, %dma_start3A_157, %dma_start3A_158] : memref<8x128x64xf32, #tpu.memory_space<vmem>> -> memref<1x128x64xf32, #tpu.memory_space<vmem>>
    %dma_start3A_160 = tpu.memref_squeeze %dma_start3A_159 : memref<1x128x64xf32, #tpu.memory_space<vmem>> -> memref<128x64xf32, #tpu.memory_space<vmem>>
    %dma_start3A_161 = arith.constant 0 : i32
    %dma_start3A_162 = tpu.memref_slice %arg7[%dma_start3A_155, %dma_start3A_161] : memref<48x128xi32, #tpu.memory_space<vmem>> -> memref<1x128xi32, #tpu.memory_space<vmem>>
    %dma_start3A_163 = tpu.memref_squeeze %dma_start3A_162 : memref<1x128xi32, #tpu.memory_space<vmem>> -> memref<128xi32, #tpu.memory_space<vmem>>
    %dma_start3A_164 = arith.constant 0 : i32
    %dma_start3A_165 = arith.constant 0 : i32
    %dma_start3A_166 = tpu.memref_slice %arg4[%dma_start3A_164, %dma_start3A_165] : memref<100000x64xf32, #tpu.memory_space<hbm>> -> memref<100000x64xf32, #tpu.memory_space<hbm>>
    tpu.enqueue_indirect_dma source(%dma_start3A_166 : memref<100000x64xf32, #tpu.memory_space<hbm>>) target(%dma_start3A_160 : memref<128x64xf32, #tpu.memory_space<vmem>>) offsets(%dma_start3A_163 : memref<128xi32, #tpu.memory_space<vmem>>) semaphore(%arg9 : memref<!tpu.dma_semaphore, #tpu.memory_space<semaphore_mem>>)
    %dma_start3A_167 = arith.constant 20 : i32
    %dma_start3A_168 = arith.constant 2 : i32
    %dma_start3A_169 = arith.constant 0 : i32
    %dma_start3A_170 = arith.constant 0 : i32
    %dma_start3A_171 = tpu.memref_slice %arg8[%dma_start3A_168, %dma_start3A_169, %dma_start3A_170] : memref<8x128x64xf32, #tpu.memory_space<vmem>> -> memref<1x128x64xf32, #tpu.memory_space<vmem>>
    %dma_start3A_172 = tpu.memref_squeeze %dma_start3A_171 : memref<1x128x64xf32, #tpu.memory_space<vmem>> -> memref<128x64xf32, #tpu.memory_space<vmem>>
    %dma_start3A_173 = arith.constant 0 : i32
    %dma_start3A_174 = tpu.memref_slice %arg7[%dma_start3A_167, %dma_start3A_173] : memref<48x128xi32, #tpu.memory_space<vmem>> -> memref<1x128xi32, #tpu.memory_space<vmem>>
    %dma_start3A_175 = tpu.memref_squeeze %dma_start3A_174 : memref<1x128xi32, #tpu.memory_space<vmem>> -> memref<128xi32, #tpu.memory_space<vmem>>
    %dma_start3A_176 = arith.constant 0 : i32
    %dma_start3A_177 = arith.constant 0 : i32
    %dma_start3A_178 = tpu.memref_slice %arg4[%dma_start3A_176, %dma_start3A_177] : memref<100000x64xf32, #tpu.memory_space<hbm>> -> memref<100000x64xf32, #tpu.memory_space<hbm>>
    tpu.enqueue_indirect_dma source(%dma_start3A_178 : memref<100000x64xf32, #tpu.memory_space<hbm>>) target(%dma_start3A_172 : memref<128x64xf32, #tpu.memory_space<vmem>>) offsets(%dma_start3A_175 : memref<128xi32, #tpu.memory_space<vmem>>) semaphore(%arg9 : memref<!tpu.dma_semaphore, #tpu.memory_space<semaphore_mem>>)
    %dma_start3A_179 = arith.constant 21 : i32
    %dma_start3A_180 = arith.constant 3 : i32
    %dma_start3A_181 = arith.constant 0 : i32
    %dma_start3A_182 = arith.constant 0 : i32
    %dma_start3A_183 = tpu.memref_slice %arg8[%dma_start3A_180, %dma_start3A_181, %dma_start3A_182] : memref<8x128x64xf32, #tpu.memory_space<vmem>> -> memref<1x128x64xf32, #tpu.memory_space<vmem>>
    %dma_start3A_184 = tpu.memref_squeeze %dma_start3A_183 : memref<1x128x64xf32, #tpu.memory_space<vmem>> -> memref<128x64xf32, #tpu.memory_space<vmem>>
    %dma_start3A_185 = arith.constant 0 : i32
    %dma_start3A_186 = tpu.memref_slice %arg7[%dma_start3A_179, %dma_start3A_185] : memref<48x128xi32, #tpu.memory_space<vmem>> -> memref<1x128xi32, #tpu.memory_space<vmem>>
    %dma_start3A_187 = tpu.memref_squeeze %dma_start3A_186 : memref<1x128xi32, #tpu.memory_space<vmem>> -> memref<128xi32, #tpu.memory_space<vmem>>
    %dma_start3A_188 = arith.constant 0 : i32
    %dma_start3A_189 = arith.constant 0 : i32
    %dma_start3A_190 = tpu.memref_slice %arg4[%dma_start3A_188, %dma_start3A_189] : memref<100000x64xf32, #tpu.memory_space<hbm>> -> memref<100000x64xf32, #tpu.memory_space<hbm>>
    tpu.enqueue_indirect_dma source(%dma_start3A_190 : memref<100000x64xf32, #tpu.memory_space<hbm>>) target(%dma_start3A_184 : memref<128x64xf32, #tpu.memory_space<vmem>>) offsets(%dma_start3A_187 : memref<128xi32, #tpu.memory_space<vmem>>) semaphore(%arg9 : memref<!tpu.dma_semaphore, #tpu.memory_space<semaphore_mem>>)
    %scan3A_191 = arith.constant 0 : i32
    %scan3A_192 = arith.constant 18 : i32
    %scan3A_193 = arith.addi %scan3A_191, %scan3A_192 : i32
    %scan3A_194 = arith.constant 1 : i32
    scf.for %scan3A_418 = %scan3A_191 to %scan3A_193 step %scan3A_194  : i32 {
      %mul3A_419 = arith.constant 1 : i32
      %mul3A_420 = arith.muli %scan3A_418, %mul3A_419 : i32
      %add3A_421 = arith.constant 0 : i32
      %add3A_422 = arith.addi %add3A_421, %mul3A_420 : i32
      %add3A_423 = arith.constant 18 : i32
      %add3A_424 = arith.addi %add3A_423, %add3A_422 : i32
      %rem3A_425 = arith.constant 8 : i32
      %rem3A_426 = arith.remsi %add3A_422, %rem3A_425 : i32
      %dma_wait3A_427 = arith.constant 0 : i32
      %dma_wait3A_428 = arith.constant 0 : i32
      %dma_wait3A_429 = arith.constant 0 : i32
      %dma_wait3A_430 = tpu.memref_slice %arg8[%rem3A_426, %dma_wait3A_428, %dma_wait3A_429] : memref<8x128x64xf32, #tpu.memory_space<vmem>> -> memref<1x128x64xf32, #tpu.memory_space<vmem>>
      %dma_wait3A_431 = tpu.memref_squeeze %dma_wait3A_430 : memref<1x128x64xf32, #tpu.memory_space<vmem>> -> memref<128x64xf32, #tpu.memory_space<vmem>>
      %dma_wait3A_432 = arith.constant 0 : i32
      %dma_wait3A_433 = tpu.memref_slice %arg7[%dma_wait3A_427, %dma_wait3A_432] : memref<48x128xi32, #tpu.memory_space<vmem>> -> memref<1x128xi32, #tpu.memory_space<vmem>>
      %dma_wait3A_434 = tpu.memref_squeeze %dma_wait3A_433 : memref<1x128xi32, #tpu.memory_space<vmem>> -> memref<128xi32, #tpu.memory_space<vmem>>
      %dma_wait3A_435 = arith.constant 0 : i32
      %dma_wait3A_436 = arith.constant 0 : i32
      %dma_wait3A_437 = tpu.memref_slice %arg4[%dma_wait3A_435, %dma_wait3A_436] : memref<100000x64xf32, #tpu.memory_space<hbm>> -> memref<100000x64xf32, #tpu.memory_space<hbm>>
      tpu.wait_indirect_dma semaphore(%arg9 : memref<!tpu.dma_semaphore, #tpu.memory_space<semaphore_mem>>) src(%dma_wait3A_437 : memref<100000x64xf32, #tpu.memory_space<hbm>>) dst(%dma_wait3A_431 : memref<128x64xf32, #tpu.memory_space<vmem>>)
      %div3A_438 = arith.constant 2 : i32
      %div3A_439 = arith.divsi %add3A_424, %div3A_438 : i32
      %rem3A_440 = arith.constant 2 : i32
      %rem3A_441 = arith.remsi %add3A_424, %rem3A_440 : i32
      %mul3A_442 = arith.constant 64 : i32
      %mul3A_443 = arith.muli %rem3A_441, %mul3A_442 : i32
      %dma_start3A_444 = arith.constant 0 : i32
      %dma_start3A_445 = arith.constant 0 : i32
      %dma_start3A_446 = tpu.memref_slice %arg8[%rem3A_426, %dma_start3A_444, %dma_start3A_445] : memref<8x128x64xf32, #tpu.memory_space<vmem>> -> memref<1x128x64xf32, #tpu.memory_space<vmem>>
      %dma_start3A_447 = tpu.memref_squeeze %dma_start3A_446 : memref<1x128x64xf32, #tpu.memory_space<vmem>> -> memref<128x64xf32, #tpu.memory_space<vmem>>
      %dma_start3A_448 = tpu.memref_slice %arg6[%div3A_439, %add3A_9, %mul3A_443] : memref<24x4096x128xf32, #tpu.memory_space<hbm>> -> memref<1x128x64xf32, #tpu.memory_space<hbm>>
      %dma_start3A_449 = tpu.memref_squeeze %dma_start3A_448 : memref<1x128x64xf32, #tpu.memory_space<hbm>> -> memref<128x64xf32, #tpu.memory_space<hbm>>
      %dma_start3A_450 = tpu.memref_slice %arg6[%div3A_439, %add3A_9, %mul3A_443] : memref<24x4096x128xf32, #tpu.memory_space<hbm>> -> memref<1x128x64xf32, #tpu.memory_space<hbm>>
      %dma_start3A_451 = tpu.memref_squeeze %dma_start3A_450 : memref<1x128x64xf32, #tpu.memory_space<hbm>> -> memref<128x64xf32, #tpu.memory_space<hbm>>
      %dma_start3A_452 = arith.constant 0 : i32
      %dma_start3A_453 = arith.constant 0 : i32
      %dma_start3A_454 = tpu.memref_slice %arg8[%rem3A_426, %dma_start3A_452, %dma_start3A_453] : memref<8x128x64xf32, #tpu.memory_space<vmem>> -> memref<1x128x64xf32, #tpu.memory_space<vmem>>
      %dma_start3A_455 = tpu.memref_squeeze %dma_start3A_454 : memref<1x128x64xf32, #tpu.memory_space<vmem>> -> memref<128x64xf32, #tpu.memory_space<vmem>>
      tpu.enqueue_dma source(%dma_start3A_455 : memref<128x64xf32, #tpu.memory_space<vmem>>) target(%dma_start3A_451 : memref<128x64xf32, #tpu.memory_space<hbm>>) target_semaphore(%arg10 : memref<!tpu.dma_semaphore, #tpu.memory_space<semaphore_mem>>)
      %ge3A = arith.constant 4 : i32
      %ge3A_456 = arith.cmpi sge, %add3A_422, %ge3A : i32
      %convert_element_type3A = arith.extui %ge3A_456 : i1 to i32
      %cond3A = arith.constant 0 : i32
      %cond3A_457 = arith.cmpi ne, %convert_element_type3A, %cond3A : i32
      scf.if %cond3A_457 {
        %div3A_462 = arith.constant 0 : i32
        %div3A_463 = arith.constant 2 : i32
        %div3A_464 = arith.divsi %div3A_462, %div3A_463 : i32
        %rem3A_465 = arith.constant 0 : i32
        %rem3A_466 = arith.constant 2 : i32
        %rem3A_467 = arith.remsi %rem3A_465, %rem3A_466 : i32
        %mul3A_468 = arith.constant 64 : i32
        %mul3A_469 = arith.muli %rem3A_467, %mul3A_468 : i32
        %dma_wait3A_470 = arith.constant 0 : i32
        %dma_wait3A_471 = arith.constant 0 : i32
        %dma_wait3A_472 = arith.constant 0 : i32
        %dma_wait3A_473 = tpu.memref_slice %arg8[%dma_wait3A_470, %dma_wait3A_471, %dma_wait3A_472] : memref<8x128x64xf32, #tpu.memory_space<vmem>> -> memref<1x128x64xf32, #tpu.memory_space<vmem>>
        %dma_wait3A_474 = tpu.memref_squeeze %dma_wait3A_473 : memref<1x128x64xf32, #tpu.memory_space<vmem>> -> memref<128x64xf32, #tpu.memory_space<vmem>>
        %dma_wait3A_475 = tpu.memref_slice %arg6[%div3A_464, %add3A_9, %mul3A_469] : memref<24x4096x128xf32, #tpu.memory_space<hbm>> -> memref<1x128x64xf32, #tpu.memory_space<hbm>>
        %dma_wait3A_476 = tpu.memref_squeeze %dma_wait3A_475 : memref<1x128x64xf32, #tpu.memory_space<hbm>> -> memref<128x64xf32, #tpu.memory_space<hbm>>
        %dma_wait3A_477 = tpu.memref_slice %arg6[%div3A_464, %add3A_9, %mul3A_469] : memref<24x4096x128xf32, #tpu.memory_space<hbm>> -> memref<1x128x64xf32, #tpu.memory_space<hbm>>
        %dma_wait3A_478 = tpu.memref_squeeze %dma_wait3A_477 : memref<1x128x64xf32, #tpu.memory_space<hbm>> -> memref<128x64xf32, #tpu.memory_space<hbm>>
        %dma_wait3A_479 = arith.constant 0 : i32
        %dma_wait3A_480 = arith.constant 0 : i32
        %dma_wait3A_481 = tpu.memref_slice %arg8[%dma_wait3A_470, %dma_wait3A_479, %dma_wait3A_480] : memref<8x128x64xf32, #tpu.memory_space<vmem>> -> memref<1x128x64xf32, #tpu.memory_space<vmem>>
        %dma_wait3A_482 = tpu.memref_squeeze %dma_wait3A_481 : memref<1x128x64xf32, #tpu.memory_space<vmem>> -> memref<128x64xf32, #tpu.memory_space<vmem>>
        tpu.wait_dma2 semaphore(%arg10 : memref<!tpu.dma_semaphore, #tpu.memory_space<semaphore_mem>>) src(%dma_wait3A_482 : memref<128x64xf32, #tpu.memory_space<vmem>>) dst(%dma_wait3A_478 : memref<128x64xf32, #tpu.memory_space<hbm>>)
      } else {
      }
      %lt3A = arith.constant 14 : i32
      %lt3A_458 = arith.cmpi slt, %add3A_422, %lt3A : i32
      %convert_element_type3A_459 = arith.extui %lt3A_458 : i1 to i32
      %cond3A_460 = arith.constant 0 : i32
      %cond3A_461 = arith.cmpi ne, %convert_element_type3A_459, %cond3A_460 : i32
      scf.if %cond3A_461 {
        %add3A_462 = arith.constant 4 : i32
        %add3A_463 = arith.addi %add3A_424, %add3A_462 : i32
        %add3A_464 = arith.constant 4 : i32
        %add3A_465 = arith.addi %add3A_422, %add3A_464 : i32
        %rem3A_466 = arith.constant 8 : i32
        %rem3A_467 = arith.remsi %add3A_465, %rem3A_466 : i32
        %dma_start3A_468 = arith.constant 0 : i32
        %dma_start3A_469 = arith.constant 0 : i32
        %dma_start3A_470 = tpu.memref_slice %arg8[%rem3A_467, %dma_start3A_468, %dma_start3A_469] : memref<8x128x64xf32, #tpu.memory_space<vmem>> -> memref<1x128x64xf32, #tpu.memory_space<vmem>>
        %dma_start3A_471 = tpu.memref_squeeze %dma_start3A_470 : memref<1x128x64xf32, #tpu.memory_space<vmem>> -> memref<128x64xf32, #tpu.memory_space<vmem>>
        %dma_start3A_472 = arith.constant 0 : i32
        %dma_start3A_473 = tpu.memref_slice %arg7[%add3A_463, %dma_start3A_472] : memref<48x128xi32, #tpu.memory_space<vmem>> -> memref<1x128xi32, #tpu.memory_space<vmem>>
        %dma_start3A_474 = tpu.memref_squeeze %dma_start3A_473 : memref<1x128xi32, #tpu.memory_space<vmem>> -> memref<128xi32, #tpu.memory_space<vmem>>
        %dma_start3A_475 = arith.constant 0 : i32
        %dma_start3A_476 = arith.constant 0 : i32
        %dma_start3A_477 = tpu.memref_slice %arg4[%dma_start3A_475, %dma_start3A_476] : memref<100000x64xf32, #tpu.memory_space<hbm>> -> memref<100000x64xf32, #tpu.memory_space<hbm>>
        tpu.enqueue_indirect_dma source(%dma_start3A_477 : memref<100000x64xf32, #tpu.memory_space<hbm>>) target(%dma_start3A_471 : memref<128x64xf32, #tpu.memory_space<vmem>>) offsets(%dma_start3A_474 : memref<128xi32, #tpu.memory_space<vmem>>) semaphore(%arg9 : memref<!tpu.dma_semaphore, #tpu.memory_space<semaphore_mem>>)
      } else {
      }
    }
    %scan3A_195 = arith.constant 18 : i32
    %div3A_196 = arith.constant 0 : i32
    %div3A_197 = arith.constant 2 : i32
    %div3A_198 = arith.divsi %div3A_196, %div3A_197 : i32
    %rem3A_199 = arith.constant 0 : i32
    %rem3A_200 = arith.constant 2 : i32
    %rem3A_201 = arith.remsi %rem3A_199, %rem3A_200 : i32
    %mul3A_202 = arith.constant 64 : i32
    %mul3A_203 = arith.muli %rem3A_201, %mul3A_202 : i32
    %dma_wait3A_204 = arith.constant 0 : i32
    %dma_wait3A_205 = arith.constant 0 : i32
    %dma_wait3A_206 = arith.constant 0 : i32
    %dma_wait3A_207 = tpu.memref_slice %arg8[%dma_wait3A_204, %dma_wait3A_205, %dma_wait3A_206] : memref<8x128x64xf32, #tpu.memory_space<vmem>> -> memref<1x128x64xf32, #tpu.memory_space<vmem>>
    %dma_wait3A_208 = tpu.memref_squeeze %dma_wait3A_207 : memref<1x128x64xf32, #tpu.memory_space<vmem>> -> memref<128x64xf32, #tpu.memory_space<vmem>>
    %dma_wait3A_209 = tpu.memref_slice %arg6[%div3A_198, %add3A_9, %mul3A_203] : memref<24x4096x128xf32, #tpu.memory_space<hbm>> -> memref<1x128x64xf32, #tpu.memory_space<hbm>>
    %dma_wait3A_210 = tpu.memref_squeeze %dma_wait3A_209 : memref<1x128x64xf32, #tpu.memory_space<hbm>> -> memref<128x64xf32, #tpu.memory_space<hbm>>
    %dma_wait3A_211 = tpu.memref_slice %arg6[%div3A_198, %add3A_9, %mul3A_203] : memref<24x4096x128xf32, #tpu.memory_space<hbm>> -> memref<1x128x64xf32, #tpu.memory_space<hbm>>
    %dma_wait3A_212 = tpu.memref_squeeze %dma_wait3A_211 : memref<1x128x64xf32, #tpu.memory_space<hbm>> -> memref<128x64xf32, #tpu.memory_space<hbm>>
    %dma_wait3A_213 = arith.constant 0 : i32
    %dma_wait3A_214 = arith.constant 0 : i32
    %dma_wait3A_215 = tpu.memref_slice %arg8[%dma_wait3A_204, %dma_wait3A_213, %dma_wait3A_214] : memref<8x128x64xf32, #tpu.memory_space<vmem>> -> memref<1x128x64xf32, #tpu.memory_space<vmem>>
    %dma_wait3A_216 = tpu.memref_squeeze %dma_wait3A_215 : memref<1x128x64xf32, #tpu.memory_space<vmem>> -> memref<128x64xf32, #tpu.memory_space<vmem>>
    tpu.wait_dma2 semaphore(%arg10 : memref<!tpu.dma_semaphore, #tpu.memory_space<semaphore_mem>>) src(%dma_wait3A_216 : memref<128x64xf32, #tpu.memory_space<vmem>>) dst(%dma_wait3A_212 : memref<128x64xf32, #tpu.memory_space<hbm>>)
    %div3A_217 = arith.constant 0 : i32
    %div3A_218 = arith.constant 2 : i32
    %div3A_219 = arith.divsi %div3A_217, %div3A_218 : i32
    %rem3A_220 = arith.constant 0 : i32
    %rem3A_221 = arith.constant 2 : i32
    %rem3A_222 = arith.remsi %rem3A_220, %rem3A_221 : i32
    %mul3A_223 = arith.constant 64 : i32
    %mul3A_224 = arith.muli %rem3A_222, %mul3A_223 : i32
    %dma_wait3A_225 = arith.constant 0 : i32
    %dma_wait3A_226 = arith.constant 0 : i32
    %dma_wait3A_227 = arith.constant 0 : i32
    %dma_wait3A_228 = tpu.memref_slice %arg8[%dma_wait3A_225, %dma_wait3A_226, %dma_wait3A_227] : memref<8x128x64xf32, #tpu.memory_space<vmem>> -> memref<1x128x64xf32, #tpu.memory_space<vmem>>
    %dma_wait3A_229 = tpu.memref_squeeze %dma_wait3A_228 : memref<1x128x64xf32, #tpu.memory_space<vmem>> -> memref<128x64xf32, #tpu.memory_space<vmem>>
    %dma_wait3A_230 = tpu.memref_slice %arg6[%div3A_219, %add3A_9, %mul3A_224] : memref<24x4096x128xf32, #tpu.memory_space<hbm>> -> memref<1x128x64xf32, #tpu.memory_space<hbm>>
    %dma_wait3A_231 = tpu.memref_squeeze %dma_wait3A_230 : memref<1x128x64xf32, #tpu.memory_space<hbm>> -> memref<128x64xf32, #tpu.memory_space<hbm>>
    %dma_wait3A_232 = tpu.memref_slice %arg6[%div3A_219, %add3A_9, %mul3A_224] : memref<24x4096x128xf32, #tpu.memory_space<hbm>> -> memref<1x128x64xf32, #tpu.memory_space<hbm>>
    %dma_wait3A_233 = tpu.memref_squeeze %dma_wait3A_232 : memref<1x128x64xf32, #tpu.memory_space<hbm>> -> memref<128x64xf32, #tpu.memory_space<hbm>>
    %dma_wait3A_234 = arith.constant 0 : i32
    %dma_wait3A_235 = arith.constant 0 : i32
    %dma_wait3A_236 = tpu.memref_slice %arg8[%dma_wait3A_225, %dma_wait3A_234, %dma_wait3A_235] : memref<8x128x64xf32, #tpu.memory_space<vmem>> -> memref<1x128x64xf32, #tpu.memory_space<vmem>>
    %dma_wait3A_237 = tpu.memref_squeeze %dma_wait3A_236 : memref<1x128x64xf32, #tpu.memory_space<vmem>> -> memref<128x64xf32, #tpu.memory_space<vmem>>
    tpu.wait_dma2 semaphore(%arg10 : memref<!tpu.dma_semaphore, #tpu.memory_space<semaphore_mem>>) src(%dma_wait3A_237 : memref<128x64xf32, #tpu.memory_space<vmem>>) dst(%dma_wait3A_233 : memref<128x64xf32, #tpu.memory_space<hbm>>)
    %div3A_238 = arith.constant 0 : i32
    %div3A_239 = arith.constant 2 : i32
    %div3A_240 = arith.divsi %div3A_238, %div3A_239 : i32
    %rem3A_241 = arith.constant 0 : i32
    %rem3A_242 = arith.constant 2 : i32
    %rem3A_243 = arith.remsi %rem3A_241, %rem3A_242 : i32
    %mul3A_244 = arith.constant 64 : i32
    %mul3A_245 = arith.muli %rem3A_243, %mul3A_244 : i32
    %dma_wait3A_246 = arith.constant 0 : i32
    %dma_wait3A_247 = arith.constant 0 : i32
    %dma_wait3A_248 = arith.constant 0 : i32
    %dma_wait3A_249 = tpu.memref_slice %arg8[%dma_wait3A_246, %dma_wait3A_247, %dma_wait3A_248] : memref<8x128x64xf32, #tpu.memory_space<vmem>> -> memref<1x128x64xf32, #tpu.memory_space<vmem>>
    %dma_wait3A_250 = tpu.memref_squeeze %dma_wait3A_249 : memref<1x128x64xf32, #tpu.memory_space<vmem>> -> memref<128x64xf32, #tpu.memory_space<vmem>>
    %dma_wait3A_251 = tpu.memref_slice %arg6[%div3A_240, %add3A_9, %mul3A_245] : memref<24x4096x128xf32, #tpu.memory_space<hbm>> -> memref<1x128x64xf32, #tpu.memory_space<hbm>>
    %dma_wait3A_252 = tpu.memref_squeeze %dma_wait3A_251 : memref<1x128x64xf32, #tpu.memory_space<hbm>> -> memref<128x64xf32, #tpu.memory_space<hbm>>
    %dma_wait3A_253 = tpu.memref_slice %arg6[%div3A_240, %add3A_9, %mul3A_245] : memref<24x4096x128xf32, #tpu.memory_space<hbm>> -> memref<1x128x64xf32, #tpu.memory_space<hbm>>
    %dma_wait3A_254 = tpu.memref_squeeze %dma_wait3A_253 : memref<1x128x64xf32, #tpu.memory_space<hbm>> -> memref<128x64xf32, #tpu.memory_space<hbm>>
    %dma_wait3A_255 = arith.constant 0 : i32
    %dma_wait3A_256 = arith.constant 0 : i32
    %dma_wait3A_257 = tpu.memref_slice %arg8[%dma_wait3A_246, %dma_wait3A_255, %dma_wait3A_256] : memref<8x128x64xf32, #tpu.memory_space<vmem>> -> memref<1x128x64xf32, #tpu.memory_space<vmem>>
    %dma_wait3A_258 = tpu.memref_squeeze %dma_wait3A_257 : memref<1x128x64xf32, #tpu.memory_space<vmem>> -> memref<128x64xf32, #tpu.memory_space<vmem>>
    tpu.wait_dma2 semaphore(%arg10 : memref<!tpu.dma_semaphore, #tpu.memory_space<semaphore_mem>>) src(%dma_wait3A_258 : memref<128x64xf32, #tpu.memory_space<vmem>>) dst(%dma_wait3A_254 : memref<128x64xf32, #tpu.memory_space<hbm>>)
    %div3A_259 = arith.constant 0 : i32
    %div3A_260 = arith.constant 2 : i32
    %div3A_261 = arith.divsi %div3A_259, %div3A_260 : i32
    %rem3A_262 = arith.constant 0 : i32
    %rem3A_263 = arith.constant 2 : i32
    %rem3A_264 = arith.remsi %rem3A_262, %rem3A_263 : i32
    %mul3A_265 = arith.constant 64 : i32
    %mul3A_266 = arith.muli %rem3A_264, %mul3A_265 : i32
    %dma_wait3A_267 = arith.constant 0 : i32
    %dma_wait3A_268 = arith.constant 0 : i32
    %dma_wait3A_269 = arith.constant 0 : i32
    %dma_wait3A_270 = tpu.memref_slice %arg8[%dma_wait3A_267, %dma_wait3A_268, %dma_wait3A_269] : memref<8x128x64xf32, #tpu.memory_space<vmem>> -> memref<1x128x64xf32, #tpu.memory_space<vmem>>
    %dma_wait3A_271 = tpu.memref_squeeze %dma_wait3A_270 : memref<1x128x64xf32, #tpu.memory_space<vmem>> -> memref<128x64xf32, #tpu.memory_space<vmem>>
    %dma_wait3A_272 = tpu.memref_slice %arg6[%div3A_261, %add3A_9, %mul3A_266] : memref<24x4096x128xf32, #tpu.memory_space<hbm>> -> memref<1x128x64xf32, #tpu.memory_space<hbm>>
    %dma_wait3A_273 = tpu.memref_squeeze %dma_wait3A_272 : memref<1x128x64xf32, #tpu.memory_space<hbm>> -> memref<128x64xf32, #tpu.memory_space<hbm>>
    %dma_wait3A_274 = tpu.memref_slice %arg6[%div3A_261, %add3A_9, %mul3A_266] : memref<24x4096x128xf32, #tpu.memory_space<hbm>> -> memref<1x128x64xf32, #tpu.memory_space<hbm>>
    %dma_wait3A_275 = tpu.memref_squeeze %dma_wait3A_274 : memref<1x128x64xf32, #tpu.memory_space<hbm>> -> memref<128x64xf32, #tpu.memory_space<hbm>>
    %dma_wait3A_276 = arith.constant 0 : i32
    %dma_wait3A_277 = arith.constant 0 : i32
    %dma_wait3A_278 = tpu.memref_slice %arg8[%dma_wait3A_267, %dma_wait3A_276, %dma_wait3A_277] : memref<8x128x64xf32, #tpu.memory_space<vmem>> -> memref<1x128x64xf32, #tpu.memory_space<vmem>>
    %dma_wait3A_279 = tpu.memref_squeeze %dma_wait3A_278 : memref<1x128x64xf32, #tpu.memory_space<vmem>> -> memref<128x64xf32, #tpu.memory_space<vmem>>
    tpu.wait_dma2 semaphore(%arg10 : memref<!tpu.dma_semaphore, #tpu.memory_space<semaphore_mem>>) src(%dma_wait3A_279 : memref<128x64xf32, #tpu.memory_space<vmem>>) dst(%dma_wait3A_275 : memref<128x64xf32, #tpu.memory_space<hbm>>)
    %dma_start3A_280 = arith.constant 36 : i32
    %dma_start3A_281 = arith.constant 0 : i32
    %dma_start3A_282 = arith.constant 0 : i32
    %dma_start3A_283 = arith.constant 0 : i32
    %dma_start3A_284 = tpu.memref_slice %arg8[%dma_start3A_281, %dma_start3A_282, %dma_start3A_283] : memref<8x128x64xf32, #tpu.memory_space<vmem>> -> memref<1x128x64xf32, #tpu.memory_space<vmem>>
    %dma_start3A_285 = tpu.memref_squeeze %dma_start3A_284 : memref<1x128x64xf32, #tpu.memory_space<vmem>> -> memref<128x64xf32, #tpu.memory_space<vmem>>
    %dma_start3A_286 = arith.constant 0 : i32
    %dma_start3A_287 = tpu.memref_slice %arg7[%dma_start3A_280, %dma_start3A_286] : memref<48x128xi32, #tpu.memory_space<vmem>> -> memref<1x128xi32, #tpu.memory_space<vmem>>
    %dma_start3A_288 = tpu.memref_squeeze %dma_start3A_287 : memref<1x128xi32, #tpu.memory_space<vmem>> -> memref<128xi32, #tpu.memory_space<vmem>>
    %dma_start3A_289 = arith.constant 0 : i32
    %dma_start3A_290 = arith.constant 0 : i32
    %dma_start3A_291 = tpu.memref_slice %arg5[%dma_start3A_289, %dma_start3A_290] : memref<100000x64xf32, #tpu.memory_space<hbm>> -> memref<100000x64xf32, #tpu.memory_space<hbm>>
    tpu.enqueue_indirect_dma source(%dma_start3A_291 : memref<100000x64xf32, #tpu.memory_space<hbm>>) target(%dma_start3A_285 : memref<128x64xf32, #tpu.memory_space<vmem>>) offsets(%dma_start3A_288 : memref<128xi32, #tpu.memory_space<vmem>>) semaphore(%arg9 : memref<!tpu.dma_semaphore, #tpu.memory_space<semaphore_mem>>)
    %dma_start3A_292 = arith.constant 37 : i32
    %dma_start3A_293 = arith.constant 1 : i32
    %dma_start3A_294 = arith.constant 0 : i32
    %dma_start3A_295 = arith.constant 0 : i32
    %dma_start3A_296 = tpu.memref_slice %arg8[%dma_start3A_293, %dma_start3A_294, %dma_start3A_295] : memref<8x128x64xf32, #tpu.memory_space<vmem>> -> memref<1x128x64xf32, #tpu.memory_space<vmem>>
    %dma_start3A_297 = tpu.memref_squeeze %dma_start3A_296 : memref<1x128x64xf32, #tpu.memory_space<vmem>> -> memref<128x64xf32, #tpu.memory_space<vmem>>
    %dma_start3A_298 = arith.constant 0 : i32
    %dma_start3A_299 = tpu.memref_slice %arg7[%dma_start3A_292, %dma_start3A_298] : memref<48x128xi32, #tpu.memory_space<vmem>> -> memref<1x128xi32, #tpu.memory_space<vmem>>
    %dma_start3A_300 = tpu.memref_squeeze %dma_start3A_299 : memref<1x128xi32, #tpu.memory_space<vmem>> -> memref<128xi32, #tpu.memory_space<vmem>>
    %dma_start3A_301 = arith.constant 0 : i32
    %dma_start3A_302 = arith.constant 0 : i32
    %dma_start3A_303 = tpu.memref_slice %arg5[%dma_start3A_301, %dma_start3A_302] : memref<100000x64xf32, #tpu.memory_space<hbm>> -> memref<100000x64xf32, #tpu.memory_space<hbm>>
    tpu.enqueue_indirect_dma source(%dma_start3A_303 : memref<100000x64xf32, #tpu.memory_space<hbm>>) target(%dma_start3A_297 : memref<128x64xf32, #tpu.memory_space<vmem>>) offsets(%dma_start3A_300 : memref<128xi32, #tpu.memory_space<vmem>>) semaphore(%arg9 : memref<!tpu.dma_semaphore, #tpu.memory_space<semaphore_mem>>)
    %dma_start3A_304 = arith.constant 38 : i32
    %dma_start3A_305 = arith.constant 2 : i32
    %dma_start3A_306 = arith.constant 0 : i32
    %dma_start3A_307 = arith.constant 0 : i32
    %dma_start3A_308 = tpu.memref_slice %arg8[%dma_start3A_305, %dma_start3A_306, %dma_start3A_307] : memref<8x128x64xf32, #tpu.memory_space<vmem>> -> memref<1x128x64xf32, #tpu.memory_space<vmem>>
    %dma_start3A_309 = tpu.memref_squeeze %dma_start3A_308 : memref<1x128x64xf32, #tpu.memory_space<vmem>> -> memref<128x64xf32, #tpu.memory_space<vmem>>
    %dma_start3A_310 = arith.constant 0 : i32
    %dma_start3A_311 = tpu.memref_slice %arg7[%dma_start3A_304, %dma_start3A_310] : memref<48x128xi32, #tpu.memory_space<vmem>> -> memref<1x128xi32, #tpu.memory_space<vmem>>
    %dma_start3A_312 = tpu.memref_squeeze %dma_start3A_311 : memref<1x128xi32, #tpu.memory_space<vmem>> -> memref<128xi32, #tpu.memory_space<vmem>>
    %dma_start3A_313 = arith.constant 0 : i32
    %dma_start3A_314 = arith.constant 0 : i32
    %dma_start3A_315 = tpu.memref_slice %arg5[%dma_start3A_313, %dma_start3A_314] : memref<100000x64xf32, #tpu.memory_space<hbm>> -> memref<100000x64xf32, #tpu.memory_space<hbm>>
    tpu.enqueue_indirect_dma source(%dma_start3A_315 : memref<100000x64xf32, #tpu.memory_space<hbm>>) target(%dma_start3A_309 : memref<128x64xf32, #tpu.memory_space<vmem>>) offsets(%dma_start3A_312 : memref<128xi32, #tpu.memory_space<vmem>>) semaphore(%arg9 : memref<!tpu.dma_semaphore, #tpu.memory_space<semaphore_mem>>)
    %dma_start3A_316 = arith.constant 39 : i32
    %dma_start3A_317 = arith.constant 3 : i32
    %dma_start3A_318 = arith.constant 0 : i32
    %dma_start3A_319 = arith.constant 0 : i32
    %dma_start3A_320 = tpu.memref_slice %arg8[%dma_start3A_317, %dma_start3A_318, %dma_start3A_319] : memref<8x128x64xf32, #tpu.memory_space<vmem>> -> memref<1x128x64xf32, #tpu.memory_space<vmem>>
    %dma_start3A_321 = tpu.memref_squeeze %dma_start3A_320 : memref<1x128x64xf32, #tpu.memory_space<vmem>> -> memref<128x64xf32, #tpu.memory_space<vmem>>
    %dma_start3A_322 = arith.constant 0 : i32
    %dma_start3A_323 = tpu.memref_slice %arg7[%dma_start3A_316, %dma_start3A_322] : memref<48x128xi32, #tpu.memory_space<vmem>> -> memref<1x128xi32, #tpu.memory_space<vmem>>
    %dma_start3A_324 = tpu.memref_squeeze %dma_start3A_323 : memref<1x128xi32, #tpu.memory_space<vmem>> -> memref<128xi32, #tpu.memory_space<vmem>>
    %dma_start3A_325 = arith.constant 0 : i32
    %dma_start3A_326 = arith.constant 0 : i32
    %dma_start3A_327 = tpu.memref_slice %arg5[%dma_start3A_325, %dma_start3A_326] : memref<100000x64xf32, #tpu.memory_space<hbm>> -> memref<100000x64xf32, #tpu.memory_space<hbm>>
    tpu.enqueue_indirect_dma source(%dma_start3A_327 : memref<100000x64xf32, #tpu.memory_space<hbm>>) target(%dma_start3A_321 : memref<128x64xf32, #tpu.memory_space<vmem>>) offsets(%dma_start3A_324 : memref<128xi32, #tpu.memory_space<vmem>>) semaphore(%arg9 : memref<!tpu.dma_semaphore, #tpu.memory_space<semaphore_mem>>)
    %scan3A_328 = arith.constant 0 : i32
    %scan3A_329 = arith.constant 12 : i32
    %scan3A_330 = arith.addi %scan3A_328, %scan3A_329 : i32
    %scan3A_331 = arith.constant 1 : i32
    scf.for %scan3A_418 = %scan3A_328 to %scan3A_330 step %scan3A_331  : i32 {
      %mul3A_419 = arith.constant 1 : i32
      %mul3A_420 = arith.muli %scan3A_418, %mul3A_419 : i32
      %add3A_421 = arith.constant 0 : i32
      %add3A_422 = arith.addi %add3A_421, %mul3A_420 : i32
      %add3A_423 = arith.constant 36 : i32
      %add3A_424 = arith.addi %add3A_423, %add3A_422 : i32
      %rem3A_425 = arith.constant 8 : i32
      %rem3A_426 = arith.remsi %add3A_422, %rem3A_425 : i32
      %dma_wait3A_427 = arith.constant 0 : i32
      %dma_wait3A_428 = arith.constant 0 : i32
      %dma_wait3A_429 = arith.constant 0 : i32
      %dma_wait3A_430 = tpu.memref_slice %arg8[%rem3A_426, %dma_wait3A_428, %dma_wait3A_429] : memref<8x128x64xf32, #tpu.memory_space<vmem>> -> memref<1x128x64xf32, #tpu.memory_space<vmem>>
      %dma_wait3A_431 = tpu.memref_squeeze %dma_wait3A_430 : memref<1x128x64xf32, #tpu.memory_space<vmem>> -> memref<128x64xf32, #tpu.memory_space<vmem>>
      %dma_wait3A_432 = arith.constant 0 : i32
      %dma_wait3A_433 = tpu.memref_slice %arg7[%dma_wait3A_427, %dma_wait3A_432] : memref<48x128xi32, #tpu.memory_space<vmem>> -> memref<1x128xi32, #tpu.memory_space<vmem>>
      %dma_wait3A_434 = tpu.memref_squeeze %dma_wait3A_433 : memref<1x128xi32, #tpu.memory_space<vmem>> -> memref<128xi32, #tpu.memory_space<vmem>>
      %dma_wait3A_435 = arith.constant 0 : i32
      %dma_wait3A_436 = arith.constant 0 : i32
      %dma_wait3A_437 = tpu.memref_slice %arg5[%dma_wait3A_435, %dma_wait3A_436] : memref<100000x64xf32, #tpu.memory_space<hbm>> -> memref<100000x64xf32, #tpu.memory_space<hbm>>
      tpu.wait_indirect_dma semaphore(%arg9 : memref<!tpu.dma_semaphore, #tpu.memory_space<semaphore_mem>>) src(%dma_wait3A_437 : memref<100000x64xf32, #tpu.memory_space<hbm>>) dst(%dma_wait3A_431 : memref<128x64xf32, #tpu.memory_space<vmem>>)
      %div3A_438 = arith.constant 2 : i32
      %div3A_439 = arith.divsi %add3A_424, %div3A_438 : i32
      %rem3A_440 = arith.constant 2 : i32
      %rem3A_441 = arith.remsi %add3A_424, %rem3A_440 : i32
      %mul3A_442 = arith.constant 64 : i32
      %mul3A_443 = arith.muli %rem3A_441, %mul3A_442 : i32
      %dma_start3A_444 = arith.constant 0 : i32
      %dma_start3A_445 = arith.constant 0 : i32
      %dma_start3A_446 = tpu.memref_slice %arg8[%rem3A_426, %dma_start3A_444, %dma_start3A_445] : memref<8x128x64xf32, #tpu.memory_space<vmem>> -> memref<1x128x64xf32, #tpu.memory_space<vmem>>
      %dma_start3A_447 = tpu.memref_squeeze %dma_start3A_446 : memref<1x128x64xf32, #tpu.memory_space<vmem>> -> memref<128x64xf32, #tpu.memory_space<vmem>>
      %dma_start3A_448 = tpu.memref_slice %arg6[%div3A_439, %add3A_9, %mul3A_443] : memref<24x4096x128xf32, #tpu.memory_space<hbm>> -> memref<1x128x64xf32, #tpu.memory_space<hbm>>
      %dma_start3A_449 = tpu.memref_squeeze %dma_start3A_448 : memref<1x128x64xf32, #tpu.memory_space<hbm>> -> memref<128x64xf32, #tpu.memory_space<hbm>>
      %dma_start3A_450 = tpu.memref_slice %arg6[%div3A_439, %add3A_9, %mul3A_443] : memref<24x4096x128xf32, #tpu.memory_space<hbm>> -> memref<1x128x64xf32, #tpu.memory_space<hbm>>
      %dma_start3A_451 = tpu.memref_squeeze %dma_start3A_450 : memref<1x128x64xf32, #tpu.memory_space<hbm>> -> memref<128x64xf32, #tpu.memory_space<hbm>>
      %dma_start3A_452 = arith.constant 0 : i32
      %dma_start3A_453 = arith.constant 0 : i32
      %dma_start3A_454 = tpu.memref_slice %arg8[%rem3A_426, %dma_start3A_452, %dma_start3A_453] : memref<8x128x64xf32, #tpu.memory_space<vmem>> -> memref<1x128x64xf32, #tpu.memory_space<vmem>>
      %dma_start3A_455 = tpu.memref_squeeze %dma_start3A_454 : memref<1x128x64xf32, #tpu.memory_space<vmem>> -> memref<128x64xf32, #tpu.memory_space<vmem>>
      tpu.enqueue_dma source(%dma_start3A_455 : memref<128x64xf32, #tpu.memory_space<vmem>>) target(%dma_start3A_451 : memref<128x64xf32, #tpu.memory_space<hbm>>) target_semaphore(%arg10 : memref<!tpu.dma_semaphore, #tpu.memory_space<semaphore_mem>>)
      %ge3A = arith.constant 4 : i32
      %ge3A_456 = arith.cmpi sge, %add3A_422, %ge3A : i32
      %convert_element_type3A = arith.extui %ge3A_456 : i1 to i32
      %cond3A = arith.constant 0 : i32
      %cond3A_457 = arith.cmpi ne, %convert_element_type3A, %cond3A : i32
      scf.if %cond3A_457 {
        %div3A_462 = arith.constant 0 : i32
        %div3A_463 = arith.constant 2 : i32
        %div3A_464 = arith.divsi %div3A_462, %div3A_463 : i32
        %rem3A_465 = arith.constant 0 : i32
        %rem3A_466 = arith.constant 2 : i32
        %rem3A_467 = arith.remsi %rem3A_465, %rem3A_466 : i32
        %mul3A_468 = arith.constant 64 : i32
        %mul3A_469 = arith.muli %rem3A_467, %mul3A_468 : i32
        %dma_wait3A_470 = arith.constant 0 : i32
        %dma_wait3A_471 = arith.constant 0 : i32
        %dma_wait3A_472 = arith.constant 0 : i32
        %dma_wait3A_473 = tpu.memref_slice %arg8[%dma_wait3A_470, %dma_wait3A_471, %dma_wait3A_472] : memref<8x128x64xf32, #tpu.memory_space<vmem>> -> memref<1x128x64xf32, #tpu.memory_space<vmem>>
        %dma_wait3A_474 = tpu.memref_squeeze %dma_wait3A_473 : memref<1x128x64xf32, #tpu.memory_space<vmem>> -> memref<128x64xf32, #tpu.memory_space<vmem>>
        %dma_wait3A_475 = tpu.memref_slice %arg6[%div3A_464, %add3A_9, %mul3A_469] : memref<24x4096x128xf32, #tpu.memory_space<hbm>> -> memref<1x128x64xf32, #tpu.memory_space<hbm>>
        %dma_wait3A_476 = tpu.memref_squeeze %dma_wait3A_475 : memref<1x128x64xf32, #tpu.memory_space<hbm>> -> memref<128x64xf32, #tpu.memory_space<hbm>>
        %dma_wait3A_477 = tpu.memref_slice %arg6[%div3A_464, %add3A_9, %mul3A_469] : memref<24x4096x128xf32, #tpu.memory_space<hbm>> -> memref<1x128x64xf32, #tpu.memory_space<hbm>>
        %dma_wait3A_478 = tpu.memref_squeeze %dma_wait3A_477 : memref<1x128x64xf32, #tpu.memory_space<hbm>> -> memref<128x64xf32, #tpu.memory_space<hbm>>
        %dma_wait3A_479 = arith.constant 0 : i32
        %dma_wait3A_480 = arith.constant 0 : i32
        %dma_wait3A_481 = tpu.memref_slice %arg8[%dma_wait3A_470, %dma_wait3A_479, %dma_wait3A_480] : memref<8x128x64xf32, #tpu.memory_space<vmem>> -> memref<1x128x64xf32, #tpu.memory_space<vmem>>
        %dma_wait3A_482 = tpu.memref_squeeze %dma_wait3A_481 : memref<1x128x64xf32, #tpu.memory_space<vmem>> -> memref<128x64xf32, #tpu.memory_space<vmem>>
        tpu.wait_dma2 semaphore(%arg10 : memref<!tpu.dma_semaphore, #tpu.memory_space<semaphore_mem>>) src(%dma_wait3A_482 : memref<128x64xf32, #tpu.memory_space<vmem>>) dst(%dma_wait3A_478 : memref<128x64xf32, #tpu.memory_space<hbm>>)
      } else {
      }
      %lt3A = arith.constant 8 : i32
      %lt3A_458 = arith.cmpi slt, %add3A_422, %lt3A : i32
      %convert_element_type3A_459 = arith.extui %lt3A_458 : i1 to i32
      %cond3A_460 = arith.constant 0 : i32
      %cond3A_461 = arith.cmpi ne, %convert_element_type3A_459, %cond3A_460 : i32
      scf.if %cond3A_461 {
        %add3A_462 = arith.constant 4 : i32
        %add3A_463 = arith.addi %add3A_424, %add3A_462 : i32
        %add3A_464 = arith.constant 4 : i32
        %add3A_465 = arith.addi %add3A_422, %add3A_464 : i32
        %rem3A_466 = arith.constant 8 : i32
        %rem3A_467 = arith.remsi %add3A_465, %rem3A_466 : i32
        %dma_start3A_468 = arith.constant 0 : i32
        %dma_start3A_469 = arith.constant 0 : i32
        %dma_start3A_470 = tpu.memref_slice %arg8[%rem3A_467, %dma_start3A_468, %dma_start3A_469] : memref<8x128x64xf32, #tpu.memory_space<vmem>> -> memref<1x128x64xf32, #tpu.memory_space<vmem>>
        %dma_start3A_471 = tpu.memref_squeeze %dma_start3A_470 : memref<1x128x64xf32, #tpu.memory_space<vmem>> -> memref<128x64xf32, #tpu.memory_space<vmem>>
        %dma_start3A_472 = arith.constant 0 : i32
        %dma_start3A_473 = tpu.memref_slice %arg7[%add3A_463, %dma_start3A_472] : memref<48x128xi32, #tpu.memory_space<vmem>> -> memref<1x128xi32, #tpu.memory_space<vmem>>
        %dma_start3A_474 = tpu.memref_squeeze %dma_start3A_473 : memref<1x128xi32, #tpu.memory_space<vmem>> -> memref<128xi32, #tpu.memory_space<vmem>>
        %dma_start3A_475 = arith.constant 0 : i32
        %dma_start3A_476 = arith.constant 0 : i32
        %dma_start3A_477 = tpu.memref_slice %arg5[%dma_start3A_475, %dma_start3A_476] : memref<100000x64xf32, #tpu.memory_space<hbm>> -> memref<100000x64xf32, #tpu.memory_space<hbm>>
        tpu.enqueue_indirect_dma source(%dma_start3A_477 : memref<100000x64xf32, #tpu.memory_space<hbm>>) target(%dma_start3A_471 : memref<128x64xf32, #tpu.memory_space<vmem>>) offsets(%dma_start3A_474 : memref<128xi32, #tpu.memory_space<vmem>>) semaphore(%arg9 : memref<!tpu.dma_semaphore, #tpu.memory_space<semaphore_mem>>)
      } else {
      }
    }
    %scan3A_332 = arith.constant 12 : i32
    %div3A_333 = arith.constant 0 : i32
    %div3A_334 = arith.constant 2 : i32
    %div3A_335 = arith.divsi %div3A_333, %div3A_334 : i32
    %rem3A_336 = arith.constant 0 : i32
    %rem3A_337 = arith.constant 2 : i32
    %rem3A_338 = arith.remsi %rem3A_336, %rem3A_337 : i32
    %mul3A_339 = arith.constant 64 : i32
    %mul3A_340 = arith.muli %rem3A_338, %mul3A_339 : i32
    %dma_wait3A_341 = arith.constant 0 : i32
    %dma_wait3A_342 = arith.constant 0 : i32
    %dma_wait3A_343 = arith.constant 0 : i32
    %dma_wait3A_344 = tpu.memref_slice %arg8[%dma_wait3A_341, %dma_wait3A_342, %dma_wait3A_343] : memref<8x128x64xf32, #tpu.memory_space<vmem>> -> memref<1x128x64xf32, #tpu.memory_space<vmem>>
    %dma_wait3A_345 = tpu.memref_squeeze %dma_wait3A_344 : memref<1x128x64xf32, #tpu.memory_space<vmem>> -> memref<128x64xf32, #tpu.memory_space<vmem>>
    %dma_wait3A_346 = tpu.memref_slice %arg6[%div3A_335, %add3A_9, %mul3A_340] : memref<24x4096x128xf32, #tpu.memory_space<hbm>> -> memref<1x128x64xf32, #tpu.memory_space<hbm>>
    %dma_wait3A_347 = tpu.memref_squeeze %dma_wait3A_346 : memref<1x128x64xf32, #tpu.memory_space<hbm>> -> memref<128x64xf32, #tpu.memory_space<hbm>>
    %dma_wait3A_348 = tpu.memref_slice %arg6[%div3A_335, %add3A_9, %mul3A_340] : memref<24x4096x128xf32, #tpu.memory_space<hbm>> -> memref<1x128x64xf32, #tpu.memory_space<hbm>>
    %dma_wait3A_349 = tpu.memref_squeeze %dma_wait3A_348 : memref<1x128x64xf32, #tpu.memory_space<hbm>> -> memref<128x64xf32, #tpu.memory_space<hbm>>
    %dma_wait3A_350 = arith.constant 0 : i32
    %dma_wait3A_351 = arith.constant 0 : i32
    %dma_wait3A_352 = tpu.memref_slice %arg8[%dma_wait3A_341, %dma_wait3A_350, %dma_wait3A_351] : memref<8x128x64xf32, #tpu.memory_space<vmem>> -> memref<1x128x64xf32, #tpu.memory_space<vmem>>
    %dma_wait3A_353 = tpu.memref_squeeze %dma_wait3A_352 : memref<1x128x64xf32, #tpu.memory_space<vmem>> -> memref<128x64xf32, #tpu.memory_space<vmem>>
    tpu.wait_dma2 semaphore(%arg10 : memref<!tpu.dma_semaphore, #tpu.memory_space<semaphore_mem>>) src(%dma_wait3A_353 : memref<128x64xf32, #tpu.memory_space<vmem>>) dst(%dma_wait3A_349 : memref<128x64xf32, #tpu.memory_space<hbm>>)
    %div3A_354 = arith.constant 0 : i32
    %div3A_355 = arith.constant 2 : i32
    %div3A_356 = arith.divsi %div3A_354, %div3A_355 : i32
    %rem3A_357 = arith.constant 0 : i32
    %rem3A_358 = arith.constant 2 : i32
    %rem3A_359 = arith.remsi %rem3A_357, %rem3A_358 : i32
    %mul3A_360 = arith.constant 64 : i32
    %mul3A_361 = arith.muli %rem3A_359, %mul3A_360 : i32
    %dma_wait3A_362 = arith.constant 0 : i32
    %dma_wait3A_363 = arith.constant 0 : i32
    %dma_wait3A_364 = arith.constant 0 : i32
    %dma_wait3A_365 = tpu.memref_slice %arg8[%dma_wait3A_362, %dma_wait3A_363, %dma_wait3A_364] : memref<8x128x64xf32, #tpu.memory_space<vmem>> -> memref<1x128x64xf32, #tpu.memory_space<vmem>>
    %dma_wait3A_366 = tpu.memref_squeeze %dma_wait3A_365 : memref<1x128x64xf32, #tpu.memory_space<vmem>> -> memref<128x64xf32, #tpu.memory_space<vmem>>
    %dma_wait3A_367 = tpu.memref_slice %arg6[%div3A_356, %add3A_9, %mul3A_361] : memref<24x4096x128xf32, #tpu.memory_space<hbm>> -> memref<1x128x64xf32, #tpu.memory_space<hbm>>
    %dma_wait3A_368 = tpu.memref_squeeze %dma_wait3A_367 : memref<1x128x64xf32, #tpu.memory_space<hbm>> -> memref<128x64xf32, #tpu.memory_space<hbm>>
    %dma_wait3A_369 = tpu.memref_slice %arg6[%div3A_356, %add3A_9, %mul3A_361] : memref<24x4096x128xf32, #tpu.memory_space<hbm>> -> memref<1x128x64xf32, #tpu.memory_space<hbm>>
    %dma_wait3A_370 = tpu.memref_squeeze %dma_wait3A_369 : memref<1x128x64xf32, #tpu.memory_space<hbm>> -> memref<128x64xf32, #tpu.memory_space<hbm>>
    %dma_wait3A_371 = arith.constant 0 : i32
    %dma_wait3A_372 = arith.constant 0 : i32
    %dma_wait3A_373 = tpu.memref_slice %arg8[%dma_wait3A_362, %dma_wait3A_371, %dma_wait3A_372] : memref<8x128x64xf32, #tpu.memory_space<vmem>> -> memref<1x128x64xf32, #tpu.memory_space<vmem>>
    %dma_wait3A_374 = tpu.memref_squeeze %dma_wait3A_373 : memref<1x128x64xf32, #tpu.memory_space<vmem>> -> memref<128x64xf32, #tpu.memory_space<vmem>>
    tpu.wait_dma2 semaphore(%arg10 : memref<!tpu.dma_semaphore, #tpu.memory_space<semaphore_mem>>) src(%dma_wait3A_374 : memref<128x64xf32, #tpu.memory_space<vmem>>) dst(%dma_wait3A_370 : memref<128x64xf32, #tpu.memory_space<hbm>>)
    %div3A_375 = arith.constant 0 : i32
    %div3A_376 = arith.constant 2 : i32
    %div3A_377 = arith.divsi %div3A_375, %div3A_376 : i32
    %rem3A_378 = arith.constant 0 : i32
    %rem3A_379 = arith.constant 2 : i32
    %rem3A_380 = arith.remsi %rem3A_378, %rem3A_379 : i32
    %mul3A_381 = arith.constant 64 : i32
    %mul3A_382 = arith.muli %rem3A_380, %mul3A_381 : i32
    %dma_wait3A_383 = arith.constant 0 : i32
    %dma_wait3A_384 = arith.constant 0 : i32
    %dma_wait3A_385 = arith.constant 0 : i32
    %dma_wait3A_386 = tpu.memref_slice %arg8[%dma_wait3A_383, %dma_wait3A_384, %dma_wait3A_385] : memref<8x128x64xf32, #tpu.memory_space<vmem>> -> memref<1x128x64xf32, #tpu.memory_space<vmem>>
    %dma_wait3A_387 = tpu.memref_squeeze %dma_wait3A_386 : memref<1x128x64xf32, #tpu.memory_space<vmem>> -> memref<128x64xf32, #tpu.memory_space<vmem>>
    %dma_wait3A_388 = tpu.memref_slice %arg6[%div3A_377, %add3A_9, %mul3A_382] : memref<24x4096x128xf32, #tpu.memory_space<hbm>> -> memref<1x128x64xf32, #tpu.memory_space<hbm>>
    %dma_wait3A_389 = tpu.memref_squeeze %dma_wait3A_388 : memref<1x128x64xf32, #tpu.memory_space<hbm>> -> memref<128x64xf32, #tpu.memory_space<hbm>>
    %dma_wait3A_390 = tpu.memref_slice %arg6[%div3A_377, %add3A_9, %mul3A_382] : memref<24x4096x128xf32, #tpu.memory_space<hbm>> -> memref<1x128x64xf32, #tpu.memory_space<hbm>>
    %dma_wait3A_391 = tpu.memref_squeeze %dma_wait3A_390 : memref<1x128x64xf32, #tpu.memory_space<hbm>> -> memref<128x64xf32, #tpu.memory_space<hbm>>
    %dma_wait3A_392 = arith.constant 0 : i32
    %dma_wait3A_393 = arith.constant 0 : i32
    %dma_wait3A_394 = tpu.memref_slice %arg8[%dma_wait3A_383, %dma_wait3A_392, %dma_wait3A_393] : memref<8x128x64xf32, #tpu.memory_space<vmem>> -> memref<1x128x64xf32, #tpu.memory_space<vmem>>
    %dma_wait3A_395 = tpu.memref_squeeze %dma_wait3A_394 : memref<1x128x64xf32, #tpu.memory_space<vmem>> -> memref<128x64xf32, #tpu.memory_space<vmem>>
    tpu.wait_dma2 semaphore(%arg10 : memref<!tpu.dma_semaphore, #tpu.memory_space<semaphore_mem>>) src(%dma_wait3A_395 : memref<128x64xf32, #tpu.memory_space<vmem>>) dst(%dma_wait3A_391 : memref<128x64xf32, #tpu.memory_space<hbm>>)
    %div3A_396 = arith.constant 0 : i32
    %div3A_397 = arith.constant 2 : i32
    %div3A_398 = arith.divsi %div3A_396, %div3A_397 : i32
    %rem3A_399 = arith.constant 0 : i32
    %rem3A_400 = arith.constant 2 : i32
    %rem3A_401 = arith.remsi %rem3A_399, %rem3A_400 : i32
    %mul3A_402 = arith.constant 64 : i32
    %mul3A_403 = arith.muli %rem3A_401, %mul3A_402 : i32
    %dma_wait3A_404 = arith.constant 0 : i32
    %dma_wait3A_405 = arith.constant 0 : i32
    %dma_wait3A_406 = arith.constant 0 : i32
    %dma_wait3A_407 = tpu.memref_slice %arg8[%dma_wait3A_404, %dma_wait3A_405, %dma_wait3A_406] : memref<8x128x64xf32, #tpu.memory_space<vmem>> -> memref<1x128x64xf32, #tpu.memory_space<vmem>>
    %dma_wait3A_408 = tpu.memref_squeeze %dma_wait3A_407 : memref<1x128x64xf32, #tpu.memory_space<vmem>> -> memref<128x64xf32, #tpu.memory_space<vmem>>
    %dma_wait3A_409 = tpu.memref_slice %arg6[%div3A_398, %add3A_9, %mul3A_403] : memref<24x4096x128xf32, #tpu.memory_space<hbm>> -> memref<1x128x64xf32, #tpu.memory_space<hbm>>
    %dma_wait3A_410 = tpu.memref_squeeze %dma_wait3A_409 : memref<1x128x64xf32, #tpu.memory_space<hbm>> -> memref<128x64xf32, #tpu.memory_space<hbm>>
    %dma_wait3A_411 = tpu.memref_slice %arg6[%div3A_398, %add3A_9, %mul3A_403] : memref<24x4096x128xf32, #tpu.memory_space<hbm>> -> memref<1x128x64xf32, #tpu.memory_space<hbm>>
    %dma_wait3A_412 = tpu.memref_squeeze %dma_wait3A_411 : memref<1x128x64xf32, #tpu.memory_space<hbm>> -> memref<128x64xf32, #tpu.memory_space<hbm>>
    %dma_wait3A_413 = arith.constant 0 : i32
    %dma_wait3A_414 = arith.constant 0 : i32
    %dma_wait3A_415 = tpu.memref_slice %arg8[%dma_wait3A_404, %dma_wait3A_413, %dma_wait3A_414] : memref<8x128x64xf32, #tpu.memory_space<vmem>> -> memref<1x128x64xf32, #tpu.memory_space<vmem>>
    %dma_wait3A_416 = tpu.memref_squeeze %dma_wait3A_415 : memref<1x128x64xf32, #tpu.memory_space<vmem>> -> memref<128x64xf32, #tpu.memory_space<vmem>>
    tpu.wait_dma2 semaphore(%arg10 : memref<!tpu.dma_semaphore, #tpu.memory_space<semaphore_mem>>) src(%dma_wait3A_416 : memref<128x64xf32, #tpu.memory_space<vmem>>) dst(%dma_wait3A_412 : memref<128x64xf32, #tpu.memory_space<hbm>>)
    %scan3A_417 = arith.constant 1 : i32
    return
  }
}

module attributes {stable_mosaic.version = 14 : i64} {
  func.func @_mlp_body(%arg0: i32, %arg1: memref<24x1024x128xf32, #tpu.memory_space<vmem>>, %arg2: memref<24x128x256xbf16, #tpu.memory_space<vmem>>, %arg3: memref<1x256xf32, #tpu.memory_space<vmem>>, %arg4: memref<256x128xf32, #tpu.memory_space<vmem>>, %arg5: memref<1x128xf32, #tpu.memory_space<vmem>>, %arg6: memref<1024x128xf32, #tpu.memory_space<vmem>>) attributes {dimension_semantics = [#tpu.dimension_semantics<arbitrary>], iteration_bounds = array<i64: 4>, scalar_prefetch = 0 : i64, scratch_operands = 0 : i64, tpu.core_type = #tpu.core_type<tc>, window_params = [{transform_indices = @transform_0, window_bounds = array<i64: 24, 1024, 128>}, {pipeline_mode = #tpu.pipeline_mode<synchronous>, transform_indices = @transform_1, window_bounds = array<i64: 24, 128, 256>}, {pipeline_mode = #tpu.pipeline_mode<synchronous>, transform_indices = @transform_2, window_bounds = array<i64: 1, 256>}, {pipeline_mode = #tpu.pipeline_mode<synchronous>, transform_indices = @transform_3, window_bounds = array<i64: 256, 128>}, {pipeline_mode = #tpu.pipeline_mode<synchronous>, transform_indices = @transform_4, window_bounds = array<i64: 1, 128>}, {transform_indices = @transform_5, window_bounds = array<i64: 1024, 128>}]} {
    %get3A = arith.constant 0 : index
    %get3A_0 = arith.constant 0 : index
    %get3A_1 = arith.constant 0 : index
    %get3A_2 = vector.load %arg1[%get3A, %get3A_0, %get3A_1] : memref<24x1024x128xf32, #tpu.memory_space<vmem>>, vector<24x1024x128xf32>
    %convert_element_type3A = arith.truncf %get3A_2 : vector<24x1024x128xf32> to vector<24x1024x128xbf16>
    %get3A_3 = arith.constant 0 : index
    %get3A_4 = arith.constant 0 : index
    %get3A_5 = arith.constant 0 : index
    %get3A_6 = vector.load %arg2[%get3A_3, %get3A_4, %get3A_5] : memref<24x128x256xbf16, #tpu.memory_space<vmem>>, vector<24x128x256xbf16>
    %dot_general3A = arith.constant dense<0.000000e+00> : vector<24x1024x256xf32>
    %dot_general3A_7 = tpu.matmul %convert_element_type3A, %get3A_6, %dot_general3A {dimension_numbers = #tpu.dot_dimension_numbers<[2], [1], [1], [2], [0, 0, 0, 1, 1, 2], [0], [0]>, transpose_lhs_hint = false} : vector<24x1024x128xbf16>, vector<24x128x256xbf16>, vector<24x1024x256xf32> -> vector<24x1024x256xf32>
    %reduce_sum3A = arith.constant dense<0.000000e+00> : vector<1024x256xf32>
    %reduce_sum3A_8 = vector.multi_reduction <add>, %dot_general3A_7, %reduce_sum3A [0] : vector<24x1024x256xf32> to vector<1024x256xf32>
    %get3A_9 = arith.constant 0 : index
    %get3A_10 = arith.constant 0 : index
    %get3A_11 = vector.load %arg3[%get3A_9, %get3A_10] : memref<1x256xf32, #tpu.memory_space<vmem>>, vector<1x256xf32>
    %add3A = vector.broadcast %get3A_11 : vector<1x256xf32> to vector<1024x256xf32>
    %add3A_12 = arith.addf %reduce_sum3A_8, %add3A : vector<1024x256xf32>
    %tanh3A = math.tanh %add3A_12 : vector<1024x256xf32>
    %get3A_13 = arith.constant 0 : index
    %get3A_14 = arith.constant 0 : index
    %get3A_15 = vector.load %arg4[%get3A_13, %get3A_14] : memref<256x128xf32, #tpu.memory_space<vmem>>, vector<256x128xf32>
    %dot_general3A_16 = arith.constant dense<0.000000e+00> : vector<1024x128xf32>
    %dot_general3A_17 = tpu.matmul %tanh3A, %get3A_15, %dot_general3A_16 {dimension_numbers = #tpu.dot_dimension_numbers<[1], [0], [0], [1], [0, 0, 1, 1], [], []>, transpose_lhs_hint = false} : vector<1024x256xf32>, vector<256x128xf32>, vector<1024x128xf32> -> vector<1024x128xf32>
    %get3A_18 = arith.constant 0 : index
    %get3A_19 = arith.constant 0 : index
    %get3A_20 = vector.load %arg5[%get3A_18, %get3A_19] : memref<1x128xf32, #tpu.memory_space<vmem>>, vector<1x128xf32>
    %add3A_21 = vector.broadcast %get3A_20 : vector<1x128xf32> to vector<1024x128xf32>
    %add3A_22 = arith.addf %dot_general3A_17, %add3A_21 : vector<1024x128xf32>
    %swap3A = arith.constant 0 : index
    %swap3A_23 = arith.constant 0 : index
    %swap3A_24 = vector.load %arg6[%swap3A, %swap3A_23] : memref<1024x128xf32, #tpu.memory_space<vmem>>, vector<1024x128xf32>
    tpu.vector_store %arg6[%swap3A, %swap3A_23], %add3A_22 {strides = array<i32>} : memref<1024x128xf32, #tpu.memory_space<vmem>>, vector<1024x128xf32>,
    return
  }
  func.func @transform_0(%arg0: i32) -> (i32, i32, i32) {
    %c0_i32 = arith.constant 0 : i32
    %c0_i32_0 = arith.constant 0 : i32
    %c0_i32_1 = arith.constant 0 : i32
    return %c0_i32, %arg0, %c0_i32_0 : i32, i32, i32
  }
  func.func @transform_1(%arg0: i32) -> (i32, i32, i32) {
    %c0_i32 = arith.constant 0 : i32
    %c0_i32_0 = arith.constant 0 : i32
    %c0_i32_1 = arith.constant 0 : i32
    %c0_i32_2 = arith.constant 0 : i32
    return %c0_i32, %c0_i32_0, %c0_i32_1 : i32, i32, i32
  }
  func.func @transform_2(%arg0: i32) -> (i32, i32) {
    %c0_i32 = arith.constant 0 : i32
    %c0_i32_0 = arith.constant 0 : i32
    %c0_i32_1 = arith.constant 0 : i32
    return %c0_i32, %c0_i32_0 : i32, i32
  }
  func.func @transform_3(%arg0: i32) -> (i32, i32) {
    %c0_i32 = arith.constant 0 : i32
    %c0_i32_0 = arith.constant 0 : i32
    %c0_i32_1 = arith.constant 0 : i32
    return %c0_i32, %c0_i32_0 : i32, i32
  }
  func.func @transform_4(%arg0: i32) -> (i32, i32) {
    %c0_i32 = arith.constant 0 : i32
    %c0_i32_0 = arith.constant 0 : i32
    %c0_i32_1 = arith.constant 0 : i32
    return %c0_i32, %c0_i32_0 : i32, i32
  }
  func.func @transform_5(%arg0: i32) -> (i32, i32) {
    %c0_i32 = arith.constant 0 : i32
    %c0_i32_0 = arith.constant 0 : i32
    return %arg0, %c0_i32 : i32, i32
  }
}

</mosaic_0001>

<sc_bundles>
// kernel: kernel.10.cloned.1.call-start
scs
__scs_entry_jumppad:
0x0: {  	(pc) =	sbr.rel $0x88, $3  }
0x1: {  	(tag) =	ssettag $0x0;
	lr =	simm.s32 $0x1  }
0x2: {  	[smem:$0x3F99] =	sst lr;
	_ =	strace $0xD0000000  }
0x3: {  	_ = 	snop  }
0x4: {  	_ = 	snop  }
0x5: {  	_ = 	snop  }
0x6: {  	_ = 	snop  }
0x7: {  	_ = 	snop  }
__scs_overlays_trampoline_lowered:
0x8: {  	[smem:$0x3FA8] =	sst s0  }
0x9: {  	[smem:$0x3FA9] =	sst s1  }
0xa: {  	[smem:$0x3FAA] =	sst s2  }
0xb: {  	[smem:$0x3FAB] =	sst s3  }
0xc: {  	[smem:$0x3FAC] =	sst s4  }
0xd: {  	[smem:$0x3FAD] =	sst s5  }
0xe: {  	[smem:$0x3FAE] =	sst s6  }
0xf: {  	[smem:$0x3FAF] =	sst s7  }
0x10: {  	[smem:$0x3FB0] =	sst s8  }
0x11: {  	[smem:$0x3FB1] =	sst s9;
	s0 =	simm.s32 @!p0 $0x0  }
0x12: {  	s1 =	sld [smem:$0x3F97];
	s0 =	simm.s32 @p0 $0x1  }
0x13: {  	[smem:$0x3FB2] =	sst s0;
	s0 =	simm.s32 @!p1 $0x0  }
0x14: {  	s2 =	sld [smem:$0x3F96];
	s0 =	simm.s32 @p1 $0x1  }
0x15: {  	[smem:$0x3FB3] =	sst s0;
	s0 =	simm.s32 @!p2 $0x0  }
0x16: {  	s3 =	sld [smem:$0x3FDB];
	s0 =	simm.s32 @p2 $0x1  }
0x17: {  	s4 =	simm.s32 $0x1BF5;
	[smem:$0x3FB5] =	sst s0  }
0x18: {  	s0 =	sld [smem:$0x3F98];
	_ =	swait.ge [sflag:s4], $0x0  }
0x19: {  	s7 =	sld [smem:$0x3F99]  }
0x1a: {  	s8 =	sadd.s32 $0xFFFFE003, lr  }
0x1b: {  	s9 =	sadd.s32 $0xFFFFFEF7, lr;
	s5 =	simm.s32 $0xFFFFFFFF;
	p2 =	slt.u32 s8, $0xFFFFF086  }
0x1c: {  	p1 =	slt.u32 s9, $0xF7A;
	s5 =	simm.s32 @!p2 $0x0  }
0x1d: {  	s5 =	simm.s32 @p1 $0x1;
	p0 =	seq.s32 s7, s2  }
0x1e: {  	s7 =	smul.u32 @!p0 $0xF7A, s2;
	p2 =	seq.s32 @!p0 s5, $0x0  }
0x1f: {  	s9 =	smul.u32 $0xF7A, s1;
	s8 =	simm.s32 @!p0 $0x1BF5;
	p2 =	por !p2, p0  }
0x20: {  	[sflag:s8] =	ssyncset.s32 @!p0 $0xFFFFF086;
	s6 =	sadd.s32 @!p0 s3, s7;
	s7 =	simm.s32 @!p0 $0x108  }
0x21: {  	s3 =	sadd.s32 s3, s9;
	s6 =	sadd.s32 @!p0 $0x88, s6;
	s7 =	simm.s32 @p2 $0x1082  }
0x22: {  	[simem:s7], [sflag:s8] =	dma.local @!p0 [hbm:s6], $0xF7A  }
0x23: {  	s9 =	sor.u32 $0xD0000000, s2;
	s6 =	simm.s32 $0x108;
	_ =	swait.ge @!p0 [sflag:s8], $0x0  }
0x24: {  	s3 =	sadd.s32 $0x88, s3;
	s6 =	simm.s32 @!p1 $0x1082;
	[sflag:s4] =	ssyncset.s32 $0xFFFFF086  }
0x25: {  	[simem:s6], [sflag:s4] =	dma.local [hbm:s3], $0xF7A  }
0x26: {  	[smem:$0x3F99] =	sst s1;
	(tag) =	ssettag s2;
	_ =	strace s9  }
0x27: {  	s1 =	sld [smem:$0x3FA9]  }
0x28: {  	s2 =	sld [smem:$0x3FAA]  }
0x29: {  	s4 =	sld [smem:$0x3FAC]  }
0x2a: {  	p0 =	seq.s32 s5, $0x0;
	s5 =	sld [smem:$0x3FAD]  }
0x2b: {  	s6 =	sld [smem:$0x3FAE]  }
0x2c: {  	s7 =	sld [smem:$0x3FAF]  }
0x2d: {  	s3 =	simm.s32 $0x108;
	s8 =	sld [smem:$0x3FB0]  }
0x2e: {  	s3 =	simm.s32 @!p0 $0x1082;
	s9 =	sld [smem:$0x3FB1]  }
0x2f: {  	lr =	sadd.s32 s0, s3;
	s0 =	sld [smem:$0x3FA8]  }
0x30: {  	s3 =	sld [smem:$0x3FAB]  }
0x31: {  	[smem:$0x3FB4] =	sst s10  }
0x32: {  	s10 =	sld [smem:$0x3FB2];
	_ =	sdelay $0x3  }
0x33: {  	p0 =	seq.s32 s10, $0x1;
	s10 =	sld [smem:$0x3FB4];
	_ =	sdelay $0x3  }
0x34: {  	[smem:$0x3FB4] =	sst s10  }
0x35: {  	s10 =	sld [smem:$0x3FB3];
	_ =	sdelay $0x3  }
0x36: {  	p1 =	seq.s32 s10, $0x1;
	s10 =	sld [smem:$0x3FB4];
	_ =	sdelay $0x3  }
0x37: {  	[smem:$0x3FB4] =	sst s10  }
0x38: {  	s10 =	sld [smem:$0x3FB5]  }
0x39: {  	_ = 	snop;
	(pc) =	sbr.ind lr, $3  }
0x3a: {  	_ = 	snop  }
0x3b: {  	_ = 	snop  }
0x3c: {  	p2 =	seq.s32 s10, $0x1;
	s10 =	sld [smem:$0x3FB4]  }
0x3d: {  	_ =	shalt  }
0x3e: {  	_ =	shalt  }
0x3f: {  	_ =	shalt  }
0x40: {  	_ =	shalt  }
0x41: {  	_ =	shalt  }
0x42: {  	_ =	shalt  }
0x43: {  	_ =	shalt  }
0x44: {  	_ =	shalt  }
0x45: {  	_ =	shalt  }
0x46: {  	_ =	shalt  }
0x47: {  	_ =	shalt  }
0x48: {  	_ =	shalt  }
0x49: {  	_ =	shalt  }
0x4a: {  	_ =	shalt  }
0x4b: {  	_ =	shalt  }
0x4c: {  	_ =	shalt  }
0x4d: {  	_ =	shalt  }
0x4e: {  	_ =	shalt  }
0x4f: {  	_ =	shalt  }
0x50: {  	_ =	shalt  }
0x51: {  	_ =	shalt  }
0x52: {  	_ =	shalt  }
0x53: {  	_ =	shalt  }
0x54: {  	_ =	shalt  }
0x55: {  	_ =	shalt  }
0x56: {  	_ =	shalt  }
0x57: {  	_ =	shalt  }
0x58: {  	_ =	shalt  }
0x59: {  	_ =	shalt  }
0x5a: {  	_ =	shalt  }
0x5b: {  	_ =	shalt  }
0x5c: {  	_ =	shalt  }
0x5d: {  	_ =	shalt  }
0x5e: {  	_ =	shalt  }
0x5f: {  	_ =	shalt  }
0x60: {  	_ =	shalt  }
0x61: {  	_ =	shalt  }
0x62: {  	_ =	shalt  }
0x63: {  	_ =	shalt  }
0x64: {  	_ =	shalt  }
0x65: {  	_ =	shalt  }
0x66: {  	_ =	shalt  }
0x67: {  	_ =	shalt  }
0x68: {  	_ =	shalt  }
0x69: {  	_ =	shalt  }
0x6a: {  	_ =	shalt  }
0x6b: {  	_ =	shalt  }
0x6c: {  	_ =	shalt  }
0x6d: {  	_ =	shalt  }
0x6e: {  	_ =	shalt  }
0x6f: {  	_ =	shalt  }
0x70: {  	_ =	shalt  }
0x71: {  	_ =	shalt  }
0x72: {  	_ =	shalt  }
0x73: {  	_ =	shalt  }
0x74: {  	_ =	shalt  }
0x75: {  	_ =	shalt  }
0x76: {  	_ =	shalt  }
0x77: {  	_ =	shalt  }
0x78: {  	_ =	shalt  }
0x79: {  	_ =	shalt  }
0x7a: {  	_ =	shalt  }
0x7b: {  	_ =	shalt  }
0x7c: {  	_ =	shalt  }
0x7d: {  	_ =	shalt  }
0x7e: {  	_ =	shalt  }
0x7f: {  	_ =	shalt  }
0x80: {  	_ =	shalt  }
0x81: {  	_ =	shalt  }
0x82: {  	_ =	shalt  }
0x83: {  	_ =	shalt  }
0x84: {  	_ =	shalt  }
0x85: {  	_ =	shalt  }
0x86: {  	_ =	shalt  }
0x87: {  	_ =	shalt  }
.Lfunc_end0:
.L_simem_size_0:
called_computation_lowered:
.L_overlay_start_0:
0x88: {  	s2 =	sld [smem:$0x3FD9]  }
0x89: {  	s3 =	sld [smem:$0x3FFE];
	_ =	sdelay $0x1  }
0x8a: {  	s1 =	srdreg.scid  }
0x8b: {  	s0 =	sand.u32 $0x1, s1  }
0x8c: {  	s16 =	sshll.u32 s0, $0xA;
	s2 =	sadd.s32 s3, s2  }
0x8d: {  	s2 =	sadd.s32 s2, s16  }
0x8e: {  	[smem:$0x3FC0] =	sst s2  }
0x8f: {  	_ = 	snop  }
0x90: {  	(tm) =	ssettm $0x1  }
0x91: {  	s17 =	sld [smem:$0x3FFB];
	_ =	sdelay $0x3  }
0x92: {  	_ =	strace s17  }
0x93: {  	s2 =	sld [smem:$0x3FFC];
	_ =	sdelay $0x3  }
0x94: {  	_ =	strace s2  }
0x95: {  	s2 =	sld [smem:$0x3FFD];
	_ =	sdelay $0x3  }
0x96: {  	_ =	strace s2  }
0x97: {  	_ =	strace $0x8FFFFFFF  }
0x98: {  	s18 =	sld [smem:$0x3FDB];
	_ =	sdelay $0x1  }
0x99: {  	s19 =	simm.s32 $_scs_section_size  }
0x9a: {  	s4 =	simm.s32 $_size__tile_overlayer_lowered;
	s5 =	simm.s32 $_tile_overlayer_lowered  }
0x9b: {  	s22 =	simm.s32 $0x1BFF;
	s21 =	sshll.u32 s5, $0x1;
	s2 =	sadd.s32 s19, s18  }
0x9c: {  	s6 =	simm.s32 $0x0;
	s20 =	sshll.u32 s4, $0x1;
	s4 =	sadd.s32 s21, s2  }
0x9d: {  	[timem:s6], [sflag:s22] =	dma.local [hbm:s4], s20  }
0x9e: {  	_ =	swait.ge [sflag:s22], s20  }
0x9f: {  	s3 =	ssub.s32 $0x0, s20;
	[sflag:s22] =	ssyncset.done $0x0  }
0xa0: {  	[sflag:s22] =	ssyncadd.s32 s3;
	_ =	sdelay $0x1  }
0xa1: {  	s23 =	simm.s32 $0x1B8B  }
0xa2: {  	_ =	swait.ge [sflag:s23], $0x1  }
0xa3: {  	[sflag:s23] =	ssyncset.done $0x0  }
0xa4: {  	s25 =	simm.s32 $0x1B8E;
	s24 =	sld [smem:$0x3FFE];
	[sflag:s23] =	ssyncadd.s32 $0xFFFFFFFF  }
0xa5: {  	s26 =	simm.s32 $execute0_lowered;
	[smem:$0x3FD2] =	sst s25  }
0xa6: {  	s4 =	sshll.u32 s26, $0x1;
	_ =	strace $0x80000046;
	[dreg:$0x1] =	wrdreg $0xFFFFFFFF  }
0xa7: {  	s28 =	simm.s32 $_size_execute0_lowered;
	s2 =	sadd.s32 s2, s4;
	[dreg:$0x0] =	wrdreg $0x0  }
0xa8: {  	s4 =	sshll.u32 s28, $0x1;
	[dreg:$0x2] =	wrdreg s2  }
0xa9: {  	[dreg:$0x3] =	wrdreg s4  }
0xaa: {  	[dreg:$0x4] =	wrdreg $0xC0  }
0xab: {  	_ =	task [dreg:s6], $0x5FFFF  }
0xac: {  	[dreg:$0x1] =	wrdreg $0xFFFFFFFF  }
0xad: {  	[dreg:$0x0] =	wrdreg $0x60  }
0xae: {  	[dreg:$0x2] =	wrdreg s24  }
0xaf: {  	[dreg:$0x3] =	wrdreg $0x9  }
0xb0: {  	_ =	task.clear_ibuf [dreg:s6], $0x4FFFF;
	_ =	strace $0x90000046  }
0xb1: {  	s29 =	simm.s32 $0x9;
	_ =	strace $0x80000048  }
0xb2: {  	_ =	swait.ge [sflag:s29], $0x1  }
0xb3: {  	[sflag:s29] =	ssyncadd.s32 $0xFFFFFFFF  }
0xb4: {  	_ =	strace $0x90000048  }
0xb5: {  	_ =	sfence  }
0xb6: {  	s30 =	sld [smem:$0x0];
	_ =	sdelay $0x2  }
0xb7: {  	s31 =	sshll.u32 s1, $0xD;
	s1 =	sshrl.u32 s1, $0x2  }
0xb8: {  	s3 =	sand.u32 $0x4000, s31;
	s1 =	sadd.s32 s1, s30  }
0xb9: {  	s0 =	sor.u32 s3, s0;
	s1 =	sshll.u32 s1, $0x11  }
0xba: {  	s0 =	sor.u32 s1, s0  }
0xbb: {  	s0 =	sadd.s32 $0x8F2B, s0  }
0xbc: {  	[sflag:s0] =	ssyncadd.remote.s32 $0x1  }
0xbd: {  	_ =	sfence.sel $0xFFFF  }
0xbe: {  	[dreg:$0x0] =	wrdreg $0xFFFFFFFF;
	(pc) =	sbr.abs _section_cstart, $3  }
0xbf: {  	[dreg:$0x1] =	wrdreg $0xFFFFFFFF  }
0xc0: {  	_ =	task.clear_ibuf [dreg:s6], $0x2FFFF;
	_ =	strace $0x9FFFFFFF  }
0xc1: {  	(tm) =	ssettm $0x7FFFFFFF  }
tec
execute0_lowered:
.L_overlay_start_1:
0x0: {  	(tag) =	ssettag $0x1  }
0x1: {  	s1 =	srdreg.scid  }
0x2: {  	s2 =	stileid.u32;
	s1 =	sand.u32 $0x1, s1  }
0x3: {  	s2 =	sshll.u32 s2, $0x8;
	s3 =	sshll.u32 s1, $0x7  }
0x4: {  	s0 =	rddreg [dreg:$0x0];
	s4 =	simm.s32 $0x0;
	s2 =	sor.u32 s3, s2  }
0x5: {  	[smem:$0x7FF] =	sst s4;
	s4 =	sadd.s32 $0xC8600, s0;
	s3 =	sshrl.u32 s2, $0x3  }
0x6: {  	s5 =	sadd.s32 $0x5000, s0;
	s2 =	sshll.u32 s2, $0x4;
	s6 =	sadd.s32 s3, s0  }
0x7: {  	s3 =	sadd.s32 $0x18BC00, s0;
	s0 =	sadd.s32 s2, s0;
	s9 =	sadd.s32 $0x255200, s6  }
0x8: {  	_ =	strace $0x80000047;
	s10 =	sadd.s32 $0x25B208, s0;
	[dreg:$0x2] =	wrdreg s9  }
0x9: {  	s11 =	sadd.s32 $0x26B200, s0;
	[dreg:$0x3] =	wrdreg s10  }
0xa: {  	s12 =	sadd.s32 $0x26B208, s0;
	[dreg:$0x4] =	wrdreg s11  }
0xb: {  	s13 =	sadd.s32 $0x2EB200, s0;
	[dreg:$0x5] =	wrdreg s12  }
0xc: {  	s14 =	sadd.s32 $0x2EB208, s0;
	[dreg:$0x6] =	wrdreg s13  }
0xd: {  	s29 =	simm.s32 $0x80;
	s15 =	sadd.s32 $0x2FB200, s0;
	[dreg:$0x7] =	wrdreg s14  }
0xe: {  	s31 =	simm.s32 $0x3;
	s16 =	sadd.s32 $0x2FB208, s0;
	[dreg:$0x8] =	wrdreg s15  }
0xf: {  	s30 =	simm.s32 $0x5800;
	s17 =	sadd.s32 $0x37B200, s0;
	[dreg:$0x9] =	wrdreg s16  }
0x10: {  	s8 =	simm.s32 $0x40;
	s18 =	sadd.s32 $0x37B208, s0;
	[dreg:$0xa] =	wrdreg s17  }
0x11: {  	s1 =	ssub.s32 $0x2, s1;
	s19 =	sadd.s32 $0x38B200, s0;
	[dreg:$0xb] =	wrdreg s18  }
0x12: {  	s22 =	sshrl.u32 s1, $0x1;
	s20 =	sadd.s32 $0x38B208, s0;
	[dreg:$0xc] =	wrdreg s19  }
0x13: {  	s1 =	ssub.s32 s1, s22;
	s21 =	sadd.s32 $0x39B200, s0;
	[dreg:$0xd] =	wrdreg s20  }
0x14: {  	s2 =	simm.s32 $0x7800;
	s23 =	sadd.s32 $0x39B208, s0;
	[dreg:$0xe] =	wrdreg s21  }
0x15: {  	s7 =	sadd.s32 $0x25B200, s0;
	s24 =	sadd.s32 $0x3AB200, s0;
	[dreg:$0xf] =	wrdreg s23  }
0x16: {  	s25 =	sadd.s32 $0x3AB208, s0;
	s26 =	sadd.s32 $0x3BB200, s0;
	[dreg:$0x10] =	wrdreg s24  }
0x17: {  	s28 =	sadd.s32 $0x3CB208, s0;
	s6 =	simm.s32 $0x1;
	[dreg:$0x11] =	wrdreg s25  }
0x18: {  	[dreg:$0x12] =	wrdreg s26;
	s24 =	smax.u32 s1, $0x1;
	s25 =	sadd.s32 $0x3BB208, s0  }
0x19: {  	s26 =	sadd.s32 $0x3CB200, s0;
	s0 =	simm.s32 $0x1800;
	s1 =	simm.s32 $0x3800  }
0x1a: {  	s9 =	simm.s32 $0x9800;
	s10 =	simm.s32 $0xB800;
	s11 =	simm.s32 $0xD800  }
0x1b: {  	s12 =	simm.s32 $0xF800;
	s13 =	simm.s32 $0x2;
	s14 =	simm.s32 $0x0  }
.LBB2_1:
0x1c: {  	s15 =	simm.s32 $0x0;
	s16 =	rddreg [dreg:$0x2];
	s17 =	simm.s32 $0x1000  }
0x1d: {  	[tilespmem:s15], [sflag:$0x3] =	stream.strided.gather [hbm4b:s16+s29], $0x1800, s17, s29, $0x38;
	[tilespmem:$0x11800] =	vst v63  }
0x1e: {  	_ =	swait.ge [sflag:s31], $0x1800  }
0x1f: {  	[sflag:s31] =	ssyncset.done $0x0  }
0x20: {  	[sflag:s31] =	ssyncadd.s32 $0xFFFFE800  }
0x21: {  	[tilespmem:s0], [sflag:$0x1] =	stream.indirect.gather [hbm4b:s3+s29], $0x40, s15, s29, $0xb8;
	[tilespmem:$0x11800] =	vst v63  }
0x22: {  	_ = 	snop  }
0x23: {  	[tilespmem:s1], [sflag:$0x1] =	stream.indirect.gather [hbm4b:s3+s29], $0x40, s29, s29, $0xb8;
	[tilespmem:$0x11800] =	vst v63  }
0x24: {  	s23 =	simm.s32 $0x100  }
0x25: {  	[tilespmem:s30], [sflag:$0x1] =	stream.indirect.gather [hbm4b:s3+s29], $0x40, s23, s29, $0xb8;
	[tilespmem:$0x11800] =	vst v63  }
0x26: {  	s16 =	simm.s32 $0x180  }
0x27: {  	[tilespmem:s2], [sflag:$0x1] =	stream.indirect.gather [hbm4b:s3+s29], $0x40, s16, s29, $0xb8;
	[tilespmem:$0x11800] =	vst v63  }
0x28: {  	_ =	swait.ge [sflag:s6], $0x2000  }
0x29: {  	[sflag:s6] =	ssyncset.done $0x0  }
0x2a: {  	[sflag:s6] =	ssyncadd.s32 $0xFFFFE000  }
0x2b: {  	[hbm4b:s7+s8] =	stream.strided.scatter [tilespmem:s0], [sflag:$0x2], $0x2000, s29, s8, $0x38;
	[tilespmem:$0x11800] =	vst v63  }
0x2c: {  	s17 =	simm.s32 $0x200  }
0x2d: {  	[tilespmem:s9], [sflag:$0x1] =	stream.indirect.gather [hbm4b:s3+s29], $0x40, s17, s29, $0xb8;
	[tilespmem:$0x11800] =	vst v63  }
0x2e: {  	_ =	swait.ge [sflag:s6], $0x2000  }
0x2f: {  	[sflag:s6] =	ssyncset.done $0x0  }
0x30: {  	s18 =	rddreg [dreg:$0x3];
	[sflag:s6] =	ssyncadd.s32 $0xFFFFE000  }
0x31: {  	[hbm4b:s18+s8] =	stream.strided.scatter [tilespmem:s1], [sflag:$0x2], $0x2000, s29, s8, $0x38;
	[tilespmem:$0x11800] =	vst v63  }
0x32: {  	s19 =	simm.s32 $0x280  }
0x33: {  	[tilespmem:s10], [sflag:$0x1] =	stream.indirect.gather [hbm4b:s3+s29], $0x40, s19, s29, $0xb8;
	[tilespmem:$0x11800] =	vst v63  }
0x34: {  	_ =	swait.ge [sflag:s6], $0x2000  }
0x35: {  	[sflag:s6] =	ssyncset.done $0x0  }
0x36: {  	s20 =	rddreg [dreg:$0x4];
	[sflag:s6] =	ssyncadd.s32 $0xFFFFE000  }
0x37: {  	[hbm4b:s20+s8] =	stream.strided.scatter [tilespmem:s30], [sflag:$0x2], $0x2000, s29, s8, $0x38;
	[tilespmem:$0x11800] =	vst v63  }
0x38: {  	s21 =	simm.s32 $0x300;
	p0 =	por $0x0, $0x0  }
0x39: {  	[tilespmem:s11], [sflag:$0x1] =	stream.indirect.gather [hbm4b:s3+s29], $0x40, s21, s29, $0xb8;
	[tilespmem:$0x11800] =	vst v63  }
0x3a: {  	s15 =	simm.s32 $0x28;
	s23 =	simm.s32 $0x380;
	_ =	swait.ge [sflag:s6], $0x2000  }
0x3b: {  	s16 =	simm.s32 $0x480;
	s17 =	simm.s32 $0x400;
	[sflag:s6] =	ssyncset.done $0x0  }
0x3c: {  	s18 =	simm.s32 $0x20;
	s22 =	rddreg [dreg:$0x5];
	[sflag:s6] =	ssyncadd.s32 $0xFFFFE000  }
0x3d: {  	[hbm4b:s22+s8] =	stream.strided.scatter [tilespmem:s2], [sflag:$0x2], $0x2000, s29, s8, $0x38;
	[tilespmem:$0x11800] =	vst v63  }
0x3e: {  	s18 =	sand.u32 $0x8, s18;
	s19 =	simm.s32 $0x40000;
	s20 =	simm.s32 $0x20000  }
0x3f: {  	[tilespmem:s12], [sflag:$0x1] =	stream.indirect.gather [hbm4b:s3+s29], $0x40, s23, s29, $0xb8;
	[tilespmem:$0x11800] =	vst v63  }
0x40: {  	s21 =	sand.u32 $0xF0000, s20;
	s20 =	sand.u32 $0x38000, s20;
	_ =	swait.ge [sflag:s6], $0x2000  }
0x41: {  	s20 =	sshrl.u32 s20, $0x2;
	s21 =	sadd.s32 s21, s7;
	[sflag:s6] =	ssyncset.done $0x0  }
0x42: {  	s20 =	sor.u32 $0x1800, s20;
	s18 =	sadd.s32 s18, s21;
	[sflag:s6] =	ssyncadd.s32 $0xFFFFE000  }
0x43: {  	[hbm4b:s18+s8] =	stream.strided.scatter [tilespmem:s20], [sflag:$0x2], $0x2000, s29, s8, $0x38;
	[tilespmem:$0x11800] =	vst v63  }
0x44: {  	s19 =	sand.u32 @!p0 $0x38000, s19;
	s21 =	simm.s32 @!p0 $0x80;
	_ =	swait.ge [sflag:s13], $0x2000  }
0x45: {  	s18 =	simm.s32 $0x48000;
	s20 =	sshrl.u32 @!p0 s19, $0x2;
	[sflag:s13] =	ssyncset.done $0x0  }
0x46: {  	s19 =	simm.s32 $0x5;
	s20 =	sor.u32 @!p0 $0x1800, s20;
	[sflag:s13] =	ssyncadd.s32 $0xFFFFE000  }
.LBB2_2:
0x47: {  	[tilespmem:s20], [sflag:$0x1] =	stream.indirect.gather @!p0 [hbm4b:s3+s21], $0x40, s17, s21, $0xb8;
	[tilespmem:$0x11800] =	vst v63  }
0x48: {  	s20 =	smov.u32 s15;
	s15 =	sadd.s32 $0x8, s15;
	s17 =	smov.u32 s16  }
0x49: {  	p1 =	sne.s32 s15, $0x90  }
0x4a: {  	s16 =	sadd.s32 $0x80, s16;
	s21 =	sadd.s32 $0xFFFE0000, s18;
	p0 =	sgt.u32 s19, $0xD  }
0x4b: {  	s20 =	sand.u32 $0x8, s20;
	s22 =	sand.u32 $0xF0000, s21;
	s21 =	sand.u32 $0x38000, s21  }
0x4c: {  	s21 =	sshrl.u32 s21, $0x2;
	_ =	swait.ge [sflag:s6], $0x2000  }
0x4d: {  	s22 =	sadd.s32 s22, s7;
	s21 =	sor.u32 $0x1800, s21;
	[sflag:s6] =	ssyncset.done $0x0  }
.Ltmp0:
0x4e: {  	s20 =	sadd.s32 s20, s22;
	[sflag:s6] =	ssyncadd.s32 $0xFFFFE000;
	(pc) =	sbr.rel @p1 .LBB2_2-.Ltmp0, $4  }
0x4f: {  	[hbm4b:s20+s8] =	stream.strided.scatter [tilespmem:s21], [sflag:$0x2], $0x2000, s29, s8, $0x38;
	[tilespmem:$0x11800] =	vst v63  }
0x50: {  	s20 =	sand.u32 @!p0 $0x38000, s18;
	s18 =	sadd.s32 $0x8000, s18;
	_ =	swait.ge [sflag:s13], $0x2000  }
0x51: {  	s19 =	sadd.s32 $0x1, s19;
	s20 =	sshrl.u32 @!p0 s20, $0x2;
	[sflag:s13] =	ssyncset.done $0x0  }
0x52: {  	s21 =	simm.s32 @!p0 $0x80;
	s20 =	sor.u32 @!p0 $0x1800, s20;
	[sflag:s13] =	ssyncadd.s32 $0xFFFFE000  }
0x53: {  	[tilespmem:s20], [sflag:$0x1] =	stream.indirect.gather @!p0 [hbm4b:s3+s21], $0x40, s17, s21, $0xb8;
	[tilespmem:$0x11800] =	vst v63  }
0x54: {  	_ =	swait.ge [sflag:s13], $0x2000  }
0x55: {  	[sflag:s13] =	ssyncset.done $0x0  }
0x56: {  	[sflag:s13] =	ssyncadd.s32 $0xFFFFE000  }
0x57: {  	_ =	swait.ge [sflag:s13], $0x2000  }
0x58: {  	[sflag:s13] =	ssyncset.done $0x0  }
0x59: {  	[sflag:s13] =	ssyncadd.s32 $0xFFFFE000  }
0x5a: {  	_ =	swait.ge [sflag:s13], $0x2000  }
0x5b: {  	[sflag:s13] =	ssyncset.done $0x0  }
0x5c: {  	[sflag:s13] =	ssyncadd.s32 $0xFFFFE000  }
0x5d: {  	_ =	swait.ge [sflag:s13], $0x2000  }
0x5e: {  	[sflag:s13] =	ssyncset.done $0x0  }
0x5f: {  	s15 =	simm.s32 $0x900;
	[sflag:s13] =	ssyncadd.s32 $0xFFFFE000  }
0x60: {  	[tilespmem:s0], [sflag:$0x1] =	stream.indirect.gather [hbm4b:s4+s29], $0x40, s15, s29, $0xb8;
	[tilespmem:$0x11800] =	vst v63  }
0x61: {  	s19 =	simm.s32 $0x980  }
0x62: {  	[tilespmem:s1], [sflag:$0x1] =	stream.indirect.gather [hbm4b:s4+s29], $0x40, s19, s29, $0xb8;
	[tilespmem:$0x11800] =	vst v63  }
0x63: {  	s20 =	simm.s32 $0xA00  }
0x64: {  	[tilespmem:s30], [sflag:$0x1] =	stream.indirect.gather [hbm4b:s4+s29], $0x40, s20, s29, $0xb8;
	[tilespmem:$0x11800] =	vst v63  }
0x65: {  	s21 =	simm.s32 $0xA80  }
0x66: {  	[tilespmem:s2], [sflag:$0x1] =	stream.indirect.gather [hbm4b:s4+s29], $0x40, s21, s29, $0xb8;
	[tilespmem:$0x11800] =	vst v63  }
0x67: {  	_ =	swait.ge [sflag:s6], $0x2000  }
0x68: {  	[sflag:s6] =	ssyncset.done $0x0  }
0x69: {  	s22 =	rddreg [dreg:$0x6];
	[sflag:s6] =	ssyncadd.s32 $0xFFFFE000  }
0x6a: {  	[hbm4b:s22+s8] =	stream.strided.scatter [tilespmem:s0], [sflag:$0x2], $0x2000, s29, s8, $0x38;
	[tilespmem:$0x11800] =	vst v63  }
0x6b: {  	s23 =	simm.s32 $0xB00  }
0x6c: {  	[tilespmem:s9], [sflag:$0x1] =	stream.indirect.gather [hbm4b:s4+s29], $0x40, s23, s29, $0xb8;
	[tilespmem:$0x11800] =	vst v63  }
0x6d: {  	_ =	swait.ge [sflag:s6], $0x2000  }
0x6e: {  	[sflag:s6] =	ssyncset.done $0x0  }
0x6f: {  	s16 =	rddreg [dreg:$0x7];
	[sflag:s6] =	ssyncadd.s32 $0xFFFFE000  }
0x70: {  	[hbm4b:s16+s8] =	stream.strided.scatter [tilespmem:s1], [sflag:$0x2], $0x2000, s29, s8, $0x38;
	[tilespmem:$0x11800] =	vst v63  }
0x71: {  	s17 =	simm.s32 $0xB80  }
0x72: {  	[tilespmem:s10], [sflag:$0x1] =	stream.indirect.gather [hbm4b:s4+s29], $0x40, s17, s29, $0xb8;
	[tilespmem:$0x11800] =	vst v63  }
0x73: {  	_ =	swait.ge [sflag:s6], $0x2000  }
0x74: {  	[sflag:s6] =	ssyncset.done $0x0  }
0x75: {  	s18 =	rddreg [dreg:$0x8];
	[sflag:s6] =	ssyncadd.s32 $0xFFFFE000  }
0x76: {  	[hbm4b:s18+s8] =	stream.strided.scatter [tilespmem:s30], [sflag:$0x2], $0x2000, s29, s8, $0x38;
	[tilespmem:$0x11800] =	vst v63  }
0x77: {  	p0 =	por $0x0, $0x0;
	s19 =	simm.s32 $0xC00  }
0x78: {  	[tilespmem:s11], [sflag:$0x1] =	stream.indirect.gather [hbm4b:s4+s29], $0x40, s19, s29, $0xb8;
	[tilespmem:$0x11800] =	vst v63  }
0x79: {  	s15 =	simm.s32 $0xD00;
	s21 =	simm.s32 $0xC80;
	_ =	swait.ge [sflag:s6], $0x2000  }
0x7a: {  	s22 =	simm.s32 $0x20000;
	s18 =	simm.s32 $0x20;
	[sflag:s6] =	ssyncset.done $0x0  }
0x7b: {  	s18 =	sand.u32 $0x8, s18;
	s20 =	rddreg [dreg:$0x9];
	[sflag:s6] =	ssyncadd.s32 $0xFFFFE000  }
0x7c: {  	[hbm4b:s20+s8] =	stream.strided.scatter [tilespmem:s2], [sflag:$0x2], $0x2000, s29, s8, $0x38;
	[tilespmem:$0x11800] =	vst v63  }
0x7d: {  	s16 =	simm.s32 $0x28000;
	s19 =	simm.s32 $0xB0000;
	s18 =	sadd.s32 s18, s7  }
0x7e: {  	[tilespmem:s12], [sflag:$0x1] =	stream.indirect.gather [hbm4b:s4+s29], $0x40, s21, s29, $0xb8;
	[tilespmem:$0x11800] =	vst v63  }
0x7f: {  	s19 =	sand.u32 $0x1F0000, s19;
	s20 =	sand.u32 $0x38000, s22;
	_ =	swait.ge [sflag:s6], $0x2000  }
0x80: {  	s18 =	sadd.s32 s19, s18;
	s23 =	sshrl.u32 s20, $0x2;
	[sflag:s6] =	ssyncset.done $0x0  }
0x81: {  	s19 =	sxor.u32 @!p0 $0x20000, s20;
	s21 =	sor.u32 $0x1800, s23;
	[sflag:s6] =	ssyncadd.s32 $0xFFFFE000  }
0x82: {  	[hbm4b:s18+s8] =	stream.strided.scatter [tilespmem:s21], [sflag:$0x2], $0x2000, s29, s8, $0x38;
	[tilespmem:$0x11800] =	vst v63  }
0x83: {  	s17 =	simm.s32 $0x28;
	s20 =	sshrl.u32 @!p0 s19, $0x2;
	_ =	swait.ge [sflag:s13], $0x2000  }
0x84: {  	s19 =	simm.s32 $0x5;
	s20 =	sadd.s32 @!p0 $0x1800, s20;
	[sflag:s13] =	ssyncset.done $0x0  }
0x85: {  	s18 =	simm.s32 $0xD80;
	s21 =	simm.s32 @!p0 $0x80;
	[sflag:s13] =	ssyncadd.s32 $0xFFFFE000  }
.LBB2_4:
0x86: {  	[tilespmem:s20], [sflag:$0x1] =	stream.indirect.gather @!p0 [hbm4b:s4+s21], $0x40, s15, s21, $0xb8;
	[tilespmem:$0x11800] =	vst v63  }
0x87: {  	s20 =	smov.u32 s16;
	s21 =	smov.u32 s17;
	s15 =	smov.u32 s18  }
0x88: {  	s16 =	sadd.s32 $0x8000, s16;
	_ =	swait.ge [sflag:s6], $0x2000  }
0x89: {  	p1 =	sne.s32 s16, $0x90000;
	[sflag:s6] =	ssyncset.done $0x0  }
0x8a: {  	p0 =	sgt.u32 s19, $0xD;
	s17 =	sadd.s32 $0x8, s17;
	[sflag:s6] =	ssyncadd.s32 $0xFFFFE000  }
0x8b: {  	s22 =	sadd.s32 $0x90000, s20;
	s21 =	sand.u32 $0x8, s21;
	s20 =	sand.u32 $0x38000, s20  }
0x8c: {  	s22 =	sand.u32 $0x1F0000, s22;
	s23 =	sshrl.u32 s20, $0x2;
	s21 =	sadd.s32 s21, s7  }
.Ltmp1:
0x8d: {  	s23 =	sor.u32 $0x1800, s23;
	s21 =	sadd.s32 s22, s21;
	(pc) =	sbr.rel @p1 .LBB2_4-.Ltmp1, $4  }
0x8e: {  	[hbm4b:s21+s8] =	stream.strided.scatter [tilespmem:s23], [sflag:$0x2], $0x2000, s29, s8, $0x38;
	[tilespmem:$0x11800] =	vst v63  }
0x8f: {  	s18 =	sadd.s32 $0x80, s18;
	s20 =	sxor.u32 @!p0 $0x20000, s20;
	_ =	swait.ge [sflag:s13], $0x2000  }
0x90: {  	s19 =	sadd.s32 $0x1, s19;
	s20 =	sshrl.u32 @!p0 s20, $0x2;
	[sflag:s13] =	ssyncset.done $0x0  }
0x91: {  	s20 =	sadd.s32 @!p0 $0x1800, s20;
	s21 =	simm.s32 @!p0 $0x80;
	[sflag:s13] =	ssyncadd.s32 $0xFFFFE000  }
0x92: {  	[tilespmem:s20], [sflag:$0x1] =	stream.indirect.gather @!p0 [hbm4b:s4+s21], $0x40, s15, s21, $0xb8;
	[tilespmem:$0x11800] =	vst v63  }
0x93: {  	_ =	swait.ge [sflag:s13], $0x2000  }
0x94: {  	[sflag:s13] =	ssyncset.done $0x0  }
0x95: {  	[sflag:s13] =	ssyncadd.s32 $0xFFFFE000  }
0x96: {  	_ =	swait.ge [sflag:s13], $0x2000  }
0x97: {  	[sflag:s13] =	ssyncset.done $0x0  }
0x98: {  	[sflag:s13] =	ssyncadd.s32 $0xFFFFE000  }
0x99: {  	_ =	swait.ge [sflag:s13], $0x2000  }
0x9a: {  	[sflag:s13] =	ssyncset.done $0x0  }
0x9b: {  	[sflag:s13] =	ssyncadd.s32 $0xFFFFE000  }
0x9c: {  	_ =	swait.ge [sflag:s13], $0x2000  }
0x9d: {  	[sflag:s13] =	ssyncset.done $0x0  }
0x9e: {  	s19 =	simm.s32 $0x1200;
	[sflag:s13] =	ssyncadd.s32 $0xFFFFE000  }
0x9f: {  	[tilespmem:s0], [sflag:$0x1] =	stream.indirect.gather [hbm4b:s5+s29], $0x40, s19, s29, $0xb8;
	[tilespmem:$0x11800] =	vst v63  }
0xa0: {  	s20 =	simm.s32 $0x1280  }
0xa1: {  	[tilespmem:s1], [sflag:$0x1] =	stream.indirect.gather [hbm4b:s5+s29], $0x40, s20, s29, $0xb8;
	[tilespmem:$0x11800] =	vst v63  }
0xa2: {  	s21 =	simm.s32 $0x1300  }
0xa3: {  	[tilespmem:s30], [sflag:$0x1] =	stream.indirect.gather [hbm4b:s5+s29], $0x40, s21, s29, $0xb8;
	[tilespmem:$0x11800] =	vst v63  }
0xa4: {  	s22 =	simm.s32 $0x1380  }
0xa5: {  	[tilespmem:s2], [sflag:$0x1] =	stream.indirect.gather [hbm4b:s5+s29], $0x40, s22, s29, $0xb8;
	[tilespmem:$0x11800] =	vst v63  }
0xa6: {  	_ =	swait.ge [sflag:s6], $0x2000  }
0xa7: {  	[sflag:s6] =	ssyncset.done $0x0  }
0xa8: {  	s23 =	rddreg [dreg:$0xa];
	[sflag:s6] =	ssyncadd.s32 $0xFFFFE000  }
0xa9: {  	[hbm4b:s23+s8] =	stream.strided.scatter [tilespmem:s0], [sflag:$0x2], $0x2000, s29, s8, $0x38;
	[tilespmem:$0x11800] =	vst v63  }
0xaa: {  	s16 =	simm.s32 $0x1400  }
0xab: {  	[tilespmem:s9], [sflag:$0x1] =	stream.indirect.gather [hbm4b:s5+s29], $0x40, s16, s29, $0xb8;
	[tilespmem:$0x11800] =	vst v63  }
0xac: {  	_ =	swait.ge [sflag:s6], $0x2000  }
0xad: {  	[sflag:s6] =	ssyncset.done $0x0  }
0xae: {  	s17 =	rddreg [dreg:$0xb];
	[sflag:s6] =	ssyncadd.s32 $0xFFFFE000  }
0xaf: {  	[hbm4b:s17+s8] =	stream.strided.scatter [tilespmem:s1], [sflag:$0x2], $0x2000, s29, s8, $0x38;
	[tilespmem:$0x11800] =	vst v63  }
0xb0: {  	s18 =	simm.s32 $0x1480  }
0xb1: {  	[tilespmem:s10], [sflag:$0x1] =	stream.indirect.gather [hbm4b:s5+s29], $0x40, s18, s29, $0xb8;
	[tilespmem:$0x11800] =	vst v63  }
0xb2: {  	_ =	swait.ge [sflag:s6], $0x2000  }
0xb3: {  	[sflag:s6] =	ssyncset.done $0x0  }
0xb4: {  	s19 =	rddreg [dreg:$0xc];
	[sflag:s6] =	ssyncadd.s32 $0xFFFFE000  }
0xb5: {  	[hbm4b:s19+s8] =	stream.strided.scatter [tilespmem:s30], [sflag:$0x2], $0x2000, s29, s8, $0x38;
	[tilespmem:$0x11800] =	vst v63  }
0xb6: {  	s20 =	simm.s32 $0x1500  }
0xb7: {  	[tilespmem:s11], [sflag:$0x1] =	stream.indirect.gather [hbm4b:s5+s29], $0x40, s20, s29, $0xb8;
	[tilespmem:$0x11800] =	vst v63  }
0xb8: {  	_ =	swait.ge [sflag:s6], $0x2000  }
0xb9: {  	[sflag:s6] =	ssyncset.done $0x0  }
0xba: {  	s21 =	rddreg [dreg:$0xd];
	[sflag:s6] =	ssyncadd.s32 $0xFFFFE000  }
0xbb: {  	[hbm4b:s21+s8] =	stream.strided.scatter [tilespmem:s2], [sflag:$0x2], $0x2000, s29, s8, $0x38;
	[tilespmem:$0x11800] =	vst v63  }
0xbc: {  	s22 =	simm.s32 $0x1580  }
0xbd: {  	[tilespmem:s12], [sflag:$0x1] =	stream.indirect.gather [hbm4b:s5+s29], $0x40, s22, s29, $0xb8;
	[tilespmem:$0x11800] =	vst v63  }
0xbe: {  	_ =	swait.ge [sflag:s6], $0x2000  }
0xbf: {  	[sflag:s6] =	ssyncset.done $0x0  }
0xc0: {  	s23 =	rddreg [dreg:$0xe];
	[sflag:s6] =	ssyncadd.s32 $0xFFFFE000  }
0xc1: {  	[hbm4b:s23+s8] =	stream.strided.scatter [tilespmem:s9], [sflag:$0x2], $0x2000, s29, s8, $0x38;
	[tilespmem:$0x11800] =	vst v63  }
0xc2: {  	_ =	swait.ge [sflag:s13], $0x2000  }
0xc3: {  	[sflag:s13] =	ssyncset.done $0x0  }
0xc4: {  	s16 =	simm.s32 $0x1600;
	[sflag:s13] =	ssyncadd.s32 $0xFFFFE000  }
0xc5: {  	[tilespmem:s0], [sflag:$0x1] =	stream.indirect.gather [hbm4b:s5+s29], $0x40, s16, s29, $0xb8;
	[tilespmem:$0x11800] =	vst v63  }
0xc6: {  	_ =	swait.ge [sflag:s6], $0x2000  }
0xc7: {  	[sflag:s6] =	ssyncset.done $0x0  }
0xc8: {  	s17 =	rddreg [dreg:$0xf];
	[sflag:s6] =	ssyncadd.s32 $0xFFFFE000  }
0xc9: {  	[hbm4b:s17+s8] =	stream.strided.scatter [tilespmem:s10], [sflag:$0x2], $0x2000, s29, s8, $0x38;
	[tilespmem:$0x11800] =	vst v63  }
0xca: {  	_ =	swait.ge [sflag:s13], $0x2000  }
0xcb: {  	[sflag:s13] =	ssyncset.done $0x0  }
0xcc: {  	s18 =	simm.s32 $0x1680;
	[sflag:s13] =	ssyncadd.s32 $0xFFFFE000  }
0xcd: {  	[tilespmem:s1], [sflag:$0x1] =	stream.indirect.gather [hbm4b:s5+s29], $0x40, s18, s29, $0xb8;
	[tilespmem:$0x11800] =	vst v63  }
0xce: {  	_ =	swait.ge [sflag:s6], $0x2000  }
0xcf: {  	[sflag:s6] =	ssyncset.done $0x0  }
0xd0: {  	s19 =	rddreg [dreg:$0x10];
	[sflag:s6] =	ssyncadd.s32 $0xFFFFE000  }
0xd1: {  	[hbm4b:s19+s8] =	stream.strided.scatter [tilespmem:s11], [sflag:$0x2], $0x2000, s29, s8, $0x38;
	[tilespmem:$0x11800] =	vst v63  }
0xd2: {  	_ =	swait.ge [sflag:s13], $0x2000  }
0xd3: {  	[sflag:s13] =	ssyncset.done $0x0  }
0xd4: {  	s20 =	simm.s32 $0x1700;
	[sflag:s13] =	ssyncadd.s32 $0xFFFFE000  }
0xd5: {  	[tilespmem:s30], [sflag:$0x1] =	stream.indirect.gather [hbm4b:s5+s29], $0x40, s20, s29, $0xb8;
	[tilespmem:$0x11800] =	vst v63  }
0xd6: {  	_ =	swait.ge [sflag:s6], $0x2000  }
0xd7: {  	[sflag:s6] =	ssyncset.done $0x0  }
0xd8: {  	s21 =	rddreg [dreg:$0x11];
	[sflag:s6] =	ssyncadd.s32 $0xFFFFE000  }
0xd9: {  	[hbm4b:s21+s8] =	stream.strided.scatter [tilespmem:s12], [sflag:$0x2], $0x2000, s29, s8, $0x38;
	[tilespmem:$0x11800] =	vst v63  }
0xda: {  	_ =	swait.ge [sflag:s13], $0x2000  }
0xdb: {  	[sflag:s13] =	ssyncset.done $0x0  }
0xdc: {  	s22 =	simm.s32 $0x1780;
	[sflag:s13] =	ssyncadd.s32 $0xFFFFE000  }
0xdd: {  	[tilespmem:s2], [sflag:$0x1] =	stream.indirect.gather [hbm4b:s5+s29], $0x40, s22, s29, $0xb8;
	[tilespmem:$0x11800] =	vst v63  }
0xde: {  	_ =	swait.ge [sflag:s6], $0x2000  }
0xdf: {  	[sflag:s6] =	ssyncset.done $0x0  }
0xe0: {  	s23 =	rddreg [dreg:$0x12];
	[sflag:s6] =	ssyncadd.s32 $0xFFFFE000  }
0xe1: {  	[hbm4b:s23+s8] =	stream.strided.scatter [tilespmem:s0], [sflag:$0x2], $0x2000, s29, s8, $0x38;
	[tilespmem:$0x11800] =	vst v63  }
0xe2: {  	_ =	swait.ge [sflag:s13], $0x2000  }
0xe3: {  	[sflag:s13] =	ssyncset.done $0x0  }
0xe4: {  	[sflag:s13] =	ssyncadd.s32 $0xFFFFE000  }
0xe5: {  	_ =	swait.ge [sflag:s6], $0x2000  }
0xe6: {  	[sflag:s6] =	ssyncset.done $0x0  }
0xe7: {  	[sflag:s6] =	ssyncadd.s32 $0xFFFFE000  }
0xe8: {  	[hbm4b:s25+s8] =	stream.strided.scatter [tilespmem:s1], [sflag:$0x2], $0x2000, s29, s8, $0x38;
	[tilespmem:$0x11800] =	vst v63  }
0xe9: {  	_ =	swait.ge [sflag:s13], $0x2000  }
0xea: {  	[sflag:s13] =	ssyncset.done $0x0  }
0xeb: {  	[sflag:s13] =	ssyncadd.s32 $0xFFFFE000  }
0xec: {  	_ =	swait.ge [sflag:s6], $0x2000  }
0xed: {  	[sflag:s6] =	ssyncset.done $0x0  }
0xee: {  	[sflag:s6] =	ssyncadd.s32 $0xFFFFE000  }
0xef: {  	[hbm4b:s26+s8] =	stream.strided.scatter [tilespmem:s30], [sflag:$0x2], $0x2000, s29, s8, $0x38;
	[tilespmem:$0x11800] =	vst v63  }
0xf0: {  	_ =	swait.ge [sflag:s13], $0x2000  }
0xf1: {  	[sflag:s13] =	ssyncset.done $0x0  }
0xf2: {  	[sflag:s13] =	ssyncadd.s32 $0xFFFFE000  }
0xf3: {  	_ =	swait.ge [sflag:s6], $0x2000  }
0xf4: {  	[sflag:s6] =	ssyncset.done $0x0  }
0xf5: {  	[sflag:s6] =	ssyncadd.s32 $0xFFFFE000  }
0xf6: {  	[hbm4b:s28+s8] =	stream.strided.scatter [tilespmem:s2], [sflag:$0x2], $0x2000, s29, s8, $0x38;
	[tilespmem:$0x11800] =	vst v63  }
0xf7: {  	_ =	swait.ge [sflag:s13], $0x2000  }
0xf8: {  	[sflag:s13] =	ssyncset.done $0x0  }
0xf9: {  	[sflag:s13] =	ssyncadd.s32 $0xFFFFE000  }
0xfa: {  	_ =	swait.ge [sflag:s13], $0x2000  }
0xfb: {  	[sflag:s13] =	ssyncset.done $0x0  }
0xfc: {  	[sflag:s13] =	ssyncadd.s32 $0xFFFFE000  }
0xfd: {  	_ =	swait.ge [sflag:s13], $0x2000  }
0xfe: {  	[sflag:s13] =	ssyncset.done $0x0  }
0xff: {  	s14 =	sadd.s32 $0x1, s14;
	[sflag:s13] =	ssyncadd.s32 $0xFFFFE000  }
0x100: {  	p0 =	sne.s32 s14, s24;
	_ =	swait.ge [sflag:s13], $0x2000  }
.Ltmp2:
0x101: {  	[sflag:s13] =	ssyncset.done $0x0;
	(pc) =	sbr.rel @p0 .LBB2_1-.Ltmp2, $4  }
0x102: {  	[sflag:s13] =	ssyncadd.s32 $0xFFFFE000  }
0x103: {  	_ =	swait.ge [sflag:s13], $0x2000  }
0x104: {  	[sflag:s13] =	ssyncset.done $0x0  }
0x105: {  	[sflag:s13] =	ssyncadd.s32 $0xFFFFE000  }
0x106: {  	_ =	sfence.sel $0x180000  }
0x107: {  	[bflag:$0x0] =	sbarrier.arrive $0xFFFF  }
0x108: {  	_ =	strace $0x90000047  }
0x109: {  	s0 =	stileid.u32;
	[bflag:$0x2] =	sbarrier.arrive $0xFFFF  }
0x10a: {  	p0 =	sne.s32 s0, $0x0;
	s0 =	rddreg [dreg:$0x1]  }
0x10b: {  	s0 =	sadd.s32 @!p0 $0x100000, s0  }
0x10c: {  	[sflag:s0] =	ssyncadd.tile.s32 @!p0 $0x1;
	_ =	shalt  }
.Lfunc_end2:
_tile_overlayer_lowered:
.L_overlay_start_2:
0x10d: {  	(tag) =	ssettag $0x2  }
0x10e: {  	s0 =	rddreg [dreg:$0x0];
	s2 =	stileid.u32  }
0x10f: {  	s1 =	rddreg [dreg:$0x1];
	p0 =	sne.s32 s2, $0x0  }
0x110: {  	s3 =	rddreg [dreg:$0x2];
	[bflag:$0x3] =	sbarrier.arrive $0xFFFF;
	s2 =	simm.s32 @!p0 $0x1C03  }
0x111: {  	[timem:s3], [sflag:s2] =	dma.local @!p0 [hbm:s0], s1  }
0x112: {  	s0 =	simm.s32 @!p0 $0x3  }
0x113: {  	_ =	swait.ge @!p0 [sflag:s0], s1  }
0x114: {  	s1 =	ssub.s32 @!p0 $0x0, s1;
	[sflag:s0] =	ssyncset.done @!p0 $0x0  }
0x115: {  	[sflag:s0] =	ssyncadd.s32 @!p0 s1  }
0x116: {  	[bflag:$0x3] =	sbarrier.arrive $0xFFFF  }
0x117: {  	_ =	shalt  }

// kernel: kernel.13.cloned.1.call-start
scs
__scs_entry_jumppad:
0x0: {  	(pc) =	sbr.rel $0x88, $3  }
0x1: {  	(tag) =	ssettag $0x0;
	lr =	simm.s32 $0x1  }
0x2: {  	[smem:$0x3F99] =	sst lr;
	_ =	strace $0xD0000000  }
0x3: {  	_ = 	snop  }
0x4: {  	_ = 	snop  }
0x5: {  	_ = 	snop  }
0x6: {  	_ = 	snop  }
0x7: {  	_ = 	snop  }
__scs_overlays_trampoline_lowered:
0x8: {  	[smem:$0x3FA8] =	sst s0  }
0x9: {  	[smem:$0x3FA9] =	sst s1  }
0xa: {  	[smem:$0x3FAA] =	sst s2  }
0xb: {  	[smem:$0x3FAB] =	sst s3  }
0xc: {  	[smem:$0x3FAC] =	sst s4  }
0xd: {  	[smem:$0x3FAD] =	sst s5  }
0xe: {  	[smem:$0x3FAE] =	sst s6  }
0xf: {  	[smem:$0x3FAF] =	sst s7  }
0x10: {  	[smem:$0x3FB0] =	sst s8  }
0x11: {  	[smem:$0x3FB1] =	sst s9;
	s0 =	simm.s32 @!p0 $0x0  }
0x12: {  	s1 =	sld [smem:$0x3F97];
	s0 =	simm.s32 @p0 $0x1  }
0x13: {  	[smem:$0x3FB2] =	sst s0;
	s0 =	simm.s32 @!p1 $0x0  }
0x14: {  	s2 =	sld [smem:$0x3F96];
	s0 =	simm.s32 @p1 $0x1  }
0x15: {  	[smem:$0x3FB3] =	sst s0;
	s0 =	simm.s32 @!p2 $0x0  }
0x16: {  	s3 =	sld [smem:$0x3FDB];
	s0 =	simm.s32 @p2 $0x1  }
0x17: {  	s4 =	simm.s32 $0x1BF5;
	[smem:$0x3FB5] =	sst s0  }
0x18: {  	s0 =	sld [smem:$0x3F98];
	_ =	swait.ge [sflag:s4], $0x0  }
0x19: {  	s7 =	sld [smem:$0x3F99]  }
0x1a: {  	s8 =	sadd.s32 $0xFFFFE003, lr  }
0x1b: {  	s9 =	sadd.s32 $0xFFFFFEF7, lr;
	s5 =	simm.s32 $0xFFFFFFFF;
	p2 =	slt.u32 s8, $0xFFFFF086  }
0x1c: {  	p1 =	slt.u32 s9, $0xF7A;
	s5 =	simm.s32 @!p2 $0x0  }
0x1d: {  	s5 =	simm.s32 @p1 $0x1;
	p0 =	seq.s32 s7, s2  }
0x1e: {  	s7 =	smul.u32 @!p0 $0xF7A, s2;
	p2 =	seq.s32 @!p0 s5, $0x0  }
0x1f: {  	s9 =	smul.u32 $0xF7A, s1;
	s8 =	simm.s32 @!p0 $0x1BF5;
	p2 =	por !p2, p0  }
0x20: {  	[sflag:s8] =	ssyncset.s32 @!p0 $0xFFFFF086;
	s6 =	sadd.s32 @!p0 s3, s7;
	s7 =	simm.s32 @!p0 $0x108  }
0x21: {  	s3 =	sadd.s32 s3, s9;
	s6 =	sadd.s32 @!p0 $0x88, s6;
	s7 =	simm.s32 @p2 $0x1082  }
0x22: {  	[simem:s7], [sflag:s8] =	dma.local @!p0 [hbm:s6], $0xF7A  }
0x23: {  	s9 =	sor.u32 $0xD0000000, s2;
	s6 =	simm.s32 $0x108;
	_ =	swait.ge @!p0 [sflag:s8], $0x0  }
0x24: {  	s3 =	sadd.s32 $0x88, s3;
	s6 =	simm.s32 @!p1 $0x1082;
	[sflag:s4] =	ssyncset.s32 $0xFFFFF086  }
0x25: {  	[simem:s6], [sflag:s4] =	dma.local [hbm:s3], $0xF7A  }
0x26: {  	[smem:$0x3F99] =	sst s1;
	(tag) =	ssettag s2;
	_ =	strace s9  }
0x27: {  	s1 =	sld [smem:$0x3FA9]  }
0x28: {  	s2 =	sld [smem:$0x3FAA]  }
0x29: {  	s4 =	sld [smem:$0x3FAC]  }
0x2a: {  	p0 =	seq.s32 s5, $0x0;
	s5 =	sld [smem:$0x3FAD]  }
0x2b: {  	s6 =	sld [smem:$0x3FAE]  }
0x2c: {  	s7 =	sld [smem:$0x3FAF]  }
0x2d: {  	s3 =	simm.s32 $0x108;
	s8 =	sld [smem:$0x3FB0]  }
0x2e: {  	s3 =	simm.s32 @!p0 $0x1082;
	s9 =	sld [smem:$0x3FB1]  }
0x2f: {  	lr =	sadd.s32 s0, s3;
	s0 =	sld [smem:$0x3FA8]  }
0x30: {  	s3 =	sld [smem:$0x3FAB]  }
0x31: {  	[smem:$0x3FB4] =	sst s10  }
0x32: {  	s10 =	sld [smem:$0x3FB2];
	_ =	sdelay $0x3  }
0x33: {  	p0 =	seq.s32 s10, $0x1;
	s10 =	sld [smem:$0x3FB4];
	_ =	sdelay $0x3  }
0x34: {  	[smem:$0x3FB4] =	sst s10  }
0x35: {  	s10 =	sld [smem:$0x3FB3];
	_ =	sdelay $0x3  }
0x36: {  	p1 =	seq.s32 s10, $0x1;
	s10 =	sld [smem:$0x3FB4];
	_ =	sdelay $0x3  }
0x37: {  	[smem:$0x3FB4] =	sst s10  }
0x38: {  	s10 =	sld [smem:$0x3FB5]  }
0x39: {  	_ = 	snop;
	(pc) =	sbr.ind lr, $3  }
0x3a: {  	_ = 	snop  }
0x3b: {  	_ = 	snop  }
0x3c: {  	p2 =	seq.s32 s10, $0x1;
	s10 =	sld [smem:$0x3FB4]  }
0x3d: {  	_ =	shalt  }
0x3e: {  	_ =	shalt  }
0x3f: {  	_ =	shalt  }
0x40: {  	_ =	shalt  }
0x41: {  	_ =	shalt  }
0x42: {  	_ =	shalt  }
0x43: {  	_ =	shalt  }
0x44: {  	_ =	shalt  }
0x45: {  	_ =	shalt  }
0x46: {  	_ =	shalt  }
0x47: {  	_ =	shalt  }
0x48: {  	_ =	shalt  }
0x49: {  	_ =	shalt  }
0x4a: {  	_ =	shalt  }
0x4b: {  	_ =	shalt  }
0x4c: {  	_ =	shalt  }
0x4d: {  	_ =	shalt  }
0x4e: {  	_ =	shalt  }
0x4f: {  	_ =	shalt  }
0x50: {  	_ =	shalt  }
0x51: {  	_ =	shalt  }
0x52: {  	_ =	shalt  }
0x53: {  	_ =	shalt  }
0x54: {  	_ =	shalt  }
0x55: {  	_ =	shalt  }
0x56: {  	_ =	shalt  }
0x57: {  	_ =	shalt  }
0x58: {  	_ =	shalt  }
0x59: {  	_ =	shalt  }
0x5a: {  	_ =	shalt  }
0x5b: {  	_ =	shalt  }
0x5c: {  	_ =	shalt  }
0x5d: {  	_ =	shalt  }
0x5e: {  	_ =	shalt  }
0x5f: {  	_ =	shalt  }
0x60: {  	_ =	shalt  }
0x61: {  	_ =	shalt  }
0x62: {  	_ =	shalt  }
0x63: {  	_ =	shalt  }
0x64: {  	_ =	shalt  }
0x65: {  	_ =	shalt  }
0x66: {  	_ =	shalt  }
0x67: {  	_ =	shalt  }
0x68: {  	_ =	shalt  }
0x69: {  	_ =	shalt  }
0x6a: {  	_ =	shalt  }
0x6b: {  	_ =	shalt  }
0x6c: {  	_ =	shalt  }
0x6d: {  	_ =	shalt  }
0x6e: {  	_ =	shalt  }
0x6f: {  	_ =	shalt  }
0x70: {  	_ =	shalt  }
0x71: {  	_ =	shalt  }
0x72: {  	_ =	shalt  }
0x73: {  	_ =	shalt  }
0x74: {  	_ =	shalt  }
0x75: {  	_ =	shalt  }
0x76: {  	_ =	shalt  }
0x77: {  	_ =	shalt  }
0x78: {  	_ =	shalt  }
0x79: {  	_ =	shalt  }
0x7a: {  	_ =	shalt  }
0x7b: {  	_ =	shalt  }
0x7c: {  	_ =	shalt  }
0x7d: {  	_ =	shalt  }
0x7e: {  	_ =	shalt  }
0x7f: {  	_ =	shalt  }
0x80: {  	_ =	shalt  }
0x81: {  	_ =	shalt  }
0x82: {  	_ =	shalt  }
0x83: {  	_ =	shalt  }
0x84: {  	_ =	shalt  }
0x85: {  	_ =	shalt  }
0x86: {  	_ =	shalt  }
0x87: {  	_ =	shalt  }
.Lfunc_end0:
.L_simem_size_0:
called_computation.1_lowered:
.L_overlay_start_0:
0x88: {  	s2 =	sld [smem:$0x3FD9]  }
0x89: {  	s3 =	sld [smem:$0x3FFE];
	_ =	sdelay $0x1  }
0x8a: {  	s1 =	srdreg.scid  }
0x8b: {  	s0 =	sand.u32 $0x1, s1  }
0x8c: {  	s17 =	sshll.u32 s0, $0xA;
	s2 =	sadd.s32 s3, s2  }
0x8d: {  	s2 =	sadd.s32 s2, s17  }
0x8e: {  	[smem:$0x3FC0] =	sst s2  }
0x8f: {  	_ = 	snop  }
0x90: {  	(tm) =	ssettm $0x1  }
0x91: {  	s18 =	sld [smem:$0x3FFB];
	_ =	sdelay $0x3  }
0x92: {  	_ =	strace s18  }
0x93: {  	s2 =	sld [smem:$0x3FFC];
	_ =	sdelay $0x3  }
0x94: {  	_ =	strace s2  }
0x95: {  	s2 =	sld [smem:$0x3FFD];
	_ =	sdelay $0x3  }
0x96: {  	_ =	strace s2  }
0x97: {  	_ =	strace $0x8FFFFFFF  }
0x98: {  	s19 =	sld [smem:$0x3FDB];
	_ =	sdelay $0x1  }
0x99: {  	s20 =	simm.s32 $_scs_section_size  }
0x9a: {  	s4 =	simm.s32 $_size__tile_overlayer_lowered;
	s5 =	simm.s32 $_tile_overlayer_lowered  }
0x9b: {  	s6 =	simm.s32 $0x1BFF;
	s21 =	sshll.u32 s5, $0x1;
	s3 =	sadd.s32 s20, s19  }
0x9c: {  	s22 =	simm.s32 $0x0;
	s4 =	sshll.u32 s4, $0x1;
	s5 =	sadd.s32 s21, s3  }
0x9d: {  	[timem:s22], [sflag:s6] =	dma.local [hbm:s5], s4  }
0x9e: {  	_ =	swait.ge [sflag:s6], s4  }
0x9f: {  	s4 =	ssub.s32 $0x0, s4;
	[sflag:s6] =	ssyncset.done $0x0  }
0xa0: {  	[sflag:s6] =	ssyncadd.s32 s4;
	_ =	sdelay $0x1  }
0xa1: {  	s23 =	simm.s32 $0x1B8B  }
0xa2: {  	_ =	swait.ge [sflag:s23], $0x1  }
0xa3: {  	[sflag:s23] =	ssyncset.done $0x0  }
0xa4: {  	[sflag:s23] =	ssyncadd.s32 $0xFFFFFFFF  }
0xa5: {  	s4 =	sld [smem:$0x0]  }
0xa6: {  	s5 =	sand.u32 $0xFFFFFFFE, s1  }
0xa7: {  	p0 =	sne.s32 s1, s5  }
0xa8: {  	s5 =	sshll.u32 @p0 s5, $0xE  }
0xa9: {  	s5 =	sadd.s32 @p0 $0x11B8D, s5;
	s6 =	sshll.u32 @p0 s4, $0x11  }
0xaa: {  	s5 =	sor.u32 @p0 s6, s5  }
0xab: {  	[sflag:s5] =	ssyncadd.remote.s32 @p0 $0x1;
	_ =	sdelay $0x1  }
0xac: {  	s5 =	simm.s32 @p0 $0x1B8D  }
0xad: {  	_ =	swait.eq @p0 [sflag:s5], $0x1  }
0xae: {  	[sflag:s5] =	ssyncadd.s32 @p0 $0xFFFFFFFF  }
0xaf: {  	s6 =	sshll.u32 @!p0 s1, $0xE  }
0xb0: {  	s6 =	sor.u32 @!p0 $0x4000, s6;
	s5 =	simm.s32 @!p0 $0x1B8D  }
0xb1: {  	s4 =	sshll.u32 @!p0 s4, $0x11;
	s6 =	sadd.s32 @!p0 $0x11B8D, s6;
	_ =	swait.eq @!p0 [sflag:s5], $0x1  }
0xb2: {  	s4 =	sor.u32 @!p0 s4, s6;
	[sflag:s5] =	ssyncadd.s32 @!p0 $0xFFFFFFFF  }
0xb3: {  	s25 =	simm.s32 $0x1B8E;
	s24 =	sld [smem:$0x3FFE];
	[sflag:s4] =	ssyncadd.remote.s32 @!p0 $0x1  }
0xb4: {  	s26 =	simm.s32 $execute0_lowered;
	[smem:$0x3FD2] =	sst s25  }
0xb5: {  	s5 =	sshll.u32 s26, $0x1;
	_ =	strace $0x80000049;
	[dreg:$0x1] =	wrdreg $0xFFFFFFFF  }
0xb6: {  	s28 =	simm.s32 $_size_execute0_lowered;
	s3 =	sadd.s32 s3, s5;
	[dreg:$0x0] =	wrdreg $0x0  }
0xb7: {  	s5 =	sshll.u32 s28, $0x1;
	[dreg:$0x2] =	wrdreg s3  }
0xb8: {  	[dreg:$0x3] =	wrdreg s5  }
0xb9: {  	[dreg:$0x4] =	wrdreg $0xC0  }
0xba: {  	_ =	task [dreg:s22], $0x5FFFF  }
0xbb: {  	[dreg:$0x1] =	wrdreg $0xFFFFFFFF  }
0xbc: {  	[dreg:$0x0] =	wrdreg $0x60  }
0xbd: {  	[dreg:$0x2] =	wrdreg s24  }
0xbe: {  	[dreg:$0x3] =	wrdreg $0xA  }
0xbf: {  	_ =	task.clear_ibuf [dreg:s22], $0x4FFFF;
	_ =	strace $0x90000049  }
0xc0: {  	s29 =	simm.s32 $0xA;
	_ =	strace $0x8000004B  }
0xc1: {  	_ =	swait.ge [sflag:s29], $0x1  }
0xc2: {  	[sflag:s29] =	ssyncadd.s32 $0xFFFFFFFF  }
0xc3: {  	_ =	strace $0x9000004B  }
0xc4: {  	_ =	sfence  }
0xc5: {  	s30 =	sld [smem:$0x0];
	_ =	sdelay $0x2  }
0xc6: {  	s31 =	sshll.u32 s1, $0xD;
	s1 =	sshrl.u32 s1, $0x2  }
0xc7: {  	s4 =	sand.u32 $0x4000, s31;
	s1 =	sadd.s32 s1, s30  }
0xc8: {  	s0 =	sor.u32 s4, s0;
	s1 =	sshll.u32 s1, $0x11  }
0xc9: {  	s0 =	sor.u32 s1, s0  }
0xca: {  	s0 =	sadd.s32 $0x8F2B, s0  }
0xcb: {  	[sflag:s0] =	ssyncadd.remote.s32 $0x1  }
0xcc: {  	_ =	sfence.sel $0xFFFF  }
0xcd: {  	[dreg:$0x0] =	wrdreg $0xFFFFFFFF;
	(pc) =	sbr.abs _section_cstart, $3  }
0xce: {  	[dreg:$0x1] =	wrdreg $0xFFFFFFFF  }
0xcf: {  	_ =	task.clear_ibuf [dreg:s22], $0x2FFFF;
	_ =	strace $0x9FFFFFFF  }
0xd0: {  	(tm) =	ssettm $0x7FFFFFFF  }
0xd1: {  	_ =	shalt  }
tec
execute0_lowered:
.L_overlay_start_1:
0x0: {  	(tag) =	ssettag $0x1  }
0x1: {  	s1 =	srdreg.scid  }
0x2: {  	s2 =	stileid.u32;
	s1 =	sand.u32 $0x1, s1  }
0x3: {  	s2 =	sshll.u32 s2, $0x8;
	s3 =	sshll.u32 s1, $0x7  }
0x4: {  	s0 =	rddreg [dreg:$0x0];
	s4 =	simm.s32 $0x0;
	s2 =	sor.u32 s3, s2  }
0x5: {  	[smem:$0x7FF] =	sst s4;
	s4 =	sadd.s32 $0xC8600, s0;
	s3 =	sshrl.u32 s2, $0x3  }
0x6: {  	s5 =	sadd.s32 $0x5000, s0;
	s2 =	sshll.u32 s2, $0x4;
	s6 =	sadd.s32 s3, s0  }
0x7: {  	s3 =	sadd.s32 $0x18BC00, s0;
	s0 =	sadd.s32 s2, s0;
	s9 =	sadd.s32 $0x3DB200, s6  }
0x8: {  	_ =	strace $0x8000004A;
	s10 =	sadd.s32 $0x3E1208, s0;
	[dreg:$0x2] =	wrdreg s9  }
0x9: {  	s11 =	sadd.s32 $0x3F1200, s0;
	[dreg:$0x3] =	wrdreg s10  }
0xa: {  	s12 =	sadd.s32 $0x3F1208, s0;
	[dreg:$0x4] =	wrdreg s11  }
0xb: {  	s13 =	sadd.s32 $0x471200, s0;
	[dreg:$0x5] =	wrdreg s12  }
0xc: {  	s14 =	sadd.s32 $0x471208, s0;
	[dreg:$0x6] =	wrdreg s13  }
0xd: {  	s29 =	simm.s32 $0x80;
	s15 =	sadd.s32 $0x481200, s0;
	[dreg:$0x7] =	wrdreg s14  }
0xe: {  	s31 =	simm.s32 $0x3;
	s16 =	sadd.s32 $0x481208, s0;
	[dreg:$0x8] =	wrdreg s15  }
0xf: {  	s30 =	simm.s32 $0x5800;
	s17 =	sadd.s32 $0x501200, s0;
	[dreg:$0x9] =	wrdreg s16  }
0x10: {  	s8 =	simm.s32 $0x40;
	s18 =	sadd.s32 $0x501208, s0;
	[dreg:$0xa] =	wrdreg s17  }
0x11: {  	s1 =	ssub.s32 $0x2, s1;
	s19 =	sadd.s32 $0x511200, s0;
	[dreg:$0xb] =	wrdreg s18  }
0x12: {  	s22 =	sshrl.u32 s1, $0x1;
	s20 =	sadd.s32 $0x511208, s0;
	[dreg:$0xc] =	wrdreg s19  }
0x13: {  	s1 =	ssub.s32 s1, s22;
	s21 =	sadd.s32 $0x521200, s0;
	[dreg:$0xd] =	wrdreg s20  }
0x14: {  	s2 =	simm.s32 $0x7800;
	s23 =	sadd.s32 $0x521208, s0;
	[dreg:$0xe] =	wrdreg s21  }
0x15: {  	s7 =	sadd.s32 $0x3E1200, s0;
	s24 =	sadd.s32 $0x531200, s0;
	[dreg:$0xf] =	wrdreg s23  }
0x16: {  	s25 =	sadd.s32 $0x531208, s0;
	s26 =	sadd.s32 $0x541200, s0;
	[dreg:$0x10] =	wrdreg s24  }
0x17: {  	s28 =	sadd.s32 $0x551208, s0;
	s6 =	simm.s32 $0x1;
	[dreg:$0x11] =	wrdreg s25  }
0x18: {  	[dreg:$0x12] =	wrdreg s26;
	s24 =	smax.u32 s1, $0x1;
	s25 =	sadd.s32 $0x541208, s0  }
0x19: {  	s26 =	sadd.s32 $0x551200, s0;
	s0 =	simm.s32 $0x1800;
	s1 =	simm.s32 $0x3800  }
0x1a: {  	s9 =	simm.s32 $0x9800;
	s10 =	simm.s32 $0xB800;
	s11 =	simm.s32 $0xD800  }
0x1b: {  	s12 =	simm.s32 $0xF800;
	s13 =	simm.s32 $0x2;
	s14 =	simm.s32 $0x0  }
.LBB2_1:
0x1c: {  	s15 =	simm.s32 $0x0;
	s16 =	rddreg [dreg:$0x2];
	s17 =	simm.s32 $0x1000  }
0x1d: {  	[tilespmem:s15], [sflag:$0x3] =	stream.strided.gather [hbm4b:s16+s29], $0x1800, s17, s29, $0x38;
	[tilespmem:$0x11800] =	vst v63  }
0x1e: {  	_ =	swait.ge [sflag:s31], $0x1800  }
0x1f: {  	[sflag:s31] =	ssyncset.done $0x0  }
0x20: {  	[sflag:s31] =	ssyncadd.s32 $0xFFFFE800  }
0x21: {  	[tilespmem:s0], [sflag:$0x1] =	stream.indirect.gather [hbm4b:s3+s29], $0x40, s15, s29, $0xb8;
	[tilespmem:$0x11800] =	vst v63  }
0x22: {  	_ = 	snop  }
0x23: {  	[tilespmem:s1], [sflag:$0x1] =	stream.indirect.gather [hbm4b:s3+s29], $0x40, s29, s29, $0xb8;
	[tilespmem:$0x11800] =	vst v63  }
0x24: {  	s23 =	simm.s32 $0x100  }
0x25: {  	[tilespmem:s30], [sflag:$0x1] =	stream.indirect.gather [hbm4b:s3+s29], $0x40, s23, s29, $0xb8;
	[tilespmem:$0x11800] =	vst v63  }
0x26: {  	s16 =	simm.s32 $0x180  }
0x27: {  	[tilespmem:s2], [sflag:$0x1] =	stream.indirect.gather [hbm4b:s3+s29], $0x40, s16, s29, $0xb8;
	[tilespmem:$0x11800] =	vst v63  }
0x28: {  	_ =	swait.ge [sflag:s6], $0x2000  }
0x29: {  	[sflag:s6] =	ssyncset.done $0x0  }
0x2a: {  	[sflag:s6] =	ssyncadd.s32 $0xFFFFE000  }
0x2b: {  	[hbm4b:s7+s8] =	stream.strided.scatter [tilespmem:s0], [sflag:$0x2], $0x2000, s29, s8, $0x38;
	[tilespmem:$0x11800] =	vst v63  }
0x2c: {  	s17 =	simm.s32 $0x200  }
0x2d: {  	[tilespmem:s9], [sflag:$0x1] =	stream.indirect.gather [hbm4b:s3+s29], $0x40, s17, s29, $0xb8;
	[tilespmem:$0x11800] =	vst v63  }
0x2e: {  	_ =	swait.ge [sflag:s6], $0x2000  }
0x2f: {  	[sflag:s6] =	ssyncset.done $0x0  }
0x30: {  	s18 =	rddreg [dreg:$0x3];
	[sflag:s6] =	ssyncadd.s32 $0xFFFFE000  }
0x31: {  	[hbm4b:s18+s8] =	stream.strided.scatter [tilespmem:s1], [sflag:$0x2], $0x2000, s29, s8, $0x38;
	[tilespmem:$0x11800] =	vst v63  }
0x32: {  	s19 =	simm.s32 $0x280  }
0x33: {  	[tilespmem:s10], [sflag:$0x1] =	stream.indirect.gather [hbm4b:s3+s29], $0x40, s19, s29, $0xb8;
	[tilespmem:$0x11800] =	vst v63  }
0x34: {  	_ =	swait.ge [sflag:s6], $0x2000  }
0x35: {  	[sflag:s6] =	ssyncset.done $0x0  }
0x36: {  	s20 =	rddreg [dreg:$0x4];
	[sflag:s6] =	ssyncadd.s32 $0xFFFFE000  }
0x37: {  	[hbm4b:s20+s8] =	stream.strided.scatter [tilespmem:s30], [sflag:$0x2], $0x2000, s29, s8, $0x38;
	[tilespmem:$0x11800] =	vst v63  }
0x38: {  	s21 =	simm.s32 $0x300;
	p0 =	por $0x0, $0x0  }
0x39: {  	[tilespmem:s11], [sflag:$0x1] =	stream.indirect.gather [hbm4b:s3+s29], $0x40, s21, s29, $0xb8;
	[tilespmem:$0x11800] =	vst v63  }
0x3a: {  	s15 =	simm.s32 $0x28;
	s23 =	simm.s32 $0x380;
	_ =	swait.ge [sflag:s6], $0x2000  }
0x3b: {  	s16 =	simm.s32 $0x480;
	s17 =	simm.s32 $0x400;
	[sflag:s6] =	ssyncset.done $0x0  }
0x3c: {  	s18 =	simm.s32 $0x20;
	s22 =	rddreg [dreg:$0x5];
	[sflag:s6] =	ssyncadd.s32 $0xFFFFE000  }
0x3d: {  	[hbm4b:s22+s8] =	stream.strided.scatter [tilespmem:s2], [sflag:$0x2], $0x2000, s29, s8, $0x38;
	[tilespmem:$0x11800] =	vst v63  }
0x3e: {  	s18 =	sand.u32 $0x8, s18;
	s19 =	simm.s32 $0x40000;
	s20 =	simm.s32 $0x20000  }
0x3f: {  	[tilespmem:s12], [sflag:$0x1] =	stream.indirect.gather [hbm4b:s3+s29], $0x40, s23, s29, $0xb8;
	[tilespmem:$0x11800] =	vst v63  }
0x40: {  	s21 =	sand.u32 $0xF0000, s20;
	s20 =	sand.u32 $0x38000, s20;
	_ =	swait.ge [sflag:s6], $0x2000  }
0x41: {  	s20 =	sshrl.u32 s20, $0x2;
	s21 =	sadd.s32 s21, s7;
	[sflag:s6] =	ssyncset.done $0x0  }
0x42: {  	s20 =	sor.u32 $0x1800, s20;
	s18 =	sadd.s32 s18, s21;
	[sflag:s6] =	ssyncadd.s32 $0xFFFFE000  }
0x43: {  	[hbm4b:s18+s8] =	stream.strided.scatter [tilespmem:s20], [sflag:$0x2], $0x2000, s29, s8, $0x38;
	[tilespmem:$0x11800] =	vst v63  }
0x44: {  	s19 =	sand.u32 @!p0 $0x38000, s19;
	s21 =	simm.s32 @!p0 $0x80;
	_ =	swait.ge [sflag:s13], $0x2000  }
0x45: {  	s18 =	simm.s32 $0x48000;
	s20 =	sshrl.u32 @!p0 s19, $0x2;
	[sflag:s13] =	ssyncset.done $0x0  }
0x46: {  	s19 =	simm.s32 $0x5;
	s20 =	sor.u32 @!p0 $0x1800, s20;
	[sflag:s13] =	ssyncadd.s32 $0xFFFFE000  }
.LBB2_2:
0x47: {  	[tilespmem:s20], [sflag:$0x1] =	stream.indirect.gather @!p0 [hbm4b:s3+s21], $0x40, s17, s21, $0xb8;
	[tilespmem:$0x11800] =	vst v63  }
0x48: {  	s20 =	smov.u32 s15;
	s15 =	sadd.s32 $0x8, s15;
	s17 =	smov.u32 s16  }
0x49: {  	p1 =	sne.s32 s15, $0x90  }
0x4a: {  	s16 =	sadd.s32 $0x80, s16;
	s21 =	sadd.s32 $0xFFFE0000, s18;
	p0 =	sgt.u32 s19, $0xD  }
0x4b: {  	s20 =	sand.u32 $0x8, s20;
	s22 =	sand.u32 $0xF0000, s21;
	s21 =	sand.u32 $0x38000, s21  }
0x4c: {  	s21 =	sshrl.u32 s21, $0x2;
	_ =	swait.ge [sflag:s6], $0x2000  }
0x4d: {  	s22 =	sadd.s32 s22, s7;
	s21 =	sor.u32 $0x1800, s21;
	[sflag:s6] =	ssyncset.done $0x0  }
.Ltmp0:
0x4e: {  	s20 =	sadd.s32 s20, s22;
	[sflag:s6] =	ssyncadd.s32 $0xFFFFE000;
	(pc) =	sbr.rel @p1 .LBB2_2-.Ltmp0, $4  }
0x4f: {  	[hbm4b:s20+s8] =	stream.strided.scatter [tilespmem:s21], [sflag:$0x2], $0x2000, s29, s8, $0x38;
	[tilespmem:$0x11800] =	vst v63  }
0x50: {  	s20 =	sand.u32 @!p0 $0x38000, s18;
	s18 =	sadd.s32 $0x8000, s18;
	_ =	swait.ge [sflag:s13], $0x2000  }
0x51: {  	s19 =	sadd.s32 $0x1, s19;
	s20 =	sshrl.u32 @!p0 s20, $0x2;
	[sflag:s13] =	ssyncset.done $0x0  }
0x52: {  	s21 =	simm.s32 @!p0 $0x80;
	s20 =	sor.u32 @!p0 $0x1800, s20;
	[sflag:s13] =	ssyncadd.s32 $0xFFFFE000  }
0x53: {  	[tilespmem:s20], [sflag:$0x1] =	stream.indirect.gather @!p0 [hbm4b:s3+s21], $0x40, s17, s21, $0xb8;
	[tilespmem:$0x11800] =	vst v63  }
0x54: {  	_ =	swait.ge [sflag:s13], $0x2000  }
0x55: {  	[sflag:s13] =	ssyncset.done $0x0  }
0x56: {  	[sflag:s13] =	ssyncadd.s32 $0xFFFFE000  }
0x57: {  	_ =	swait.ge [sflag:s13], $0x2000  }
0x58: {  	[sflag:s13] =	ssyncset.done $0x0  }
0x59: {  	[sflag:s13] =	ssyncadd.s32 $0xFFFFE000  }
0x5a: {  	_ =	swait.ge [sflag:s13], $0x2000  }
0x5b: {  	[sflag:s13] =	ssyncset.done $0x0  }
0x5c: {  	[sflag:s13] =	ssyncadd.s32 $0xFFFFE000  }
0x5d: {  	_ =	swait.ge [sflag:s13], $0x2000  }
0x5e: {  	[sflag:s13] =	ssyncset.done $0x0  }
0x5f: {  	s15 =	simm.s32 $0x900;
	[sflag:s13] =	ssyncadd.s32 $0xFFFFE000  }
0x60: {  	[tilespmem:s0], [sflag:$0x1] =	stream.indirect.gather [hbm4b:s4+s29], $0x40, s15, s29, $0xb8;
	[tilespmem:$0x11800] =	vst v63  }
0x61: {  	s19 =	simm.s32 $0x980  }
0x62: {  	[tilespmem:s1], [sflag:$0x1] =	stream.indirect.gather [hbm4b:s4+s29], $0x40, s19, s29, $0xb8;
	[tilespmem:$0x11800] =	vst v63  }
0x63: {  	s20 =	simm.s32 $0xA00  }
0x64: {  	[tilespmem:s30], [sflag:$0x1] =	stream.indirect.gather [hbm4b:s4+s29], $0x40, s20, s29, $0xb8;
	[tilespmem:$0x11800] =	vst v63  }
0x65: {  	s21 =	simm.s32 $0xA80  }
0x66: {  	[tilespmem:s2], [sflag:$0x1] =	stream.indirect.gather [hbm4b:s4+s29], $0x40, s21, s29, $0xb8;
	[tilespmem:$0x11800] =	vst v63  }
0x67: {  	_ =	swait.ge [sflag:s6], $0x2000  }
0x68: {  	[sflag:s6] =	ssyncset.done $0x0  }
0x69: {  	s22 =	rddreg [dreg:$0x6];
	[sflag:s6] =	ssyncadd.s32 $0xFFFFE000  }
0x6a: {  	[hbm4b:s22+s8] =	stream.strided.scatter [tilespmem:s0], [sflag:$0x2], $0x2000, s29, s8, $0x38;
	[tilespmem:$0x11800] =	vst v63  }
0x6b: {  	s23 =	simm.s32 $0xB00  }
0x6c: {  	[tilespmem:s9], [sflag:$0x1] =	stream.indirect.gather [hbm4b:s4+s29], $0x40, s23, s29, $0xb8;
	[tilespmem:$0x11800] =	vst v63  }
0x6d: {  	_ =	swait.ge [sflag:s6], $0x2000  }
0x6e: {  	[sflag:s6] =	ssyncset.done $0x0  }
0x6f: {  	s16 =	rddreg [dreg:$0x7];
	[sflag:s6] =	ssyncadd.s32 $0xFFFFE000  }
0x70: {  	[hbm4b:s16+s8] =	stream.strided.scatter [tilespmem:s1], [sflag:$0x2], $0x2000, s29, s8, $0x38;
	[tilespmem:$0x11800] =	vst v63  }
0x71: {  	s17 =	simm.s32 $0xB80  }
0x72: {  	[tilespmem:s10], [sflag:$0x1] =	stream.indirect.gather [hbm4b:s4+s29], $0x40, s17, s29, $0xb8;
	[tilespmem:$0x11800] =	vst v63  }
0x73: {  	_ =	swait.ge [sflag:s6], $0x2000  }
0x74: {  	[sflag:s6] =	ssyncset.done $0x0  }
0x75: {  	s18 =	rddreg [dreg:$0x8];
	[sflag:s6] =	ssyncadd.s32 $0xFFFFE000  }
0x76: {  	[hbm4b:s18+s8] =	stream.strided.scatter [tilespmem:s30], [sflag:$0x2], $0x2000, s29, s8, $0x38;
	[tilespmem:$0x11800] =	vst v63  }
0x77: {  	p0 =	por $0x0, $0x0;
	s19 =	simm.s32 $0xC00  }
0x78: {  	[tilespmem:s11], [sflag:$0x1] =	stream.indirect.gather [hbm4b:s4+s29], $0x40, s19, s29, $0xb8;
	[tilespmem:$0x11800] =	vst v63  }
0x79: {  	s15 =	simm.s32 $0xD00;
	s21 =	simm.s32 $0xC80;
	_ =	swait.ge [sflag:s6], $0x2000  }
0x7a: {  	s22 =	simm.s32 $0x20000;
	s18 =	simm.s32 $0x20;
	[sflag:s6] =	ssyncset.done $0x0  }
0x7b: {  	s18 =	sand.u32 $0x8, s18;
	s20 =	rddreg [dreg:$0x9];
	[sflag:s6] =	ssyncadd.s32 $0xFFFFE000  }
0x7c: {  	[hbm4b:s20+s8] =	stream.strided.scatter [tilespmem:s2], [sflag:$0x2], $0x2000, s29, s8, $0x38;
	[tilespmem:$0x11800] =	vst v63  }
0x7d: {  	s16 =	simm.s32 $0x28000;
	s19 =	simm.s32 $0xB0000;
	s18 =	sadd.s32 s18, s7  }
0x7e: {  	[tilespmem:s12], [sflag:$0x1] =	stream.indirect.gather [hbm4b:s4+s29], $0x40, s21, s29, $0xb8;
	[tilespmem:$0x11800] =	vst v63  }
0x7f: {  	s19 =	sand.u32 $0x1F0000, s19;
	s20 =	sand.u32 $0x38000, s22;
	_ =	swait.ge [sflag:s6], $0x2000  }
0x80: {  	s18 =	sadd.s32 s19, s18;
	s23 =	sshrl.u32 s20, $0x2;
	[sflag:s6] =	ssyncset.done $0x0  }
0x81: {  	s19 =	sxor.u32 @!p0 $0x20000, s20;
	s21 =	sor.u32 $0x1800, s23;
	[sflag:s6] =	ssyncadd.s32 $0xFFFFE000  }
0x82: {  	[hbm4b:s18+s8] =	stream.strided.scatter [tilespmem:s21], [sflag:$0x2], $0x2000, s29, s8, $0x38;
	[tilespmem:$0x11800] =	vst v63  }
0x83: {  	s17 =	simm.s32 $0x28;
	s20 =	sshrl.u32 @!p0 s19, $0x2;
	_ =	swait.ge [sflag:s13], $0x2000  }
0x84: {  	s19 =	simm.s32 $0x5;
	s20 =	sadd.s32 @!p0 $0x1800, s20;
	[sflag:s13] =	ssyncset.done $0x0  }
0x85: {  	s18 =	simm.s32 $0xD80;
	s21 =	simm.s32 @!p0 $0x80;
	[sflag:s13] =	ssyncadd.s32 $0xFFFFE000  }
.LBB2_4:
0x86: {  	[tilespmem:s20], [sflag:$0x1] =	stream.indirect.gather @!p0 [hbm4b:s4+s21], $0x40, s15, s21, $0xb8;
	[tilespmem:$0x11800] =	vst v63  }
0x87: {  	s20 =	smov.u32 s16;
	s21 =	smov.u32 s17;
	s15 =	smov.u32 s18  }
0x88: {  	s16 =	sadd.s32 $0x8000, s16;
	_ =	swait.ge [sflag:s6], $0x2000  }
0x89: {  	p1 =	sne.s32 s16, $0x90000;
	[sflag:s6] =	ssyncset.done $0x0  }
0x8a: {  	p0 =	sgt.u32 s19, $0xD;
	s17 =	sadd.s32 $0x8, s17;
	[sflag:s6] =	ssyncadd.s32 $0xFFFFE000  }
0x8b: {  	s22 =	sadd.s32 $0x90000, s20;
	s21 =	sand.u32 $0x8, s21;
	s20 =	sand.u32 $0x38000, s20  }
0x8c: {  	s22 =	sand.u32 $0x1F0000, s22;
	s23 =	sshrl.u32 s20, $0x2;
	s21 =	sadd.s32 s21, s7  }
.Ltmp1:
0x8d: {  	s23 =	sor.u32 $0x1800, s23;
	s21 =	sadd.s32 s22, s21;
	(pc) =	sbr.rel @p1 .LBB2_4-.Ltmp1, $4  }
0x8e: {  	[hbm4b:s21+s8] =	stream.strided.scatter [tilespmem:s23], [sflag:$0x2], $0x2000, s29, s8, $0x38;
	[tilespmem:$0x11800] =	vst v63  }
0x8f: {  	s18 =	sadd.s32 $0x80, s18;
	s20 =	sxor.u32 @!p0 $0x20000, s20;
	_ =	swait.ge [sflag:s13], $0x2000  }
0x90: {  	s19 =	sadd.s32 $0x1, s19;
	s20 =	sshrl.u32 @!p0 s20, $0x2;
	[sflag:s13] =	ssyncset.done $0x0  }
0x91: {  	s20 =	sadd.s32 @!p0 $0x1800, s20;
	s21 =	simm.s32 @!p0 $0x80;
	[sflag:s13] =	ssyncadd.s32 $0xFFFFE000  }
0x92: {  	[tilespmem:s20], [sflag:$0x1] =	stream.indirect.gather @!p0 [hbm4b:s4+s21], $0x40, s15, s21, $0xb8;
	[tilespmem:$0x11800] =	vst v63  }
0x93: {  	_ =	swait.ge [sflag:s13], $0x2000  }
0x94: {  	[sflag:s13] =	ssyncset.done $0x0  }
0x95: {  	[sflag:s13] =	ssyncadd.s32 $0xFFFFE000  }
0x96: {  	_ =	swait.ge [sflag:s13], $0x2000  }
0x97: {  	[sflag:s13] =	ssyncset.done $0x0  }
0x98: {  	[sflag:s13] =	ssyncadd.s32 $0xFFFFE000  }
0x99: {  	_ =	swait.ge [sflag:s13], $0x2000  }
0x9a: {  	[sflag:s13] =	ssyncset.done $0x0  }
0x9b: {  	[sflag:s13] =	ssyncadd.s32 $0xFFFFE000  }
0x9c: {  	_ =	swait.ge [sflag:s13], $0x2000  }
0x9d: {  	[sflag:s13] =	ssyncset.done $0x0  }
0x9e: {  	s19 =	simm.s32 $0x1200;
	[sflag:s13] =	ssyncadd.s32 $0xFFFFE000  }
0x9f: {  	[tilespmem:s0], [sflag:$0x1] =	stream.indirect.gather [hbm4b:s5+s29], $0x40, s19, s29, $0xb8;
	[tilespmem:$0x11800] =	vst v63  }
0xa0: {  	s20 =	simm.s32 $0x1280  }
0xa1: {  	[tilespmem:s1], [sflag:$0x1] =	stream.indirect.gather [hbm4b:s5+s29], $0x40, s20, s29, $0xb8;
	[tilespmem:$0x11800] =	vst v63  }
0xa2: {  	s21 =	simm.s32 $0x1300  }
0xa3: {  	[tilespmem:s30], [sflag:$0x1] =	stream.indirect.gather [hbm4b:s5+s29], $0x40, s21, s29, $0xb8;
	[tilespmem:$0x11800] =	vst v63  }
0xa4: {  	s22 =	simm.s32 $0x1380  }
0xa5: {  	[tilespmem:s2], [sflag:$0x1] =	stream.indirect.gather [hbm4b:s5+s29], $0x40, s22, s29, $0xb8;
	[tilespmem:$0x11800] =	vst v63  }
0xa6: {  	_ =	swait.ge [sflag:s6], $0x2000  }
0xa7: {  	[sflag:s6] =	ssyncset.done $0x0  }
0xa8: {  	s23 =	rddreg [dreg:$0xa];
	[sflag:s6] =	ssyncadd.s32 $0xFFFFE000  }
0xa9: {  	[hbm4b:s23+s8] =	stream.strided.scatter [tilespmem:s0], [sflag:$0x2], $0x2000, s29, s8, $0x38;
	[tilespmem:$0x11800] =	vst v63  }
0xaa: {  	s16 =	simm.s32 $0x1400  }
0xab: {  	[tilespmem:s9], [sflag:$0x1] =	stream.indirect.gather [hbm4b:s5+s29], $0x40, s16, s29, $0xb8;
	[tilespmem:$0x11800] =	vst v63  }
0xac: {  	_ =	swait.ge [sflag:s6], $0x2000  }
0xad: {  	[sflag:s6] =	ssyncset.done $0x0  }
0xae: {  	s17 =	rddreg [dreg:$0xb];
	[sflag:s6] =	ssyncadd.s32 $0xFFFFE000  }
0xaf: {  	[hbm4b:s17+s8] =	stream.strided.scatter [tilespmem:s1], [sflag:$0x2], $0x2000, s29, s8, $0x38;
	[tilespmem:$0x11800] =	vst v63  }
0xb0: {  	s18 =	simm.s32 $0x1480  }
0xb1: {  	[tilespmem:s10], [sflag:$0x1] =	stream.indirect.gather [hbm4b:s5+s29], $0x40, s18, s29, $0xb8;
	[tilespmem:$0x11800] =	vst v63  }
0xb2: {  	_ =	swait.ge [sflag:s6], $0x2000  }
0xb3: {  	[sflag:s6] =	ssyncset.done $0x0  }
0xb4: {  	s19 =	rddreg [dreg:$0xc];
	[sflag:s6] =	ssyncadd.s32 $0xFFFFE000  }
0xb5: {  	[hbm4b:s19+s8] =	stream.strided.scatter [tilespmem:s30], [sflag:$0x2], $0x2000, s29, s8, $0x38;
	[tilespmem:$0x11800] =	vst v63  }
0xb6: {  	s20 =	simm.s32 $0x1500  }
0xb7: {  	[tilespmem:s11], [sflag:$0x1] =	stream.indirect.gather [hbm4b:s5+s29], $0x40, s20, s29, $0xb8;
	[tilespmem:$0x11800] =	vst v63  }
0xb8: {  	_ =	swait.ge [sflag:s6], $0x2000  }
0xb9: {  	[sflag:s6] =	ssyncset.done $0x0  }
0xba: {  	s21 =	rddreg [dreg:$0xd];
	[sflag:s6] =	ssyncadd.s32 $0xFFFFE000  }
0xbb: {  	[hbm4b:s21+s8] =	stream.strided.scatter [tilespmem:s2], [sflag:$0x2], $0x2000, s29, s8, $0x38;
	[tilespmem:$0x11800] =	vst v63  }
0xbc: {  	s22 =	simm.s32 $0x1580  }
0xbd: {  	[tilespmem:s12], [sflag:$0x1] =	stream.indirect.gather [hbm4b:s5+s29], $0x40, s22, s29, $0xb8;
	[tilespmem:$0x11800] =	vst v63  }
0xbe: {  	_ =	swait.ge [sflag:s6], $0x2000  }
0xbf: {  	[sflag:s6] =	ssyncset.done $0x0  }
0xc0: {  	s23 =	rddreg [dreg:$0xe];
	[sflag:s6] =	ssyncadd.s32 $0xFFFFE000  }
0xc1: {  	[hbm4b:s23+s8] =	stream.strided.scatter [tilespmem:s9], [sflag:$0x2], $0x2000, s29, s8, $0x38;
	[tilespmem:$0x11800] =	vst v63  }
0xc2: {  	_ =	swait.ge [sflag:s13], $0x2000  }
0xc3: {  	[sflag:s13] =	ssyncset.done $0x0  }
0xc4: {  	s16 =	simm.s32 $0x1600;
	[sflag:s13] =	ssyncadd.s32 $0xFFFFE000  }
0xc5: {  	[tilespmem:s0], [sflag:$0x1] =	stream.indirect.gather [hbm4b:s5+s29], $0x40, s16, s29, $0xb8;
	[tilespmem:$0x11800] =	vst v63  }
0xc6: {  	_ =	swait.ge [sflag:s6], $0x2000  }
0xc7: {  	[sflag:s6] =	ssyncset.done $0x0  }
0xc8: {  	s17 =	rddreg [dreg:$0xf];
	[sflag:s6] =	ssyncadd.s32 $0xFFFFE000  }
0xc9: {  	[hbm4b:s17+s8] =	stream.strided.scatter [tilespmem:s10], [sflag:$0x2], $0x2000, s29, s8, $0x38;
	[tilespmem:$0x11800] =	vst v63  }
0xca: {  	_ =	swait.ge [sflag:s13], $0x2000  }
0xcb: {  	[sflag:s13] =	ssyncset.done $0x0  }
0xcc: {  	s18 =	simm.s32 $0x1680;
	[sflag:s13] =	ssyncadd.s32 $0xFFFFE000  }
0xcd: {  	[tilespmem:s1], [sflag:$0x1] =	stream.indirect.gather [hbm4b:s5+s29], $0x40, s18, s29, $0xb8;
	[tilespmem:$0x11800] =	vst v63  }
0xce: {  	_ =	swait.ge [sflag:s6], $0x2000  }
0xcf: {  	[sflag:s6] =	ssyncset.done $0x0  }
0xd0: {  	s19 =	rddreg [dreg:$0x10];
	[sflag:s6] =	ssyncadd.s32 $0xFFFFE000  }
0xd1: {  	[hbm4b:s19+s8] =	stream.strided.scatter [tilespmem:s11], [sflag:$0x2], $0x2000, s29, s8, $0x38;
	[tilespmem:$0x11800] =	vst v63  }
0xd2: {  	_ =	swait.ge [sflag:s13], $0x2000  }
0xd3: {  	[sflag:s13] =	ssyncset.done $0x0  }
0xd4: {  	s20 =	simm.s32 $0x1700;
	[sflag:s13] =	ssyncadd.s32 $0xFFFFE000  }
0xd5: {  	[tilespmem:s30], [sflag:$0x1] =	stream.indirect.gather [hbm4b:s5+s29], $0x40, s20, s29, $0xb8;
	[tilespmem:$0x11800] =	vst v63  }
0xd6: {  	_ =	swait.ge [sflag:s6], $0x2000  }
0xd7: {  	[sflag:s6] =	ssyncset.done $0x0  }
0xd8: {  	s21 =	rddreg [dreg:$0x11];
	[sflag:s6] =	ssyncadd.s32 $0xFFFFE000  }
0xd9: {  	[hbm4b:s21+s8] =	stream.strided.scatter [tilespmem:s12], [sflag:$0x2], $0x2000, s29, s8, $0x38;
	[tilespmem:$0x11800] =	vst v63  }
0xda: {  	_ =	swait.ge [sflag:s13], $0x2000  }
0xdb: {  	[sflag:s13] =	ssyncset.done $0x0  }
0xdc: {  	s22 =	simm.s32 $0x1780;
	[sflag:s13] =	ssyncadd.s32 $0xFFFFE000  }
0xdd: {  	[tilespmem:s2], [sflag:$0x1] =	stream.indirect.gather [hbm4b:s5+s29], $0x40, s22, s29, $0xb8;
	[tilespmem:$0x11800] =	vst v63  }
0xde: {  	_ =	swait.ge [sflag:s6], $0x2000  }
0xdf: {  	[sflag:s6] =	ssyncset.done $0x0  }
0xe0: {  	s23 =	rddreg [dreg:$0x12];
	[sflag:s6] =	ssyncadd.s32 $0xFFFFE000  }
0xe1: {  	[hbm4b:s23+s8] =	stream.strided.scatter [tilespmem:s0], [sflag:$0x2], $0x2000, s29, s8, $0x38;
	[tilespmem:$0x11800] =	vst v63  }
0xe2: {  	_ =	swait.ge [sflag:s13], $0x2000  }
0xe3: {  	[sflag:s13] =	ssyncset.done $0x0  }
0xe4: {  	[sflag:s13] =	ssyncadd.s32 $0xFFFFE000  }
0xe5: {  	_ =	swait.ge [sflag:s6], $0x2000  }
0xe6: {  	[sflag:s6] =	ssyncset.done $0x0  }
0xe7: {  	[sflag:s6] =	ssyncadd.s32 $0xFFFFE000  }
0xe8: {  	[hbm4b:s25+s8] =	stream.strided.scatter [tilespmem:s1], [sflag:$0x2], $0x2000, s29, s8, $0x38;
	[tilespmem:$0x11800] =	vst v63  }
0xe9: {  	_ =	swait.ge [sflag:s13], $0x2000  }
0xea: {  	[sflag:s13] =	ssyncset.done $0x0  }
0xeb: {  	[sflag:s13] =	ssyncadd.s32 $0xFFFFE000  }
0xec: {  	_ =	swait.ge [sflag:s6], $0x2000  }
0xed: {  	[sflag:s6] =	ssyncset.done $0x0  }
0xee: {  	[sflag:s6] =	ssyncadd.s32 $0xFFFFE000  }
0xef: {  	[hbm4b:s26+s8] =	stream.strided.scatter [tilespmem:s30], [sflag:$0x2], $0x2000, s29, s8, $0x38;
	[tilespmem:$0x11800] =	vst v63  }
0xf0: {  	_ =	swait.ge [sflag:s13], $0x2000  }
0xf1: {  	[sflag:s13] =	ssyncset.done $0x0  }
0xf2: {  	[sflag:s13] =	ssyncadd.s32 $0xFFFFE000  }
0xf3: {  	_ =	swait.ge [sflag:s6], $0x2000  }
0xf4: {  	[sflag:s6] =	ssyncset.done $0x0  }
0xf5: {  	[sflag:s6] =	ssyncadd.s32 $0xFFFFE000  }
0xf6: {  	[hbm4b:s28+s8] =	stream.strided.scatter [tilespmem:s2], [sflag:$0x2], $0x2000, s29, s8, $0x38;
	[tilespmem:$0x11800] =	vst v63  }
0xf7: {  	_ =	swait.ge [sflag:s13], $0x2000  }
0xf8: {  	[sflag:s13] =	ssyncset.done $0x0  }
0xf9: {  	[sflag:s13] =	ssyncadd.s32 $0xFFFFE000  }
0xfa: {  	_ =	swait.ge [sflag:s13], $0x2000  }
0xfb: {  	[sflag:s13] =	ssyncset.done $0x0  }
0xfc: {  	[sflag:s13] =	ssyncadd.s32 $0xFFFFE000  }
0xfd: {  	_ =	swait.ge [sflag:s13], $0x2000  }
0xfe: {  	[sflag:s13] =	ssyncset.done $0x0  }
0xff: {  	s14 =	sadd.s32 $0x1, s14;
	[sflag:s13] =	ssyncadd.s32 $0xFFFFE000  }
0x100: {  	p0 =	sne.s32 s14, s24;
	_ =	swait.ge [sflag:s13], $0x2000  }
.Ltmp2:
0x101: {  	[sflag:s13] =	ssyncset.done $0x0;
	(pc) =	sbr.rel @p0 .LBB2_1-.Ltmp2, $4  }
0x102: {  	[sflag:s13] =	ssyncadd.s32 $0xFFFFE000  }
0x103: {  	_ =	swait.ge [sflag:s13], $0x2000  }
0x104: {  	[sflag:s13] =	ssyncset.done $0x0  }
0x105: {  	[sflag:s13] =	ssyncadd.s32 $0xFFFFE000  }
0x106: {  	_ =	sfence.sel $0x180000  }
0x107: {  	[bflag:$0x0] =	sbarrier.arrive $0xFFFF  }
0x108: {  	_ =	strace $0x9000004A  }
0x109: {  	s0 =	stileid.u32;
	[bflag:$0x2] =	sbarrier.arrive $0xFFFF  }
0x10a: {  	p0 =	sne.s32 s0, $0x0;
	s0 =	rddreg [dreg:$0x1]  }
0x10b: {  	s0 =	sadd.s32 @!p0 $0x100000, s0  }
0x10c: {  	[sflag:s0] =	ssyncadd.tile.s32 @!p0 $0x1;
	_ =	shalt  }
.Lfunc_end2:
_tile_overlayer_lowered:
.L_overlay_start_2:
0x10d: {  	(tag) =	ssettag $0x2  }
0x10e: {  	s0 =	rddreg [dreg:$0x0];
	s2 =	stileid.u32  }
0x10f: {  	s1 =	rddreg [dreg:$0x1];
	p0 =	sne.s32 s2, $0x0  }
0x110: {  	s3 =	rddreg [dreg:$0x2];
	[bflag:$0x3] =	sbarrier.arrive $0xFFFF;
	s2 =	simm.s32 @!p0 $0x1C03  }
0x111: {  	[timem:s3], [sflag:s2] =	dma.local @!p0 [hbm:s0], s1  }
0x112: {  	s0 =	simm.s32 @!p0 $0x3  }
0x113: {  	_ =	swait.ge @!p0 [sflag:s0], s1  }
0x114: {  	s1 =	ssub.s32 @!p0 $0x0, s1;
	[sflag:s0] =	ssyncset.done @!p0 $0x0  }
0x115: {  	[sflag:s0] =	ssyncadd.s32 @!p0 s1  }
0x116: {  	[bflag:$0x3] =	sbarrier.arrive $0xFFFF  }
0x117: {  	_ =	shalt  }

// kernel: kernel.16.cloned.1.call-start
scs
__scs_entry_jumppad:
0x0: {  	(pc) =	sbr.rel $0x88, $3  }
0x1: {  	(tag) =	ssettag $0x0;
	lr =	simm.s32 $0x1  }
0x2: {  	[smem:$0x3F99] =	sst lr;
	_ =	strace $0xD0000000  }
0x3: {  	_ = 	snop  }
0x4: {  	_ = 	snop  }
0x5: {  	_ = 	snop  }
0x6: {  	_ = 	snop  }
0x7: {  	_ = 	snop  }
__scs_overlays_trampoline_lowered:
0x8: {  	[smem:$0x3FA8] =	sst s0  }
0x9: {  	[smem:$0x3FA9] =	sst s1  }
0xa: {  	[smem:$0x3FAA] =	sst s2  }
0xb: {  	[smem:$0x3FAB] =	sst s3  }
0xc: {  	[smem:$0x3FAC] =	sst s4  }
0xd: {  	[smem:$0x3FAD] =	sst s5  }
0xe: {  	[smem:$0x3FAE] =	sst s6  }
0xf: {  	[smem:$0x3FAF] =	sst s7  }
0x10: {  	[smem:$0x3FB0] =	sst s8  }
0x11: {  	[smem:$0x3FB1] =	sst s9;
	s0 =	simm.s32 @!p0 $0x0  }
0x12: {  	s1 =	sld [smem:$0x3F97];
	s0 =	simm.s32 @p0 $0x1  }
0x13: {  	[smem:$0x3FB2] =	sst s0;
	s0 =	simm.s32 @!p1 $0x0  }
0x14: {  	s2 =	sld [smem:$0x3F96];
	s0 =	simm.s32 @p1 $0x1  }
0x15: {  	[smem:$0x3FB3] =	sst s0;
	s0 =	simm.s32 @!p2 $0x0  }
0x16: {  	s3 =	sld [smem:$0x3FDB];
	s0 =	simm.s32 @p2 $0x1  }
0x17: {  	s4 =	simm.s32 $0x1BF5;
	[smem:$0x3FB5] =	sst s0  }
0x18: {  	s0 =	sld [smem:$0x3F98];
	_ =	swait.ge [sflag:s4], $0x0  }
0x19: {  	s7 =	sld [smem:$0x3F99]  }
0x1a: {  	s8 =	sadd.s32 $0xFFFFE003, lr  }
0x1b: {  	s9 =	sadd.s32 $0xFFFFFEF7, lr;
	s5 =	simm.s32 $0xFFFFFFFF;
	p2 =	slt.u32 s8, $0xFFFFF086  }
0x1c: {  	p1 =	slt.u32 s9, $0xF7A;
	s5 =	simm.s32 @!p2 $0x0  }
0x1d: {  	s5 =	simm.s32 @p1 $0x1;
	p0 =	seq.s32 s7, s2  }
0x1e: {  	s7 =	smul.u32 @!p0 $0xF7A, s2;
	p2 =	seq.s32 @!p0 s5, $0x0  }
0x1f: {  	s9 =	smul.u32 $0xF7A, s1;
	s8 =	simm.s32 @!p0 $0x1BF5;
	p2 =	por !p2, p0  }
0x20: {  	[sflag:s8] =	ssyncset.s32 @!p0 $0xFFFFF086;
	s6 =	sadd.s32 @!p0 s3, s7;
	s7 =	simm.s32 @!p0 $0x108  }
0x21: {  	s3 =	sadd.s32 s3, s9;
	s6 =	sadd.s32 @!p0 $0x88, s6;
	s7 =	simm.s32 @p2 $0x1082  }
0x22: {  	[simem:s7], [sflag:s8] =	dma.local @!p0 [hbm:s6], $0xF7A  }
0x23: {  	s9 =	sor.u32 $0xD0000000, s2;
	s6 =	simm.s32 $0x108;
	_ =	swait.ge @!p0 [sflag:s8], $0x0  }
0x24: {  	s3 =	sadd.s32 $0x88, s3;
	s6 =	simm.s32 @!p1 $0x1082;
	[sflag:s4] =	ssyncset.s32 $0xFFFFF086  }
0x25: {  	[simem:s6], [sflag:s4] =	dma.local [hbm:s3], $0xF7A  }
0x26: {  	[smem:$0x3F99] =	sst s1;
	(tag) =	ssettag s2;
	_ =	strace s9  }
0x27: {  	s1 =	sld [smem:$0x3FA9]  }
0x28: {  	s2 =	sld [smem:$0x3FAA]  }
0x29: {  	s4 =	sld [smem:$0x3FAC]  }
0x2a: {  	p0 =	seq.s32 s5, $0x0;
	s5 =	sld [smem:$0x3FAD]  }
0x2b: {  	s6 =	sld [smem:$0x3FAE]  }
0x2c: {  	s7 =	sld [smem:$0x3FAF]  }
0x2d: {  	s3 =	simm.s32 $0x108;
	s8 =	sld [smem:$0x3FB0]  }
0x2e: {  	s3 =	simm.s32 @!p0 $0x1082;
	s9 =	sld [smem:$0x3FB1]  }
0x2f: {  	lr =	sadd.s32 s0, s3;
	s0 =	sld [smem:$0x3FA8]  }
0x30: {  	s3 =	sld [smem:$0x3FAB]  }
0x31: {  	[smem:$0x3FB4] =	sst s10  }
0x32: {  	s10 =	sld [smem:$0x3FB2];
	_ =	sdelay $0x3  }
0x33: {  	p0 =	seq.s32 s10, $0x1;
	s10 =	sld [smem:$0x3FB4];
	_ =	sdelay $0x3  }
0x34: {  	[smem:$0x3FB4] =	sst s10  }
0x35: {  	s10 =	sld [smem:$0x3FB3];
	_ =	sdelay $0x3  }
0x36: {  	p1 =	seq.s32 s10, $0x1;
	s10 =	sld [smem:$0x3FB4];
	_ =	sdelay $0x3  }
0x37: {  	[smem:$0x3FB4] =	sst s10  }
0x38: {  	s10 =	sld [smem:$0x3FB5]  }
0x39: {  	_ = 	snop;
	(pc) =	sbr.ind lr, $3  }
0x3a: {  	_ = 	snop  }
0x3b: {  	_ = 	snop  }
0x3c: {  	p2 =	seq.s32 s10, $0x1;
	s10 =	sld [smem:$0x3FB4]  }
0x3d: {  	_ =	shalt  }
0x3e: {  	_ =	shalt  }
0x3f: {  	_ =	shalt  }
0x40: {  	_ =	shalt  }
0x41: {  	_ =	shalt  }
0x42: {  	_ =	shalt  }
0x43: {  	_ =	shalt  }
0x44: {  	_ =	shalt  }
0x45: {  	_ =	shalt  }
0x46: {  	_ =	shalt  }
0x47: {  	_ =	shalt  }
0x48: {  	_ =	shalt  }
0x49: {  	_ =	shalt  }
0x4a: {  	_ =	shalt  }
0x4b: {  	_ =	shalt  }
0x4c: {  	_ =	shalt  }
0x4d: {  	_ =	shalt  }
0x4e: {  	_ =	shalt  }
0x4f: {  	_ =	shalt  }
0x50: {  	_ =	shalt  }
0x51: {  	_ =	shalt  }
0x52: {  	_ =	shalt  }
0x53: {  	_ =	shalt  }
0x54: {  	_ =	shalt  }
0x55: {  	_ =	shalt  }
0x56: {  	_ =	shalt  }
0x57: {  	_ =	shalt  }
0x58: {  	_ =	shalt  }
0x59: {  	_ =	shalt  }
0x5a: {  	_ =	shalt  }
0x5b: {  	_ =	shalt  }
0x5c: {  	_ =	shalt  }
0x5d: {  	_ =	shalt  }
0x5e: {  	_ =	shalt  }
0x5f: {  	_ =	shalt  }
0x60: {  	_ =	shalt  }
0x61: {  	_ =	shalt  }
0x62: {  	_ =	shalt  }
0x63: {  	_ =	shalt  }
0x64: {  	_ =	shalt  }
0x65: {  	_ =	shalt  }
0x66: {  	_ =	shalt  }
0x67: {  	_ =	shalt  }
0x68: {  	_ =	shalt  }
0x69: {  	_ =	shalt  }
0x6a: {  	_ =	shalt  }
0x6b: {  	_ =	shalt  }
0x6c: {  	_ =	shalt  }
0x6d: {  	_ =	shalt  }
0x6e: {  	_ =	shalt  }
0x6f: {  	_ =	shalt  }
0x70: {  	_ =	shalt  }
0x71: {  	_ =	shalt  }
0x72: {  	_ =	shalt  }
0x73: {  	_ =	shalt  }
0x74: {  	_ =	shalt  }
0x75: {  	_ =	shalt  }
0x76: {  	_ =	shalt  }
0x77: {  	_ =	shalt  }
0x78: {  	_ =	shalt  }
0x79: {  	_ =	shalt  }
0x7a: {  	_ =	shalt  }
0x7b: {  	_ =	shalt  }
0x7c: {  	_ =	shalt  }
0x7d: {  	_ =	shalt  }
0x7e: {  	_ =	shalt  }
0x7f: {  	_ =	shalt  }
0x80: {  	_ =	shalt  }
0x81: {  	_ =	shalt  }
0x82: {  	_ =	shalt  }
0x83: {  	_ =	shalt  }
0x84: {  	_ =	shalt  }
0x85: {  	_ =	shalt  }
0x86: {  	_ =	shalt  }
0x87: {  	_ =	shalt  }
.Lfunc_end0:
.L_simem_size_0:
called_computation.2_lowered:
.L_overlay_start_0:
0x88: {  	s2 =	sld [smem:$0x3FD9]  }
0x89: {  	s3 =	sld [smem:$0x3FFE];
	_ =	sdelay $0x1  }
0x8a: {  	s1 =	srdreg.scid  }
0x8b: {  	s0 =	sand.u32 $0x1, s1  }
0x8c: {  	s17 =	sshll.u32 s0, $0xA;
	s2 =	sadd.s32 s3, s2  }
0x8d: {  	s2 =	sadd.s32 s2, s17  }
0x8e: {  	[smem:$0x3FC0] =	sst s2  }
0x8f: {  	_ = 	snop  }
0x90: {  	(tm) =	ssettm $0x1  }
0x91: {  	s18 =	sld [smem:$0x3FFB];
	_ =	sdelay $0x3  }
0x92: {  	_ =	strace s18  }
0x93: {  	s2 =	sld [smem:$0x3FFC];
	_ =	sdelay $0x3  }
0x94: {  	_ =	strace s2  }
0x95: {  	s2 =	sld [smem:$0x3FFD];
	_ =	sdelay $0x3  }
0x96: {  	_ =	strace s2  }
0x97: {  	_ =	strace $0x8FFFFFFF  }
0x98: {  	s19 =	sld [smem:$0x3FDB];
	_ =	sdelay $0x1  }
0x99: {  	s20 =	simm.s32 $_scs_section_size  }
0x9a: {  	s4 =	simm.s32 $_size__tile_overlayer_lowered;
	s5 =	simm.s32 $_tile_overlayer_lowered  }
0x9b: {  	s6 =	simm.s32 $0x1BFF;
	s21 =	sshll.u32 s5, $0x1;
	s3 =	sadd.s32 s20, s19  }
0x9c: {  	s22 =	simm.s32 $0x0;
	s4 =	sshll.u32 s4, $0x1;
	s5 =	sadd.s32 s21, s3  }
0x9d: {  	[timem:s22], [sflag:s6] =	dma.local [hbm:s5], s4  }
0x9e: {  	_ =	swait.ge [sflag:s6], s4  }
0x9f: {  	s4 =	ssub.s32 $0x0, s4;
	[sflag:s6] =	ssyncset.done $0x0  }
0xa0: {  	[sflag:s6] =	ssyncadd.s32 s4;
	_ =	sdelay $0x1  }
0xa1: {  	s23 =	simm.s32 $0x1B8B  }
0xa2: {  	_ =	swait.ge [sflag:s23], $0x1  }
0xa3: {  	[sflag:s23] =	ssyncset.done $0x0  }
0xa4: {  	[sflag:s23] =	ssyncadd.s32 $0xFFFFFFFF  }
0xa5: {  	s4 =	sld [smem:$0x0]  }
0xa6: {  	s5 =	sand.u32 $0xFFFFFFFE, s1  }
0xa7: {  	p0 =	sne.s32 s1, s5  }
0xa8: {  	s5 =	sshll.u32 @p0 s5, $0xE  }
0xa9: {  	s5 =	sadd.s32 @p0 $0x11B8D, s5;
	s6 =	sshll.u32 @p0 s4, $0x11  }
0xaa: {  	s5 =	sor.u32 @p0 s6, s5  }
0xab: {  	[sflag:s5] =	ssyncadd.remote.s32 @p0 $0x1;
	_ =	sdelay $0x1  }
0xac: {  	s5 =	simm.s32 @p0 $0x1B8D  }
0xad: {  	_ =	swait.eq @p0 [sflag:s5], $0x1  }
0xae: {  	[sflag:s5] =	ssyncadd.s32 @p0 $0xFFFFFFFF  }
0xaf: {  	s6 =	sshll.u32 @!p0 s1, $0xE  }
0xb0: {  	s6 =	sor.u32 @!p0 $0x4000, s6;
	s5 =	simm.s32 @!p0 $0x1B8D  }
0xb1: {  	s4 =	sshll.u32 @!p0 s4, $0x11;
	s6 =	sadd.s32 @!p0 $0x11B8D, s6;
	_ =	swait.eq @!p0 [sflag:s5], $0x1  }
0xb2: {  	s4 =	sor.u32 @!p0 s4, s6;
	[sflag:s5] =	ssyncadd.s32 @!p0 $0xFFFFFFFF  }
0xb3: {  	s25 =	simm.s32 $0x1B8E;
	s24 =	sld [smem:$0x3FFE];
	[sflag:s4] =	ssyncadd.remote.s32 @!p0 $0x1  }
0xb4: {  	s26 =	simm.s32 $execute0_lowered;
	[smem:$0x3FD2] =	sst s25  }
0xb5: {  	s5 =	sshll.u32 s26, $0x1;
	_ =	strace $0x8000004C;
	[dreg:$0x1] =	wrdreg $0xFFFFFFFF  }
0xb6: {  	s28 =	simm.s32 $_size_execute0_lowered;
	s3 =	sadd.s32 s3, s5;
	[dreg:$0x0] =	wrdreg $0x0  }
0xb7: {  	s5 =	sshll.u32 s28, $0x1;
	[dreg:$0x2] =	wrdreg s3  }
0xb8: {  	[dreg:$0x3] =	wrdreg s5  }
0xb9: {  	[dreg:$0x4] =	wrdreg $0xC0  }
0xba: {  	_ =	task [dreg:s22], $0x5FFFF  }
0xbb: {  	[dreg:$0x1] =	wrdreg $0xFFFFFFFF  }
0xbc: {  	[dreg:$0x0] =	wrdreg $0x60  }
0xbd: {  	[dreg:$0x2] =	wrdreg s24  }
0xbe: {  	[dreg:$0x3] =	wrdreg $0xB  }
0xbf: {  	_ =	task.clear_ibuf [dreg:s22], $0x4FFFF;
	_ =	strace $0x9000004C  }
0xc0: {  	s29 =	simm.s32 $0xB;
	_ =	strace $0x8000004E  }
0xc1: {  	_ =	swait.ge [sflag:s29], $0x1  }
0xc2: {  	[sflag:s29] =	ssyncadd.s32 $0xFFFFFFFF  }
0xc3: {  	_ =	strace $0x9000004E  }
0xc4: {  	_ =	sfence  }
0xc5: {  	s30 =	sld [smem:$0x0];
	_ =	sdelay $0x2  }
0xc6: {  	s31 =	sshll.u32 s1, $0xD;
	s1 =	sshrl.u32 s1, $0x2  }
0xc7: {  	s4 =	sand.u32 $0x4000, s31;
	s1 =	sadd.s32 s1, s30  }
0xc8: {  	s0 =	sor.u32 s4, s0;
	s1 =	sshll.u32 s1, $0x11  }
0xc9: {  	s0 =	sor.u32 s1, s0  }
0xca: {  	s0 =	sadd.s32 $0x8F2B, s0  }
0xcb: {  	[sflag:s0] =	ssyncadd.remote.s32 $0x1  }
0xcc: {  	_ =	sfence.sel $0xFFFF  }
0xcd: {  	[dreg:$0x0] =	wrdreg $0xFFFFFFFF;
	(pc) =	sbr.abs _section_cstart, $3  }
0xce: {  	[dreg:$0x1] =	wrdreg $0xFFFFFFFF  }
0xcf: {  	_ =	task.clear_ibuf [dreg:s22], $0x2FFFF;
	_ =	strace $0x9FFFFFFF  }
0xd0: {  	(tm) =	ssettm $0x7FFFFFFF  }
0xd1: {  	_ =	shalt  }
tec
execute0_lowered:
.L_overlay_start_1:
0x0: {  	(tag) =	ssettag $0x1  }
0x1: {  	s1 =	srdreg.scid  }
0x2: {  	s2 =	stileid.u32;
	s1 =	sand.u32 $0x1, s1  }
0x3: {  	s2 =	sshll.u32 s2, $0x8;
	s3 =	sshll.u32 s1, $0x7  }
0x4: {  	s0 =	rddreg [dreg:$0x0];
	s4 =	simm.s32 $0x0;
	s2 =	sor.u32 s3, s2  }
0x5: {  	[smem:$0x7FF] =	sst s4;
	s4 =	sadd.s32 $0xC8600, s0;
	s3 =	sshrl.u32 s2, $0x3  }
0x6: {  	s5 =	sadd.s32 $0x5000, s0;
	s2 =	sshll.u32 s2, $0x4;
	s6 =	sadd.s32 s3, s0  }
0x7: {  	s3 =	sadd.s32 $0x18BC00, s0;
	s0 =	sadd.s32 s2, s0;
	s9 =	sadd.s32 $0x24F200, s6  }
0x8: {  	_ =	strace $0x8000004D;
	s10 =	sadd.s32 $0x561208, s0;
	[dreg:$0x2] =	wrdreg s9  }
0x9: {  	s11 =	sadd.s32 $0x571200, s0;
	[dreg:$0x3] =	wrdreg s10  }
0xa: {  	s12 =	sadd.s32 $0x571208, s0;
	[dreg:$0x4] =	wrdreg s11  }
0xb: {  	s13 =	sadd.s32 $0x5F1200, s0;
	[dreg:$0x5] =	wrdreg s12  }
0xc: {  	s14 =	sadd.s32 $0x5F1208, s0;
	[dreg:$0x6] =	wrdreg s13  }
0xd: {  	s29 =	simm.s32 $0x80;
	s15 =	sadd.s32 $0x601200, s0;
	[dreg:$0x7] =	wrdreg s14  }
0xe: {  	s31 =	simm.s32 $0x3;
	s16 =	sadd.s32 $0x601208, s0;
	[dreg:$0x8] =	wrdreg s15  }
0xf: {  	s30 =	simm.s32 $0x5800;
	s17 =	sadd.s32 $0x681200, s0;
	[dreg:$0x9] =	wrdreg s16  }
0x10: {  	s8 =	simm.s32 $0x40;
	s18 =	sadd.s32 $0x681208, s0;
	[dreg:$0xa] =	wrdreg s17  }
0x11: {  	s1 =	ssub.s32 $0x2, s1;
	s19 =	sadd.s32 $0x691200, s0;
	[dreg:$0xb] =	wrdreg s18  }
0x12: {  	s22 =	sshrl.u32 s1, $0x1;
	s20 =	sadd.s32 $0x691208, s0;
	[dreg:$0xc] =	wrdreg s19  }
0x13: {  	s1 =	ssub.s32 s1, s22;
	s21 =	sadd.s32 $0x6A1200, s0;
	[dreg:$0xd] =	wrdreg s20  }
0x14: {  	s2 =	simm.s32 $0x7800;
	s23 =	sadd.s32 $0x6A1208, s0;
	[dreg:$0xe] =	wrdreg s21  }
0x15: {  	s7 =	sadd.s32 $0x561200, s0;
	s24 =	sadd.s32 $0x6B1200, s0;
	[dreg:$0xf] =	wrdreg s23  }
0x16: {  	s25 =	sadd.s32 $0x6B1208, s0;
	s26 =	sadd.s32 $0x6C1200, s0;
	[dreg:$0x10] =	wrdreg s24  }
0x17: {  	s28 =	sadd.s32 $0x6D1208, s0;
	s6 =	simm.s32 $0x1;
	[dreg:$0x11] =	wrdreg s25  }
0x18: {  	[dreg:$0x12] =	wrdreg s26;
	s24 =	smax.u32 s1, $0x1;
	s25 =	sadd.s32 $0x6C1208, s0  }
0x19: {  	s26 =	sadd.s32 $0x6D1200, s0;
	s0 =	simm.s32 $0x1800;
	s1 =	simm.s32 $0x3800  }
0x1a: {  	s9 =	simm.s32 $0x9800;
	s10 =	simm.s32 $0xB800;
	s11 =	simm.s32 $0xD800  }
0x1b: {  	s12 =	simm.s32 $0xF800;
	s13 =	simm.s32 $0x2;
	s14 =	simm.s32 $0x0  }
.LBB2_1:
0x1c: {  	s15 =	simm.s32 $0x0;
	s16 =	rddreg [dreg:$0x2];
	s17 =	simm.s32 $0x1000  }
0x1d: {  	[tilespmem:s15], [sflag:$0x3] =	stream.strided.gather [hbm4b:s16+s29], $0x1800, s17, s29, $0x38;
	[tilespmem:$0x11800] =	vst v63  }
0x1e: {  	_ =	swait.ge [sflag:s31], $0x1800  }
0x1f: {  	[sflag:s31] =	ssyncset.done $0x0  }
0x20: {  	[sflag:s31] =	ssyncadd.s32 $0xFFFFE800  }
0x21: {  	[tilespmem:s0], [sflag:$0x1] =	stream.indirect.gather [hbm4b:s3+s29], $0x40, s15, s29, $0xb8;
	[tilespmem:$0x11800] =	vst v63  }
0x22: {  	_ = 	snop  }
0x23: {  	[tilespmem:s1], [sflag:$0x1] =	stream.indirect.gather [hbm4b:s3+s29], $0x40, s29, s29, $0xb8;
	[tilespmem:$0x11800] =	vst v63  }
0x24: {  	s23 =	simm.s32 $0x100  }
0x25: {  	[tilespmem:s30], [sflag:$0x1] =	stream.indirect.gather [hbm4b:s3+s29], $0x40, s23, s29, $0xb8;
	[tilespmem:$0x11800] =	vst v63  }
0x26: {  	s16 =	simm.s32 $0x180  }
0x27: {  	[tilespmem:s2], [sflag:$0x1] =	stream.indirect.gather [hbm4b:s3+s29], $0x40, s16, s29, $0xb8;
	[tilespmem:$0x11800] =	vst v63  }
0x28: {  	_ =	swait.ge [sflag:s6], $0x2000  }
0x29: {  	[sflag:s6] =	ssyncset.done $0x0  }
0x2a: {  	[sflag:s6] =	ssyncadd.s32 $0xFFFFE000  }
0x2b: {  	[hbm4b:s7+s8] =	stream.strided.scatter [tilespmem:s0], [sflag:$0x2], $0x2000, s29, s8, $0x38;
	[tilespmem:$0x11800] =	vst v63  }
0x2c: {  	s17 =	simm.s32 $0x200  }
0x2d: {  	[tilespmem:s9], [sflag:$0x1] =	stream.indirect.gather [hbm4b:s3+s29], $0x40, s17, s29, $0xb8;
	[tilespmem:$0x11800] =	vst v63  }
0x2e: {  	_ =	swait.ge [sflag:s6], $0x2000  }
0x2f: {  	[sflag:s6] =	ssyncset.done $0x0  }
0x30: {  	s18 =	rddreg [dreg:$0x3];
	[sflag:s6] =	ssyncadd.s32 $0xFFFFE000  }
0x31: {  	[hbm4b:s18+s8] =	stream.strided.scatter [tilespmem:s1], [sflag:$0x2], $0x2000, s29, s8, $0x38;
	[tilespmem:$0x11800] =	vst v63  }
0x32: {  	s19 =	simm.s32 $0x280  }
0x33: {  	[tilespmem:s10], [sflag:$0x1] =	stream.indirect.gather [hbm4b:s3+s29], $0x40, s19, s29, $0xb8;
	[tilespmem:$0x11800] =	vst v63  }
0x34: {  	_ =	swait.ge [sflag:s6], $0x2000  }
0x35: {  	[sflag:s6] =	ssyncset.done $0x0  }
0x36: {  	s20 =	rddreg [dreg:$0x4];
	[sflag:s6] =	ssyncadd.s32 $0xFFFFE000  }
0x37: {  	[hbm4b:s20+s8] =	stream.strided.scatter [tilespmem:s30], [sflag:$0x2], $0x2000, s29, s8, $0x38;
	[tilespmem:$0x11800] =	vst v63  }
0x38: {  	s21 =	simm.s32 $0x300;
	p0 =	por $0x0, $0x0  }
0x39: {  	[tilespmem:s11], [sflag:$0x1] =	stream.indirect.gather [hbm4b:s3+s29], $0x40, s21, s29, $0xb8;
	[tilespmem:$0x11800] =	vst v63  }
0x3a: {  	s15 =	simm.s32 $0x28;
	s23 =	simm.s32 $0x380;
	_ =	swait.ge [sflag:s6], $0x2000  }
0x3b: {  	s16 =	simm.s32 $0x480;
	s17 =	simm.s32 $0x400;
	[sflag:s6] =	ssyncset.done $0x0  }
0x3c: {  	s18 =	simm.s32 $0x20;
	s22 =	rddreg [dreg:$0x5];
	[sflag:s6] =	ssyncadd.s32 $0xFFFFE000  }
0x3d: {  	[hbm4b:s22+s8] =	stream.strided.scatter [tilespmem:s2], [sflag:$0x2], $0x2000, s29, s8, $0x38;
	[tilespmem:$0x11800] =	vst v63  }
0x3e: {  	s18 =	sand.u32 $0x8, s18;
	s19 =	simm.s32 $0x40000;
	s20 =	simm.s32 $0x20000  }
0x3f: {  	[tilespmem:s12], [sflag:$0x1] =	stream.indirect.gather [hbm4b:s3+s29], $0x40, s23, s29, $0xb8;
	[tilespmem:$0x11800] =	vst v63  }
0x40: {  	s21 =	sand.u32 $0xF0000, s20;
	s20 =	sand.u32 $0x38000, s20;
	_ =	swait.ge [sflag:s6], $0x2000  }
0x41: {  	s20 =	sshrl.u32 s20, $0x2;
	s21 =	sadd.s32 s21, s7;
	[sflag:s6] =	ssyncset.done $0x0  }
0x42: {  	s20 =	sor.u32 $0x1800, s20;
	s18 =	sadd.s32 s18, s21;
	[sflag:s6] =	ssyncadd.s32 $0xFFFFE000  }
0x43: {  	[hbm4b:s18+s8] =	stream.strided.scatter [tilespmem:s20], [sflag:$0x2], $0x2000, s29, s8, $0x38;
	[tilespmem:$0x11800] =	vst v63  }
0x44: {  	s19 =	sand.u32 @!p0 $0x38000, s19;
	s21 =	simm.s32 @!p0 $0x80;
	_ =	swait.ge [sflag:s13], $0x2000  }
0x45: {  	s18 =	simm.s32 $0x48000;
	s20 =	sshrl.u32 @!p0 s19, $0x2;
	[sflag:s13] =	ssyncset.done $0x0  }
0x46: {  	s19 =	simm.s32 $0x5;
	s20 =	sor.u32 @!p0 $0x1800, s20;
	[sflag:s13] =	ssyncadd.s32 $0xFFFFE000  }
.LBB2_2:
0x47: {  	[tilespmem:s20], [sflag:$0x1] =	stream.indirect.gather @!p0 [hbm4b:s3+s21], $0x40, s17, s21, $0xb8;
	[tilespmem:$0x11800] =	vst v63  }
0x48: {  	s20 =	smov.u32 s15;
	s15 =	sadd.s32 $0x8, s15;
	s17 =	smov.u32 s16  }
0x49: {  	p1 =	sne.s32 s15, $0x90  }
0x4a: {  	s16 =	sadd.s32 $0x80, s16;
	s21 =	sadd.s32 $0xFFFE0000, s18;
	p0 =	sgt.u32 s19, $0xD  }
0x4b: {  	s20 =	sand.u32 $0x8, s20;
	s22 =	sand.u32 $0xF0000, s21;
	s21 =	sand.u32 $0x38000, s21  }
0x4c: {  	s21 =	sshrl.u32 s21, $0x2;
	_ =	swait.ge [sflag:s6], $0x2000  }
0x4d: {  	s22 =	sadd.s32 s22, s7;
	s21 =	sor.u32 $0x1800, s21;
	[sflag:s6] =	ssyncset.done $0x0  }
.Ltmp0:
0x4e: {  	s20 =	sadd.s32 s20, s22;
	[sflag:s6] =	ssyncadd.s32 $0xFFFFE000;
	(pc) =	sbr.rel @p1 .LBB2_2-.Ltmp0, $4  }
0x4f: {  	[hbm4b:s20+s8] =	stream.strided.scatter [tilespmem:s21], [sflag:$0x2], $0x2000, s29, s8, $0x38;
	[tilespmem:$0x11800] =	vst v63  }
0x50: {  	s20 =	sand.u32 @!p0 $0x38000, s18;
	s18 =	sadd.s32 $0x8000, s18;
	_ =	swait.ge [sflag:s13], $0x2000  }
0x51: {  	s19 =	sadd.s32 $0x1, s19;
	s20 =	sshrl.u32 @!p0 s20, $0x2;
	[sflag:s13] =	ssyncset.done $0x0  }
0x52: {  	s21 =	simm.s32 @!p0 $0x80;
	s20 =	sor.u32 @!p0 $0x1800, s20;
	[sflag:s13] =	ssyncadd.s32 $0xFFFFE000  }
0x53: {  	[tilespmem:s20], [sflag:$0x1] =	stream.indirect.gather @!p0 [hbm4b:s3+s21], $0x40, s17, s21, $0xb8;
	[tilespmem:$0x11800] =	vst v63  }
0x54: {  	_ =	swait.ge [sflag:s13], $0x2000  }
0x55: {  	[sflag:s13] =	ssyncset.done $0x0  }
0x56: {  	[sflag:s13] =	ssyncadd.s32 $0xFFFFE000  }
0x57: {  	_ =	swait.ge [sflag:s13], $0x2000  }
0x58: {  	[sflag:s13] =	ssyncset.done $0x0  }
0x59: {  	[sflag:s13] =	ssyncadd.s32 $0xFFFFE000  }
0x5a: {  	_ =	swait.ge [sflag:s13], $0x2000  }
0x5b: {  	[sflag:s13] =	ssyncset.done $0x0  }
0x5c: {  	[sflag:s13] =	ssyncadd.s32 $0xFFFFE000  }
0x5d: {  	_ =	swait.ge [sflag:s13], $0x2000  }
0x5e: {  	[sflag:s13] =	ssyncset.done $0x0  }
0x5f: {  	s15 =	simm.s32 $0x900;
	[sflag:s13] =	ssyncadd.s32 $0xFFFFE000  }
0x60: {  	[tilespmem:s0], [sflag:$0x1] =	stream.indirect.gather [hbm4b:s4+s29], $0x40, s15, s29, $0xb8;
	[tilespmem:$0x11800] =	vst v63  }
0x61: {  	s19 =	simm.s32 $0x980  }
0x62: {  	[tilespmem:s1], [sflag:$0x1] =	stream.indirect.gather [hbm4b:s4+s29], $0x40, s19, s29, $0xb8;
	[tilespmem:$0x11800] =	vst v63  }
0x63: {  	s20 =	simm.s32 $0xA00  }
0x64: {  	[tilespmem:s30], [sflag:$0x1] =	stream.indirect.gather [hbm4b:s4+s29], $0x40, s20, s29, $0xb8;
	[tilespmem:$0x11800] =	vst v63  }
0x65: {  	s21 =	simm.s32 $0xA80  }
0x66: {  	[tilespmem:s2], [sflag:$0x1] =	stream.indirect.gather [hbm4b:s4+s29], $0x40, s21, s29, $0xb8;
	[tilespmem:$0x11800] =	vst v63  }
0x67: {  	_ =	swait.ge [sflag:s6], $0x2000  }
0x68: {  	[sflag:s6] =	ssyncset.done $0x0  }
0x69: {  	s22 =	rddreg [dreg:$0x6];
	[sflag:s6] =	ssyncadd.s32 $0xFFFFE000  }
0x6a: {  	[hbm4b:s22+s8] =	stream.strided.scatter [tilespmem:s0], [sflag:$0x2], $0x2000, s29, s8, $0x38;
	[tilespmem:$0x11800] =	vst v63  }
0x6b: {  	s23 =	simm.s32 $0xB00  }
0x6c: {  	[tilespmem:s9], [sflag:$0x1] =	stream.indirect.gather [hbm4b:s4+s29], $0x40, s23, s29, $0xb8;
	[tilespmem:$0x11800] =	vst v63  }
0x6d: {  	_ =	swait.ge [sflag:s6], $0x2000  }
0x6e: {  	[sflag:s6] =	ssyncset.done $0x0  }
0x6f: {  	s16 =	rddreg [dreg:$0x7];
	[sflag:s6] =	ssyncadd.s32 $0xFFFFE000  }
0x70: {  	[hbm4b:s16+s8] =	stream.strided.scatter [tilespmem:s1], [sflag:$0x2], $0x2000, s29, s8, $0x38;
	[tilespmem:$0x11800] =	vst v63  }
0x71: {  	s17 =	simm.s32 $0xB80  }
0x72: {  	[tilespmem:s10], [sflag:$0x1] =	stream.indirect.gather [hbm4b:s4+s29], $0x40, s17, s29, $0xb8;
	[tilespmem:$0x11800] =	vst v63  }
0x73: {  	_ =	swait.ge [sflag:s6], $0x2000  }
0x74: {  	[sflag:s6] =	ssyncset.done $0x0  }
0x75: {  	s18 =	rddreg [dreg:$0x8];
	[sflag:s6] =	ssyncadd.s32 $0xFFFFE000  }
0x76: {  	[hbm4b:s18+s8] =	stream.strided.scatter [tilespmem:s30], [sflag:$0x2], $0x2000, s29, s8, $0x38;
	[tilespmem:$0x11800] =	vst v63  }
0x77: {  	p0 =	por $0x0, $0x0;
	s19 =	simm.s32 $0xC00  }
0x78: {  	[tilespmem:s11], [sflag:$0x1] =	stream.indirect.gather [hbm4b:s4+s29], $0x40, s19, s29, $0xb8;
	[tilespmem:$0x11800] =	vst v63  }
0x79: {  	s15 =	simm.s32 $0xD00;
	s21 =	simm.s32 $0xC80;
	_ =	swait.ge [sflag:s6], $0x2000  }
0x7a: {  	s22 =	simm.s32 $0x20000;
	s18 =	simm.s32 $0x20;
	[sflag:s6] =	ssyncset.done $0x0  }
0x7b: {  	s18 =	sand.u32 $0x8, s18;
	s20 =	rddreg [dreg:$0x9];
	[sflag:s6] =	ssyncadd.s32 $0xFFFFE000  }
0x7c: {  	[hbm4b:s20+s8] =	stream.strided.scatter [tilespmem:s2], [sflag:$0x2], $0x2000, s29, s8, $0x38;
	[tilespmem:$0x11800] =	vst v63  }
0x7d: {  	s16 =	simm.s32 $0x28000;
	s19 =	simm.s32 $0xB0000;
	s18 =	sadd.s32 s18, s7  }
0x7e: {  	[tilespmem:s12], [sflag:$0x1] =	stream.indirect.gather [hbm4b:s4+s29], $0x40, s21, s29, $0xb8;
	[tilespmem:$0x11800] =	vst v63  }
0x7f: {  	s19 =	sand.u32 $0x1F0000, s19;
	s20 =	sand.u32 $0x38000, s22;
	_ =	swait.ge [sflag:s6], $0x2000  }
0x80: {  	s18 =	sadd.s32 s19, s18;
	s23 =	sshrl.u32 s20, $0x2;
	[sflag:s6] =	ssyncset.done $0x0  }
0x81: {  	s19 =	sxor.u32 @!p0 $0x20000, s20;
	s21 =	sor.u32 $0x1800, s23;
	[sflag:s6] =	ssyncadd.s32 $0xFFFFE000  }
0x82: {  	[hbm4b:s18+s8] =	stream.strided.scatter [tilespmem:s21], [sflag:$0x2], $0x2000, s29, s8, $0x38;
	[tilespmem:$0x11800] =	vst v63  }
0x83: {  	s17 =	simm.s32 $0x28;
	s20 =	sshrl.u32 @!p0 s19, $0x2;
	_ =	swait.ge [sflag:s13], $0x2000  }
0x84: {  	s19 =	simm.s32 $0x5;
	s20 =	sadd.s32 @!p0 $0x1800, s20;
	[sflag:s13] =	ssyncset.done $0x0  }
0x85: {  	s18 =	simm.s32 $0xD80;
	s21 =	simm.s32 @!p0 $0x80;
	[sflag:s13] =	ssyncadd.s32 $0xFFFFE000  }
.LBB2_4:
0x86: {  	[tilespmem:s20], [sflag:$0x1] =	stream.indirect.gather @!p0 [hbm4b:s4+s21], $0x40, s15, s21, $0xb8;
	[tilespmem:$0x11800] =	vst v63  }
0x87: {  	s20 =	smov.u32 s16;
	s21 =	smov.u32 s17;
	s15 =	smov.u32 s18  }
0x88: {  	s16 =	sadd.s32 $0x8000, s16;
	_ =	swait.ge [sflag:s6], $0x2000  }
0x89: {  	p1 =	sne.s32 s16, $0x90000;
	[sflag:s6] =	ssyncset.done $0x0  }
0x8a: {  	p0 =	sgt.u32 s19, $0xD;
	s17 =	sadd.s32 $0x8, s17;
	[sflag:s6] =	ssyncadd.s32 $0xFFFFE000  }
0x8b: {  	s22 =	sadd.s32 $0x90000, s20;
	s21 =	sand.u32 $0x8, s21;
	s20 =	sand.u32 $0x38000, s20  }
0x8c: {  	s22 =	sand.u32 $0x1F0000, s22;
	s23 =	sshrl.u32 s20, $0x2;
	s21 =	sadd.s32 s21, s7  }
.Ltmp1:
0x8d: {  	s23 =	sor.u32 $0x1800, s23;
	s21 =	sadd.s32 s22, s21;
	(pc) =	sbr.rel @p1 .LBB2_4-.Ltmp1, $4  }
0x8e: {  	[hbm4b:s21+s8] =	stream.strided.scatter [tilespmem:s23], [sflag:$0x2], $0x2000, s29, s8, $0x38;
	[tilespmem:$0x11800] =	vst v63  }
0x8f: {  	s18 =	sadd.s32 $0x80, s18;
	s20 =	sxor.u32 @!p0 $0x20000, s20;
	_ =	swait.ge [sflag:s13], $0x2000  }
0x90: {  	s19 =	sadd.s32 $0x1, s19;
	s20 =	sshrl.u32 @!p0 s20, $0x2;
	[sflag:s13] =	ssyncset.done $0x0  }
0x91: {  	s20 =	sadd.s32 @!p0 $0x1800, s20;
	s21 =	simm.s32 @!p0 $0x80;
	[sflag:s13] =	ssyncadd.s32 $0xFFFFE000  }
0x92: {  	[tilespmem:s20], [sflag:$0x1] =	stream.indirect.gather @!p0 [hbm4b:s4+s21], $0x40, s15, s21, $0xb8;
	[tilespmem:$0x11800] =	vst v63  }
0x93: {  	_ =	swait.ge [sflag:s13], $0x2000  }
0x94: {  	[sflag:s13] =	ssyncset.done $0x0  }
0x95: {  	[sflag:s13] =	ssyncadd.s32 $0xFFFFE000  }
0x96: {  	_ =	swait.ge [sflag:s13], $0x2000  }
0x97: {  	[sflag:s13] =	ssyncset.done $0x0  }
0x98: {  	[sflag:s13] =	ssyncadd.s32 $0xFFFFE000  }
0x99: {  	_ =	swait.ge [sflag:s13], $0x2000  }
0x9a: {  	[sflag:s13] =	ssyncset.done $0x0  }
0x9b: {  	[sflag:s13] =	ssyncadd.s32 $0xFFFFE000  }
0x9c: {  	_ =	swait.ge [sflag:s13], $0x2000  }
0x9d: {  	[sflag:s13] =	ssyncset.done $0x0  }
0x9e: {  	s19 =	simm.s32 $0x1200;
	[sflag:s13] =	ssyncadd.s32 $0xFFFFE000  }
0x9f: {  	[tilespmem:s0], [sflag:$0x1] =	stream.indirect.gather [hbm4b:s5+s29], $0x40, s19, s29, $0xb8;
	[tilespmem:$0x11800] =	vst v63  }
0xa0: {  	s20 =	simm.s32 $0x1280  }
0xa1: {  	[tilespmem:s1], [sflag:$0x1] =	stream.indirect.gather [hbm4b:s5+s29], $0x40, s20, s29, $0xb8;
	[tilespmem:$0x11800] =	vst v63  }
0xa2: {  	s21 =	simm.s32 $0x1300  }
0xa3: {  	[tilespmem:s30], [sflag:$0x1] =	stream.indirect.gather [hbm4b:s5+s29], $0x40, s21, s29, $0xb8;
	[tilespmem:$0x11800] =	vst v63  }
0xa4: {  	s22 =	simm.s32 $0x1380  }
0xa5: {  	[tilespmem:s2], [sflag:$0x1] =	stream.indirect.gather [hbm4b:s5+s29], $0x40, s22, s29, $0xb8;
	[tilespmem:$0x11800] =	vst v63  }
0xa6: {  	_ =	swait.ge [sflag:s6], $0x2000  }
0xa7: {  	[sflag:s6] =	ssyncset.done $0x0  }
0xa8: {  	s23 =	rddreg [dreg:$0xa];
	[sflag:s6] =	ssyncadd.s32 $0xFFFFE000  }
0xa9: {  	[hbm4b:s23+s8] =	stream.strided.scatter [tilespmem:s0], [sflag:$0x2], $0x2000, s29, s8, $0x38;
	[tilespmem:$0x11800] =	vst v63  }
0xaa: {  	s16 =	simm.s32 $0x1400  }
0xab: {  	[tilespmem:s9], [sflag:$0x1] =	stream.indirect.gather [hbm4b:s5+s29], $0x40, s16, s29, $0xb8;
	[tilespmem:$0x11800] =	vst v63  }
0xac: {  	_ =	swait.ge [sflag:s6], $0x2000  }
0xad: {  	[sflag:s6] =	ssyncset.done $0x0  }
0xae: {  	s17 =	rddreg [dreg:$0xb];
	[sflag:s6] =	ssyncadd.s32 $0xFFFFE000  }
0xaf: {  	[hbm4b:s17+s8] =	stream.strided.scatter [tilespmem:s1], [sflag:$0x2], $0x2000, s29, s8, $0x38;
	[tilespmem:$0x11800] =	vst v63  }
0xb0: {  	s18 =	simm.s32 $0x1480  }
0xb1: {  	[tilespmem:s10], [sflag:$0x1] =	stream.indirect.gather [hbm4b:s5+s29], $0x40, s18, s29, $0xb8;
	[tilespmem:$0x11800] =	vst v63  }
0xb2: {  	_ =	swait.ge [sflag:s6], $0x2000  }
0xb3: {  	[sflag:s6] =	ssyncset.done $0x0  }
0xb4: {  	s19 =	rddreg [dreg:$0xc];
	[sflag:s6] =	ssyncadd.s32 $0xFFFFE000  }
0xb5: {  	[hbm4b:s19+s8] =	stream.strided.scatter [tilespmem:s30], [sflag:$0x2], $0x2000, s29, s8, $0x38;
	[tilespmem:$0x11800] =	vst v63  }
0xb6: {  	s20 =	simm.s32 $0x1500  }
0xb7: {  	[tilespmem:s11], [sflag:$0x1] =	stream.indirect.gather [hbm4b:s5+s29], $0x40, s20, s29, $0xb8;
	[tilespmem:$0x11800] =	vst v63  }
0xb8: {  	_ =	swait.ge [sflag:s6], $0x2000  }
0xb9: {  	[sflag:s6] =	ssyncset.done $0x0  }
0xba: {  	s21 =	rddreg [dreg:$0xd];
	[sflag:s6] =	ssyncadd.s32 $0xFFFFE000  }
0xbb: {  	[hbm4b:s21+s8] =	stream.strided.scatter [tilespmem:s2], [sflag:$0x2], $0x2000, s29, s8, $0x38;
	[tilespmem:$0x11800] =	vst v63  }
0xbc: {  	s22 =	simm.s32 $0x1580  }
0xbd: {  	[tilespmem:s12], [sflag:$0x1] =	stream.indirect.gather [hbm4b:s5+s29], $0x40, s22, s29, $0xb8;
	[tilespmem:$0x11800] =	vst v63  }
0xbe: {  	_ =	swait.ge [sflag:s6], $0x2000  }
0xbf: {  	[sflag:s6] =	ssyncset.done $0x0  }
0xc0: {  	s23 =	rddreg [dreg:$0xe];
	[sflag:s6] =	ssyncadd.s32 $0xFFFFE000  }
0xc1: {  	[hbm4b:s23+s8] =	stream.strided.scatter [tilespmem:s9], [sflag:$0x2], $0x2000, s29, s8, $0x38;
	[tilespmem:$0x11800] =	vst v63  }
0xc2: {  	_ =	swait.ge [sflag:s13], $0x2000  }
0xc3: {  	[sflag:s13] =	ssyncset.done $0x0  }
0xc4: {  	s16 =	simm.s32 $0x1600;
	[sflag:s13] =	ssyncadd.s32 $0xFFFFE000  }
0xc5: {  	[tilespmem:s0], [sflag:$0x1] =	stream.indirect.gather [hbm4b:s5+s29], $0x40, s16, s29, $0xb8;
	[tilespmem:$0x11800] =	vst v63  }
0xc6: {  	_ =	swait.ge [sflag:s6], $0x2000  }
0xc7: {  	[sflag:s6] =	ssyncset.done $0x0  }
0xc8: {  	s17 =	rddreg [dreg:$0xf];
	[sflag:s6] =	ssyncadd.s32 $0xFFFFE000  }
0xc9: {  	[hbm4b:s17+s8] =	stream.strided.scatter [tilespmem:s10], [sflag:$0x2], $0x2000, s29, s8, $0x38;
	[tilespmem:$0x11800] =	vst v63  }
0xca: {  	_ =	swait.ge [sflag:s13], $0x2000  }
0xcb: {  	[sflag:s13] =	ssyncset.done $0x0  }
0xcc: {  	s18 =	simm.s32 $0x1680;
	[sflag:s13] =	ssyncadd.s32 $0xFFFFE000  }
0xcd: {  	[tilespmem:s1], [sflag:$0x1] =	stream.indirect.gather [hbm4b:s5+s29], $0x40, s18, s29, $0xb8;
	[tilespmem:$0x11800] =	vst v63  }
0xce: {  	_ =	swait.ge [sflag:s6], $0x2000  }
0xcf: {  	[sflag:s6] =	ssyncset.done $0x0  }
0xd0: {  	s19 =	rddreg [dreg:$0x10];
	[sflag:s6] =	ssyncadd.s32 $0xFFFFE000  }
0xd1: {  	[hbm4b:s19+s8] =	stream.strided.scatter [tilespmem:s11], [sflag:$0x2], $0x2000, s29, s8, $0x38;
	[tilespmem:$0x11800] =	vst v63  }
0xd2: {  	_ =	swait.ge [sflag:s13], $0x2000  }
0xd3: {  	[sflag:s13] =	ssyncset.done $0x0  }
0xd4: {  	s20 =	simm.s32 $0x1700;
	[sflag:s13] =	ssyncadd.s32 $0xFFFFE000  }
0xd5: {  	[tilespmem:s30], [sflag:$0x1] =	stream.indirect.gather [hbm4b:s5+s29], $0x40, s20, s29, $0xb8;
	[tilespmem:$0x11800] =	vst v63  }
0xd6: {  	_ =	swait.ge [sflag:s6], $0x2000  }
0xd7: {  	[sflag:s6] =	ssyncset.done $0x0  }
0xd8: {  	s21 =	rddreg [dreg:$0x11];
	[sflag:s6] =	ssyncadd.s32 $0xFFFFE000  }
0xd9: {  	[hbm4b:s21+s8] =	stream.strided.scatter [tilespmem:s12], [sflag:$0x2], $0x2000, s29, s8, $0x38;
	[tilespmem:$0x11800] =	vst v63  }
0xda: {  	_ =	swait.ge [sflag:s13], $0x2000  }
0xdb: {  	[sflag:s13] =	ssyncset.done $0x0  }
0xdc: {  	s22 =	simm.s32 $0x1780;
	[sflag:s13] =	ssyncadd.s32 $0xFFFFE000  }
0xdd: {  	[tilespmem:s2], [sflag:$0x1] =	stream.indirect.gather [hbm4b:s5+s29], $0x40, s22, s29, $0xb8;
	[tilespmem:$0x11800] =	vst v63  }
0xde: {  	_ =	swait.ge [sflag:s6], $0x2000  }
0xdf: {  	[sflag:s6] =	ssyncset.done $0x0  }
0xe0: {  	s23 =	rddreg [dreg:$0x12];
	[sflag:s6] =	ssyncadd.s32 $0xFFFFE000  }
0xe1: {  	[hbm4b:s23+s8] =	stream.strided.scatter [tilespmem:s0], [sflag:$0x2], $0x2000, s29, s8, $0x38;
	[tilespmem:$0x11800] =	vst v63  }
0xe2: {  	_ =	swait.ge [sflag:s13], $0x2000  }
0xe3: {  	[sflag:s13] =	ssyncset.done $0x0  }
0xe4: {  	[sflag:s13] =	ssyncadd.s32 $0xFFFFE000  }
0xe5: {  	_ =	swait.ge [sflag:s6], $0x2000  }
0xe6: {  	[sflag:s6] =	ssyncset.done $0x0  }
0xe7: {  	[sflag:s6] =	ssyncadd.s32 $0xFFFFE000  }
0xe8: {  	[hbm4b:s25+s8] =	stream.strided.scatter [tilespmem:s1], [sflag:$0x2], $0x2000, s29, s8, $0x38;
	[tilespmem:$0x11800] =	vst v63  }
0xe9: {  	_ =	swait.ge [sflag:s13], $0x2000  }
0xea: {  	[sflag:s13] =	ssyncset.done $0x0  }
0xeb: {  	[sflag:s13] =	ssyncadd.s32 $0xFFFFE000  }
0xec: {  	_ =	swait.ge [sflag:s6], $0x2000  }
0xed: {  	[sflag:s6] =	ssyncset.done $0x0  }
0xee: {  	[sflag:s6] =	ssyncadd.s32 $0xFFFFE000  }
0xef: {  	[hbm4b:s26+s8] =	stream.strided.scatter [tilespmem:s30], [sflag:$0x2], $0x2000, s29, s8, $0x38;
	[tilespmem:$0x11800] =	vst v63  }
0xf0: {  	_ =	swait.ge [sflag:s13], $0x2000  }
0xf1: {  	[sflag:s13] =	ssyncset.done $0x0  }
0xf2: {  	[sflag:s13] =	ssyncadd.s32 $0xFFFFE000  }
0xf3: {  	_ =	swait.ge [sflag:s6], $0x2000  }
0xf4: {  	[sflag:s6] =	ssyncset.done $0x0  }
0xf5: {  	[sflag:s6] =	ssyncadd.s32 $0xFFFFE000  }
0xf6: {  	[hbm4b:s28+s8] =	stream.strided.scatter [tilespmem:s2], [sflag:$0x2], $0x2000, s29, s8, $0x38;
	[tilespmem:$0x11800] =	vst v63  }
0xf7: {  	_ =	swait.ge [sflag:s13], $0x2000  }
0xf8: {  	[sflag:s13] =	ssyncset.done $0x0  }
0xf9: {  	[sflag:s13] =	ssyncadd.s32 $0xFFFFE000  }
0xfa: {  	_ =	swait.ge [sflag:s13], $0x2000  }
0xfb: {  	[sflag:s13] =	ssyncset.done $0x0  }
0xfc: {  	[sflag:s13] =	ssyncadd.s32 $0xFFFFE000  }
0xfd: {  	_ =	swait.ge [sflag:s13], $0x2000  }
0xfe: {  	[sflag:s13] =	ssyncset.done $0x0  }
0xff: {  	s14 =	sadd.s32 $0x1, s14;
	[sflag:s13] =	ssyncadd.s32 $0xFFFFE000  }
0x100: {  	p0 =	sne.s32 s14, s24;
	_ =	swait.ge [sflag:s13], $0x2000  }
.Ltmp2:
0x101: {  	[sflag:s13] =	ssyncset.done $0x0;
	(pc) =	sbr.rel @p0 .LBB2_1-.Ltmp2, $4  }
0x102: {  	[sflag:s13] =	ssyncadd.s32 $0xFFFFE000  }
0x103: {  	_ =	swait.ge [sflag:s13], $0x2000  }
0x104: {  	[sflag:s13] =	ssyncset.done $0x0  }
0x105: {  	[sflag:s13] =	ssyncadd.s32 $0xFFFFE000  }
0x106: {  	_ =	sfence.sel $0x180000  }
0x107: {  	[bflag:$0x0] =	sbarrier.arrive $0xFFFF  }
0x108: {  	_ =	strace $0x9000004D  }
0x109: {  	s0 =	stileid.u32;
	[bflag:$0x2] =	sbarrier.arrive $0xFFFF  }
0x10a: {  	p0 =	sne.s32 s0, $0x0;
	s0 =	rddreg [dreg:$0x1]  }
0x10b: {  	s0 =	sadd.s32 @!p0 $0x100000, s0  }
0x10c: {  	[sflag:s0] =	ssyncadd.tile.s32 @!p0 $0x1;
	_ =	shalt  }
.Lfunc_end2:
_tile_overlayer_lowered:
.L_overlay_start_2:
0x10d: {  	(tag) =	ssettag $0x2  }
0x10e: {  	s0 =	rddreg [dreg:$0x0];
	s2 =	stileid.u32  }
0x10f: {  	s1 =	rddreg [dreg:$0x1];
	p0 =	sne.s32 s2, $0x0  }
0x110: {  	s3 =	rddreg [dreg:$0x2];
	[bflag:$0x3] =	sbarrier.arrive $0xFFFF;
	s2 =	simm.s32 @!p0 $0x1C03  }
0x111: {  	[timem:s3], [sflag:s2] =	dma.local @!p0 [hbm:s0], s1  }
0x112: {  	s0 =	simm.s32 @!p0 $0x3  }
0x113: {  	_ =	swait.ge @!p0 [sflag:s0], s1  }
0x114: {  	s1 =	ssub.s32 @!p0 $0x0, s1;
	[sflag:s0] =	ssyncset.done @!p0 $0x0  }
0x115: {  	[sflag:s0] =	ssyncadd.s32 @!p0 s1  }
0x116: {  	[bflag:$0x3] =	sbarrier.arrive $0xFFFF  }
0x117: {  	_ =	shalt  }

// kernel: kernel.19.cloned.1.call-start
scs
__scs_entry_jumppad:
0x0: {  	(pc) =	sbr.rel $0x88, $3  }
0x1: {  	(tag) =	ssettag $0x0;
	lr =	simm.s32 $0x1  }
0x2: {  	[smem:$0x3F99] =	sst lr;
	_ =	strace $0xD0000000  }
0x3: {  	_ = 	snop  }
0x4: {  	_ = 	snop  }
0x5: {  	_ = 	snop  }
0x6: {  	_ = 	snop  }
0x7: {  	_ = 	snop  }
__scs_overlays_trampoline_lowered:
0x8: {  	[smem:$0x3FA8] =	sst s0  }
0x9: {  	[smem:$0x3FA9] =	sst s1  }
0xa: {  	[smem:$0x3FAA] =	sst s2  }
0xb: {  	[smem:$0x3FAB] =	sst s3  }
0xc: {  	[smem:$0x3FAC] =	sst s4  }
0xd: {  	[smem:$0x3FAD] =	sst s5  }
0xe: {  	[smem:$0x3FAE] =	sst s6  }
0xf: {  	[smem:$0x3FAF] =	sst s7  }
0x10: {  	[smem:$0x3FB0] =	sst s8  }
0x11: {  	[smem:$0x3FB1] =	sst s9;
	s0 =	simm.s32 @!p0 $0x0  }
0x12: {  	s1 =	sld [smem:$0x3F97];
	s0 =	simm.s32 @p0 $0x1  }
0x13: {  	[smem:$0x3FB2] =	sst s0;
	s0 =	simm.s32 @!p1 $0x0  }
0x14: {  	s2 =	sld [smem:$0x3F96];
	s0 =	simm.s32 @p1 $0x1  }
0x15: {  	[smem:$0x3FB3] =	sst s0;
	s0 =	simm.s32 @!p2 $0x0  }
0x16: {  	s3 =	sld [smem:$0x3FDB];
	s0 =	simm.s32 @p2 $0x1  }
0x17: {  	s4 =	simm.s32 $0x1BF5;
	[smem:$0x3FB5] =	sst s0  }
0x18: {  	s0 =	sld [smem:$0x3F98];
	_ =	swait.ge [sflag:s4], $0x0  }
0x19: {  	s7 =	sld [smem:$0x3F99]  }
0x1a: {  	s8 =	sadd.s32 $0xFFFFE003, lr  }
0x1b: {  	s9 =	sadd.s32 $0xFFFFFEF7, lr;
	s5 =	simm.s32 $0xFFFFFFFF;
	p2 =	slt.u32 s8, $0xFFFFF086  }
0x1c: {  	p1 =	slt.u32 s9, $0xF7A;
	s5 =	simm.s32 @!p2 $0x0  }
0x1d: {  	s5 =	simm.s32 @p1 $0x1;
	p0 =	seq.s32 s7, s2  }
0x1e: {  	s7 =	smul.u32 @!p0 $0xF7A, s2;
	p2 =	seq.s32 @!p0 s5, $0x0  }
0x1f: {  	s9 =	smul.u32 $0xF7A, s1;
	s8 =	simm.s32 @!p0 $0x1BF5;
	p2 =	por !p2, p0  }
0x20: {  	[sflag:s8] =	ssyncset.s32 @!p0 $0xFFFFF086;
	s6 =	sadd.s32 @!p0 s3, s7;
	s7 =	simm.s32 @!p0 $0x108  }
0x21: {  	s3 =	sadd.s32 s3, s9;
	s6 =	sadd.s32 @!p0 $0x88, s6;
	s7 =	simm.s32 @p2 $0x1082  }
0x22: {  	[simem:s7], [sflag:s8] =	dma.local @!p0 [hbm:s6], $0xF7A  }
0x23: {  	s9 =	sor.u32 $0xD0000000, s2;
	s6 =	simm.s32 $0x108;
	_ =	swait.ge @!p0 [sflag:s8], $0x0  }
0x24: {  	s3 =	sadd.s32 $0x88, s3;
	s6 =	simm.s32 @!p1 $0x1082;
	[sflag:s4] =	ssyncset.s32 $0xFFFFF086  }
0x25: {  	[simem:s6], [sflag:s4] =	dma.local [hbm:s3], $0xF7A  }
0x26: {  	[smem:$0x3F99] =	sst s1;
	(tag) =	ssettag s2;
	_ =	strace s9  }
0x27: {  	s1 =	sld [smem:$0x3FA9]  }
0x28: {  	s2 =	sld [smem:$0x3FAA]  }
0x29: {  	s4 =	sld [smem:$0x3FAC]  }
0x2a: {  	p0 =	seq.s32 s5, $0x0;
	s5 =	sld [smem:$0x3FAD]  }
0x2b: {  	s6 =	sld [smem:$0x3FAE]  }
0x2c: {  	s7 =	sld [smem:$0x3FAF]  }
0x2d: {  	s3 =	simm.s32 $0x108;
	s8 =	sld [smem:$0x3FB0]  }
0x2e: {  	s3 =	simm.s32 @!p0 $0x1082;
	s9 =	sld [smem:$0x3FB1]  }
0x2f: {  	lr =	sadd.s32 s0, s3;
	s0 =	sld [smem:$0x3FA8]  }
0x30: {  	s3 =	sld [smem:$0x3FAB]  }
0x31: {  	[smem:$0x3FB4] =	sst s10  }
0x32: {  	s10 =	sld [smem:$0x3FB2];
	_ =	sdelay $0x3  }
0x33: {  	p0 =	seq.s32 s10, $0x1;
	s10 =	sld [smem:$0x3FB4];
	_ =	sdelay $0x3  }
0x34: {  	[smem:$0x3FB4] =	sst s10  }
0x35: {  	s10 =	sld [smem:$0x3FB3];
	_ =	sdelay $0x3  }
0x36: {  	p1 =	seq.s32 s10, $0x1;
	s10 =	sld [smem:$0x3FB4];
	_ =	sdelay $0x3  }
0x37: {  	[smem:$0x3FB4] =	sst s10  }
0x38: {  	s10 =	sld [smem:$0x3FB5]  }
0x39: {  	_ = 	snop;
	(pc) =	sbr.ind lr, $3  }
0x3a: {  	_ = 	snop  }
0x3b: {  	_ = 	snop  }
0x3c: {  	p2 =	seq.s32 s10, $0x1;
	s10 =	sld [smem:$0x3FB4]  }
0x3d: {  	_ =	shalt  }
0x3e: {  	_ =	shalt  }
0x3f: {  	_ =	shalt  }
0x40: {  	_ =	shalt  }
0x41: {  	_ =	shalt  }
0x42: {  	_ =	shalt  }
0x43: {  	_ =	shalt  }
0x44: {  	_ =	shalt  }
0x45: {  	_ =	shalt  }
0x46: {  	_ =	shalt  }
0x47: {  	_ =	shalt  }
0x48: {  	_ =	shalt  }
0x49: {  	_ =	shalt  }
0x4a: {  	_ =	shalt  }
0x4b: {  	_ =	shalt  }
0x4c: {  	_ =	shalt  }
0x4d: {  	_ =	shalt  }
0x4e: {  	_ =	shalt  }
0x4f: {  	_ =	shalt  }
0x50: {  	_ =	shalt  }
0x51: {  	_ =	shalt  }
0x52: {  	_ =	shalt  }
0x53: {  	_ =	shalt  }
0x54: {  	_ =	shalt  }
0x55: {  	_ =	shalt  }
0x56: {  	_ =	shalt  }
0x57: {  	_ =	shalt  }
0x58: {  	_ =	shalt  }
0x59: {  	_ =	shalt  }
0x5a: {  	_ =	shalt  }
0x5b: {  	_ =	shalt  }
0x5c: {  	_ =	shalt  }
0x5d: {  	_ =	shalt  }
0x5e: {  	_ =	shalt  }
0x5f: {  	_ =	shalt  }
0x60: {  	_ =	shalt  }
0x61: {  	_ =	shalt  }
0x62: {  	_ =	shalt  }
0x63: {  	_ =	shalt  }
0x64: {  	_ =	shalt  }
0x65: {  	_ =	shalt  }
0x66: {  	_ =	shalt  }
0x67: {  	_ =	shalt  }
0x68: {  	_ =	shalt  }
0x69: {  	_ =	shalt  }
0x6a: {  	_ =	shalt  }
0x6b: {  	_ =	shalt  }
0x6c: {  	_ =	shalt  }
0x6d: {  	_ =	shalt  }
0x6e: {  	_ =	shalt  }
0x6f: {  	_ =	shalt  }
0x70: {  	_ =	shalt  }
0x71: {  	_ =	shalt  }
0x72: {  	_ =	shalt  }
0x73: {  	_ =	shalt  }
0x74: {  	_ =	shalt  }
0x75: {  	_ =	shalt  }
0x76: {  	_ =	shalt  }
0x77: {  	_ =	shalt  }
0x78: {  	_ =	shalt  }
0x79: {  	_ =	shalt  }
0x7a: {  	_ =	shalt  }
0x7b: {  	_ =	shalt  }
0x7c: {  	_ =	shalt  }
0x7d: {  	_ =	shalt  }
0x7e: {  	_ =	shalt  }
0x7f: {  	_ =	shalt  }
0x80: {  	_ =	shalt  }
0x81: {  	_ =	shalt  }
0x82: {  	_ =	shalt  }
0x83: {  	_ =	shalt  }
0x84: {  	_ =	shalt  }
0x85: {  	_ =	shalt  }
0x86: {  	_ =	shalt  }
0x87: {  	_ =	shalt  }
.Lfunc_end0:
.L_simem_size_0:
called_computation.3_lowered:
.L_overlay_start_0:
0x88: {  	s2 =	sld [smem:$0x3FD9]  }
0x89: {  	s3 =	sld [smem:$0x3FFE];
	_ =	sdelay $0x1  }
0x8a: {  	s1 =	srdreg.scid  }
0x8b: {  	s0 =	sand.u32 $0x1, s1  }
0x8c: {  	s17 =	sshll.u32 s0, $0xA;
	s2 =	sadd.s32 s3, s2  }
0x8d: {  	s2 =	sadd.s32 s2, s17  }
0x8e: {  	[smem:$0x3FC0] =	sst s2  }
0x8f: {  	_ = 	snop  }
0x90: {  	s18 =	sld [smem:$0x3FD0];
	(tm) =	ssettm $0x1  }
0x91: {  	s19 =	sld [smem:$0x3FFB];
	_ =	sdelay $0x3  }
0x92: {  	_ =	strace s19  }
0x93: {  	s2 =	sld [smem:$0x3FFC];
	_ =	sdelay $0x3  }
0x94: {  	_ =	strace s2  }
0x95: {  	s2 =	sld [smem:$0x3FFD];
	_ =	sdelay $0x3  }
0x96: {  	_ =	strace s2  }
0x97: {  	_ =	strace $0x8FFFFFFF  }
0x98: {  	s20 =	sld [smem:$0x3FDB];
	_ =	sdelay $0x1  }
0x99: {  	s4 =	simm.s32 $_scs_section_size  }
0x9a: {  	s5 =	simm.s32 $_size__tile_overlayer_lowered;
	s6 =	simm.s32 $_tile_overlayer_lowered  }
0x9b: {  	s7 =	simm.s32 $0x1BFF;
	s21 =	sshll.u32 s6, $0x1;
	s4 =	sadd.s32 s4, s20  }
0x9c: {  	s22 =	simm.s32 $0x0;
	s5 =	sshll.u32 s5, $0x1;
	s6 =	sadd.s32 s21, s4  }
0x9d: {  	[timem:s22], [sflag:s7] =	dma.local [hbm:s6], s5  }
0x9e: {  	_ =	swait.ge [sflag:s7], s5  }
0x9f: {  	s5 =	ssub.s32 $0x0, s5;
	[sflag:s7] =	ssyncset.done $0x0  }
0xa0: {  	[sflag:s7] =	ssyncadd.s32 s5;
	_ =	sdelay $0x1  }
0xa1: {  	s23 =	simm.s32 $0x1B8B  }
0xa2: {  	_ =	swait.ge [sflag:s23], $0x1  }
0xa3: {  	[sflag:s23] =	ssyncset.done $0x0  }
0xa4: {  	[sflag:s23] =	ssyncadd.s32 $0xFFFFFFFF  }
0xa5: {  	s5 =	sld [smem:$0x0]  }
0xa6: {  	s6 =	sand.u32 $0xFFFFFFFE, s1  }
0xa7: {  	p0 =	sne.s32 s1, s6  }
0xa8: {  	s6 =	sshll.u32 @p0 s6, $0xE  }
0xa9: {  	s6 =	sadd.s32 @p0 $0x11B8D, s6;
	s7 =	sshll.u32 @p0 s5, $0x11  }
0xaa: {  	s6 =	sor.u32 @p0 s7, s6  }
0xab: {  	[sflag:s6] =	ssyncadd.remote.s32 @p0 $0x1;
	_ =	sdelay $0x1  }
0xac: {  	s6 =	simm.s32 @p0 $0x1B8D  }
0xad: {  	_ =	swait.eq @p0 [sflag:s6], $0x1  }
0xae: {  	[sflag:s6] =	ssyncadd.s32 @p0 $0xFFFFFFFF  }
0xaf: {  	s7 =	sshll.u32 @!p0 s1, $0xE  }
0xb0: {  	s7 =	sor.u32 @!p0 $0x4000, s7;
	s6 =	simm.s32 @!p0 $0x1B8D  }
0xb1: {  	s5 =	sshll.u32 @!p0 s5, $0x11;
	s7 =	sadd.s32 @!p0 $0x11B8D, s7;
	_ =	swait.eq @!p0 [sflag:s6], $0x1  }
0xb2: {  	s5 =	sor.u32 @!p0 s5, s7;
	[sflag:s6] =	ssyncadd.s32 @!p0 $0xFFFFFFFF  }
0xb3: {  	s25 =	simm.s32 $0x1B8E;
	s24 =	sld [smem:$0x3FFE];
	[sflag:s5] =	ssyncadd.remote.s32 @!p0 $0x1  }
0xb4: {  	s26 =	simm.s32 $execute0_lowered;
	[smem:$0x3FD2] =	sst s25  }
0xb5: {  	s6 =	sshll.u32 s26, $0x1;
	_ =	strace $0x8000004F;
	[dreg:$0x1] =	wrdreg $0xFFFFFFFF  }
0xb6: {  	s28 =	simm.s32 $_size_execute0_lowered;
	s4 =	sadd.s32 s4, s6;
	[dreg:$0x0] =	wrdreg $0x0  }
0xb7: {  	s6 =	sshll.u32 s28, $0x1;
	[dreg:$0x2] =	wrdreg s4  }
0xb8: {  	[dreg:$0x3] =	wrdreg s6  }
0xb9: {  	[dreg:$0x4] =	wrdreg $0xC0  }
0xba: {  	_ =	task [dreg:s22], $0x5FFFF  }
0xbb: {  	[dreg:$0x1] =	wrdreg $0xFFFFFFFF  }
0xbc: {  	[dreg:$0x0] =	wrdreg $0x60  }
0xbd: {  	[dreg:$0x2] =	wrdreg s18  }
0xbe: {  	[dreg:$0x3] =	wrdreg s24  }
0xbf: {  	[dreg:$0x4] =	wrdreg $0xC  }
0xc0: {  	_ =	task.clear_ibuf [dreg:s22], $0x5FFFF;
	_ =	strace $0x9000004F  }
0xc1: {  	s29 =	simm.s32 $0xC;
	_ =	strace $0x80000051  }
0xc2: {  	_ =	swait.ge [sflag:s29], $0x1  }
0xc3: {  	[sflag:s29] =	ssyncadd.s32 $0xFFFFFFFF  }
0xc4: {  	_ =	strace $0x90000051  }
0xc5: {  	_ =	sfence  }
0xc6: {  	s30 =	sld [smem:$0x0];
	_ =	sdelay $0x2  }
0xc7: {  	s31 =	sshll.u32 s1, $0xD;
	s1 =	sshrl.u32 s1, $0x2  }
0xc8: {  	s4 =	sand.u32 $0x4000, s31;
	s1 =	sadd.s32 s1, s30  }
0xc9: {  	s0 =	sor.u32 s4, s0;
	s1 =	sshll.u32 s1, $0x11  }
0xca: {  	s0 =	sor.u32 s1, s0  }
0xcb: {  	s0 =	sadd.s32 $0x8F2B, s0  }
0xcc: {  	[sflag:s0] =	ssyncadd.remote.s32 $0x1  }
0xcd: {  	_ =	sfence.sel $0xFFFF  }
0xce: {  	[dreg:$0x0] =	wrdreg $0xFFFFFFFF;
	(pc) =	sbr.abs _section_cstart, $3  }
0xcf: {  	[dreg:$0x1] =	wrdreg $0xFFFFFFFF  }
0xd0: {  	_ =	task.clear_ibuf [dreg:s22], $0x2FFFF;
	_ =	strace $0x9FFFFFFF  }
0xd1: {  	(tm) =	ssettm $0x7FFFFFFF  }
tec
execute0_lowered:
.L_overlay_start_1:
0x0: {  	(tag) =	ssettag $0x1  }
0x1: {  	s0 =	srdreg.scid  }
0x2: {  	s3 =	stileid.u32;
	s0 =	sand.u32 $0x1, s0  }
0x3: {  	s1 =	rddreg [dreg:$0x0];
	s3 =	sshll.u32 s3, $0x8;
	s4 =	sshll.u32 s0, $0x7  }
0x4: {  	s2 =	rddreg [dreg:$0x1];
	s7 =	sor.u32 s4, s3  }
0x5: {  	s5 =	simm.s32 $0x0;
	s4 =	sshll.u32 s7, $0x4;
	s22 =	sshrl.u32 s7, $0x3  }
0x6: {  	[smem:$0x7FF] =	sst s5;
	s8 =	sadd.s32 s4, s2;
	s1 =	sadd.s32 s1, s22  }
0x7: {  	_ =	strace $0x80000050;
	s10 =	sadd.s32 $0x6E1208, s8;
	[dreg:$0x11] =	wrdreg s1  }
0x8: {  	s11 =	sadd.s32 $0x6F1200, s8;
	[dreg:$0x3] =	wrdreg s10  }
0x9: {  	s29 =	simm.s32 $0x80;
	s12 =	sadd.s32 $0x6F1208, s8;
	[dreg:$0x4] =	wrdreg s11  }
0xa: {  	s31 =	simm.s32 $0x3;
	s13 =	sadd.s32 $0x771200, s8;
	[dreg:$0x5] =	wrdreg s12  }
0xb: {  	s30 =	simm.s32 $0x5800;
	s14 =	sadd.s32 $0x771208, s8;
	[dreg:$0x6] =	wrdreg s13  }
0xc: {  	s5 =	sadd.s32 $0x5000, s2;
	s15 =	sadd.s32 $0x781200, s8;
	[dreg:$0x7] =	wrdreg s14  }
0xd: {  	s0 =	ssub.s32 $0x2, s0;
	s16 =	sadd.s32 $0x781208, s8;
	[dreg:$0x8] =	wrdreg s15  }
0xe: {  	s3 =	sadd.s32 $0x18BC00, s2;
	s17 =	sadd.s32 $0x801200, s8;
	[dreg:$0x9] =	wrdreg s16  }
0xf: {  	s18 =	sshrl.u32 s0, $0x1;
	s9 =	sadd.s32 $0x801208, s8;
	[dreg:$0xa] =	wrdreg s17  }
0x10: {  	s0 =	ssub.s32 s0, s18;
	s19 =	sadd.s32 $0x811200, s8;
	[dreg:$0xb] =	wrdreg s9  }
0x11: {  	s7 =	simm.s32 $0x1;
	s20 =	sadd.s32 $0x811208, s8;
	[dreg:$0xc] =	wrdreg s19  }
0x12: {  	s4 =	sadd.s32 $0xC8600, s2;
	s21 =	sadd.s32 $0x821200, s8;
	[dreg:$0xd] =	wrdreg s20  }
0x13: {  	s2 =	simm.s32 $0x7800;
	s23 =	sadd.s32 $0x821208, s8;
	[dreg:$0xe] =	wrdreg s21  }
0x14: {  	s6 =	sadd.s32 $0x6E1200, s8;
	s24 =	sadd.s32 $0x831200, s8;
	[dreg:$0xf] =	wrdreg s23  }
0x15: {  	s25 =	sadd.s32 $0x831208, s8;
	s26 =	sadd.s32 $0x841200, s8;
	[dreg:$0x10] =	wrdreg s24  }
0x16: {  	s28 =	sadd.s32 $0x851208, s8;
	s1 =	simm.s32 $0x1800;
	[dreg:$0x12] =	wrdreg s25  }
0x17: {  	[dreg:$0x13] =	wrdreg s26;
	s24 =	smax.u32 s0, $0x1;
	s25 =	sadd.s32 $0x841208, s8  }
0x18: {  	s26 =	sadd.s32 $0x851200, s8;
	s0 =	simm.s32 $0x3800;
	s8 =	simm.s32 $0x40  }
0x19: {  	s9 =	simm.s32 $0x9800;
	s10 =	simm.s32 $0xB800;
	s11 =	simm.s32 $0xD800  }
0x1a: {  	s12 =	simm.s32 $0xF800;
	s13 =	simm.s32 $0x2;
	s14 =	simm.s32 $0x0  }
.LBB2_1:
0x1b: {  	s15 =	simm.s32 $0x0;
	s16 =	rddreg [dreg:$0x11];
	s17 =	simm.s32 $0x1000  }
0x1c: {  	[tilespmem:s15], [sflag:$0x3] =	stream.strided.gather [hbm4b:s16+s29], $0x1800, s17, s29, $0x38;
	[tilespmem:$0x11800] =	vst v63  }
0x1d: {  	_ =	swait.ge [sflag:s31], $0x1800  }
0x1e: {  	[sflag:s31] =	ssyncset.done $0x0  }
0x1f: {  	[sflag:s31] =	ssyncadd.s32 $0xFFFFE800  }
0x20: {  	[tilespmem:s1], [sflag:$0x1] =	stream.indirect.gather [hbm4b:s3+s29], $0x40, s15, s29, $0xb8;
	[tilespmem:$0x11800] =	vst v63  }
0x21: {  	_ = 	snop  }
0x22: {  	[tilespmem:s0], [sflag:$0x1] =	stream.indirect.gather [hbm4b:s3+s29], $0x40, s29, s29, $0xb8;
	[tilespmem:$0x11800] =	vst v63  }
0x23: {  	s23 =	simm.s32 $0x100  }
0x24: {  	[tilespmem:s30], [sflag:$0x1] =	stream.indirect.gather [hbm4b:s3+s29], $0x40, s23, s29, $0xb8;
	[tilespmem:$0x11800] =	vst v63  }
0x25: {  	s16 =	simm.s32 $0x180  }
0x26: {  	[tilespmem:s2], [sflag:$0x1] =	stream.indirect.gather [hbm4b:s3+s29], $0x40, s16, s29, $0xb8;
	[tilespmem:$0x11800] =	vst v63  }
0x27: {  	_ =	swait.ge [sflag:s7], $0x2000  }
0x28: {  	[sflag:s7] =	ssyncset.done $0x0  }
0x29: {  	[sflag:s7] =	ssyncadd.s32 $0xFFFFE000  }
0x2a: {  	[hbm4b:s6+s8] =	stream.strided.scatter [tilespmem:s1], [sflag:$0x2], $0x2000, s29, s8, $0x38;
	[tilespmem:$0x11800] =	vst v63  }
0x2b: {  	s17 =	simm.s32 $0x200  }
0x2c: {  	[tilespmem:s9], [sflag:$0x1] =	stream.indirect.gather [hbm4b:s3+s29], $0x40, s17, s29, $0xb8;
	[tilespmem:$0x11800] =	vst v63  }
0x2d: {  	_ =	swait.ge [sflag:s7], $0x2000  }
0x2e: {  	[sflag:s7] =	ssyncset.done $0x0  }
0x2f: {  	s18 =	rddreg [dreg:$0x3];
	[sflag:s7] =	ssyncadd.s32 $0xFFFFE000  }
0x30: {  	[hbm4b:s18+s8] =	stream.strided.scatter [tilespmem:s0], [sflag:$0x2], $0x2000, s29, s8, $0x38;
	[tilespmem:$0x11800] =	vst v63  }
0x31: {  	s19 =	simm.s32 $0x280  }
0x32: {  	[tilespmem:s10], [sflag:$0x1] =	stream.indirect.gather [hbm4b:s3+s29], $0x40, s19, s29, $0xb8;
	[tilespmem:$0x11800] =	vst v63  }
0x33: {  	_ =	swait.ge [sflag:s7], $0x2000  }
0x34: {  	[sflag:s7] =	ssyncset.done $0x0  }
0x35: {  	s20 =	rddreg [dreg:$0x4];
	[sflag:s7] =	ssyncadd.s32 $0xFFFFE000  }
0x36: {  	[hbm4b:s20+s8] =	stream.strided.scatter [tilespmem:s30], [sflag:$0x2], $0x2000, s29, s8, $0x38;
	[tilespmem:$0x11800] =	vst v63  }
0x37: {  	s21 =	simm.s32 $0x300;
	p0 =	por $0x0, $0x0  }
0x38: {  	[tilespmem:s11], [sflag:$0x1] =	stream.indirect.gather [hbm4b:s3+s29], $0x40, s21, s29, $0xb8;
	[tilespmem:$0x11800] =	vst v63  }
0x39: {  	s15 =	simm.s32 $0x28;
	s23 =	simm.s32 $0x380;
	_ =	swait.ge [sflag:s7], $0x2000  }
0x3a: {  	s16 =	simm.s32 $0x480;
	s17 =	simm.s32 $0x400;
	[sflag:s7] =	ssyncset.done $0x0  }
0x3b: {  	s18 =	simm.s32 $0x20;
	s22 =	rddreg [dreg:$0x5];
	[sflag:s7] =	ssyncadd.s32 $0xFFFFE000  }
0x3c: {  	[hbm4b:s22+s8] =	stream.strided.scatter [tilespmem:s2], [sflag:$0x2], $0x2000, s29, s8, $0x38;
	[tilespmem:$0x11800] =	vst v63  }
0x3d: {  	s18 =	sand.u32 $0x8, s18;
	s19 =	simm.s32 $0x40000;
	s20 =	simm.s32 $0x20000  }
0x3e: {  	[tilespmem:s12], [sflag:$0x1] =	stream.indirect.gather [hbm4b:s3+s29], $0x40, s23, s29, $0xb8;
	[tilespmem:$0x11800] =	vst v63  }
0x3f: {  	s21 =	sand.u32 $0xF0000, s20;
	s20 =	sand.u32 $0x38000, s20;
	_ =	swait.ge [sflag:s7], $0x2000  }
0x40: {  	s20 =	sshrl.u32 s20, $0x2;
	s21 =	sadd.s32 s21, s6;
	[sflag:s7] =	ssyncset.done $0x0  }
0x41: {  	s20 =	sor.u32 $0x1800, s20;
	s18 =	sadd.s32 s18, s21;
	[sflag:s7] =	ssyncadd.s32 $0xFFFFE000  }
0x42: {  	[hbm4b:s18+s8] =	stream.strided.scatter [tilespmem:s20], [sflag:$0x2], $0x2000, s29, s8, $0x38;
	[tilespmem:$0x11800] =	vst v63  }
0x43: {  	s19 =	sand.u32 @!p0 $0x38000, s19;
	s21 =	simm.s32 @!p0 $0x80;
	_ =	swait.ge [sflag:s13], $0x2000  }
0x44: {  	s18 =	simm.s32 $0x48000;
	s20 =	sshrl.u32 @!p0 s19, $0x2;
	[sflag:s13] =	ssyncset.done $0x0  }
0x45: {  	s19 =	simm.s32 $0x5;
	s20 =	sor.u32 @!p0 $0x1800, s20;
	[sflag:s13] =	ssyncadd.s32 $0xFFFFE000  }
.LBB2_2:
0x46: {  	[tilespmem:s20], [sflag:$0x1] =	stream.indirect.gather @!p0 [hbm4b:s3+s21], $0x40, s17, s21, $0xb8;
	[tilespmem:$0x11800] =	vst v63  }
0x47: {  	s20 =	smov.u32 s15;
	s15 =	sadd.s32 $0x8, s15;
	s17 =	smov.u32 s16  }
0x48: {  	p1 =	sne.s32 s15, $0x90  }
0x49: {  	s16 =	sadd.s32 $0x80, s16;
	s21 =	sadd.s32 $0xFFFE0000, s18;
	p0 =	sgt.u32 s19, $0xD  }
0x4a: {  	s20 =	sand.u32 $0x8, s20;
	s22 =	sand.u32 $0xF0000, s21;
	s21 =	sand.u32 $0x38000, s21  }
0x4b: {  	s21 =	sshrl.u32 s21, $0x2;
	_ =	swait.ge [sflag:s7], $0x2000  }
0x4c: {  	s22 =	sadd.s32 s22, s6;
	s21 =	sor.u32 $0x1800, s21;
	[sflag:s7] =	ssyncset.done $0x0  }
.Ltmp0:
0x4d: {  	s20 =	sadd.s32 s20, s22;
	[sflag:s7] =	ssyncadd.s32 $0xFFFFE000;
	(pc) =	sbr.rel @p1 .LBB2_2-.Ltmp0, $4  }
0x4e: {  	[hbm4b:s20+s8] =	stream.strided.scatter [tilespmem:s21], [sflag:$0x2], $0x2000, s29, s8, $0x38;
	[tilespmem:$0x11800] =	vst v63  }
0x4f: {  	s20 =	sand.u32 @!p0 $0x38000, s18;
	s18 =	sadd.s32 $0x8000, s18;
	_ =	swait.ge [sflag:s13], $0x2000  }
0x50: {  	s19 =	sadd.s32 $0x1, s19;
	s20 =	sshrl.u32 @!p0 s20, $0x2;
	[sflag:s13] =	ssyncset.done $0x0  }
0x51: {  	s21 =	simm.s32 @!p0 $0x80;
	s20 =	sor.u32 @!p0 $0x1800, s20;
	[sflag:s13] =	ssyncadd.s32 $0xFFFFE000  }
0x52: {  	[tilespmem:s20], [sflag:$0x1] =	stream.indirect.gather @!p0 [hbm4b:s3+s21], $0x40, s17, s21, $0xb8;
	[tilespmem:$0x11800] =	vst v63  }
0x53: {  	_ =	swait.ge [sflag:s13], $0x2000  }
0x54: {  	[sflag:s13] =	ssyncset.done $0x0  }
0x55: {  	[sflag:s13] =	ssyncadd.s32 $0xFFFFE000  }
0x56: {  	_ =	swait.ge [sflag:s13], $0x2000  }
0x57: {  	[sflag:s13] =	ssyncset.done $0x0  }
0x58: {  	[sflag:s13] =	ssyncadd.s32 $0xFFFFE000  }
0x59: {  	_ =	swait.ge [sflag:s13], $0x2000  }
0x5a: {  	[sflag:s13] =	ssyncset.done $0x0  }
0x5b: {  	[sflag:s13] =	ssyncadd.s32 $0xFFFFE000  }
0x5c: {  	_ =	swait.ge [sflag:s13], $0x2000  }
0x5d: {  	[sflag:s13] =	ssyncset.done $0x0  }
0x5e: {  	s15 =	simm.s32 $0x900;
	[sflag:s13] =	ssyncadd.s32 $0xFFFFE000  }
0x5f: {  	[tilespmem:s1], [sflag:$0x1] =	stream.indirect.gather [hbm4b:s4+s29], $0x40, s15, s29, $0xb8;
	[tilespmem:$0x11800] =	vst v63  }
0x60: {  	s19 =	simm.s32 $0x980  }
0x61: {  	[tilespmem:s0], [sflag:$0x1] =	stream.indirect.gather [hbm4b:s4+s29], $0x40, s19, s29, $0xb8;
	[tilespmem:$0x11800] =	vst v63  }
0x62: {  	s20 =	simm.s32 $0xA00  }
0x63: {  	[tilespmem:s30], [sflag:$0x1] =	stream.indirect.gather [hbm4b:s4+s29], $0x40, s20, s29, $0xb8;
	[tilespmem:$0x11800] =	vst v63  }
0x64: {  	s21 =	simm.s32 $0xA80  }
0x65: {  	[tilespmem:s2], [sflag:$0x1] =	stream.indirect.gather [hbm4b:s4+s29], $0x40, s21, s29, $0xb8;
	[tilespmem:$0x11800] =	vst v63  }
0x66: {  	_ =	swait.ge [sflag:s7], $0x2000  }
0x67: {  	[sflag:s7] =	ssyncset.done $0x0  }
0x68: {  	s22 =	rddreg [dreg:$0x6];
	[sflag:s7] =	ssyncadd.s32 $0xFFFFE000  }
0x69: {  	[hbm4b:s22+s8] =	stream.strided.scatter [tilespmem:s1], [sflag:$0x2], $0x2000, s29, s8, $0x38;
	[tilespmem:$0x11800] =	vst v63  }
0x6a: {  	s23 =	simm.s32 $0xB00  }
0x6b: {  	[tilespmem:s9], [sflag:$0x1] =	stream.indirect.gather [hbm4b:s4+s29], $0x40, s23, s29, $0xb8;
	[tilespmem:$0x11800] =	vst v63  }
0x6c: {  	_ =	swait.ge [sflag:s7], $0x2000  }
0x6d: {  	[sflag:s7] =	ssyncset.done $0x0  }
0x6e: {  	s16 =	rddreg [dreg:$0x7];
	[sflag:s7] =	ssyncadd.s32 $0xFFFFE000  }
0x6f: {  	[hbm4b:s16+s8] =	stream.strided.scatter [tilespmem:s0], [sflag:$0x2], $0x2000, s29, s8, $0x38;
	[tilespmem:$0x11800] =	vst v63  }
0x70: {  	s17 =	simm.s32 $0xB80  }
0x71: {  	[tilespmem:s10], [sflag:$0x1] =	stream.indirect.gather [hbm4b:s4+s29], $0x40, s17, s29, $0xb8;
	[tilespmem:$0x11800] =	vst v63  }
0x72: {  	_ =	swait.ge [sflag:s7], $0x2000  }
0x73: {  	[sflag:s7] =	ssyncset.done $0x0  }
0x74: {  	s18 =	rddreg [dreg:$0x8];
	[sflag:s7] =	ssyncadd.s32 $0xFFFFE000  }
0x75: {  	[hbm4b:s18+s8] =	stream.strided.scatter [tilespmem:s30], [sflag:$0x2], $0x2000, s29, s8, $0x38;
	[tilespmem:$0x11800] =	vst v63  }
0x76: {  	p0 =	por $0x0, $0x0;
	s19 =	simm.s32 $0xC00  }
0x77: {  	[tilespmem:s11], [sflag:$0x1] =	stream.indirect.gather [hbm4b:s4+s29], $0x40, s19, s29, $0xb8;
	[tilespmem:$0x11800] =	vst v63  }
0x78: {  	s15 =	simm.s32 $0xD00;
	s21 =	simm.s32 $0xC80;
	_ =	swait.ge [sflag:s7], $0x2000  }
0x79: {  	s22 =	simm.s32 $0x20000;
	s18 =	simm.s32 $0x20;
	[sflag:s7] =	ssyncset.done $0x0  }
0x7a: {  	s18 =	sand.u32 $0x8, s18;
	s20 =	rddreg [dreg:$0x9];
	[sflag:s7] =	ssyncadd.s32 $0xFFFFE000  }
0x7b: {  	[hbm4b:s20+s8] =	stream.strided.scatter [tilespmem:s2], [sflag:$0x2], $0x2000, s29, s8, $0x38;
	[tilespmem:$0x11800] =	vst v63  }
0x7c: {  	s16 =	simm.s32 $0x28000;
	s19 =	simm.s32 $0xB0000;
	s18 =	sadd.s32 s18, s6  }
0x7d: {  	[tilespmem:s12], [sflag:$0x1] =	stream.indirect.gather [hbm4b:s4+s29], $0x40, s21, s29, $0xb8;
	[tilespmem:$0x11800] =	vst v63  }
0x7e: {  	s19 =	sand.u32 $0x1F0000, s19;
	s20 =	sand.u32 $0x38000, s22;
	_ =	swait.ge [sflag:s7], $0x2000  }
0x7f: {  	s18 =	sadd.s32 s19, s18;
	s23 =	sshrl.u32 s20, $0x2;
	[sflag:s7] =	ssyncset.done $0x0  }
0x80: {  	s19 =	sxor.u32 @!p0 $0x20000, s20;
	s21 =	sor.u32 $0x1800, s23;
	[sflag:s7] =	ssyncadd.s32 $0xFFFFE000  }
0x81: {  	[hbm4b:s18+s8] =	stream.strided.scatter [tilespmem:s21], [sflag:$0x2], $0x2000, s29, s8, $0x38;
	[tilespmem:$0x11800] =	vst v63  }
0x82: {  	s17 =	simm.s32 $0x28;
	s20 =	sshrl.u32 @!p0 s19, $0x2;
	_ =	swait.ge [sflag:s13], $0x2000  }
0x83: {  	s19 =	simm.s32 $0x5;
	s20 =	sadd.s32 @!p0 $0x1800, s20;
	[sflag:s13] =	ssyncset.done $0x0  }
0x84: {  	s18 =	simm.s32 $0xD80;
	s21 =	simm.s32 @!p0 $0x80;
	[sflag:s13] =	ssyncadd.s32 $0xFFFFE000  }
.LBB2_4:
0x85: {  	[tilespmem:s20], [sflag:$0x1] =	stream.indirect.gather @!p0 [hbm4b:s4+s21], $0x40, s15, s21, $0xb8;
	[tilespmem:$0x11800] =	vst v63  }
0x86: {  	s20 =	smov.u32 s16;
	s21 =	smov.u32 s17;
	s15 =	smov.u32 s18  }
0x87: {  	s16 =	sadd.s32 $0x8000, s16;
	_ =	swait.ge [sflag:s7], $0x2000  }
0x88: {  	p1 =	sne.s32 s16, $0x90000;
	[sflag:s7] =	ssyncset.done $0x0  }
0x89: {  	p0 =	sgt.u32 s19, $0xD;
	s17 =	sadd.s32 $0x8, s17;
	[sflag:s7] =	ssyncadd.s32 $0xFFFFE000  }
0x8a: {  	s22 =	sadd.s32 $0x90000, s20;
	s21 =	sand.u32 $0x8, s21;
	s20 =	sand.u32 $0x38000, s20  }
0x8b: {  	s22 =	sand.u32 $0x1F0000, s22;
	s23 =	sshrl.u32 s20, $0x2;
	s21 =	sadd.s32 s21, s6  }
.Ltmp1:
0x8c: {  	s23 =	sor.u32 $0x1800, s23;
	s21 =	sadd.s32 s22, s21;
	(pc) =	sbr.rel @p1 .LBB2_4-.Ltmp1, $4  }
0x8d: {  	[hbm4b:s21+s8] =	stream.strided.scatter [tilespmem:s23], [sflag:$0x2], $0x2000, s29, s8, $0x38;
	[tilespmem:$0x11800] =	vst v63  }
0x8e: {  	s18 =	sadd.s32 $0x80, s18;
	s20 =	sxor.u32 @!p0 $0x20000, s20;
	_ =	swait.ge [sflag:s13], $0x2000  }
0x8f: {  	s19 =	sadd.s32 $0x1, s19;
	s20 =	sshrl.u32 @!p0 s20, $0x2;
	[sflag:s13] =	ssyncset.done $0x0  }
0x90: {  	s20 =	sadd.s32 @!p0 $0x1800, s20;
	s21 =	simm.s32 @!p0 $0x80;
	[sflag:s13] =	ssyncadd.s32 $0xFFFFE000  }
0x91: {  	[tilespmem:s20], [sflag:$0x1] =	stream.indirect.gather @!p0 [hbm4b:s4+s21], $0x40, s15, s21, $0xb8;
	[tilespmem:$0x11800] =	vst v63  }
0x92: {  	_ =	swait.ge [sflag:s13], $0x2000  }
0x93: {  	[sflag:s13] =	ssyncset.done $0x0  }
0x94: {  	[sflag:s13] =	ssyncadd.s32 $0xFFFFE000  }
0x95: {  	_ =	swait.ge [sflag:s13], $0x2000  }
0x96: {  	[sflag:s13] =	ssyncset.done $0x0  }
0x97: {  	[sflag:s13] =	ssyncadd.s32 $0xFFFFE000  }
0x98: {  	_ =	swait.ge [sflag:s13], $0x2000  }
0x99: {  	[sflag:s13] =	ssyncset.done $0x0  }
0x9a: {  	[sflag:s13] =	ssyncadd.s32 $0xFFFFE000  }
0x9b: {  	_ =	swait.ge [sflag:s13], $0x2000  }
0x9c: {  	[sflag:s13] =	ssyncset.done $0x0  }
0x9d: {  	s19 =	simm.s32 $0x1200;
	[sflag:s13] =	ssyncadd.s32 $0xFFFFE000  }
0x9e: {  	[tilespmem:s1], [sflag:$0x1] =	stream.indirect.gather [hbm4b:s5+s29], $0x40, s19, s29, $0xb8;
	[tilespmem:$0x11800] =	vst v63  }
0x9f: {  	s20 =	simm.s32 $0x1280  }
0xa0: {  	[tilespmem:s0], [sflag:$0x1] =	stream.indirect.gather [hbm4b:s5+s29], $0x40, s20, s29, $0xb8;
	[tilespmem:$0x11800] =	vst v63  }
0xa1: {  	s21 =	simm.s32 $0x1300  }
0xa2: {  	[tilespmem:s30], [sflag:$0x1] =	stream.indirect.gather [hbm4b:s5+s29], $0x40, s21, s29, $0xb8;
	[tilespmem:$0x11800] =	vst v63  }
0xa3: {  	s22 =	simm.s32 $0x1380  }
0xa4: {  	[tilespmem:s2], [sflag:$0x1] =	stream.indirect.gather [hbm4b:s5+s29], $0x40, s22, s29, $0xb8;
	[tilespmem:$0x11800] =	vst v63  }
0xa5: {  	_ =	swait.ge [sflag:s7], $0x2000  }
0xa6: {  	[sflag:s7] =	ssyncset.done $0x0  }
0xa7: {  	s23 =	rddreg [dreg:$0xa];
	[sflag:s7] =	ssyncadd.s32 $0xFFFFE000  }
0xa8: {  	[hbm4b:s23+s8] =	stream.strided.scatter [tilespmem:s1], [sflag:$0x2], $0x2000, s29, s8, $0x38;
	[tilespmem:$0x11800] =	vst v63  }
0xa9: {  	s16 =	simm.s32 $0x1400  }
0xaa: {  	[tilespmem:s9], [sflag:$0x1] =	stream.indirect.gather [hbm4b:s5+s29], $0x40, s16, s29, $0xb8;
	[tilespmem:$0x11800] =	vst v63  }
0xab: {  	_ =	swait.ge [sflag:s7], $0x2000  }
0xac: {  	[sflag:s7] =	ssyncset.done $0x0  }
0xad: {  	s17 =	rddreg [dreg:$0xb];
	[sflag:s7] =	ssyncadd.s32 $0xFFFFE000  }
0xae: {  	[hbm4b:s17+s8] =	stream.strided.scatter [tilespmem:s0], [sflag:$0x2], $0x2000, s29, s8, $0x38;
	[tilespmem:$0x11800] =	vst v63  }
0xaf: {  	s18 =	simm.s32 $0x1480  }
0xb0: {  	[tilespmem:s10], [sflag:$0x1] =	stream.indirect.gather [hbm4b:s5+s29], $0x40, s18, s29, $0xb8;
	[tilespmem:$0x11800] =	vst v63  }
0xb1: {  	_ =	swait.ge [sflag:s7], $0x2000  }
0xb2: {  	[sflag:s7] =	ssyncset.done $0x0  }
0xb3: {  	s19 =	rddreg [dreg:$0xc];
	[sflag:s7] =	ssyncadd.s32 $0xFFFFE000  }
0xb4: {  	[hbm4b:s19+s8] =	stream.strided.scatter [tilespmem:s30], [sflag:$0x2], $0x2000, s29, s8, $0x38;
	[tilespmem:$0x11800] =	vst v63  }
0xb5: {  	s20 =	simm.s32 $0x1500  }
0xb6: {  	[tilespmem:s11], [sflag:$0x1] =	stream.indirect.gather [hbm4b:s5+s29], $0x40, s20, s29, $0xb8;
	[tilespmem:$0x11800] =	vst v63  }
0xb7: {  	_ =	swait.ge [sflag:s7], $0x2000  }
0xb8: {  	[sflag:s7] =	ssyncset.done $0x0  }
0xb9: {  	s21 =	rddreg [dreg:$0xd];
	[sflag:s7] =	ssyncadd.s32 $0xFFFFE000  }
0xba: {  	[hbm4b:s21+s8] =	stream.strided.scatter [tilespmem:s2], [sflag:$0x2], $0x2000, s29, s8, $0x38;
	[tilespmem:$0x11800] =	vst v63  }
0xbb: {  	s22 =	simm.s32 $0x1580  }
0xbc: {  	[tilespmem:s12], [sflag:$0x1] =	stream.indirect.gather [hbm4b:s5+s29], $0x40, s22, s29, $0xb8;
	[tilespmem:$0x11800] =	vst v63  }
0xbd: {  	_ =	swait.ge [sflag:s7], $0x2000  }
0xbe: {  	[sflag:s7] =	ssyncset.done $0x0  }
0xbf: {  	s23 =	rddreg [dreg:$0xe];
	[sflag:s7] =	ssyncadd.s32 $0xFFFFE000  }
0xc0: {  	[hbm4b:s23+s8] =	stream.strided.scatter [tilespmem:s9], [sflag:$0x2], $0x2000, s29, s8, $0x38;
	[tilespmem:$0x11800] =	vst v63  }
0xc1: {  	_ =	swait.ge [sflag:s13], $0x2000  }
0xc2: {  	[sflag:s13] =	ssyncset.done $0x0  }
0xc3: {  	s16 =	simm.s32 $0x1600;
	[sflag:s13] =	ssyncadd.s32 $0xFFFFE000  }
0xc4: {  	[tilespmem:s1], [sflag:$0x1] =	stream.indirect.gather [hbm4b:s5+s29], $0x40, s16, s29, $0xb8;
	[tilespmem:$0x11800] =	vst v63  }
0xc5: {  	_ =	swait.ge [sflag:s7], $0x2000  }
0xc6: {  	[sflag:s7] =	ssyncset.done $0x0  }
0xc7: {  	s17 =	rddreg [dreg:$0xf];
	[sflag:s7] =	ssyncadd.s32 $0xFFFFE000  }
0xc8: {  	[hbm4b:s17+s8] =	stream.strided.scatter [tilespmem:s10], [sflag:$0x2], $0x2000, s29, s8, $0x38;
	[tilespmem:$0x11800] =	vst v63  }
0xc9: {  	_ =	swait.ge [sflag:s13], $0x2000  }
0xca: {  	[sflag:s13] =	ssyncset.done $0x0  }
0xcb: {  	s18 =	simm.s32 $0x1680;
	[sflag:s13] =	ssyncadd.s32 $0xFFFFE000  }
0xcc: {  	[tilespmem:s0], [sflag:$0x1] =	stream.indirect.gather [hbm4b:s5+s29], $0x40, s18, s29, $0xb8;
	[tilespmem:$0x11800] =	vst v63  }
0xcd: {  	_ =	swait.ge [sflag:s7], $0x2000  }
0xce: {  	[sflag:s7] =	ssyncset.done $0x0  }
0xcf: {  	s19 =	rddreg [dreg:$0x10];
	[sflag:s7] =	ssyncadd.s32 $0xFFFFE000  }
0xd0: {  	[hbm4b:s19+s8] =	stream.strided.scatter [tilespmem:s11], [sflag:$0x2], $0x2000, s29, s8, $0x38;
	[tilespmem:$0x11800] =	vst v63  }
0xd1: {  	_ =	swait.ge [sflag:s13], $0x2000  }
0xd2: {  	[sflag:s13] =	ssyncset.done $0x0  }
0xd3: {  	s20 =	simm.s32 $0x1700;
	[sflag:s13] =	ssyncadd.s32 $0xFFFFE000  }
0xd4: {  	[tilespmem:s30], [sflag:$0x1] =	stream.indirect.gather [hbm4b:s5+s29], $0x40, s20, s29, $0xb8;
	[tilespmem:$0x11800] =	vst v63  }
0xd5: {  	_ =	swait.ge [sflag:s7], $0x2000  }
0xd6: {  	[sflag:s7] =	ssyncset.done $0x0  }
0xd7: {  	s21 =	rddreg [dreg:$0x12];
	[sflag:s7] =	ssyncadd.s32 $0xFFFFE000  }
0xd8: {  	[hbm4b:s21+s8] =	stream.strided.scatter [tilespmem:s12], [sflag:$0x2], $0x2000, s29, s8, $0x38;
	[tilespmem:$0x11800] =	vst v63  }
0xd9: {  	_ =	swait.ge [sflag:s13], $0x2000  }
0xda: {  	[sflag:s13] =	ssyncset.done $0x0  }
0xdb: {  	s22 =	simm.s32 $0x1780;
	[sflag:s13] =	ssyncadd.s32 $0xFFFFE000  }
0xdc: {  	[tilespmem:s2], [sflag:$0x1] =	stream.indirect.gather [hbm4b:s5+s29], $0x40, s22, s29, $0xb8;
	[tilespmem:$0x11800] =	vst v63  }
0xdd: {  	_ =	swait.ge [sflag:s7], $0x2000  }
0xde: {  	[sflag:s7] =	ssyncset.done $0x0  }
0xdf: {  	s23 =	rddreg [dreg:$0x13];
	[sflag:s7] =	ssyncadd.s32 $0xFFFFE000  }
0xe0: {  	[hbm4b:s23+s8] =	stream.strided.scatter [tilespmem:s1], [sflag:$0x2], $0x2000, s29, s8, $0x38;
	[tilespmem:$0x11800] =	vst v63  }
0xe1: {  	_ =	swait.ge [sflag:s13], $0x2000  }
0xe2: {  	[sflag:s13] =	ssyncset.done $0x0  }
0xe3: {  	[sflag:s13] =	ssyncadd.s32 $0xFFFFE000  }
0xe4: {  	_ =	swait.ge [sflag:s7], $0x2000  }
0xe5: {  	[sflag:s7] =	ssyncset.done $0x0  }
0xe6: {  	[sflag:s7] =	ssyncadd.s32 $0xFFFFE000  }
0xe7: {  	[hbm4b:s25+s8] =	stream.strided.scatter [tilespmem:s0], [sflag:$0x2], $0x2000, s29, s8, $0x38;
	[tilespmem:$0x11800] =	vst v63  }
0xe8: {  	_ =	swait.ge [sflag:s13], $0x2000  }
0xe9: {  	[sflag:s13] =	ssyncset.done $0x0  }
0xea: {  	[sflag:s13] =	ssyncadd.s32 $0xFFFFE000  }
0xeb: {  	_ =	swait.ge [sflag:s7], $0x2000  }
0xec: {  	[sflag:s7] =	ssyncset.done $0x0  }
0xed: {  	[sflag:s7] =	ssyncadd.s32 $0xFFFFE000  }
0xee: {  	[hbm4b:s26+s8] =	stream.strided.scatter [tilespmem:s30], [sflag:$0x2], $0x2000, s29, s8, $0x38;
	[tilespmem:$0x11800] =	vst v63  }
0xef: {  	_ =	swait.ge [sflag:s13], $0x2000  }
0xf0: {  	[sflag:s13] =	ssyncset.done $0x0  }
0xf1: {  	[sflag:s13] =	ssyncadd.s32 $0xFFFFE000  }
0xf2: {  	_ =	swait.ge [sflag:s7], $0x2000  }
0xf3: {  	[sflag:s7] =	ssyncset.done $0x0  }
0xf4: {  	[sflag:s7] =	ssyncadd.s32 $0xFFFFE000  }
0xf5: {  	[hbm4b:s28+s8] =	stream.strided.scatter [tilespmem:s2], [sflag:$0x2], $0x2000, s29, s8, $0x38;
	[tilespmem:$0x11800] =	vst v63  }
0xf6: {  	_ =	swait.ge [sflag:s13], $0x2000  }
0xf7: {  	[sflag:s13] =	ssyncset.done $0x0  }
0xf8: {  	[sflag:s13] =	ssyncadd.s32 $0xFFFFE000  }
0xf9: {  	_ =	swait.ge [sflag:s13], $0x2000  }
0xfa: {  	[sflag:s13] =	ssyncset.done $0x0  }
0xfb: {  	[sflag:s13] =	ssyncadd.s32 $0xFFFFE000  }
0xfc: {  	_ =	swait.ge [sflag:s13], $0x2000  }
0xfd: {  	[sflag:s13] =	ssyncset.done $0x0  }
0xfe: {  	s14 =	sadd.s32 $0x1, s14;
	[sflag:s13] =	ssyncadd.s32 $0xFFFFE000  }
0xff: {  	p0 =	sne.s32 s14, s24;
	_ =	swait.ge [sflag:s13], $0x2000  }
.Ltmp2:
0x100: {  	[sflag:s13] =	ssyncset.done $0x0;
	(pc) =	sbr.rel @p0 .LBB2_1-.Ltmp2, $4  }
0x101: {  	[sflag:s13] =	ssyncadd.s32 $0xFFFFE000  }
0x102: {  	_ =	swait.ge [sflag:s13], $0x2000  }
0x103: {  	[sflag:s13] =	ssyncset.done $0x0  }
0x104: {  	[sflag:s13] =	ssyncadd.s32 $0xFFFFE000  }
0x105: {  	_ =	sfence.sel $0x180000  }
0x106: {  	[bflag:$0x0] =	sbarrier.arrive $0xFFFF  }
0x107: {  	_ =	strace $0x90000050  }
0x108: {  	s0 =	stileid.u32;
	[bflag:$0x2] =	sbarrier.arrive $0xFFFF  }
0x109: {  	p0 =	sne.s32 s0, $0x0;
	s0 =	rddreg [dreg:$0x2]  }
0x10a: {  	s0 =	sadd.s32 @!p0 $0x100000, s0  }
0x10b: {  	[sflag:s0] =	ssyncadd.tile.s32 @!p0 $0x1;
	_ =	shalt  }
.Lfunc_end2:
_tile_overlayer_lowered:
.L_overlay_start_2:
0x10c: {  	(tag) =	ssettag $0x2  }
0x10d: {  	s0 =	rddreg [dreg:$0x0];
	s2 =	stileid.u32  }
0x10e: {  	s1 =	rddreg [dreg:$0x1];
	p0 =	sne.s32 s2, $0x0  }
0x10f: {  	s3 =	rddreg [dreg:$0x2];
	[bflag:$0x3] =	sbarrier.arrive $0xFFFF;
	s2 =	simm.s32 @!p0 $0x1C03  }
0x110: {  	[timem:s3], [sflag:s2] =	dma.local @!p0 [hbm:s0], s1  }
0x111: {  	s0 =	simm.s32 @!p0 $0x3  }
0x112: {  	_ =	swait.ge @!p0 [sflag:s0], s1  }
0x113: {  	s1 =	ssub.s32 @!p0 $0x0, s1;
	[sflag:s0] =	ssyncset.done @!p0 $0x0  }
0x114: {  	[sflag:s0] =	ssyncadd.s32 @!p0 s1  }
0x115: {  	[bflag:$0x3] =	sbarrier.arrive $0xFFFF  }
0x116: {  	_ =	shalt  }

</sc_bundles>
